<compile_context>
chip_gen: v7x
topology: tpu7x:2x2x1
jax: 0.10.2.dev20260603
libtpu: 0.0.44.dev20260713+nightly
codegen_flags: <defaults>
</compile_context>

<pallas_src>
import functools

import jax
import jax.numpy as jnp
from jax import lax
from jax.experimental import pallas as pl
from jax.experimental.pallas import tpu as pltpu
from jax.experimental.pallas import tpu_sc as plsc

_C = 16
_NS = 2
_L = 16


def _make_edge_dot(n_nodes, n_words, e_pad, n_workers, n_chunks):
    mesh = plsc.VectorSubcoreMesh(core_axis_name="c", subcore_axis_name="s")
    nc = 2
    ns = 16
    ew = n_chunks * _C

    @functools.partial(
        pl.kernel,
        mesh=mesh,
        out_type=jax.ShapeDtypeStruct((e_pad,), jnp.float32),
        scratch_types=[
            pltpu.VMEM((ew,), jnp.int32),
            pltpu.VMEM((ew,), jnp.int32),
            pltpu.VMEM((ew,), jnp.float32),
            pltpu.VMEM((_C, n_words), jnp.int32),
            pltpu.VMEM((_C, n_words), jnp.int32),
            pltpu.VMEM((_C, n_words), jnp.int32),
            pltpu.VMEM((_C, n_words), jnp.int32),
            pltpu.VMEM_SHARED((n_nodes, n_words), jnp.int32),
            pltpu.SemaphoreType.DMA,
            pltpu.SemaphoreType.DMA,
        ],
        compiler_params=pltpu.CompilerParams(needs_layout_passes=False),
    )
    def edge_dot(h_hbm, src_hbm, dst_hbm, out_hbm,
                 idx_u, idx_v, outb, u0, v0, u1, v1, h_sh, sem0, sem1):
        sid = lax.axis_index("s")
        wid = sid * nc + lax.axis_index("c")
        wbase = wid * ew

        npt = n_nodes // ns
        pltpu.sync_copy(h_hbm.at[pl.ds(sid * npt, npt)],
                        h_sh.at[pl.ds(sid * npt, npt)])
        plsc.subcore_barrier()

        pltpu.sync_copy(src_hbm.at[pl.ds(wbase, ew)], idx_u)
        pltpu.sync_copy(dst_hbm.at[pl.ds(wbase, ew)], idx_v)

        cs = _C // _NS

        def start_gather(c, ubuf, vbuf, sem):
            for k in range(_NS):
                pltpu.async_copy(
                    h_sh.at[idx_u.at[pl.ds(c * _C + k * cs, cs)]],
                    ubuf.at[pl.ds(k * cs, cs)], sem)
                pltpu.async_copy(
                    h_sh.at[idx_v.at[pl.ds(c * _C + k * cs, cs)]],
                    vbuf.at[pl.ds(k * cs, cs)], sem)

        def wait_gather(c, ubuf, vbuf, sem):
            for k in range(_NS):
                pltpu.make_async_copy(
                    h_sh.at[idx_u.at[pl.ds(c * _C + k * cs, cs)]],
                    ubuf.at[pl.ds(k * cs, cs)], sem).wait()
                pltpu.make_async_copy(
                    h_sh.at[idx_v.at[pl.ds(c * _C + k * cs, cs)]],
                    vbuf.at[pl.ds(k * cs, cs)], sem).wait()

        lane = lax.iota(jnp.int32, _L)
        nld = n_words // _L

        def compute(c, ubuf, vbuf):
            def group_body(g, _):
                sv = jnp.zeros((_L,), jnp.float32)
                for e_off in range(_L):
                    e = g * _L + e_off
                    ps = []
                    for w in range(nld):
                        uw = ubuf[e, pl.ds(w * _L, _L)]
                        vw = vbuf[e, pl.ds(w * _L, _L)]
                        ps.append(plsc.bitcast(uw, jnp.bfloat16)
                                  * plsc.bitcast(vw, jnp.bfloat16))
                    while len(ps) > 1:
                        ps = [ps[i] + ps[i + 1] for i in range(0, len(ps), 2)]
                    pi = plsc.bitcast(ps[0], jnp.int32)
                    lo = plsc.bitcast(pi << 16, jnp.float32)
                    hi = plsc.bitcast(pi & jnp.int32(-65536), jnp.float32)
                    s = jnp.sum(lo + hi)
                    sv = jnp.where(lane == e_off, s, sv)
                outb[pl.ds(c * _C + g * _L, _L)] = sv
                return 0

            lax.fori_loop(0, _C // _L, group_body, 0)

        start_gather(0, u0, v0, sem0)

        def pair_body(i, _):
            c0 = 2 * i
            start_gather(c0 + 1, u1, v1, sem1)
            wait_gather(c0, u0, v0, sem0)
            compute(c0, u0, v0)

            @pl.when(i < n_chunks // 2 - 1)
            def _():
                start_gather(c0 + 2, u0, v0, sem0)

            wait_gather(c0 + 1, u1, v1, sem1)
            compute(c0 + 1, u1, v1)
            return 0

        lax.fori_loop(0, n_chunks // 2, pair_body, 0)
        pltpu.sync_copy(outb, out_hbm.at[pl.ds(wbase, ew)])

    return edge_dot


def kernel(h, edge_index):
    n_nodes, n_feat = h.shape
    n_words = n_feat // 2
    e = edge_index.shape[1]

    hb = h.astype(jnp.bfloat16)
    hw = lax.bitcast_convert_type(hb.reshape(n_nodes, n_words, 2), jnp.int32)

    n_nodes_pad = ((n_nodes + 127) // 128) * 128
    if n_nodes_pad != n_nodes:
        hw = jnp.concatenate(
            [hw, jnp.zeros((n_nodes_pad - n_nodes, n_words), jnp.int32)])

    n_workers = 32
    span = n_workers * _C * 2
    e_pad = ((e + span - 1) // span) * span
    n_chunks = e_pad // (n_workers * _C)

    src = edge_index[0].astype(jnp.int32)
    dst = edge_index[1].astype(jnp.int32)
    pad = e_pad - e
    if pad:
        src = jnp.concatenate([src, jnp.zeros((pad,), jnp.int32)])
        dst = jnp.concatenate([dst, jnp.zeros((pad,), jnp.int32)])

    fn = _make_edge_dot(n_nodes_pad, n_words, e_pad, n_workers, n_chunks)
    out = fn(hw, src, dst)
    return out[:e]

# --- scband reference (transcript-rebuilt; emitter-appended) ---
"""Pipeline reference for scband-dot-predictor-48670569398725 (READ-ONLY COPY).

The authoritative reference and input builder live on the scoring server;
editing this copy changes nothing except your own understanding.
"""

import jax, jax.numpy as jnp
import numpy as np


def setup_inputs(seed: int = 0) -> dict:
    key = jax.random.key(seed)
    k_h, k_e = jax.random.split(key)
    n_nodes = 10000
    d_feat = 256
    n_edges = 160000
    h = jax.random.normal(k_h, (n_nodes, d_feat), dtype=jnp.float32)
    edge_index = jax.random.randint(k_e, (2, n_edges), 0, n_nodes, dtype=jnp.int64)
    return {"h": h, "edge_index": edge_index}


def reference(h, edge_index):
    # DGL DotPredictor: for each edge (u, v), score = dot(h[u], h[v])
    # g.apply_edges(fn.u_dot_v('h', 'h', 'score')); return g.edata['score'][:, 0]
    src = edge_index[0]
    dst = edge_index[1]
    h_u = jnp.take(h, src, axis=0)  # gather source node features [E, d]
    h_v = jnp.take(h, dst, axis=0)  # gather destination node features [E, d]
    score = jnp.sum(h_u * h_v, axis=-1)  # per-edge dot product [E]
    return score

if __name__ == "__main__":
    import jax
    _d = setup_inputs()
    print(jax.jit(kernel)(*tuple(_d.values())))

</pallas_src>

<mosaic_0001>
#map = affine_map<(d0, d1) -> (0, 0)>
#map1 = affine_map<(d0, d1) -> (0)>
module attributes {stable_mosaic.version = 14 : i64} {
  func.func @edge_dot(%arg0: i32, %arg1: i32, %arg2: memref<10112x128xi32, #tpu.memory_space<hbm>>, %arg3: memref<160768xi32, #tpu.memory_space<hbm>>, %arg4: memref<160768xi32, #tpu.memory_space<hbm>>, %arg5: memref<160768xf32, #tpu.memory_space<hbm>>, %arg6: memref<5024xi32, #tpu.memory_space<vmem>>, %arg7: memref<5024xi32, #tpu.memory_space<vmem>>, %arg8: memref<5024xf32, #tpu.memory_space<vmem>>, %arg9: memref<16x128xi32, #tpu.memory_space<vmem>>, %arg10: memref<16x128xi32, #tpu.memory_space<vmem>>, %arg11: memref<16x128xi32, #tpu.memory_space<vmem>>, %arg12: memref<16x128xi32, #tpu.memory_space<vmem>>, %arg13: memref<10112x128xi32, #tpu.memory_space<vmem_shared>>, %arg14: memref<!tpu.dma_semaphore, #tpu.memory_space<semaphore_mem>>, %arg15: memref<!tpu.dma_semaphore, #tpu.memory_space<semaphore_mem>>) attributes {dimension_semantics = [#tpu.dimension_semantics<core_parallel>, #tpu.dimension_semantics<subcore_parallel>], iteration_bounds = array<i64: 2, 16>, scalar_prefetch = 0 : i64, scratch_operands = 10 : i64, tpu.core_type = #tpu.core_type<sc_vector_subcore>, window_params = [{transform_indices = #map}, {transform_indices = #map1}, {transform_indices = #map1}, {transform_indices = #map1}]} {
    %mul3A = arith.constant 2 : i32
    %mul3A_0 = arith.muli %arg1, %mul3A : i32
    %add3A = arith.addi %mul3A_0, %arg0 : i32
    %mul3A_1 = arith.constant 5024 : i32
    %mul3A_2 = arith.muli %add3A, %mul3A_1 : i32
    %mul3A_3 = arith.constant 632 : i32
    %mul3A_4 = arith.muli %arg1, %mul3A_3 : i32
    %mul3A_5 = arith.constant 632 : i32
    %mul3A_6 = arith.muli %arg1, %mul3A_5 : i32
    "tpu.region"() ({
      %run_scoped3A = tpu.sem_alloc : memref<!tpu.dma_semaphore, #tpu.memory_space<semaphore_mem>>
      %dma_start3A_44 = arith.constant 0 : i32
      %dma_start3A_45 = tpu.memref_slice %arg13[%mul3A_6, %dma_start3A_44] : memref<10112x128xi32, #tpu.memory_space<vmem_shared>> -> memref<632x128xi32, #tpu.memory_space<vmem_shared>>
      %dma_start3A_46 = arith.constant 0 : i32
      %dma_start3A_47 = tpu.memref_slice %arg2[%mul3A_4, %dma_start3A_46] : memref<10112x128xi32, #tpu.memory_space<hbm>> -> memref<632x128xi32, #tpu.memory_space<hbm>>
      tpu.enqueue_dma source(%dma_start3A_47 : memref<632x128xi32, #tpu.memory_space<hbm>>) target(%dma_start3A_45 : memref<632x128xi32, #tpu.memory_space<vmem_shared>>) target_semaphore(%run_scoped3A : memref<!tpu.dma_semaphore, #tpu.memory_space<semaphore_mem>>)
      %dma_wait3A = arith.constant 0 : i32
      %dma_wait3A_48 = tpu.memref_slice %arg13[%mul3A_6, %dma_wait3A] : memref<10112x128xi32, #tpu.memory_space<vmem_shared>> -> memref<632x128xi32, #tpu.memory_space<vmem_shared>>
      %dma_wait3A_49 = arith.constant 0 : i32
      %dma_wait3A_50 = tpu.memref_slice %arg2[%mul3A_4, %dma_wait3A_49] : memref<10112x128xi32, #tpu.memory_space<hbm>> -> memref<632x128xi32, #tpu.memory_space<hbm>>
      tpu.wait_dma2 semaphore(%run_scoped3A : memref<!tpu.dma_semaphore, #tpu.memory_space<semaphore_mem>>) src(%dma_wait3A_50 : memref<632x128xi32, #tpu.memory_space<hbm>>) dst(%dma_wait3A_48 : memref<632x128xi32, #tpu.memory_space<vmem_shared>>)
      tpu.yield
    }) : () -> ()
    %barrier3A = arith.constant 0 : index
    tpu.barrier barrier_id(%barrier3A)
    "tpu.region"() ({
      %run_scoped3A = tpu.sem_alloc : memref<!tpu.dma_semaphore, #tpu.memory_space<semaphore_mem>>
      %dma_start3A_44 = tpu.memref_slice %arg3[%mul3A_2] : memref<160768xi32, #tpu.memory_space<hbm>> -> memref<5024xi32, #tpu.memory_space<hbm>>
      %dma_start3A_45 = tpu.memref_slice %arg3[%mul3A_2] : memref<160768xi32, #tpu.memory_space<hbm>> -> memref<5024xi32, #tpu.memory_space<hbm>>
      tpu.enqueue_dma source(%dma_start3A_45 : memref<5024xi32, #tpu.memory_space<hbm>>) target(%arg6 : memref<5024xi32, #tpu.memory_space<vmem>>) target_semaphore(%run_scoped3A : memref<!tpu.dma_semaphore, #tpu.memory_space<semaphore_mem>>)
      %dma_wait3A = tpu.memref_slice %arg3[%mul3A_2] : memref<160768xi32, #tpu.memory_space<hbm>> -> memref<5024xi32, #tpu.memory_space<hbm>>
      %dma_wait3A_46 = tpu.memref_slice %arg3[%mul3A_2] : memref<160768xi32, #tpu.memory_space<hbm>> -> memref<5024xi32, #tpu.memory_space<hbm>>
      tpu.wait_dma2 semaphore(%run_scoped3A : memref<!tpu.dma_semaphore, #tpu.memory_space<semaphore_mem>>) src(%dma_wait3A_46 : memref<5024xi32, #tpu.memory_space<hbm>>) dst(%arg6 : memref<5024xi32, #tpu.memory_space<vmem>>)
      tpu.yield
    }) : () -> ()
    "tpu.region"() ({
      %run_scoped3A = tpu.sem_alloc : memref<!tpu.dma_semaphore, #tpu.memory_space<semaphore_mem>>
      %dma_start3A_44 = tpu.memref_slice %arg4[%mul3A_2] : memref<160768xi32, #tpu.memory_space<hbm>> -> memref<5024xi32, #tpu.memory_space<hbm>>
      %dma_start3A_45 = tpu.memref_slice %arg4[%mul3A_2] : memref<160768xi32, #tpu.memory_space<hbm>> -> memref<5024xi32, #tpu.memory_space<hbm>>
      tpu.enqueue_dma source(%dma_start3A_45 : memref<5024xi32, #tpu.memory_space<hbm>>) target(%arg7 : memref<5024xi32, #tpu.memory_space<vmem>>) target_semaphore(%run_scoped3A : memref<!tpu.dma_semaphore, #tpu.memory_space<semaphore_mem>>)
      %dma_wait3A = tpu.memref_slice %arg4[%mul3A_2] : memref<160768xi32, #tpu.memory_space<hbm>> -> memref<5024xi32, #tpu.memory_space<hbm>>
      %dma_wait3A_46 = tpu.memref_slice %arg4[%mul3A_2] : memref<160768xi32, #tpu.memory_space<hbm>> -> memref<5024xi32, #tpu.memory_space<hbm>>
      tpu.wait_dma2 semaphore(%run_scoped3A : memref<!tpu.dma_semaphore, #tpu.memory_space<semaphore_mem>>) src(%dma_wait3A_46 : memref<5024xi32, #tpu.memory_space<hbm>>) dst(%arg7 : memref<5024xi32, #tpu.memory_space<vmem>>)
      tpu.yield
    }) : () -> ()
    %iota3A = tpu.iota {dimensions = array<i32: 0>} : vector<16xi32>
    %dma_start3A = arith.constant 0 : i32
    %dma_start3A_7 = arith.constant 0 : i32
    %dma_start3A_8 = tpu.memref_slice %arg9[%dma_start3A, %dma_start3A_7] : memref<16x128xi32, #tpu.memory_space<vmem>> -> memref<8x128xi32, #tpu.memory_space<vmem>>
    %dma_start3A_9 = arith.constant 0 : i32
    %dma_start3A_10 = tpu.memref_slice %arg6[%dma_start3A_9] : memref<5024xi32, #tpu.memory_space<vmem>> -> memref<8xi32, #tpu.memory_space<vmem>>
    %dma_start3A_11 = arith.constant 0 : i32
    %dma_start3A_12 = arith.constant 0 : i32
    %dma_start3A_13 = tpu.memref_slice %arg13[%dma_start3A_11, %dma_start3A_12] : memref<10112x128xi32, #tpu.memory_space<vmem_shared>> -> memref<10112x128xi32, #tpu.memory_space<vmem_shared>>
    tpu.enqueue_indirect_dma source(%dma_start3A_13 : memref<10112x128xi32, #tpu.memory_space<vmem_shared>>) target(%dma_start3A_8 : memref<8x128xi32, #tpu.memory_space<vmem>>) offsets(%dma_start3A_10 : memref<8xi32, #tpu.memory_space<vmem>>) semaphore(%arg14 : memref<!tpu.dma_semaphore, #tpu.memory_space<semaphore_mem>>)
    %dma_start3A_14 = arith.constant 0 : i32
    %dma_start3A_15 = arith.constant 0 : i32
    %dma_start3A_16 = tpu.memref_slice %arg10[%dma_start3A_14, %dma_start3A_15] : memref<16x128xi32, #tpu.memory_space<vmem>> -> memref<8x128xi32, #tpu.memory_space<vmem>>
    %dma_start3A_17 = arith.constant 0 : i32
    %dma_start3A_18 = tpu.memref_slice %arg7[%dma_start3A_17] : memref<5024xi32, #tpu.memory_space<vmem>> -> memref<8xi32, #tpu.memory_space<vmem>>
    %dma_start3A_19 = arith.constant 0 : i32
    %dma_start3A_20 = arith.constant 0 : i32
    %dma_start3A_21 = tpu.memref_slice %arg13[%dma_start3A_19, %dma_start3A_20] : memref<10112x128xi32, #tpu.memory_space<vmem_shared>> -> memref<10112x128xi32, #tpu.memory_space<vmem_shared>>
    tpu.enqueue_indirect_dma source(%dma_start3A_21 : memref<10112x128xi32, #tpu.memory_space<vmem_shared>>) target(%dma_start3A_16 : memref<8x128xi32, #tpu.memory_space<vmem>>) offsets(%dma_start3A_18 : memref<8xi32, #tpu.memory_space<vmem>>) semaphore(%arg14 : memref<!tpu.dma_semaphore, #tpu.memory_space<semaphore_mem>>)
    %dma_start3A_22 = arith.constant 8 : i32
    %dma_start3A_23 = arith.constant 0 : i32
    %dma_start3A_24 = tpu.memref_slice %arg9[%dma_start3A_22, %dma_start3A_23] : memref<16x128xi32, #tpu.memory_space<vmem>> -> memref<8x128xi32, #tpu.memory_space<vmem>>
    %dma_start3A_25 = arith.constant 8 : i32
    %dma_start3A_26 = tpu.memref_slice %arg6[%dma_start3A_25] : memref<5024xi32, #tpu.memory_space<vmem>> -> memref<8xi32, #tpu.memory_space<vmem>>
    %dma_start3A_27 = arith.constant 0 : i32
    %dma_start3A_28 = arith.constant 0 : i32
    %dma_start3A_29 = tpu.memref_slice %arg13[%dma_start3A_27, %dma_start3A_28] : memref<10112x128xi32, #tpu.memory_space<vmem_shared>> -> memref<10112x128xi32, #tpu.memory_space<vmem_shared>>
    tpu.enqueue_indirect_dma source(%dma_start3A_29 : memref<10112x128xi32, #tpu.memory_space<vmem_shared>>) target(%dma_start3A_24 : memref<8x128xi32, #tpu.memory_space<vmem>>) offsets(%dma_start3A_26 : memref<8xi32, #tpu.memory_space<vmem>>) semaphore(%arg14 : memref<!tpu.dma_semaphore, #tpu.memory_space<semaphore_mem>>)
    %dma_start3A_30 = arith.constant 8 : i32
    %dma_start3A_31 = arith.constant 0 : i32
    %dma_start3A_32 = tpu.memref_slice %arg10[%dma_start3A_30, %dma_start3A_31] : memref<16x128xi32, #tpu.memory_space<vmem>> -> memref<8x128xi32, #tpu.memory_space<vmem>>
    %dma_start3A_33 = arith.constant 8 : i32
    %dma_start3A_34 = tpu.memref_slice %arg7[%dma_start3A_33] : memref<5024xi32, #tpu.memory_space<vmem>> -> memref<8xi32, #tpu.memory_space<vmem>>
    %dma_start3A_35 = arith.constant 0 : i32
    %dma_start3A_36 = arith.constant 0 : i32
    %dma_start3A_37 = tpu.memref_slice %arg13[%dma_start3A_35, %dma_start3A_36] : memref<10112x128xi32, #tpu.memory_space<vmem_shared>> -> memref<10112x128xi32, #tpu.memory_space<vmem_shared>>
    tpu.enqueue_indirect_dma source(%dma_start3A_37 : memref<10112x128xi32, #tpu.memory_space<vmem_shared>>) target(%dma_start3A_32 : memref<8x128xi32, #tpu.memory_space<vmem>>) offsets(%dma_start3A_34 : memref<8xi32, #tpu.memory_space<vmem>>) semaphore(%arg14 : memref<!tpu.dma_semaphore, #tpu.memory_space<semaphore_mem>>)
    %scan3A = arith.constant 0 : i32
    %scan3A_38 = arith.constant 0 : i32
    %scan3A_39 = arith.constant 157 : i32
    %scan3A_40 = arith.addi %scan3A_38, %scan3A_39 : i32
    %scan3A_41 = arith.constant 1 : i32
    %scan3A_42 = scf.for %scan3A_44 = %scan3A_38 to %scan3A_40 step %scan3A_41 iter_args(%scan3A_45 = %scan3A) -> (i32)  : i32 {
      %mul3A_46 = arith.constant 2 : i32
      %mul3A_47 = arith.muli %mul3A_46, %scan3A_44 : i32
      %add3A_48 = arith.constant 1 : i32
      %add3A_49 = arith.addi %mul3A_47, %add3A_48 : i32
      %mul3A_50 = arith.constant 16 : i32
      %mul3A_51 = arith.muli %add3A_49, %mul3A_50 : i32
      %add3A_52 = arith.constant 0 : i32
      %add3A_53 = arith.addi %mul3A_51, %add3A_52 : i32
      %dma_start3A_54 = arith.constant 0 : i32
      %dma_start3A_55 = arith.constant 0 : i32
      %dma_start3A_56 = tpu.memref_slice %arg11[%dma_start3A_54, %dma_start3A_55] : memref<16x128xi32, #tpu.memory_space<vmem>> -> memref<8x128xi32, #tpu.memory_space<vmem>>
      %dma_start3A_57 = tpu.memref_slice %arg6[%add3A_53] : memref<5024xi32, #tpu.memory_space<vmem>> -> memref<8xi32, #tpu.memory_space<vmem>>
      %dma_start3A_58 = arith.constant 0 : i32
      %dma_start3A_59 = arith.constant 0 : i32
      %dma_start3A_60 = tpu.memref_slice %arg13[%dma_start3A_58, %dma_start3A_59] : memref<10112x128xi32, #tpu.memory_space<vmem_shared>> -> memref<10112x128xi32, #tpu.memory_space<vmem_shared>>
      tpu.enqueue_indirect_dma source(%dma_start3A_60 : memref<10112x128xi32, #tpu.memory_space<vmem_shared>>) target(%dma_start3A_56 : memref<8x128xi32, #tpu.memory_space<vmem>>) offsets(%dma_start3A_57 : memref<8xi32, #tpu.memory_space<vmem>>) semaphore(%arg15 : memref<!tpu.dma_semaphore, #tpu.memory_space<semaphore_mem>>)
      %mul3A_61 = arith.constant 16 : i32
      %mul3A_62 = arith.muli %add3A_49, %mul3A_61 : i32
      %add3A_63 = arith.constant 0 : i32
      %add3A_64 = arith.addi %mul3A_62, %add3A_63 : i32
      %dma_start3A_65 = arith.constant 0 : i32
      %dma_start3A_66 = arith.constant 0 : i32
      %dma_start3A_67 = tpu.memref_slice %arg12[%dma_start3A_65, %dma_start3A_66] : memref<16x128xi32, #tpu.memory_space<vmem>> -> memref<8x128xi32, #tpu.memory_space<vmem>>
      %dma_start3A_68 = tpu.memref_slice %arg7[%add3A_64] : memref<5024xi32, #tpu.memory_space<vmem>> -> memref<8xi32, #tpu.memory_space<vmem>>
      %dma_start3A_69 = arith.constant 0 : i32
      %dma_start3A_70 = arith.constant 0 : i32
      %dma_start3A_71 = tpu.memref_slice %arg13[%dma_start3A_69, %dma_start3A_70] : memref<10112x128xi32, #tpu.memory_space<vmem_shared>> -> memref<10112x128xi32, #tpu.memory_space<vmem_shared>>
      tpu.enqueue_indirect_dma source(%dma_start3A_71 : memref<10112x128xi32, #tpu.memory_space<vmem_shared>>) target(%dma_start3A_67 : memref<8x128xi32, #tpu.memory_space<vmem>>) offsets(%dma_start3A_68 : memref<8xi32, #tpu.memory_space<vmem>>) semaphore(%arg15 : memref<!tpu.dma_semaphore, #tpu.memory_space<semaphore_mem>>)
      %mul3A_72 = arith.constant 16 : i32
      %mul3A_73 = arith.muli %add3A_49, %mul3A_72 : i32
      %add3A_74 = arith.constant 8 : i32
      %add3A_75 = arith.addi %mul3A_73, %add3A_74 : i32
      %dma_start3A_76 = arith.constant 8 : i32
      %dma_start3A_77 = arith.constant 0 : i32
      %dma_start3A_78 = tpu.memref_slice %arg11[%dma_start3A_76, %dma_start3A_77] : memref<16x128xi32, #tpu.memory_space<vmem>> -> memref<8x128xi32, #tpu.memory_space<vmem>>
      %dma_start3A_79 = tpu.memref_slice %arg6[%add3A_75] : memref<5024xi32, #tpu.memory_space<vmem>> -> memref<8xi32, #tpu.memory_space<vmem>>
      %dma_start3A_80 = arith.constant 0 : i32
      %dma_start3A_81 = arith.constant 0 : i32
      %dma_start3A_82 = tpu.memref_slice %arg13[%dma_start3A_80, %dma_start3A_81] : memref<10112x128xi32, #tpu.memory_space<vmem_shared>> -> memref<10112x128xi32, #tpu.memory_space<vmem_shared>>
      tpu.enqueue_indirect_dma source(%dma_start3A_82 : memref<10112x128xi32, #tpu.memory_space<vmem_shared>>) target(%dma_start3A_78 : memref<8x128xi32, #tpu.memory_space<vmem>>) offsets(%dma_start3A_79 : memref<8xi32, #tpu.memory_space<vmem>>) semaphore(%arg15 : memref<!tpu.dma_semaphore, #tpu.memory_space<semaphore_mem>>)
      %mul3A_83 = arith.constant 16 : i32
      %mul3A_84 = arith.muli %add3A_49, %mul3A_83 : i32
      %add3A_85 = arith.constant 8 : i32
      %add3A_86 = arith.addi %mul3A_84, %add3A_85 : i32
      %dma_start3A_87 = arith.constant 8 : i32
      %dma_start3A_88 = arith.constant 0 : i32
      %dma_start3A_89 = tpu.memref_slice %arg12[%dma_start3A_87, %dma_start3A_88] : memref<16x128xi32, #tpu.memory_space<vmem>> -> memref<8x128xi32, #tpu.memory_space<vmem>>
      %dma_start3A_90 = tpu.memref_slice %arg7[%add3A_86] : memref<5024xi32, #tpu.memory_space<vmem>> -> memref<8xi32, #tpu.memory_space<vmem>>
      %dma_start3A_91 = arith.constant 0 : i32
      %dma_start3A_92 = arith.constant 0 : i32
      %dma_start3A_93 = tpu.memref_slice %arg13[%dma_start3A_91, %dma_start3A_92] : memref<10112x128xi32, #tpu.memory_space<vmem_shared>> -> memref<10112x128xi32, #tpu.memory_space<vmem_shared>>
      tpu.enqueue_indirect_dma source(%dma_start3A_93 : memref<10112x128xi32, #tpu.memory_space<vmem_shared>>) target(%dma_start3A_89 : memref<8x128xi32, #tpu.memory_space<vmem>>) offsets(%dma_start3A_90 : memref<8xi32, #tpu.memory_space<vmem>>) semaphore(%arg15 : memref<!tpu.dma_semaphore, #tpu.memory_space<semaphore_mem>>)
      %mul3A_94 = arith.constant 16 : i32
      %mul3A_95 = arith.muli %mul3A_47, %mul3A_94 : i32
      %add3A_96 = arith.constant 0 : i32
      %add3A_97 = arith.addi %mul3A_95, %add3A_96 : i32
      %dma_wait3A = arith.constant 0 : i32
      %dma_wait3A_98 = arith.constant 0 : i32
      %dma_wait3A_99 = tpu.memref_slice %arg9[%dma_wait3A, %dma_wait3A_98] : memref<16x128xi32, #tpu.memory_space<vmem>> -> memref<8x128xi32, #tpu.memory_space<vmem>>
      %dma_wait3A_100 = tpu.memref_slice %arg6[%add3A_97] : memref<5024xi32, #tpu.memory_space<vmem>> -> memref<8xi32, #tpu.memory_space<vmem>>
      %dma_wait3A_101 = arith.constant 0 : i32
      %dma_wait3A_102 = arith.constant 0 : i32
      %dma_wait3A_103 = tpu.memref_slice %arg13[%dma_wait3A_101, %dma_wait3A_102] : memref<10112x128xi32, #tpu.memory_space<vmem_shared>> -> memref<10112x128xi32, #tpu.memory_space<vmem_shared>>
      tpu.wait_indirect_dma semaphore(%arg14 : memref<!tpu.dma_semaphore, #tpu.memory_space<semaphore_mem>>) src(%dma_wait3A_103 : memref<10112x128xi32, #tpu.memory_space<vmem_shared>>) dst(%dma_wait3A_99 : memref<8x128xi32, #tpu.memory_space<vmem>>)
      %mul3A_104 = arith.constant 16 : i32
      %mul3A_105 = arith.muli %mul3A_47, %mul3A_104 : i32
      %add3A_106 = arith.constant 0 : i32
      %add3A_107 = arith.addi %mul3A_105, %add3A_106 : i32
      %dma_wait3A_108 = arith.constant 0 : i32
      %dma_wait3A_109 = arith.constant 0 : i32
      %dma_wait3A_110 = tpu.memref_slice %arg10[%dma_wait3A_108, %dma_wait3A_109] : memref<16x128xi32, #tpu.memory_space<vmem>> -> memref<8x128xi32, #tpu.memory_space<vmem>>
      %dma_wait3A_111 = tpu.memref_slice %arg7[%add3A_107] : memref<5024xi32, #tpu.memory_space<vmem>> -> memref<8xi32, #tpu.memory_space<vmem>>
      %dma_wait3A_112 = arith.constant 0 : i32
      %dma_wait3A_113 = arith.constant 0 : i32
      %dma_wait3A_114 = tpu.memref_slice %arg13[%dma_wait3A_112, %dma_wait3A_113] : memref<10112x128xi32, #tpu.memory_space<vmem_shared>> -> memref<10112x128xi32, #tpu.memory_space<vmem_shared>>
      tpu.wait_indirect_dma semaphore(%arg14 : memref<!tpu.dma_semaphore, #tpu.memory_space<semaphore_mem>>) src(%dma_wait3A_114 : memref<10112x128xi32, #tpu.memory_space<vmem_shared>>) dst(%dma_wait3A_110 : memref<8x128xi32, #tpu.memory_space<vmem>>)
      %mul3A_115 = arith.constant 16 : i32
      %mul3A_116 = arith.muli %mul3A_47, %mul3A_115 : i32
      %add3A_117 = arith.constant 8 : i32
      %add3A_118 = arith.addi %mul3A_116, %add3A_117 : i32
      %dma_wait3A_119 = arith.constant 8 : i32
      %dma_wait3A_120 = arith.constant 0 : i32
      %dma_wait3A_121 = tpu.memref_slice %arg9[%dma_wait3A_119, %dma_wait3A_120] : memref<16x128xi32, #tpu.memory_space<vmem>> -> memref<8x128xi32, #tpu.memory_space<vmem>>
      %dma_wait3A_122 = tpu.memref_slice %arg6[%add3A_118] : memref<5024xi32, #tpu.memory_space<vmem>> -> memref<8xi32, #tpu.memory_space<vmem>>
      %dma_wait3A_123 = arith.constant 0 : i32
      %dma_wait3A_124 = arith.constant 0 : i32
      %dma_wait3A_125 = tpu.memref_slice %arg13[%dma_wait3A_123, %dma_wait3A_124] : memref<10112x128xi32, #tpu.memory_space<vmem_shared>> -> memref<10112x128xi32, #tpu.memory_space<vmem_shared>>
      tpu.wait_indirect_dma semaphore(%arg14 : memref<!tpu.dma_semaphore, #tpu.memory_space<semaphore_mem>>) src(%dma_wait3A_125 : memref<10112x128xi32, #tpu.memory_space<vmem_shared>>) dst(%dma_wait3A_121 : memref<8x128xi32, #tpu.memory_space<vmem>>)
      %mul3A_126 = arith.constant 16 : i32
      %mul3A_127 = arith.muli %mul3A_47, %mul3A_126 : i32
      %add3A_128 = arith.constant 8 : i32
      %add3A_129 = arith.addi %mul3A_127, %add3A_128 : i32
      %dma_wait3A_130 = arith.constant 8 : i32
      %dma_wait3A_131 = arith.constant 0 : i32
      %dma_wait3A_132 = tpu.memref_slice %arg10[%dma_wait3A_130, %dma_wait3A_131] : memref<16x128xi32, #tpu.memory_space<vmem>> -> memref<8x128xi32, #tpu.memory_space<vmem>>
      %dma_wait3A_133 = tpu.memref_slice %arg7[%add3A_129] : memref<5024xi32, #tpu.memory_space<vmem>> -> memref<8xi32, #tpu.memory_space<vmem>>
      %dma_wait3A_134 = arith.constant 0 : i32
      %dma_wait3A_135 = arith.constant 0 : i32
      %dma_wait3A_136 = tpu.memref_slice %arg13[%dma_wait3A_134, %dma_wait3A_135] : memref<10112x128xi32, #tpu.memory_space<vmem_shared>> -> memref<10112x128xi32, #tpu.memory_space<vmem_shared>>
      tpu.wait_indirect_dma semaphore(%arg14 : memref<!tpu.dma_semaphore, #tpu.memory_space<semaphore_mem>>) src(%dma_wait3A_136 : memref<10112x128xi32, #tpu.memory_space<vmem_shared>>) dst(%dma_wait3A_132 : memref<8x128xi32, #tpu.memory_space<vmem>>)
      %scan3A_137 = arith.constant 0 : i32
      %scan3A_138 = arith.constant 0 : i32
      %broadcast_in_dim3A = arith.constant 0.000000e+00 : f32
      %broadcast_in_dim3A_139 = vector.broadcast %broadcast_in_dim3A : f32 to vector<16xf32>
      %mul3A_140 = arith.constant 16 : i32
      %mul3A_141 = arith.muli %scan3A_138, %mul3A_140 : i32
      %add3A_142 = arith.constant 0 : i32
      %add3A_143 = arith.addi %mul3A_141, %add3A_142 : i32
      %get3A = arith.index_cast %add3A_143 : i32 to index
      %get3A_144 = arith.constant 0 : index
      %get3A_145 = tpu.vector_load %arg9[%get3A, %get3A_144] {strides = array<i32>} : memref<16x128xi32, #tpu.memory_space<vmem>>, vector<16xi32>,
      %get3A_146 = arith.index_cast %add3A_143 : i32 to index
      %get3A_147 = arith.constant 0 : index
      %get3A_148 = tpu.vector_load %arg10[%get3A_146, %get3A_147] {strides = array<i32>} : memref<16x128xi32, #tpu.memory_space<vmem>>, vector<16xi32>,
      %bitcast3A = vector.bitcast %get3A_145 : vector<16xi32> to vector<32xbf16>
      %bitcast3A_149 = vector.bitcast %get3A_148 : vector<16xi32> to vector<32xbf16>
      %mul3A_150 = arith.mulf %bitcast3A, %bitcast3A_149 : vector<32xbf16>
      %get3A_151 = arith.index_cast %add3A_143 : i32 to index
      %get3A_152 = arith.constant 16 : index
      %get3A_153 = tpu.vector_load %arg9[%get3A_151, %get3A_152] {strides = array<i32>} : memref<16x128xi32, #tpu.memory_space<vmem>>, vector<16xi32>,
      %get3A_154 = arith.index_cast %add3A_143 : i32 to index
      %get3A_155 = arith.constant 16 : index
      %get3A_156 = tpu.vector_load %arg10[%get3A_154, %get3A_155] {strides = array<i32>} : memref<16x128xi32, #tpu.memory_space<vmem>>, vector<16xi32>,
      %bitcast3A_157 = vector.bitcast %get3A_153 : vector<16xi32> to vector<32xbf16>
      %bitcast3A_158 = vector.bitcast %get3A_156 : vector<16xi32> to vector<32xbf16>
      %mul3A_159 = arith.mulf %bitcast3A_157, %bitcast3A_158 : vector<32xbf16>
      %get3A_160 = arith.index_cast %add3A_143 : i32 to index
      %get3A_161 = arith.constant 32 : index
      %get3A_162 = tpu.vector_load %arg9[%get3A_160, %get3A_161] {strides = array<i32>} : memref<16x128xi32, #tpu.memory_space<vmem>>, vector<16xi32>,
      %get3A_163 = arith.index_cast %add3A_143 : i32 to index
      %get3A_164 = arith.constant 32 : index
      %get3A_165 = tpu.vector_load %arg10[%get3A_163, %get3A_164] {strides = array<i32>} : memref<16x128xi32, #tpu.memory_space<vmem>>, vector<16xi32>,
      %bitcast3A_166 = vector.bitcast %get3A_162 : vector<16xi32> to vector<32xbf16>
      %bitcast3A_167 = vector.bitcast %get3A_165 : vector<16xi32> to vector<32xbf16>
      %mul3A_168 = arith.mulf %bitcast3A_166, %bitcast3A_167 : vector<32xbf16>
      %get3A_169 = arith.index_cast %add3A_143 : i32 to index
      %get3A_170 = arith.constant 48 : index
      %get3A_171 = tpu.vector_load %arg9[%get3A_169, %get3A_170] {strides = array<i32>} : memref<16x128xi32, #tpu.memory_space<vmem>>, vector<16xi32>,
      %get3A_172 = arith.index_cast %add3A_143 : i32 to index
      %get3A_173 = arith.constant 48 : index
      %get3A_174 = tpu.vector_load %arg10[%get3A_172, %get3A_173] {strides = array<i32>} : memref<16x128xi32, #tpu.memory_space<vmem>>, vector<16xi32>,
      %bitcast3A_175 = vector.bitcast %get3A_171 : vector<16xi32> to vector<32xbf16>
      %bitcast3A_176 = vector.bitcast %get3A_174 : vector<16xi32> to vector<32xbf16>
      %mul3A_177 = arith.mulf %bitcast3A_175, %bitcast3A_176 : vector<32xbf16>
      %get3A_178 = arith.index_cast %add3A_143 : i32 to index
      %get3A_179 = arith.constant 64 : index
      %get3A_180 = tpu.vector_load %arg9[%get3A_178, %get3A_179] {strides = array<i32>} : memref<16x128xi32, #tpu.memory_space<vmem>>, vector<16xi32>,
      %get3A_181 = arith.index_cast %add3A_143 : i32 to index
      %get3A_182 = arith.constant 64 : index
      %get3A_183 = tpu.vector_load %arg10[%get3A_181, %get3A_182] {strides = array<i32>} : memref<16x128xi32, #tpu.memory_space<vmem>>, vector<16xi32>,
      %bitcast3A_184 = vector.bitcast %get3A_180 : vector<16xi32> to vector<32xbf16>
      %bitcast3A_185 = vector.bitcast %get3A_183 : vector<16xi32> to vector<32xbf16>
      %mul3A_186 = arith.mulf %bitcast3A_184, %bitcast3A_185 : vector<32xbf16>
      %get3A_187 = arith.index_cast %add3A_143 : i32 to index
      %get3A_188 = arith.constant 80 : index
      %get3A_189 = tpu.vector_load %arg9[%get3A_187, %get3A_188] {strides = array<i32>} : memref<16x128xi32, #tpu.memory_space<vmem>>, vector<16xi32>,
      %get3A_190 = arith.index_cast %add3A_143 : i32 to index
      %get3A_191 = arith.constant 80 : index
      %get3A_192 = tpu.vector_load %arg10[%get3A_190, %get3A_191] {strides = array<i32>} : memref<16x128xi32, #tpu.memory_space<vmem>>, vector<16xi32>,
      %bitcast3A_193 = vector.bitcast %get3A_189 : vector<16xi32> to vector<32xbf16>
      %bitcast3A_194 = vector.bitcast %get3A_192 : vector<16xi32> to vector<32xbf16>
      %mul3A_195 = arith.mulf %bitcast3A_193, %bitcast3A_194 : vector<32xbf16>
      %get3A_196 = arith.index_cast %add3A_143 : i32 to index
      %get3A_197 = arith.constant 96 : index
      %get3A_198 = tpu.vector_load %arg9[%get3A_196, %get3A_197] {strides = array<i32>} : memref<16x128xi32, #tpu.memory_space<vmem>>, vector<16xi32>,
      %get3A_199 = arith.index_cast %add3A_143 : i32 to index
      %get3A_200 = arith.constant 96 : index
      %get3A_201 = tpu.vector_load %arg10[%get3A_199, %get3A_200] {strides = array<i32>} : memref<16x128xi32, #tpu.memory_space<vmem>>, vector<16xi32>,
      %bitcast3A_202 = vector.bitcast %get3A_198 : vector<16xi32> to vector<32xbf16>
      %bitcast3A_203 = vector.bitcast %get3A_201 : vector<16xi32> to vector<32xbf16>
      %mul3A_204 = arith.mulf %bitcast3A_202, %bitcast3A_203 : vector<32xbf16>
      %get3A_205 = arith.index_cast %add3A_143 : i32 to index
      %get3A_206 = arith.constant 112 : index
      %get3A_207 = tpu.vector_load %arg9[%get3A_205, %get3A_206] {strides = array<i32>} : memref<16x128xi32, #tpu.memory_space<vmem>>, vector<16xi32>,
      %get3A_208 = arith.index_cast %add3A_143 : i32 to index
      %get3A_209 = arith.constant 112 : index
      %get3A_210 = tpu.vector_load %arg10[%get3A_208, %get3A_209] {strides = array<i32>} : memref<16x128xi32, #tpu.memory_space<vmem>>, vector<16xi32>,
      %bitcast3A_211 = vector.bitcast %get3A_207 : vector<16xi32> to vector<32xbf16>
      %bitcast3A_212 = vector.bitcast %get3A_210 : vector<16xi32> to vector<32xbf16>
      %mul3A_213 = arith.mulf %bitcast3A_211, %bitcast3A_212 : vector<32xbf16>
      %add3A_214 = arith.addf %mul3A_150, %mul3A_159 : vector<32xbf16>
      %add3A_215 = arith.addf %mul3A_168, %mul3A_177 : vector<32xbf16>
      %add3A_216 = arith.addf %mul3A_186, %mul3A_195 : vector<32xbf16>
      %add3A_217 = arith.addf %mul3A_204, %mul3A_213 : vector<32xbf16>
      %add3A_218 = arith.addf %add3A_214, %add3A_215 : vector<32xbf16>
      %add3A_219 = arith.addf %add3A_216, %add3A_217 : vector<32xbf16>
      %add3A_220 = arith.addf %add3A_218, %add3A_219 : vector<32xbf16>
      %bitcast3A_221 = vector.bitcast %add3A_220 : vector<32xbf16> to vector<16xi32>
      %shift_left3A = arith.constant 16 : i32
      %shift_left3A_222 = vector.broadcast %shift_left3A : i32 to vector<16xi32>
      %shift_left3A_223 = arith.shli %bitcast3A_221, %shift_left3A_222 : vector<16xi32>
      %bitcast3A_224 = vector.bitcast %shift_left3A_223 : vector<16xi32> to vector<16xf32>
      %and3A = arith.constant -65536 : i32
      %and3A_225 = vector.broadcast %and3A : i32 to vector<16xi32>
      %and3A_226 = arith.andi %bitcast3A_221, %and3A_225 : vector<16xi32>
      %bitcast3A_227 = vector.bitcast %and3A_226 : vector<16xi32> to vector<16xf32>
      %add3A_228 = arith.addf %bitcast3A_224, %bitcast3A_227 : vector<16xf32>
      %reduce_sum3A = arith.constant true
      %reduce_sum3A_229 = vector.broadcast %reduce_sum3A : i1 to vector<16xi1>
      %reduce_sum3A_230 = tpu.scan <sum>, %add3A_228 masked %reduce_sum3A_229 : vector<16xf32>, vector<16xi1> -> vector<16xf32>
      %reduce_sum3A_231 = vector.extract %reduce_sum3A_230[15] : f32 from vector<16xf32>
      %eq3A = arith.constant 0 : i32
      %eq3A_232 = vector.broadcast %eq3A : i32 to vector<16xi32>
      %eq3A_233 = arith.cmpi eq, %iota3A, %eq3A_232 : vector<16xi32>
      %broadcast_in_dim3A_234 = vector.broadcast %reduce_sum3A_231 : f32 to vector<16xf32>
      %select_n3A = arith.select %eq3A_233, %broadcast_in_dim3A_234, %broadcast_in_dim3A_139 : vector<16xi1>, vector<16xf32>
      %mul3A_235 = arith.constant 16 : i32
      %mul3A_236 = arith.muli %scan3A_138, %mul3A_235 : i32
      %add3A_237 = arith.constant 1 : i32
      %add3A_238 = arith.addi %mul3A_236, %add3A_237 : i32
      %get3A_239 = arith.index_cast %add3A_238 : i32 to index
      %get3A_240 = arith.constant 0 : index
      %get3A_241 = tpu.vector_load %arg9[%get3A_239, %get3A_240] {strides = array<i32>} : memref<16x128xi32, #tpu.memory_space<vmem>>, vector<16xi32>,
      %get3A_242 = arith.index_cast %add3A_238 : i32 to index
      %get3A_243 = arith.constant 0 : index
      %get3A_244 = tpu.vector_load %arg10[%get3A_242, %get3A_243] {strides = array<i32>} : memref<16x128xi32, #tpu.memory_space<vmem>>, vector<16xi32>,
      %bitcast3A_245 = vector.bitcast %get3A_241 : vector<16xi32> to vector<32xbf16>
      %bitcast3A_246 = vector.bitcast %get3A_244 : vector<16xi32> to vector<32xbf16>
      %mul3A_247 = arith.mulf %bitcast3A_245, %bitcast3A_246 : vector<32xbf16>
      %get3A_248 = arith.index_cast %add3A_238 : i32 to index
      %get3A_249 = arith.constant 16 : index
      %get3A_250 = tpu.vector_load %arg9[%get3A_248, %get3A_249] {strides = array<i32>} : memref<16x128xi32, #tpu.memory_space<vmem>>, vector<16xi32>,
      %get3A_251 = arith.index_cast %add3A_238 : i32 to index
      %get3A_252 = arith.constant 16 : index
      %get3A_253 = tpu.vector_load %arg10[%get3A_251, %get3A_252] {strides = array<i32>} : memref<16x128xi32, #tpu.memory_space<vmem>>, vector<16xi32>,
      %bitcast3A_254 = vector.bitcast %get3A_250 : vector<16xi32> to vector<32xbf16>
      %bitcast3A_255 = vector.bitcast %get3A_253 : vector<16xi32> to vector<32xbf16>
      %mul3A_256 = arith.mulf %bitcast3A_254, %bitcast3A_255 : vector<32xbf16>
      %get3A_257 = arith.index_cast %add3A_238 : i32 to index
      %get3A_258 = arith.constant 32 : index
      %get3A_259 = tpu.vector_load %arg9[%get3A_257, %get3A_258] {strides = array<i32>} : memref<16x128xi32, #tpu.memory_space<vmem>>, vector<16xi32>,
      %get3A_260 = arith.index_cast %add3A_238 : i32 to index
      %get3A_261 = arith.constant 32 : index
      %get3A_262 = tpu.vector_load %arg10[%get3A_260, %get3A_261] {strides = array<i32>} : memref<16x128xi32, #tpu.memory_space<vmem>>, vector<16xi32>,
      %bitcast3A_263 = vector.bitcast %get3A_259 : vector<16xi32> to vector<32xbf16>
      %bitcast3A_264 = vector.bitcast %get3A_262 : vector<16xi32> to vector<32xbf16>
      %mul3A_265 = arith.mulf %bitcast3A_263, %bitcast3A_264 : vector<32xbf16>
      %get3A_266 = arith.index_cast %add3A_238 : i32 to index
      %get3A_267 = arith.constant 48 : index
      %get3A_268 = tpu.vector_load %arg9[%get3A_266, %get3A_267] {strides = array<i32>} : memref<16x128xi32, #tpu.memory_space<vmem>>, vector<16xi32>,
      %get3A_269 = arith.index_cast %add3A_238 : i32 to index
      %get3A_270 = arith.constant 48 : index
      %get3A_271 = tpu.vector_load %arg10[%get3A_269, %get3A_270] {strides = array<i32>} : memref<16x128xi32, #tpu.memory_space<vmem>>, vector<16xi32>,
      %bitcast3A_272 = vector.bitcast %get3A_268 : vector<16xi32> to vector<32xbf16>
      %bitcast3A_273 = vector.bitcast %get3A_271 : vector<16xi32> to vector<32xbf16>
      %mul3A_274 = arith.mulf %bitcast3A_272, %bitcast3A_273 : vector<32xbf16>
      %get3A_275 = arith.index_cast %add3A_238 : i32 to index
      %get3A_276 = arith.constant 64 : index
      %get3A_277 = tpu.vector_load %arg9[%get3A_275, %get3A_276] {strides = array<i32>} : memref<16x128xi32, #tpu.memory_space<vmem>>, vector<16xi32>,
      %get3A_278 = arith.index_cast %add3A_238 : i32 to index
      %get3A_279 = arith.constant 64 : index
      %get3A_280 = tpu.vector_load %arg10[%get3A_278, %get3A_279] {strides = array<i32>} : memref<16x128xi32, #tpu.memory_space<vmem>>, vector<16xi32>,
      %bitcast3A_281 = vector.bitcast %get3A_277 : vector<16xi32> to vector<32xbf16>
      %bitcast3A_282 = vector.bitcast %get3A_280 : vector<16xi32> to vector<32xbf16>
      %mul3A_283 = arith.mulf %bitcast3A_281, %bitcast3A_282 : vector<32xbf16>
      %get3A_284 = arith.index_cast %add3A_238 : i32 to index
      %get3A_285 = arith.constant 80 : index
      %get3A_286 = tpu.vector_load %arg9[%get3A_284, %get3A_285] {strides = array<i32>} : memref<16x128xi32, #tpu.memory_space<vmem>>, vector<16xi32>,
      %get3A_287 = arith.index_cast %add3A_238 : i32 to index
      %get3A_288 = arith.constant 80 : index
      %get3A_289 = tpu.vector_load %arg10[%get3A_287, %get3A_288] {strides = array<i32>} : memref<16x128xi32, #tpu.memory_space<vmem>>, vector<16xi32>,
      %bitcast3A_290 = vector.bitcast %get3A_286 : vector<16xi32> to vector<32xbf16>
      %bitcast3A_291 = vector.bitcast %get3A_289 : vector<16xi32> to vector<32xbf16>
      %mul3A_292 = arith.mulf %bitcast3A_290, %bitcast3A_291 : vector<32xbf16>
      %get3A_293 = arith.index_cast %add3A_238 : i32 to index
      %get3A_294 = arith.constant 96 : index
      %get3A_295 = tpu.vector_load %arg9[%get3A_293, %get3A_294] {strides = array<i32>} : memref<16x128xi32, #tpu.memory_space<vmem>>, vector<16xi32>,
      %get3A_296 = arith.index_cast %add3A_238 : i32 to index
      %get3A_297 = arith.constant 96 : index
      %get3A_298 = tpu.vector_load %arg10[%get3A_296, %get3A_297] {strides = array<i32>} : memref<16x128xi32, #tpu.memory_space<vmem>>, vector<16xi32>,
      %bitcast3A_299 = vector.bitcast %get3A_295 : vector<16xi32> to vector<32xbf16>
      %bitcast3A_300 = vector.bitcast %get3A_298 : vector<16xi32> to vector<32xbf16>
      %mul3A_301 = arith.mulf %bitcast3A_299, %bitcast3A_300 : vector<32xbf16>
      %get3A_302 = arith.index_cast %add3A_238 : i32 to index
      %get3A_303 = arith.constant 112 : index
      %get3A_304 = tpu.vector_load %arg9[%get3A_302, %get3A_303] {strides = array<i32>} : memref<16x128xi32, #tpu.memory_space<vmem>>, vector<16xi32>,
      %get3A_305 = arith.index_cast %add3A_238 : i32 to index
      %get3A_306 = arith.constant 112 : index
      %get3A_307 = tpu.vector_load %arg10[%get3A_305, %get3A_306] {strides = array<i32>} : memref<16x128xi32, #tpu.memory_space<vmem>>, vector<16xi32>,
      %bitcast3A_308 = vector.bitcast %get3A_304 : vector<16xi32> to vector<32xbf16>
      %bitcast3A_309 = vector.bitcast %get3A_307 : vector<16xi32> to vector<32xbf16>
      %mul3A_310 = arith.mulf %bitcast3A_308, %bitcast3A_309 : vector<32xbf16>
      %add3A_311 = arith.addf %mul3A_247, %mul3A_256 : vector<32xbf16>
      %add3A_312 = arith.addf %mul3A_265, %mul3A_274 : vector<32xbf16>
      %add3A_313 = arith.addf %mul3A_283, %mul3A_292 : vector<32xbf16>
      %add3A_314 = arith.addf %mul3A_301, %mul3A_310 : vector<32xbf16>
      %add3A_315 = arith.addf %add3A_311, %add3A_312 : vector<32xbf16>
      %add3A_316 = arith.addf %add3A_313, %add3A_314 : vector<32xbf16>
      %add3A_317 = arith.addf %add3A_315, %add3A_316 : vector<32xbf16>
      %bitcast3A_318 = vector.bitcast %add3A_317 : vector<32xbf16> to vector<16xi32>
      %shift_left3A_319 = arith.constant 16 : i32
      %shift_left3A_320 = vector.broadcast %shift_left3A_319 : i32 to vector<16xi32>
      %shift_left3A_321 = arith.shli %bitcast3A_318, %shift_left3A_320 : vector<16xi32>
      %bitcast3A_322 = vector.bitcast %shift_left3A_321 : vector<16xi32> to vector<16xf32>
      %and3A_323 = arith.constant -65536 : i32
      %and3A_324 = vector.broadcast %and3A_323 : i32 to vector<16xi32>
      %and3A_325 = arith.andi %bitcast3A_318, %and3A_324 : vector<16xi32>
      %bitcast3A_326 = vector.bitcast %and3A_325 : vector<16xi32> to vector<16xf32>
      %add3A_327 = arith.addf %bitcast3A_322, %bitcast3A_326 : vector<16xf32>
      %reduce_sum3A_328 = arith.constant true
      %reduce_sum3A_329 = vector.broadcast %reduce_sum3A_328 : i1 to vector<16xi1>
      %reduce_sum3A_330 = tpu.scan <sum>, %add3A_327 masked %reduce_sum3A_329 : vector<16xf32>, vector<16xi1> -> vector<16xf32>
      %reduce_sum3A_331 = vector.extract %reduce_sum3A_330[15] : f32 from vector<16xf32>
      %eq3A_332 = arith.constant 1 : i32
      %eq3A_333 = vector.broadcast %eq3A_332 : i32 to vector<16xi32>
      %eq3A_334 = arith.cmpi eq, %iota3A, %eq3A_333 : vector<16xi32>
      %broadcast_in_dim3A_335 = vector.broadcast %reduce_sum3A_331 : f32 to vector<16xf32>
      %select_n3A_336 = arith.select %eq3A_334, %broadcast_in_dim3A_335, %select_n3A : vector<16xi1>, vector<16xf32>
      %mul3A_337 = arith.constant 16 : i32
      %mul3A_338 = arith.muli %scan3A_138, %mul3A_337 : i32
      %add3A_339 = arith.constant 2 : i32
      %add3A_340 = arith.addi %mul3A_338, %add3A_339 : i32
      %get3A_341 = arith.index_cast %add3A_340 : i32 to index
      %get3A_342 = arith.constant 0 : index
      %get3A_343 = tpu.vector_load %arg9[%get3A_341, %get3A_342] {strides = array<i32>} : memref<16x128xi32, #tpu.memory_space<vmem>>, vector<16xi32>,
      %get3A_344 = arith.index_cast %add3A_340 : i32 to index
      %get3A_345 = arith.constant 0 : index
      %get3A_346 = tpu.vector_load %arg10[%get3A_344, %get3A_345] {strides = array<i32>} : memref<16x128xi32, #tpu.memory_space<vmem>>, vector<16xi32>,
      %bitcast3A_347 = vector.bitcast %get3A_343 : vector<16xi32> to vector<32xbf16>
      %bitcast3A_348 = vector.bitcast %get3A_346 : vector<16xi32> to vector<32xbf16>
      %mul3A_349 = arith.mulf %bitcast3A_347, %bitcast3A_348 : vector<32xbf16>
      %get3A_350 = arith.index_cast %add3A_340 : i32 to index
      %get3A_351 = arith.constant 16 : index
      %get3A_352 = tpu.vector_load %arg9[%get3A_350, %get3A_351] {strides = array<i32>} : memref<16x128xi32, #tpu.memory_space<vmem>>, vector<16xi32>,
      %get3A_353 = arith.index_cast %add3A_340 : i32 to index
      %get3A_354 = arith.constant 16 : index
      %get3A_355 = tpu.vector_load %arg10[%get3A_353, %get3A_354] {strides = array<i32>} : memref<16x128xi32, #tpu.memory_space<vmem>>, vector<16xi32>,
      %bitcast3A_356 = vector.bitcast %get3A_352 : vector<16xi32> to vector<32xbf16>
      %bitcast3A_357 = vector.bitcast %get3A_355 : vector<16xi32> to vector<32xbf16>
      %mul3A_358 = arith.mulf %bitcast3A_356, %bitcast3A_357 : vector<32xbf16>
      %get3A_359 = arith.index_cast %add3A_340 : i32 to index
      %get3A_360 = arith.constant 32 : index
      %get3A_361 = tpu.vector_load %arg9[%get3A_359, %get3A_360] {strides = array<i32>} : memref<16x128xi32, #tpu.memory_space<vmem>>, vector<16xi32>,
      %get3A_362 = arith.index_cast %add3A_340 : i32 to index
      %get3A_363 = arith.constant 32 : index
      %get3A_364 = tpu.vector_load %arg10[%get3A_362, %get3A_363] {strides = array<i32>} : memref<16x128xi32, #tpu.memory_space<vmem>>, vector<16xi32>,
      %bitcast3A_365 = vector.bitcast %get3A_361 : vector<16xi32> to vector<32xbf16>
      %bitcast3A_366 = vector.bitcast %get3A_364 : vector<16xi32> to vector<32xbf16>
      %mul3A_367 = arith.mulf %bitcast3A_365, %bitcast3A_366 : vector<32xbf16>
      %get3A_368 = arith.index_cast %add3A_340 : i32 to index
      %get3A_369 = arith.constant 48 : index
      %get3A_370 = tpu.vector_load %arg9[%get3A_368, %get3A_369] {strides = array<i32>} : memref<16x128xi32, #tpu.memory_space<vmem>>, vector<16xi32>,
      %get3A_371 = arith.index_cast %add3A_340 : i32 to index
      %get3A_372 = arith.constant 48 : index
      %get3A_373 = tpu.vector_load %arg10[%get3A_371, %get3A_372] {strides = array<i32>} : memref<16x128xi32, #tpu.memory_space<vmem>>, vector<16xi32>,
      %bitcast3A_374 = vector.bitcast %get3A_370 : vector<16xi32> to vector<32xbf16>
      %bitcast3A_375 = vector.bitcast %get3A_373 : vector<16xi32> to vector<32xbf16>
      %mul3A_376 = arith.mulf %bitcast3A_374, %bitcast3A_375 : vector<32xbf16>
      %get3A_377 = arith.index_cast %add3A_340 : i32 to index
      %get3A_378 = arith.constant 64 : index
      %get3A_379 = tpu.vector_load %arg9[%get3A_377, %get3A_378] {strides = array<i32>} : memref<16x128xi32, #tpu.memory_space<vmem>>, vector<16xi32>,
      %get3A_380 = arith.index_cast %add3A_340 : i32 to index
      %get3A_381 = arith.constant 64 : index
      %get3A_382 = tpu.vector_load %arg10[%get3A_380, %get3A_381] {strides = array<i32>} : memref<16x128xi32, #tpu.memory_space<vmem>>, vector<16xi32>,
      %bitcast3A_383 = vector.bitcast %get3A_379 : vector<16xi32> to vector<32xbf16>
      %bitcast3A_384 = vector.bitcast %get3A_382 : vector<16xi32> to vector<32xbf16>
      %mul3A_385 = arith.mulf %bitcast3A_383, %bitcast3A_384 : vector<32xbf16>
      %get3A_386 = arith.index_cast %add3A_340 : i32 to index
      %get3A_387 = arith.constant 80 : index
      %get3A_388 = tpu.vector_load %arg9[%get3A_386, %get3A_387] {strides = array<i32>} : memref<16x128xi32, #tpu.memory_space<vmem>>, vector<16xi32>,
      %get3A_389 = arith.index_cast %add3A_340 : i32 to index
      %get3A_390 = arith.constant 80 : index
      %get3A_391 = tpu.vector_load %arg10[%get3A_389, %get3A_390] {strides = array<i32>} : memref<16x128xi32, #tpu.memory_space<vmem>>, vector<16xi32>,
      %bitcast3A_392 = vector.bitcast %get3A_388 : vector<16xi32> to vector<32xbf16>
      %bitcast3A_393 = vector.bitcast %get3A_391 : vector<16xi32> to vector<32xbf16>
      %mul3A_394 = arith.mulf %bitcast3A_392, %bitcast3A_393 : vector<32xbf16>
      %get3A_395 = arith.index_cast %add3A_340 : i32 to index
      %get3A_396 = arith.constant 96 : index
      %get3A_397 = tpu.vector_load %arg9[%get3A_395, %get3A_396] {strides = array<i32>} : memref<16x128xi32, #tpu.memory_space<vmem>>, vector<16xi32>,
      %get3A_398 = arith.index_cast %add3A_340 : i32 to index
      %get3A_399 = arith.constant 96 : index
      %get3A_400 = tpu.vector_load %arg10[%get3A_398, %get3A_399] {strides = array<i32>} : memref<16x128xi32, #tpu.memory_space<vmem>>, vector<16xi32>,
      %bitcast3A_401 = vector.bitcast %get3A_397 : vector<16xi32> to vector<32xbf16>
      %bitcast3A_402 = vector.bitcast %get3A_400 : vector<16xi32> to vector<32xbf16>
      %mul3A_403 = arith.mulf %bitcast3A_401, %bitcast3A_402 : vector<32xbf16>
      %get3A_404 = arith.index_cast %add3A_340 : i32 to index
      %get3A_405 = arith.constant 112 : index
      %get3A_406 = tpu.vector_load %arg9[%get3A_404, %get3A_405] {strides = array<i32>} : memref<16x128xi32, #tpu.memory_space<vmem>>, vector<16xi32>,
      %get3A_407 = arith.index_cast %add3A_340 : i32 to index
      %get3A_408 = arith.constant 112 : index
      %get3A_409 = tpu.vector_load %arg10[%get3A_407, %get3A_408] {strides = array<i32>} : memref<16x128xi32, #tpu.memory_space<vmem>>, vector<16xi32>,
      %bitcast3A_410 = vector.bitcast %get3A_406 : vector<16xi32> to vector<32xbf16>
      %bitcast3A_411 = vector.bitcast %get3A_409 : vector<16xi32> to vector<32xbf16>
      %mul3A_412 = arith.mulf %bitcast3A_410, %bitcast3A_411 : vector<32xbf16>
      %add3A_413 = arith.addf %mul3A_349, %mul3A_358 : vector<32xbf16>
      %add3A_414 = arith.addf %mul3A_367, %mul3A_376 : vector<32xbf16>
      %add3A_415 = arith.addf %mul3A_385, %mul3A_394 : vector<32xbf16>
      %add3A_416 = arith.addf %mul3A_403, %mul3A_412 : vector<32xbf16>
      %add3A_417 = arith.addf %add3A_413, %add3A_414 : vector<32xbf16>
      %add3A_418 = arith.addf %add3A_415, %add3A_416 : vector<32xbf16>
      %add3A_419 = arith.addf %add3A_417, %add3A_418 : vector<32xbf16>
      %bitcast3A_420 = vector.bitcast %add3A_419 : vector<32xbf16> to vector<16xi32>
      %shift_left3A_421 = arith.constant 16 : i32
      %shift_left3A_422 = vector.broadcast %shift_left3A_421 : i32 to vector<16xi32>
      %shift_left3A_423 = arith.shli %bitcast3A_420, %shift_left3A_422 : vector<16xi32>
      %bitcast3A_424 = vector.bitcast %shift_left3A_423 : vector<16xi32> to vector<16xf32>
      %and3A_425 = arith.constant -65536 : i32
      %and3A_426 = vector.broadcast %and3A_425 : i32 to vector<16xi32>
      %and3A_427 = arith.andi %bitcast3A_420, %and3A_426 : vector<16xi32>
      %bitcast3A_428 = vector.bitcast %and3A_427 : vector<16xi32> to vector<16xf32>
      %add3A_429 = arith.addf %bitcast3A_424, %bitcast3A_428 : vector<16xf32>
      %reduce_sum3A_430 = arith.constant true
      %reduce_sum3A_431 = vector.broadcast %reduce_sum3A_430 : i1 to vector<16xi1>
      %reduce_sum3A_432 = tpu.scan <sum>, %add3A_429 masked %reduce_sum3A_431 : vector<16xf32>, vector<16xi1> -> vector<16xf32>
      %reduce_sum3A_433 = vector.extract %reduce_sum3A_432[15] : f32 from vector<16xf32>
      %eq3A_434 = arith.constant 2 : i32
      %eq3A_435 = vector.broadcast %eq3A_434 : i32 to vector<16xi32>
      %eq3A_436 = arith.cmpi eq, %iota3A, %eq3A_435 : vector<16xi32>
      %broadcast_in_dim3A_437 = vector.broadcast %reduce_sum3A_433 : f32 to vector<16xf32>
      %select_n3A_438 = arith.select %eq3A_436, %broadcast_in_dim3A_437, %select_n3A_336 : vector<16xi1>, vector<16xf32>
      %mul3A_439 = arith.constant 16 : i32
      %mul3A_440 = arith.muli %scan3A_138, %mul3A_439 : i32
      %add3A_441 = arith.constant 3 : i32
      %add3A_442 = arith.addi %mul3A_440, %add3A_441 : i32
      %get3A_443 = arith.index_cast %add3A_442 : i32 to index
      %get3A_444 = arith.constant 0 : index
      %get3A_445 = tpu.vector_load %arg9[%get3A_443, %get3A_444] {strides = array<i32>} : memref<16x128xi32, #tpu.memory_space<vmem>>, vector<16xi32>,
      %get3A_446 = arith.index_cast %add3A_442 : i32 to index
      %get3A_447 = arith.constant 0 : index
      %get3A_448 = tpu.vector_load %arg10[%get3A_446, %get3A_447] {strides = array<i32>} : memref<16x128xi32, #tpu.memory_space<vmem>>, vector<16xi32>,
      %bitcast3A_449 = vector.bitcast %get3A_445 : vector<16xi32> to vector<32xbf16>
      %bitcast3A_450 = vector.bitcast %get3A_448 : vector<16xi32> to vector<32xbf16>
      %mul3A_451 = arith.mulf %bitcast3A_449, %bitcast3A_450 : vector<32xbf16>
      %get3A_452 = arith.index_cast %add3A_442 : i32 to index
      %get3A_453 = arith.constant 16 : index
      %get3A_454 = tpu.vector_load %arg9[%get3A_452, %get3A_453] {strides = array<i32>} : memref<16x128xi32, #tpu.memory_space<vmem>>, vector<16xi32>,
      %get3A_455 = arith.index_cast %add3A_442 : i32 to index
      %get3A_456 = arith.constant 16 : index
      %get3A_457 = tpu.vector_load %arg10[%get3A_455, %get3A_456] {strides = array<i32>} : memref<16x128xi32, #tpu.memory_space<vmem>>, vector<16xi32>,
      %bitcast3A_458 = vector.bitcast %get3A_454 : vector<16xi32> to vector<32xbf16>
      %bitcast3A_459 = vector.bitcast %get3A_457 : vector<16xi32> to vector<32xbf16>
      %mul3A_460 = arith.mulf %bitcast3A_458, %bitcast3A_459 : vector<32xbf16>
      %get3A_461 = arith.index_cast %add3A_442 : i32 to index
      %get3A_462 = arith.constant 32 : index
      %get3A_463 = tpu.vector_load %arg9[%get3A_461, %get3A_462] {strides = array<i32>} : memref<16x128xi32, #tpu.memory_space<vmem>>, vector<16xi32>,
      %get3A_464 = arith.index_cast %add3A_442 : i32 to index
      %get3A_465 = arith.constant 32 : index
      %get3A_466 = tpu.vector_load %arg10[%get3A_464, %get3A_465] {strides = array<i32>} : memref<16x128xi32, #tpu.memory_space<vmem>>, vector<16xi32>,
      %bitcast3A_467 = vector.bitcast %get3A_463 : vector<16xi32> to vector<32xbf16>
      %bitcast3A_468 = vector.bitcast %get3A_466 : vector<16xi32> to vector<32xbf16>
      %mul3A_469 = arith.mulf %bitcast3A_467, %bitcast3A_468 : vector<32xbf16>
      %get3A_470 = arith.index_cast %add3A_442 : i32 to index
      %get3A_471 = arith.constant 48 : index
      %get3A_472 = tpu.vector_load %arg9[%get3A_470, %get3A_471] {strides = array<i32>} : memref<16x128xi32, #tpu.memory_space<vmem>>, vector<16xi32>,
      %get3A_473 = arith.index_cast %add3A_442 : i32 to index
      %get3A_474 = arith.constant 48 : index
      %get3A_475 = tpu.vector_load %arg10[%get3A_473, %get3A_474] {strides = array<i32>} : memref<16x128xi32, #tpu.memory_space<vmem>>, vector<16xi32>,
      %bitcast3A_476 = vector.bitcast %get3A_472 : vector<16xi32> to vector<32xbf16>
      %bitcast3A_477 = vector.bitcast %get3A_475 : vector<16xi32> to vector<32xbf16>
      %mul3A_478 = arith.mulf %bitcast3A_476, %bitcast3A_477 : vector<32xbf16>
      %get3A_479 = arith.index_cast %add3A_442 : i32 to index
      %get3A_480 = arith.constant 64 : index
      %get3A_481 = tpu.vector_load %arg9[%get3A_479, %get3A_480] {strides = array<i32>} : memref<16x128xi32, #tpu.memory_space<vmem>>, vector<16xi32>,
      %get3A_482 = arith.index_cast %add3A_442 : i32 to index
      %get3A_483 = arith.constant 64 : index
      %get3A_484 = tpu.vector_load %arg10[%get3A_482, %get3A_483] {strides = array<i32>} : memref<16x128xi32, #tpu.memory_space<vmem>>, vector<16xi32>,
      %bitcast3A_485 = vector.bitcast %get3A_481 : vector<16xi32> to vector<32xbf16>
      %bitcast3A_486 = vector.bitcast %get3A_484 : vector<16xi32> to vector<32xbf16>
      %mul3A_487 = arith.mulf %bitcast3A_485, %bitcast3A_486 : vector<32xbf16>
      %get3A_488 = arith.index_cast %add3A_442 : i32 to index
      %get3A_489 = arith.constant 80 : index
      %get3A_490 = tpu.vector_load %arg9[%get3A_488, %get3A_489] {strides = array<i32>} : memref<16x128xi32, #tpu.memory_space<vmem>>, vector<16xi32>,
      %get3A_491 = arith.index_cast %add3A_442 : i32 to index
      %get3A_492 = arith.constant 80 : index
      %get3A_493 = tpu.vector_load %arg10[%get3A_491, %get3A_492] {strides = array<i32>} : memref<16x128xi32, #tpu.memory_space<vmem>>, vector<16xi32>,
      %bitcast3A_494 = vector.bitcast %get3A_490 : vector<16xi32> to vector<32xbf16>
      %bitcast3A_495 = vector.bitcast %get3A_493 : vector<16xi32> to vector<32xbf16>
      %mul3A_496 = arith.mulf %bitcast3A_494, %bitcast3A_495 : vector<32xbf16>
      %get3A_497 = arith.index_cast %add3A_442 : i32 to index
      %get3A_498 = arith.constant 96 : index
      %get3A_499 = tpu.vector_load %arg9[%get3A_497, %get3A_498] {strides = array<i32>} : memref<16x128xi32, #tpu.memory_space<vmem>>, vector<16xi32>,
      %get3A_500 = arith.index_cast %add3A_442 : i32 to index
      %get3A_501 = arith.constant 96 : index
      %get3A_502 = tpu.vector_load %arg10[%get3A_500, %get3A_501] {strides = array<i32>} : memref<16x128xi32, #tpu.memory_space<vmem>>, vector<16xi32>,
      %bitcast3A_503 = vector.bitcast %get3A_499 : vector<16xi32> to vector<32xbf16>
      %bitcast3A_504 = vector.bitcast %get3A_502 : vector<16xi32> to vector<32xbf16>
      %mul3A_505 = arith.mulf %bitcast3A_503, %bitcast3A_504 : vector<32xbf16>
      %get3A_506 = arith.index_cast %add3A_442 : i32 to index
      %get3A_507 = arith.constant 112 : index
      %get3A_508 = tpu.vector_load %arg9[%get3A_506, %get3A_507] {strides = array<i32>} : memref<16x128xi32, #tpu.memory_space<vmem>>, vector<16xi32>,
      %get3A_509 = arith.index_cast %add3A_442 : i32 to index
      %get3A_510 = arith.constant 112 : index
      %get3A_511 = tpu.vector_load %arg10[%get3A_509, %get3A_510] {strides = array<i32>} : memref<16x128xi32, #tpu.memory_space<vmem>>, vector<16xi32>,
      %bitcast3A_512 = vector.bitcast %get3A_508 : vector<16xi32> to vector<32xbf16>
      %bitcast3A_513 = vector.bitcast %get3A_511 : vector<16xi32> to vector<32xbf16>
      %mul3A_514 = arith.mulf %bitcast3A_512, %bitcast3A_513 : vector<32xbf16>
      %add3A_515 = arith.addf %mul3A_451, %mul3A_460 : vector<32xbf16>
      %add3A_516 = arith.addf %mul3A_469, %mul3A_478 : vector<32xbf16>
      %add3A_517 = arith.addf %mul3A_487, %mul3A_496 : vector<32xbf16>
      %add3A_518 = arith.addf %mul3A_505, %mul3A_514 : vector<32xbf16>
      %add3A_519 = arith.addf %add3A_515, %add3A_516 : vector<32xbf16>
      %add3A_520 = arith.addf %add3A_517, %add3A_518 : vector<32xbf16>
      %add3A_521 = arith.addf %add3A_519, %add3A_520 : vector<32xbf16>
      %bitcast3A_522 = vector.bitcast %add3A_521 : vector<32xbf16> to vector<16xi32>
      %shift_left3A_523 = arith.constant 16 : i32
      %shift_left3A_524 = vector.broadcast %shift_left3A_523 : i32 to vector<16xi32>
      %shift_left3A_525 = arith.shli %bitcast3A_522, %shift_left3A_524 : vector<16xi32>
      %bitcast3A_526 = vector.bitcast %shift_left3A_525 : vector<16xi32> to vector<16xf32>
      %and3A_527 = arith.constant -65536 : i32
      %and3A_528 = vector.broadcast %and3A_527 : i32 to vector<16xi32>
      %and3A_529 = arith.andi %bitcast3A_522, %and3A_528 : vector<16xi32>
      %bitcast3A_530 = vector.bitcast %and3A_529 : vector<16xi32> to vector<16xf32>
      %add3A_531 = arith.addf %bitcast3A_526, %bitcast3A_530 : vector<16xf32>
      %reduce_sum3A_532 = arith.constant true
      %reduce_sum3A_533 = vector.broadcast %reduce_sum3A_532 : i1 to vector<16xi1>
      %reduce_sum3A_534 = tpu.scan <sum>, %add3A_531 masked %reduce_sum3A_533 : vector<16xf32>, vector<16xi1> -> vector<16xf32>
      %reduce_sum3A_535 = vector.extract %reduce_sum3A_534[15] : f32 from vector<16xf32>
      %eq3A_536 = arith.constant 3 : i32
      %eq3A_537 = vector.broadcast %eq3A_536 : i32 to vector<16xi32>
      %eq3A_538 = arith.cmpi eq, %iota3A, %eq3A_537 : vector<16xi32>
      %broadcast_in_dim3A_539 = vector.broadcast %reduce_sum3A_535 : f32 to vector<16xf32>
      %select_n3A_540 = arith.select %eq3A_538, %broadcast_in_dim3A_539, %select_n3A_438 : vector<16xi1>, vector<16xf32>
      %mul3A_541 = arith.constant 16 : i32
      %mul3A_542 = arith.muli %scan3A_138, %mul3A_541 : i32
      %add3A_543 = arith.constant 4 : i32
      %add3A_544 = arith.addi %mul3A_542, %add3A_543 : i32
      %get3A_545 = arith.index_cast %add3A_544 : i32 to index
      %get3A_546 = arith.constant 0 : index
      %get3A_547 = tpu.vector_load %arg9[%get3A_545, %get3A_546] {strides = array<i32>} : memref<16x128xi32, #tpu.memory_space<vmem>>, vector<16xi32>,
      %get3A_548 = arith.index_cast %add3A_544 : i32 to index
      %get3A_549 = arith.constant 0 : index
      %get3A_550 = tpu.vector_load %arg10[%get3A_548, %get3A_549] {strides = array<i32>} : memref<16x128xi32, #tpu.memory_space<vmem>>, vector<16xi32>,
      %bitcast3A_551 = vector.bitcast %get3A_547 : vector<16xi32> to vector<32xbf16>
      %bitcast3A_552 = vector.bitcast %get3A_550 : vector<16xi32> to vector<32xbf16>
      %mul3A_553 = arith.mulf %bitcast3A_551, %bitcast3A_552 : vector<32xbf16>
      %get3A_554 = arith.index_cast %add3A_544 : i32 to index
      %get3A_555 = arith.constant 16 : index
      %get3A_556 = tpu.vector_load %arg9[%get3A_554, %get3A_555] {strides = array<i32>} : memref<16x128xi32, #tpu.memory_space<vmem>>, vector<16xi32>,
      %get3A_557 = arith.index_cast %add3A_544 : i32 to index
      %get3A_558 = arith.constant 16 : index
      %get3A_559 = tpu.vector_load %arg10[%get3A_557, %get3A_558] {strides = array<i32>} : memref<16x128xi32, #tpu.memory_space<vmem>>, vector<16xi32>,
      %bitcast3A_560 = vector.bitcast %get3A_556 : vector<16xi32> to vector<32xbf16>
      %bitcast3A_561 = vector.bitcast %get3A_559 : vector<16xi32> to vector<32xbf16>
      %mul3A_562 = arith.mulf %bitcast3A_560, %bitcast3A_561 : vector<32xbf16>
      %get3A_563 = arith.index_cast %add3A_544 : i32 to index
      %get3A_564 = arith.constant 32 : index
      %get3A_565 = tpu.vector_load %arg9[%get3A_563, %get3A_564] {strides = array<i32>} : memref<16x128xi32, #tpu.memory_space<vmem>>, vector<16xi32>,
      %get3A_566 = arith.index_cast %add3A_544 : i32 to index
      %get3A_567 = arith.constant 32 : index
      %get3A_568 = tpu.vector_load %arg10[%get3A_566, %get3A_567] {strides = array<i32>} : memref<16x128xi32, #tpu.memory_space<vmem>>, vector<16xi32>,
      %bitcast3A_569 = vector.bitcast %get3A_565 : vector<16xi32> to vector<32xbf16>
      %bitcast3A_570 = vector.bitcast %get3A_568 : vector<16xi32> to vector<32xbf16>
      %mul3A_571 = arith.mulf %bitcast3A_569, %bitcast3A_570 : vector<32xbf16>
      %get3A_572 = arith.index_cast %add3A_544 : i32 to index
      %get3A_573 = arith.constant 48 : index
      %get3A_574 = tpu.vector_load %arg9[%get3A_572, %get3A_573] {strides = array<i32>} : memref<16x128xi32, #tpu.memory_space<vmem>>, vector<16xi32>,
      %get3A_575 = arith.index_cast %add3A_544 : i32 to index
      %get3A_576 = arith.constant 48 : index
      %get3A_577 = tpu.vector_load %arg10[%get3A_575, %get3A_576] {strides = array<i32>} : memref<16x128xi32, #tpu.memory_space<vmem>>, vector<16xi32>,
      %bitcast3A_578 = vector.bitcast %get3A_574 : vector<16xi32> to vector<32xbf16>
      %bitcast3A_579 = vector.bitcast %get3A_577 : vector<16xi32> to vector<32xbf16>
      %mul3A_580 = arith.mulf %bitcast3A_578, %bitcast3A_579 : vector<32xbf16>
      %get3A_581 = arith.index_cast %add3A_544 : i32 to index
      %get3A_582 = arith.constant 64 : index
      %get3A_583 = tpu.vector_load %arg9[%get3A_581, %get3A_582] {strides = array<i32>} : memref<16x128xi32, #tpu.memory_space<vmem>>, vector<16xi32>,
      %get3A_584 = arith.index_cast %add3A_544 : i32 to index
      %get3A_585 = arith.constant 64 : index
      %get3A_586 = tpu.vector_load %arg10[%get3A_584, %get3A_585] {strides = array<i32>} : memref<16x128xi32, #tpu.memory_space<vmem>>, vector<16xi32>,
      %bitcast3A_587 = vector.bitcast %get3A_583 : vector<16xi32> to vector<32xbf16>
      %bitcast3A_588 = vector.bitcast %get3A_586 : vector<16xi32> to vector<32xbf16>
      %mul3A_589 = arith.mulf %bitcast3A_587, %bitcast3A_588 : vector<32xbf16>
      %get3A_590 = arith.index_cast %add3A_544 : i32 to index
      %get3A_591 = arith.constant 80 : index
      %get3A_592 = tpu.vector_load %arg9[%get3A_590, %get3A_591] {strides = array<i32>} : memref<16x128xi32, #tpu.memory_space<vmem>>, vector<16xi32>,
      %get3A_593 = arith.index_cast %add3A_544 : i32 to index
      %get3A_594 = arith.constant 80 : index
      %get3A_595 = tpu.vector_load %arg10[%get3A_593, %get3A_594] {strides = array<i32>} : memref<16x128xi32, #tpu.memory_space<vmem>>, vector<16xi32>,
      %bitcast3A_596 = vector.bitcast %get3A_592 : vector<16xi32> to vector<32xbf16>
      %bitcast3A_597 = vector.bitcast %get3A_595 : vector<16xi32> to vector<32xbf16>
      %mul3A_598 = arith.mulf %bitcast3A_596, %bitcast3A_597 : vector<32xbf16>
      %get3A_599 = arith.index_cast %add3A_544 : i32 to index
      %get3A_600 = arith.constant 96 : index
      %get3A_601 = tpu.vector_load %arg9[%get3A_599, %get3A_600] {strides = array<i32>} : memref<16x128xi32, #tpu.memory_space<vmem>>, vector<16xi32>,
      %get3A_602 = arith.index_cast %add3A_544 : i32 to index
      %get3A_603 = arith.constant 96 : index
      %get3A_604 = tpu.vector_load %arg10[%get3A_602, %get3A_603] {strides = array<i32>} : memref<16x128xi32, #tpu.memory_space<vmem>>, vector<16xi32>,
      %bitcast3A_605 = vector.bitcast %get3A_601 : vector<16xi32> to vector<32xbf16>
      %bitcast3A_606 = vector.bitcast %get3A_604 : vector<16xi32> to vector<32xbf16>
      %mul3A_607 = arith.mulf %bitcast3A_605, %bitcast3A_606 : vector<32xbf16>
      %get3A_608 = arith.index_cast %add3A_544 : i32 to index
      %get3A_609 = arith.constant 112 : index
      %get3A_610 = tpu.vector_load %arg9[%get3A_608, %get3A_609] {strides = array<i32>} : memref<16x128xi32, #tpu.memory_space<vmem>>, vector<16xi32>,
      %get3A_611 = arith.index_cast %add3A_544 : i32 to index
      %get3A_612 = arith.constant 112 : index
      %get3A_613 = tpu.vector_load %arg10[%get3A_611, %get3A_612] {strides = array<i32>} : memref<16x128xi32, #tpu.memory_space<vmem>>, vector<16xi32>,
      %bitcast3A_614 = vector.bitcast %get3A_610 : vector<16xi32> to vector<32xbf16>
      %bitcast3A_615 = vector.bitcast %get3A_613 : vector<16xi32> to vector<32xbf16>
      %mul3A_616 = arith.mulf %bitcast3A_614, %bitcast3A_615 : vector<32xbf16>
      %add3A_617 = arith.addf %mul3A_553, %mul3A_562 : vector<32xbf16>
      %add3A_618 = arith.addf %mul3A_571, %mul3A_580 : vector<32xbf16>
      %add3A_619 = arith.addf %mul3A_589, %mul3A_598 : vector<32xbf16>
      %add3A_620 = arith.addf %mul3A_607, %mul3A_616 : vector<32xbf16>
      %add3A_621 = arith.addf %add3A_617, %add3A_618 : vector<32xbf16>
      %add3A_622 = arith.addf %add3A_619, %add3A_620 : vector<32xbf16>
      %add3A_623 = arith.addf %add3A_621, %add3A_622 : vector<32xbf16>
      %bitcast3A_624 = vector.bitcast %add3A_623 : vector<32xbf16> to vector<16xi32>
      %shift_left3A_625 = arith.constant 16 : i32
      %shift_left3A_626 = vector.broadcast %shift_left3A_625 : i32 to vector<16xi32>
      %shift_left3A_627 = arith.shli %bitcast3A_624, %shift_left3A_626 : vector<16xi32>
      %bitcast3A_628 = vector.bitcast %shift_left3A_627 : vector<16xi32> to vector<16xf32>
      %and3A_629 = arith.constant -65536 : i32
      %and3A_630 = vector.broadcast %and3A_629 : i32 to vector<16xi32>
      %and3A_631 = arith.andi %bitcast3A_624, %and3A_630 : vector<16xi32>
      %bitcast3A_632 = vector.bitcast %and3A_631 : vector<16xi32> to vector<16xf32>
      %add3A_633 = arith.addf %bitcast3A_628, %bitcast3A_632 : vector<16xf32>
      %reduce_sum3A_634 = arith.constant true
      %reduce_sum3A_635 = vector.broadcast %reduce_sum3A_634 : i1 to vector<16xi1>
      %reduce_sum3A_636 = tpu.scan <sum>, %add3A_633 masked %reduce_sum3A_635 : vector<16xf32>, vector<16xi1> -> vector<16xf32>
      %reduce_sum3A_637 = vector.extract %reduce_sum3A_636[15] : f32 from vector<16xf32>
      %eq3A_638 = arith.constant 4 : i32
      %eq3A_639 = vector.broadcast %eq3A_638 : i32 to vector<16xi32>
      %eq3A_640 = arith.cmpi eq, %iota3A, %eq3A_639 : vector<16xi32>
      %broadcast_in_dim3A_641 = vector.broadcast %reduce_sum3A_637 : f32 to vector<16xf32>
      %select_n3A_642 = arith.select %eq3A_640, %broadcast_in_dim3A_641, %select_n3A_540 : vector<16xi1>, vector<16xf32>
      %mul3A_643 = arith.constant 16 : i32
      %mul3A_644 = arith.muli %scan3A_138, %mul3A_643 : i32
      %add3A_645 = arith.constant 5 : i32
      %add3A_646 = arith.addi %mul3A_644, %add3A_645 : i32
      %get3A_647 = arith.index_cast %add3A_646 : i32 to index
      %get3A_648 = arith.constant 0 : index
      %get3A_649 = tpu.vector_load %arg9[%get3A_647, %get3A_648] {strides = array<i32>} : memref<16x128xi32, #tpu.memory_space<vmem>>, vector<16xi32>,
      %get3A_650 = arith.index_cast %add3A_646 : i32 to index
      %get3A_651 = arith.constant 0 : index
      %get3A_652 = tpu.vector_load %arg10[%get3A_650, %get3A_651] {strides = array<i32>} : memref<16x128xi32, #tpu.memory_space<vmem>>, vector<16xi32>,
      %bitcast3A_653 = vector.bitcast %get3A_649 : vector<16xi32> to vector<32xbf16>
      %bitcast3A_654 = vector.bitcast %get3A_652 : vector<16xi32> to vector<32xbf16>
      %mul3A_655 = arith.mulf %bitcast3A_653, %bitcast3A_654 : vector<32xbf16>
      %get3A_656 = arith.index_cast %add3A_646 : i32 to index
      %get3A_657 = arith.constant 16 : index
      %get3A_658 = tpu.vector_load %arg9[%get3A_656, %get3A_657] {strides = array<i32>} : memref<16x128xi32, #tpu.memory_space<vmem>>, vector<16xi32>,
      %get3A_659 = arith.index_cast %add3A_646 : i32 to index
      %get3A_660 = arith.constant 16 : index
      %get3A_661 = tpu.vector_load %arg10[%get3A_659, %get3A_660] {strides = array<i32>} : memref<16x128xi32, #tpu.memory_space<vmem>>, vector<16xi32>,
      %bitcast3A_662 = vector.bitcast %get3A_658 : vector<16xi32> to vector<32xbf16>
      %bitcast3A_663 = vector.bitcast %get3A_661 : vector<16xi32> to vector<32xbf16>
      %mul3A_664 = arith.mulf %bitcast3A_662, %bitcast3A_663 : vector<32xbf16>
      %get3A_665 = arith.index_cast %add3A_646 : i32 to index
      %get3A_666 = arith.constant 32 : index
      %get3A_667 = tpu.vector_load %arg9[%get3A_665, %get3A_666] {strides = array<i32>} : memref<16x128xi32, #tpu.memory_space<vmem>>, vector<16xi32>,
      %get3A_668 = arith.index_cast %add3A_646 : i32 to index
      %get3A_669 = arith.constant 32 : index
      %get3A_670 = tpu.vector_load %arg10[%get3A_668, %get3A_669] {strides = array<i32>} : memref<16x128xi32, #tpu.memory_space<vmem>>, vector<16xi32>,
      %bitcast3A_671 = vector.bitcast %get3A_667 : vector<16xi32> to vector<32xbf16>
      %bitcast3A_672 = vector.bitcast %get3A_670 : vector<16xi32> to vector<32xbf16>
      %mul3A_673 = arith.mulf %bitcast3A_671, %bitcast3A_672 : vector<32xbf16>
      %get3A_674 = arith.index_cast %add3A_646 : i32 to index
      %get3A_675 = arith.constant 48 : index
      %get3A_676 = tpu.vector_load %arg9[%get3A_674, %get3A_675] {strides = array<i32>} : memref<16x128xi32, #tpu.memory_space<vmem>>, vector<16xi32>,
      %get3A_677 = arith.index_cast %add3A_646 : i32 to index
      %get3A_678 = arith.constant 48 : index
      %get3A_679 = tpu.vector_load %arg10[%get3A_677, %get3A_678] {strides = array<i32>} : memref<16x128xi32, #tpu.memory_space<vmem>>, vector<16xi32>,
      %bitcast3A_680 = vector.bitcast %get3A_676 : vector<16xi32> to vector<32xbf16>
      %bitcast3A_681 = vector.bitcast %get3A_679 : vector<16xi32> to vector<32xbf16>
      %mul3A_682 = arith.mulf %bitcast3A_680, %bitcast3A_681 : vector<32xbf16>
      %get3A_683 = arith.index_cast %add3A_646 : i32 to index
      %get3A_684 = arith.constant 64 : index
      %get3A_685 = tpu.vector_load %arg9[%get3A_683, %get3A_684] {strides = array<i32>} : memref<16x128xi32, #tpu.memory_space<vmem>>, vector<16xi32>,
      %get3A_686 = arith.index_cast %add3A_646 : i32 to index
      %get3A_687 = arith.constant 64 : index
      %get3A_688 = tpu.vector_load %arg10[%get3A_686, %get3A_687] {strides = array<i32>} : memref<16x128xi32, #tpu.memory_space<vmem>>, vector<16xi32>,
      %bitcast3A_689 = vector.bitcast %get3A_685 : vector<16xi32> to vector<32xbf16>
      %bitcast3A_690 = vector.bitcast %get3A_688 : vector<16xi32> to vector<32xbf16>
      %mul3A_691 = arith.mulf %bitcast3A_689, %bitcast3A_690 : vector<32xbf16>
      %get3A_692 = arith.index_cast %add3A_646 : i32 to index
      %get3A_693 = arith.constant 80 : index
      %get3A_694 = tpu.vector_load %arg9[%get3A_692, %get3A_693] {strides = array<i32>} : memref<16x128xi32, #tpu.memory_space<vmem>>, vector<16xi32>,
      %get3A_695 = arith.index_cast %add3A_646 : i32 to index
      %get3A_696 = arith.constant 80 : index
      %get3A_697 = tpu.vector_load %arg10[%get3A_695, %get3A_696] {strides = array<i32>} : memref<16x128xi32, #tpu.memory_space<vmem>>, vector<16xi32>,
      %bitcast3A_698 = vector.bitcast %get3A_694 : vector<16xi32> to vector<32xbf16>
      %bitcast3A_699 = vector.bitcast %get3A_697 : vector<16xi32> to vector<32xbf16>
      %mul3A_700 = arith.mulf %bitcast3A_698, %bitcast3A_699 : vector<32xbf16>
      %get3A_701 = arith.index_cast %add3A_646 : i32 to index
      %get3A_702 = arith.constant 96 : index
      %get3A_703 = tpu.vector_load %arg9[%get3A_701, %get3A_702] {strides = array<i32>} : memref<16x128xi32, #tpu.memory_space<vmem>>, vector<16xi32>,
      %get3A_704 = arith.index_cast %add3A_646 : i32 to index
      %get3A_705 = arith.constant 96 : index
      %get3A_706 = tpu.vector_load %arg10[%get3A_704, %get3A_705] {strides = array<i32>} : memref<16x128xi32, #tpu.memory_space<vmem>>, vector<16xi32>,
      %bitcast3A_707 = vector.bitcast %get3A_703 : vector<16xi32> to vector<32xbf16>
      %bitcast3A_708 = vector.bitcast %get3A_706 : vector<16xi32> to vector<32xbf16>
      %mul3A_709 = arith.mulf %bitcast3A_707, %bitcast3A_708 : vector<32xbf16>
      %get3A_710 = arith.index_cast %add3A_646 : i32 to index
      %get3A_711 = arith.constant 112 : index
      %get3A_712 = tpu.vector_load %arg9[%get3A_710, %get3A_711] {strides = array<i32>} : memref<16x128xi32, #tpu.memory_space<vmem>>, vector<16xi32>,
      %get3A_713 = arith.index_cast %add3A_646 : i32 to index
      %get3A_714 = arith.constant 112 : index
      %get3A_715 = tpu.vector_load %arg10[%get3A_713, %get3A_714] {strides = array<i32>} : memref<16x128xi32, #tpu.memory_space<vmem>>, vector<16xi32>,
      %bitcast3A_716 = vector.bitcast %get3A_712 : vector<16xi32> to vector<32xbf16>
      %bitcast3A_717 = vector.bitcast %get3A_715 : vector<16xi32> to vector<32xbf16>
      %mul3A_718 = arith.mulf %bitcast3A_716, %bitcast3A_717 : vector<32xbf16>
      %add3A_719 = arith.addf %mul3A_655, %mul3A_664 : vector<32xbf16>
      %add3A_720 = arith.addf %mul3A_673, %mul3A_682 : vector<32xbf16>
      %add3A_721 = arith.addf %mul3A_691, %mul3A_700 : vector<32xbf16>
      %add3A_722 = arith.addf %mul3A_709, %mul3A_718 : vector<32xbf16>
      %add3A_723 = arith.addf %add3A_719, %add3A_720 : vector<32xbf16>
      %add3A_724 = arith.addf %add3A_721, %add3A_722 : vector<32xbf16>
      %add3A_725 = arith.addf %add3A_723, %add3A_724 : vector<32xbf16>
      %bitcast3A_726 = vector.bitcast %add3A_725 : vector<32xbf16> to vector<16xi32>
      %shift_left3A_727 = arith.constant 16 : i32
      %shift_left3A_728 = vector.broadcast %shift_left3A_727 : i32 to vector<16xi32>
      %shift_left3A_729 = arith.shli %bitcast3A_726, %shift_left3A_728 : vector<16xi32>
      %bitcast3A_730 = vector.bitcast %shift_left3A_729 : vector<16xi32> to vector<16xf32>
      %and3A_731 = arith.constant -65536 : i32
      %and3A_732 = vector.broadcast %and3A_731 : i32 to vector<16xi32>
      %and3A_733 = arith.andi %bitcast3A_726, %and3A_732 : vector<16xi32>
      %bitcast3A_734 = vector.bitcast %and3A_733 : vector<16xi32> to vector<16xf32>
      %add3A_735 = arith.addf %bitcast3A_730, %bitcast3A_734 : vector<16xf32>
      %reduce_sum3A_736 = arith.constant true
      %reduce_sum3A_737 = vector.broadcast %reduce_sum3A_736 : i1 to vector<16xi1>
      %reduce_sum3A_738 = tpu.scan <sum>, %add3A_735 masked %reduce_sum3A_737 : vector<16xf32>, vector<16xi1> -> vector<16xf32>
      %reduce_sum3A_739 = vector.extract %reduce_sum3A_738[15] : f32 from vector<16xf32>
      %eq3A_740 = arith.constant 5 : i32
      %eq3A_741 = vector.broadcast %eq3A_740 : i32 to vector<16xi32>
      %eq3A_742 = arith.cmpi eq, %iota3A, %eq3A_741 : vector<16xi32>
      %broadcast_in_dim3A_743 = vector.broadcast %reduce_sum3A_739 : f32 to vector<16xf32>
      %select_n3A_744 = arith.select %eq3A_742, %broadcast_in_dim3A_743, %select_n3A_642 : vector<16xi1>, vector<16xf32>
      %mul3A_745 = arith.constant 16 : i32
      %mul3A_746 = arith.muli %scan3A_138, %mul3A_745 : i32
      %add3A_747 = arith.constant 6 : i32
      %add3A_748 = arith.addi %mul3A_746, %add3A_747 : i32
      %get3A_749 = arith.index_cast %add3A_748 : i32 to index
      %get3A_750 = arith.constant 0 : index
      %get3A_751 = tpu.vector_load %arg9[%get3A_749, %get3A_750] {strides = array<i32>} : memref<16x128xi32, #tpu.memory_space<vmem>>, vector<16xi32>,
      %get3A_752 = arith.index_cast %add3A_748 : i32 to index
      %get3A_753 = arith.constant 0 : index
      %get3A_754 = tpu.vector_load %arg10[%get3A_752, %get3A_753] {strides = array<i32>} : memref<16x128xi32, #tpu.memory_space<vmem>>, vector<16xi32>,
      %bitcast3A_755 = vector.bitcast %get3A_751 : vector<16xi32> to vector<32xbf16>
      %bitcast3A_756 = vector.bitcast %get3A_754 : vector<16xi32> to vector<32xbf16>
      %mul3A_757 = arith.mulf %bitcast3A_755, %bitcast3A_756 : vector<32xbf16>
      %get3A_758 = arith.index_cast %add3A_748 : i32 to index
      %get3A_759 = arith.constant 16 : index
      %get3A_760 = tpu.vector_load %arg9[%get3A_758, %get3A_759] {strides = array<i32>} : memref<16x128xi32, #tpu.memory_space<vmem>>, vector<16xi32>,
      %get3A_761 = arith.index_cast %add3A_748 : i32 to index
      %get3A_762 = arith.constant 16 : index
      %get3A_763 = tpu.vector_load %arg10[%get3A_761, %get3A_762] {strides = array<i32>} : memref<16x128xi32, #tpu.memory_space<vmem>>, vector<16xi32>,
      %bitcast3A_764 = vector.bitcast %get3A_760 : vector<16xi32> to vector<32xbf16>
      %bitcast3A_765 = vector.bitcast %get3A_763 : vector<16xi32> to vector<32xbf16>
      %mul3A_766 = arith.mulf %bitcast3A_764, %bitcast3A_765 : vector<32xbf16>
      %get3A_767 = arith.index_cast %add3A_748 : i32 to index
      %get3A_768 = arith.constant 32 : index
      %get3A_769 = tpu.vector_load %arg9[%get3A_767, %get3A_768] {strides = array<i32>} : memref<16x128xi32, #tpu.memory_space<vmem>>, vector<16xi32>,
      %get3A_770 = arith.index_cast %add3A_748 : i32 to index
      %get3A_771 = arith.constant 32 : index
      %get3A_772 = tpu.vector_load %arg10[%get3A_770, %get3A_771] {strides = array<i32>} : memref<16x128xi32, #tpu.memory_space<vmem>>, vector<16xi32>,
      %bitcast3A_773 = vector.bitcast %get3A_769 : vector<16xi32> to vector<32xbf16>
      %bitcast3A_774 = vector.bitcast %get3A_772 : vector<16xi32> to vector<32xbf16>
      %mul3A_775 = arith.mulf %bitcast3A_773, %bitcast3A_774 : vector<32xbf16>
      %get3A_776 = arith.index_cast %add3A_748 : i32 to index
      %get3A_777 = arith.constant 48 : index
      %get3A_778 = tpu.vector_load %arg9[%get3A_776, %get3A_777] {strides = array<i32>} : memref<16x128xi32, #tpu.memory_space<vmem>>, vector<16xi32>,
      %get3A_779 = arith.index_cast %add3A_748 : i32 to index
      %get3A_780 = arith.constant 48 : index
      %get3A_781 = tpu.vector_load %arg10[%get3A_779, %get3A_780] {strides = array<i32>} : memref<16x128xi32, #tpu.memory_space<vmem>>, vector<16xi32>,
      %bitcast3A_782 = vector.bitcast %get3A_778 : vector<16xi32> to vector<32xbf16>
      %bitcast3A_783 = vector.bitcast %get3A_781 : vector<16xi32> to vector<32xbf16>
      %mul3A_784 = arith.mulf %bitcast3A_782, %bitcast3A_783 : vector<32xbf16>
      %get3A_785 = arith.index_cast %add3A_748 : i32 to index
      %get3A_786 = arith.constant 64 : index
      %get3A_787 = tpu.vector_load %arg9[%get3A_785, %get3A_786] {strides = array<i32>} : memref<16x128xi32, #tpu.memory_space<vmem>>, vector<16xi32>,
      %get3A_788 = arith.index_cast %add3A_748 : i32 to index
      %get3A_789 = arith.constant 64 : index
      %get3A_790 = tpu.vector_load %arg10[%get3A_788, %get3A_789] {strides = array<i32>} : memref<16x128xi32, #tpu.memory_space<vmem>>, vector<16xi32>,
      %bitcast3A_791 = vector.bitcast %get3A_787 : vector<16xi32> to vector<32xbf16>
      %bitcast3A_792 = vector.bitcast %get3A_790 : vector<16xi32> to vector<32xbf16>
      %mul3A_793 = arith.mulf %bitcast3A_791, %bitcast3A_792 : vector<32xbf16>
      %get3A_794 = arith.index_cast %add3A_748 : i32 to index
      %get3A_795 = arith.constant 80 : index
      %get3A_796 = tpu.vector_load %arg9[%get3A_794, %get3A_795] {strides = array<i32>} : memref<16x128xi32, #tpu.memory_space<vmem>>, vector<16xi32>,
      %get3A_797 = arith.index_cast %add3A_748 : i32 to index
      %get3A_798 = arith.constant 80 : index
      %get3A_799 = tpu.vector_load %arg10[%get3A_797, %get3A_798] {strides = array<i32>} : memref<16x128xi32, #tpu.memory_space<vmem>>, vector<16xi32>,
      %bitcast3A_800 = vector.bitcast %get3A_796 : vector<16xi32> to vector<32xbf16>
      %bitcast3A_801 = vector.bitcast %get3A_799 : vector<16xi32> to vector<32xbf16>
      %mul3A_802 = arith.mulf %bitcast3A_800, %bitcast3A_801 : vector<32xbf16>
      %get3A_803 = arith.index_cast %add3A_748 : i32 to index
      %get3A_804 = arith.constant 96 : index
      %get3A_805 = tpu.vector_load %arg9[%get3A_803, %get3A_804] {strides = array<i32>} : memref<16x128xi32, #tpu.memory_space<vmem>>, vector<16xi32>,
      %get3A_806 = arith.index_cast %add3A_748 : i32 to index
      %get3A_807 = arith.constant 96 : index
      %get3A_808 = tpu.vector_load %arg10[%get3A_806, %get3A_807] {strides = array<i32>} : memref<16x128xi32, #tpu.memory_space<vmem>>, vector<16xi32>,
      %bitcast3A_809 = vector.bitcast %get3A_805 : vector<16xi32> to vector<32xbf16>
      %bitcast3A_810 = vector.bitcast %get3A_808 : vector<16xi32> to vector<32xbf16>
      %mul3A_811 = arith.mulf %bitcast3A_809, %bitcast3A_810 : vector<32xbf16>
      %get3A_812 = arith.index_cast %add3A_748 : i32 to index
      %get3A_813 = arith.constant 112 : index
      %get3A_814 = tpu.vector_load %arg9[%get3A_812, %get3A_813] {strides = array<i32>} : memref<16x128xi32, #tpu.memory_space<vmem>>, vector<16xi32>,
      %get3A_815 = arith.index_cast %add3A_748 : i32 to index
      %get3A_816 = arith.constant 112 : index
      %get3A_817 = tpu.vector_load %arg10[%get3A_815, %get3A_816] {strides = array<i32>} : memref<16x128xi32, #tpu.memory_space<vmem>>, vector<16xi32>,
      %bitcast3A_818 = vector.bitcast %get3A_814 : vector<16xi32> to vector<32xbf16>
      %bitcast3A_819 = vector.bitcast %get3A_817 : vector<16xi32> to vector<32xbf16>
      %mul3A_820 = arith.mulf %bitcast3A_818, %bitcast3A_819 : vector<32xbf16>
      %add3A_821 = arith.addf %mul3A_757, %mul3A_766 : vector<32xbf16>
      %add3A_822 = arith.addf %mul3A_775, %mul3A_784 : vector<32xbf16>
      %add3A_823 = arith.addf %mul3A_793, %mul3A_802 : vector<32xbf16>
      %add3A_824 = arith.addf %mul3A_811, %mul3A_820 : vector<32xbf16>
      %add3A_825 = arith.addf %add3A_821, %add3A_822 : vector<32xbf16>
      %add3A_826 = arith.addf %add3A_823, %add3A_824 : vector<32xbf16>
      %add3A_827 = arith.addf %add3A_825, %add3A_826 : vector<32xbf16>
      %bitcast3A_828 = vector.bitcast %add3A_827 : vector<32xbf16> to vector<16xi32>
      %shift_left3A_829 = arith.constant 16 : i32
      %shift_left3A_830 = vector.broadcast %shift_left3A_829 : i32 to vector<16xi32>
      %shift_left3A_831 = arith.shli %bitcast3A_828, %shift_left3A_830 : vector<16xi32>
      %bitcast3A_832 = vector.bitcast %shift_left3A_831 : vector<16xi32> to vector<16xf32>
      %and3A_833 = arith.constant -65536 : i32
      %and3A_834 = vector.broadcast %and3A_833 : i32 to vector<16xi32>
      %and3A_835 = arith.andi %bitcast3A_828, %and3A_834 : vector<16xi32>
      %bitcast3A_836 = vector.bitcast %and3A_835 : vector<16xi32> to vector<16xf32>
      %add3A_837 = arith.addf %bitcast3A_832, %bitcast3A_836 : vector<16xf32>
      %reduce_sum3A_838 = arith.constant true
      %reduce_sum3A_839 = vector.broadcast %reduce_sum3A_838 : i1 to vector<16xi1>
      %reduce_sum3A_840 = tpu.scan <sum>, %add3A_837 masked %reduce_sum3A_839 : vector<16xf32>, vector<16xi1> -> vector<16xf32>
      %reduce_sum3A_841 = vector.extract %reduce_sum3A_840[15] : f32 from vector<16xf32>
      %eq3A_842 = arith.constant 6 : i32
      %eq3A_843 = vector.broadcast %eq3A_842 : i32 to vector<16xi32>
      %eq3A_844 = arith.cmpi eq, %iota3A, %eq3A_843 : vector<16xi32>
      %broadcast_in_dim3A_845 = vector.broadcast %reduce_sum3A_841 : f32 to vector<16xf32>
      %select_n3A_846 = arith.select %eq3A_844, %broadcast_in_dim3A_845, %select_n3A_744 : vector<16xi1>, vector<16xf32>
      %mul3A_847 = arith.constant 16 : i32
      %mul3A_848 = arith.muli %scan3A_138, %mul3A_847 : i32
      %add3A_849 = arith.constant 7 : i32
      %add3A_850 = arith.addi %mul3A_848, %add3A_849 : i32
      %get3A_851 = arith.index_cast %add3A_850 : i32 to index
      %get3A_852 = arith.constant 0 : index
      %get3A_853 = tpu.vector_load %arg9[%get3A_851, %get3A_852] {strides = array<i32>} : memref<16x128xi32, #tpu.memory_space<vmem>>, vector<16xi32>,
      %get3A_854 = arith.index_cast %add3A_850 : i32 to index
      %get3A_855 = arith.constant 0 : index
      %get3A_856 = tpu.vector_load %arg10[%get3A_854, %get3A_855] {strides = array<i32>} : memref<16x128xi32, #tpu.memory_space<vmem>>, vector<16xi32>,
      %bitcast3A_857 = vector.bitcast %get3A_853 : vector<16xi32> to vector<32xbf16>
      %bitcast3A_858 = vector.bitcast %get3A_856 : vector<16xi32> to vector<32xbf16>
      %mul3A_859 = arith.mulf %bitcast3A_857, %bitcast3A_858 : vector<32xbf16>
      %get3A_860 = arith.index_cast %add3A_850 : i32 to index
      %get3A_861 = arith.constant 16 : index
      %get3A_862 = tpu.vector_load %arg9[%get3A_860, %get3A_861] {strides = array<i32>} : memref<16x128xi32, #tpu.memory_space<vmem>>, vector<16xi32>,
      %get3A_863 = arith.index_cast %add3A_850 : i32 to index
      %get3A_864 = arith.constant 16 : index
      %get3A_865 = tpu.vector_load %arg10[%get3A_863, %get3A_864] {strides = array<i32>} : memref<16x128xi32, #tpu.memory_space<vmem>>, vector<16xi32>,
      %bitcast3A_866 = vector.bitcast %get3A_862 : vector<16xi32> to vector<32xbf16>
      %bitcast3A_867 = vector.bitcast %get3A_865 : vector<16xi32> to vector<32xbf16>
      %mul3A_868 = arith.mulf %bitcast3A_866, %bitcast3A_867 : vector<32xbf16>
      %get3A_869 = arith.index_cast %add3A_850 : i32 to index
      %get3A_870 = arith.constant 32 : index
      %get3A_871 = tpu.vector_load %arg9[%get3A_869, %get3A_870] {strides = array<i32>} : memref<16x128xi32, #tpu.memory_space<vmem>>, vector<16xi32>,
      %get3A_872 = arith.index_cast %add3A_850 : i32 to index
      %get3A_873 = arith.constant 32 : index
      %get3A_874 = tpu.vector_load %arg10[%get3A_872, %get3A_873] {strides = array<i32>} : memref<16x128xi32, #tpu.memory_space<vmem>>, vector<16xi32>,
      %bitcast3A_875 = vector.bitcast %get3A_871 : vector<16xi32> to vector<32xbf16>
      %bitcast3A_876 = vector.bitcast %get3A_874 : vector<16xi32> to vector<32xbf16>
      %mul3A_877 = arith.mulf %bitcast3A_875, %bitcast3A_876 : vector<32xbf16>
      %get3A_878 = arith.index_cast %add3A_850 : i32 to index
      %get3A_879 = arith.constant 48 : index
      %get3A_880 = tpu.vector_load %arg9[%get3A_878, %get3A_879] {strides = array<i32>} : memref<16x128xi32, #tpu.memory_space<vmem>>, vector<16xi32>,
      %get3A_881 = arith.index_cast %add3A_850 : i32 to index
      %get3A_882 = arith.constant 48 : index
      %get3A_883 = tpu.vector_load %arg10[%get3A_881, %get3A_882] {strides = array<i32>} : memref<16x128xi32, #tpu.memory_space<vmem>>, vector<16xi32>,
      %bitcast3A_884 = vector.bitcast %get3A_880 : vector<16xi32> to vector<32xbf16>
      %bitcast3A_885 = vector.bitcast %get3A_883 : vector<16xi32> to vector<32xbf16>
      %mul3A_886 = arith.mulf %bitcast3A_884, %bitcast3A_885 : vector<32xbf16>
      %get3A_887 = arith.index_cast %add3A_850 : i32 to index
      %get3A_888 = arith.constant 64 : index
      %get3A_889 = tpu.vector_load %arg9[%get3A_887, %get3A_888] {strides = array<i32>} : memref<16x128xi32, #tpu.memory_space<vmem>>, vector<16xi32>,
      %get3A_890 = arith.index_cast %add3A_850 : i32 to index
      %get3A_891 = arith.constant 64 : index
      %get3A_892 = tpu.vector_load %arg10[%get3A_890, %get3A_891] {strides = array<i32>} : memref<16x128xi32, #tpu.memory_space<vmem>>, vector<16xi32>,
      %bitcast3A_893 = vector.bitcast %get3A_889 : vector<16xi32> to vector<32xbf16>
      %bitcast3A_894 = vector.bitcast %get3A_892 : vector<16xi32> to vector<32xbf16>
      %mul3A_895 = arith.mulf %bitcast3A_893, %bitcast3A_894 : vector<32xbf16>
      %get3A_896 = arith.index_cast %add3A_850 : i32 to index
      %get3A_897 = arith.constant 80 : index
      %get3A_898 = tpu.vector_load %arg9[%get3A_896, %get3A_897] {strides = array<i32>} : memref<16x128xi32, #tpu.memory_space<vmem>>, vector<16xi32>,
      %get3A_899 = arith.index_cast %add3A_850 : i32 to index
      %get3A_900 = arith.constant 80 : index
      %get3A_901 = tpu.vector_load %arg10[%get3A_899, %get3A_900] {strides = array<i32>} : memref<16x128xi32, #tpu.memory_space<vmem>>, vector<16xi32>,
      %bitcast3A_902 = vector.bitcast %get3A_898 : vector<16xi32> to vector<32xbf16>
      %bitcast3A_903 = vector.bitcast %get3A_901 : vector<16xi32> to vector<32xbf16>
      %mul3A_904 = arith.mulf %bitcast3A_902, %bitcast3A_903 : vector<32xbf16>
      %get3A_905 = arith.index_cast %add3A_850 : i32 to index
      %get3A_906 = arith.constant 96 : index
      %get3A_907 = tpu.vector_load %arg9[%get3A_905, %get3A_906] {strides = array<i32>} : memref<16x128xi32, #tpu.memory_space<vmem>>, vector<16xi32>,
      %get3A_908 = arith.index_cast %add3A_850 : i32 to index
      %get3A_909 = arith.constant 96 : index
      %get3A_910 = tpu.vector_load %arg10[%get3A_908, %get3A_909] {strides = array<i32>} : memref<16x128xi32, #tpu.memory_space<vmem>>, vector<16xi32>,
      %bitcast3A_911 = vector.bitcast %get3A_907 : vector<16xi32> to vector<32xbf16>
      %bitcast3A_912 = vector.bitcast %get3A_910 : vector<16xi32> to vector<32xbf16>
      %mul3A_913 = arith.mulf %bitcast3A_911, %bitcast3A_912 : vector<32xbf16>
      %get3A_914 = arith.index_cast %add3A_850 : i32 to index
      %get3A_915 = arith.constant 112 : index
      %get3A_916 = tpu.vector_load %arg9[%get3A_914, %get3A_915] {strides = array<i32>} : memref<16x128xi32, #tpu.memory_space<vmem>>, vector<16xi32>,
      %get3A_917 = arith.index_cast %add3A_850 : i32 to index
      %get3A_918 = arith.constant 112 : index
      %get3A_919 = tpu.vector_load %arg10[%get3A_917, %get3A_918] {strides = array<i32>} : memref<16x128xi32, #tpu.memory_space<vmem>>, vector<16xi32>,
      %bitcast3A_920 = vector.bitcast %get3A_916 : vector<16xi32> to vector<32xbf16>
      %bitcast3A_921 = vector.bitcast %get3A_919 : vector<16xi32> to vector<32xbf16>
      %mul3A_922 = arith.mulf %bitcast3A_920, %bitcast3A_921 : vector<32xbf16>
      %add3A_923 = arith.addf %mul3A_859, %mul3A_868 : vector<32xbf16>
      %add3A_924 = arith.addf %mul3A_877, %mul3A_886 : vector<32xbf16>
      %add3A_925 = arith.addf %mul3A_895, %mul3A_904 : vector<32xbf16>
      %add3A_926 = arith.addf %mul3A_913, %mul3A_922 : vector<32xbf16>
      %add3A_927 = arith.addf %add3A_923, %add3A_924 : vector<32xbf16>
      %add3A_928 = arith.addf %add3A_925, %add3A_926 : vector<32xbf16>
      %add3A_929 = arith.addf %add3A_927, %add3A_928 : vector<32xbf16>
      %bitcast3A_930 = vector.bitcast %add3A_929 : vector<32xbf16> to vector<16xi32>
      %shift_left3A_931 = arith.constant 16 : i32
      %shift_left3A_932 = vector.broadcast %shift_left3A_931 : i32 to vector<16xi32>
      %shift_left3A_933 = arith.shli %bitcast3A_930, %shift_left3A_932 : vector<16xi32>
      %bitcast3A_934 = vector.bitcast %shift_left3A_933 : vector<16xi32> to vector<16xf32>
      %and3A_935 = arith.constant -65536 : i32
      %and3A_936 = vector.broadcast %and3A_935 : i32 to vector<16xi32>
      %and3A_937 = arith.andi %bitcast3A_930, %and3A_936 : vector<16xi32>
      %bitcast3A_938 = vector.bitcast %and3A_937 : vector<16xi32> to vector<16xf32>
      %add3A_939 = arith.addf %bitcast3A_934, %bitcast3A_938 : vector<16xf32>
      %reduce_sum3A_940 = arith.constant true
      %reduce_sum3A_941 = vector.broadcast %reduce_sum3A_940 : i1 to vector<16xi1>
      %reduce_sum3A_942 = tpu.scan <sum>, %add3A_939 masked %reduce_sum3A_941 : vector<16xf32>, vector<16xi1> -> vector<16xf32>
      %reduce_sum3A_943 = vector.extract %reduce_sum3A_942[15] : f32 from vector<16xf32>
      %eq3A_944 = arith.constant 7 : i32
      %eq3A_945 = vector.broadcast %eq3A_944 : i32 to vector<16xi32>
      %eq3A_946 = arith.cmpi eq, %iota3A, %eq3A_945 : vector<16xi32>
      %broadcast_in_dim3A_947 = vector.broadcast %reduce_sum3A_943 : f32 to vector<16xf32>
      %select_n3A_948 = arith.select %eq3A_946, %broadcast_in_dim3A_947, %select_n3A_846 : vector<16xi1>, vector<16xf32>
      %mul3A_949 = arith.constant 16 : i32
      %mul3A_950 = arith.muli %scan3A_138, %mul3A_949 : i32
      %add3A_951 = arith.constant 8 : i32
      %add3A_952 = arith.addi %mul3A_950, %add3A_951 : i32
      %get3A_953 = arith.index_cast %add3A_952 : i32 to index
      %get3A_954 = arith.constant 0 : index
      %get3A_955 = tpu.vector_load %arg9[%get3A_953, %get3A_954] {strides = array<i32>} : memref<16x128xi32, #tpu.memory_space<vmem>>, vector<16xi32>,
      %get3A_956 = arith.index_cast %add3A_952 : i32 to index
      %get3A_957 = arith.constant 0 : index
      %get3A_958 = tpu.vector_load %arg10[%get3A_956, %get3A_957] {strides = array<i32>} : memref<16x128xi32, #tpu.memory_space<vmem>>, vector<16xi32>,
      %bitcast3A_959 = vector.bitcast %get3A_955 : vector<16xi32> to vector<32xbf16>
      %bitcast3A_960 = vector.bitcast %get3A_958 : vector<16xi32> to vector<32xbf16>
      %mul3A_961 = arith.mulf %bitcast3A_959, %bitcast3A_960 : vector<32xbf16>
      %get3A_962 = arith.index_cast %add3A_952 : i32 to index
      %get3A_963 = arith.constant 16 : index
      %get3A_964 = tpu.vector_load %arg9[%get3A_962, %get3A_963] {strides = array<i32>} : memref<16x128xi32, #tpu.memory_space<vmem>>, vector<16xi32>,
      %get3A_965 = arith.index_cast %add3A_952 : i32 to index
      %get3A_966 = arith.constant 16 : index
      %get3A_967 = tpu.vector_load %arg10[%get3A_965, %get3A_966] {strides = array<i32>} : memref<16x128xi32, #tpu.memory_space<vmem>>, vector<16xi32>,
      %bitcast3A_968 = vector.bitcast %get3A_964 : vector<16xi32> to vector<32xbf16>
      %bitcast3A_969 = vector.bitcast %get3A_967 : vector<16xi32> to vector<32xbf16>
      %mul3A_970 = arith.mulf %bitcast3A_968, %bitcast3A_969 : vector<32xbf16>
      %get3A_971 = arith.index_cast %add3A_952 : i32 to index
      %get3A_972 = arith.constant 32 : index
      %get3A_973 = tpu.vector_load %arg9[%get3A_971, %get3A_972] {strides = array<i32>} : memref<16x128xi32, #tpu.memory_space<vmem>>, vector<16xi32>,
      %get3A_974 = arith.index_cast %add3A_952 : i32 to index
      %get3A_975 = arith.constant 32 : index
      %get3A_976 = tpu.vector_load %arg10[%get3A_974, %get3A_975] {strides = array<i32>} : memref<16x128xi32, #tpu.memory_space<vmem>>, vector<16xi32>,
      %bitcast3A_977 = vector.bitcast %get3A_973 : vector<16xi32> to vector<32xbf16>
      %bitcast3A_978 = vector.bitcast %get3A_976 : vector<16xi32> to vector<32xbf16>
      %mul3A_979 = arith.mulf %bitcast3A_977, %bitcast3A_978 : vector<32xbf16>
      %get3A_980 = arith.index_cast %add3A_952 : i32 to index
      %get3A_981 = arith.constant 48 : index
      %get3A_982 = tpu.vector_load %arg9[%get3A_980, %get3A_981] {strides = array<i32>} : memref<16x128xi32, #tpu.memory_space<vmem>>, vector<16xi32>,
      %get3A_983 = arith.index_cast %add3A_952 : i32 to index
      %get3A_984 = arith.constant 48 : index
      %get3A_985 = tpu.vector_load %arg10[%get3A_983, %get3A_984] {strides = array<i32>} : memref<16x128xi32, #tpu.memory_space<vmem>>, vector<16xi32>,
      %bitcast3A_986 = vector.bitcast %get3A_982 : vector<16xi32> to vector<32xbf16>
      %bitcast3A_987 = vector.bitcast %get3A_985 : vector<16xi32> to vector<32xbf16>
      %mul3A_988 = arith.mulf %bitcast3A_986, %bitcast3A_987 : vector<32xbf16>
      %get3A_989 = arith.index_cast %add3A_952 : i32 to index
      %get3A_990 = arith.constant 64 : index
      %get3A_991 = tpu.vector_load %arg9[%get3A_989, %get3A_990] {strides = array<i32>} : memref<16x128xi32, #tpu.memory_space<vmem>>, vector<16xi32>,
      %get3A_992 = arith.index_cast %add3A_952 : i32 to index
      %get3A_993 = arith.constant 64 : index
      %get3A_994 = tpu.vector_load %arg10[%get3A_992, %get3A_993] {strides = array<i32>} : memref<16x128xi32, #tpu.memory_space<vmem>>, vector<16xi32>,
      %bitcast3A_995 = vector.bitcast %get3A_991 : vector<16xi32> to vector<32xbf16>
      %bitcast3A_996 = vector.bitcast %get3A_994 : vector<16xi32> to vector<32xbf16>
      %mul3A_997 = arith.mulf %bitcast3A_995, %bitcast3A_996 : vector<32xbf16>
      %get3A_998 = arith.index_cast %add3A_952 : i32 to index
      %get3A_999 = arith.constant 80 : index
      %get3A_1000 = tpu.vector_load %arg9[%get3A_998, %get3A_999] {strides = array<i32>} : memref<16x128xi32, #tpu.memory_space<vmem>>, vector<16xi32>,
      %get3A_1001 = arith.index_cast %add3A_952 : i32 to index
      %get3A_1002 = arith.constant 80 : index
      %get3A_1003 = tpu.vector_load %arg10[%get3A_1001, %get3A_1002] {strides = array<i32>} : memref<16x128xi32, #tpu.memory_space<vmem>>, vector<16xi32>,
      %bitcast3A_1004 = vector.bitcast %get3A_1000 : vector<16xi32> to vector<32xbf16>
      %bitcast3A_1005 = vector.bitcast %get3A_1003 : vector<16xi32> to vector<32xbf16>
      %mul3A_1006 = arith.mulf %bitcast3A_1004, %bitcast3A_1005 : vector<32xbf16>
      %get3A_1007 = arith.index_cast %add3A_952 : i32 to index
      %get3A_1008 = arith.constant 96 : index
      %get3A_1009 = tpu.vector_load %arg9[%get3A_1007, %get3A_1008] {strides = array<i32>} : memref<16x128xi32, #tpu.memory_space<vmem>>, vector<16xi32>,
      %get3A_1010 = arith.index_cast %add3A_952 : i32 to index
      %get3A_1011 = arith.constant 96 : index
      %get3A_1012 = tpu.vector_load %arg10[%get3A_1010, %get3A_1011] {strides = array<i32>} : memref<16x128xi32, #tpu.memory_space<vmem>>, vector<16xi32>,
      %bitcast3A_1013 = vector.bitcast %get3A_1009 : vector<16xi32> to vector<32xbf16>
      %bitcast3A_1014 = vector.bitcast %get3A_1012 : vector<16xi32> to vector<32xbf16>
      %mul3A_1015 = arith.mulf %bitcast3A_1013, %bitcast3A_1014 : vector<32xbf16>
      %get3A_1016 = arith.index_cast %add3A_952 : i32 to index
      %get3A_1017 = arith.constant 112 : index
      %get3A_1018 = tpu.vector_load %arg9[%get3A_1016, %get3A_1017] {strides = array<i32>} : memref<16x128xi32, #tpu.memory_space<vmem>>, vector<16xi32>,
      %get3A_1019 = arith.index_cast %add3A_952 : i32 to index
      %get3A_1020 = arith.constant 112 : index
      %get3A_1021 = tpu.vector_load %arg10[%get3A_1019, %get3A_1020] {strides = array<i32>} : memref<16x128xi32, #tpu.memory_space<vmem>>, vector<16xi32>,
      %bitcast3A_1022 = vector.bitcast %get3A_1018 : vector<16xi32> to vector<32xbf16>
      %bitcast3A_1023 = vector.bitcast %get3A_1021 : vector<16xi32> to vector<32xbf16>
      %mul3A_1024 = arith.mulf %bitcast3A_1022, %bitcast3A_1023 : vector<32xbf16>
      %add3A_1025 = arith.addf %mul3A_961, %mul3A_970 : vector<32xbf16>
      %add3A_1026 = arith.addf %mul3A_979, %mul3A_988 : vector<32xbf16>
      %add3A_1027 = arith.addf %mul3A_997, %mul3A_1006 : vector<32xbf16>
      %add3A_1028 = arith.addf %mul3A_1015, %mul3A_1024 : vector<32xbf16>
      %add3A_1029 = arith.addf %add3A_1025, %add3A_1026 : vector<32xbf16>
      %add3A_1030 = arith.addf %add3A_1027, %add3A_1028 : vector<32xbf16>
      %add3A_1031 = arith.addf %add3A_1029, %add3A_1030 : vector<32xbf16>
      %bitcast3A_1032 = vector.bitcast %add3A_1031 : vector<32xbf16> to vector<16xi32>
      %shift_left3A_1033 = arith.constant 16 : i32
      %shift_left3A_1034 = vector.broadcast %shift_left3A_1033 : i32 to vector<16xi32>
      %shift_left3A_1035 = arith.shli %bitcast3A_1032, %shift_left3A_1034 : vector<16xi32>
      %bitcast3A_1036 = vector.bitcast %shift_left3A_1035 : vector<16xi32> to vector<16xf32>
      %and3A_1037 = arith.constant -65536 : i32
      %and3A_1038 = vector.broadcast %and3A_1037 : i32 to vector<16xi32>
      %and3A_1039 = arith.andi %bitcast3A_1032, %and3A_1038 : vector<16xi32>
      %bitcast3A_1040 = vector.bitcast %and3A_1039 : vector<16xi32> to vector<16xf32>
      %add3A_1041 = arith.addf %bitcast3A_1036, %bitcast3A_1040 : vector<16xf32>
      %reduce_sum3A_1042 = arith.constant true
      %reduce_sum3A_1043 = vector.broadcast %reduce_sum3A_1042 : i1 to vector<16xi1>
      %reduce_sum3A_1044 = tpu.scan <sum>, %add3A_1041 masked %reduce_sum3A_1043 : vector<16xf32>, vector<16xi1> -> vector<16xf32>
      %reduce_sum3A_1045 = vector.extract %reduce_sum3A_1044[15] : f32 from vector<16xf32>
      %eq3A_1046 = arith.constant 8 : i32
      %eq3A_1047 = vector.broadcast %eq3A_1046 : i32 to vector<16xi32>
      %eq3A_1048 = arith.cmpi eq, %iota3A, %eq3A_1047 : vector<16xi32>
      %broadcast_in_dim3A_1049 = vector.broadcast %reduce_sum3A_1045 : f32 to vector<16xf32>
      %select_n3A_1050 = arith.select %eq3A_1048, %broadcast_in_dim3A_1049, %select_n3A_948 : vector<16xi1>, vector<16xf32>
      %mul3A_1051 = arith.constant 16 : i32
      %mul3A_1052 = arith.muli %scan3A_138, %mul3A_1051 : i32
      %add3A_1053 = arith.constant 9 : i32
      %add3A_1054 = arith.addi %mul3A_1052, %add3A_1053 : i32
      %get3A_1055 = arith.index_cast %add3A_1054 : i32 to index
      %get3A_1056 = arith.constant 0 : index
      %get3A_1057 = tpu.vector_load %arg9[%get3A_1055, %get3A_1056] {strides = array<i32>} : memref<16x128xi32, #tpu.memory_space<vmem>>, vector<16xi32>,
      %get3A_1058 = arith.index_cast %add3A_1054 : i32 to index
      %get3A_1059 = arith.constant 0 : index
      %get3A_1060 = tpu.vector_load %arg10[%get3A_1058, %get3A_1059] {strides = array<i32>} : memref<16x128xi32, #tpu.memory_space<vmem>>, vector<16xi32>,
      %bitcast3A_1061 = vector.bitcast %get3A_1057 : vector<16xi32> to vector<32xbf16>
      %bitcast3A_1062 = vector.bitcast %get3A_1060 : vector<16xi32> to vector<32xbf16>
      %mul3A_1063 = arith.mulf %bitcast3A_1061, %bitcast3A_1062 : vector<32xbf16>
      %get3A_1064 = arith.index_cast %add3A_1054 : i32 to index
      %get3A_1065 = arith.constant 16 : index
      %get3A_1066 = tpu.vector_load %arg9[%get3A_1064, %get3A_1065] {strides = array<i32>} : memref<16x128xi32, #tpu.memory_space<vmem>>, vector<16xi32>,
      %get3A_1067 = arith.index_cast %add3A_1054 : i32 to index
      %get3A_1068 = arith.constant 16 : index
      %get3A_1069 = tpu.vector_load %arg10[%get3A_1067, %get3A_1068] {strides = array<i32>} : memref<16x128xi32, #tpu.memory_space<vmem>>, vector<16xi32>,
      %bitcast3A_1070 = vector.bitcast %get3A_1066 : vector<16xi32> to vector<32xbf16>
      %bitcast3A_1071 = vector.bitcast %get3A_1069 : vector<16xi32> to vector<32xbf16>
      %mul3A_1072 = arith.mulf %bitcast3A_1070, %bitcast3A_1071 : vector<32xbf16>
      %get3A_1073 = arith.index_cast %add3A_1054 : i32 to index
      %get3A_1074 = arith.constant 32 : index
      %get3A_1075 = tpu.vector_load %arg9[%get3A_1073, %get3A_1074] {strides = array<i32>} : memref<16x128xi32, #tpu.memory_space<vmem>>, vector<16xi32>,
      %get3A_1076 = arith.index_cast %add3A_1054 : i32 to index
      %get3A_1077 = arith.constant 32 : index
      %get3A_1078 = tpu.vector_load %arg10[%get3A_1076, %get3A_1077] {strides = array<i32>} : memref<16x128xi32, #tpu.memory_space<vmem>>, vector<16xi32>,
      %bitcast3A_1079 = vector.bitcast %get3A_1075 : vector<16xi32> to vector<32xbf16>
      %bitcast3A_1080 = vector.bitcast %get3A_1078 : vector<16xi32> to vector<32xbf16>
      %mul3A_1081 = arith.mulf %bitcast3A_1079, %bitcast3A_1080 : vector<32xbf16>
      %get3A_1082 = arith.index_cast %add3A_1054 : i32 to index
      %get3A_1083 = arith.constant 48 : index
      %get3A_1084 = tpu.vector_load %arg9[%get3A_1082, %get3A_1083] {strides = array<i32>} : memref<16x128xi32, #tpu.memory_space<vmem>>, vector<16xi32>,
      %get3A_1085 = arith.index_cast %add3A_1054 : i32 to index
      %get3A_1086 = arith.constant 48 : index
      %get3A_1087 = tpu.vector_load %arg10[%get3A_1085, %get3A_1086] {strides = array<i32>} : memref<16x128xi32, #tpu.memory_space<vmem>>, vector<16xi32>,
      %bitcast3A_1088 = vector.bitcast %get3A_1084 : vector<16xi32> to vector<32xbf16>
      %bitcast3A_1089 = vector.bitcast %get3A_1087 : vector<16xi32> to vector<32xbf16>
      %mul3A_1090 = arith.mulf %bitcast3A_1088, %bitcast3A_1089 : vector<32xbf16>
      %get3A_1091 = arith.index_cast %add3A_1054 : i32 to index
      %get3A_1092 = arith.constant 64 : index
      %get3A_1093 = tpu.vector_load %arg9[%get3A_1091, %get3A_1092] {strides = array<i32>} : memref<16x128xi32, #tpu.memory_space<vmem>>, vector<16xi32>,
      %get3A_1094 = arith.index_cast %add3A_1054 : i32 to index
      %get3A_1095 = arith.constant 64 : index
      %get3A_1096 = tpu.vector_load %arg10[%get3A_1094, %get3A_1095] {strides = array<i32>} : memref<16x128xi32, #tpu.memory_space<vmem>>, vector<16xi32>,
      %bitcast3A_1097 = vector.bitcast %get3A_1093 : vector<16xi32> to vector<32xbf16>
      %bitcast3A_1098 = vector.bitcast %get3A_1096 : vector<16xi32> to vector<32xbf16>
      %mul3A_1099 = arith.mulf %bitcast3A_1097, %bitcast3A_1098 : vector<32xbf16>
      %get3A_1100 = arith.index_cast %add3A_1054 : i32 to index
      %get3A_1101 = arith.constant 80 : index
      %get3A_1102 = tpu.vector_load %arg9[%get3A_1100, %get3A_1101] {strides = array<i32>} : memref<16x128xi32, #tpu.memory_space<vmem>>, vector<16xi32>,
      %get3A_1103 = arith.index_cast %add3A_1054 : i32 to index
      %get3A_1104 = arith.constant 80 : index
      %get3A_1105 = tpu.vector_load %arg10[%get3A_1103, %get3A_1104] {strides = array<i32>} : memref<16x128xi32, #tpu.memory_space<vmem>>, vector<16xi32>,
      %bitcast3A_1106 = vector.bitcast %get3A_1102 : vector<16xi32> to vector<32xbf16>
      %bitcast3A_1107 = vector.bitcast %get3A_1105 : vector<16xi32> to vector<32xbf16>
      %mul3A_1108 = arith.mulf %bitcast3A_1106, %bitcast3A_1107 : vector<32xbf16>
      %get3A_1109 = arith.index_cast %add3A_1054 : i32 to index
      %get3A_1110 = arith.constant 96 : index
      %get3A_1111 = tpu.vector_load %arg9[%get3A_1109, %get3A_1110] {strides = array<i32>} : memref<16x128xi32, #tpu.memory_space<vmem>>, vector<16xi32>,
      %get3A_1112 = arith.index_cast %add3A_1054 : i32 to index
      %get3A_1113 = arith.constant 96 : index
      %get3A_1114 = tpu.vector_load %arg10[%get3A_1112, %get3A_1113] {strides = array<i32>} : memref<16x128xi32, #tpu.memory_space<vmem>>, vector<16xi32>,
      %bitcast3A_1115 = vector.bitcast %get3A_1111 : vector<16xi32> to vector<32xbf16>
      %bitcast3A_1116 = vector.bitcast %get3A_1114 : vector<16xi32> to vector<32xbf16>
      %mul3A_1117 = arith.mulf %bitcast3A_1115, %bitcast3A_1116 : vector<32xbf16>
      %get3A_1118 = arith.index_cast %add3A_1054 : i32 to index
      %get3A_1119 = arith.constant 112 : index
      %get3A_1120 = tpu.vector_load %arg9[%get3A_1118, %get3A_1119] {strides = array<i32>} : memref<16x128xi32, #tpu.memory_space<vmem>>, vector<16xi32>,
      %get3A_1121 = arith.index_cast %add3A_1054 : i32 to index
      %get3A_1122 = arith.constant 112 : index
      %get3A_1123 = tpu.vector_load %arg10[%get3A_1121, %get3A_1122] {strides = array<i32>} : memref<16x128xi32, #tpu.memory_space<vmem>>, vector<16xi32>,
      %bitcast3A_1124 = vector.bitcast %get3A_1120 : vector<16xi32> to vector<32xbf16>
      %bitcast3A_1125 = vector.bitcast %get3A_1123 : vector<16xi32> to vector<32xbf16>
      %mul3A_1126 = arith.mulf %bitcast3A_1124, %bitcast3A_1125 : vector<32xbf16>
      %add3A_1127 = arith.addf %mul3A_1063, %mul3A_1072 : vector<32xbf16>
      %add3A_1128 = arith.addf %mul3A_1081, %mul3A_1090 : vector<32xbf16>
      %add3A_1129 = arith.addf %mul3A_1099, %mul3A_1108 : vector<32xbf16>
      %add3A_1130 = arith.addf %mul3A_1117, %mul3A_1126 : vector<32xbf16>
      %add3A_1131 = arith.addf %add3A_1127, %add3A_1128 : vector<32xbf16>
      %add3A_1132 = arith.addf %add3A_1129, %add3A_1130 : vector<32xbf16>
      %add3A_1133 = arith.addf %add3A_1131, %add3A_1132 : vector<32xbf16>
      %bitcast3A_1134 = vector.bitcast %add3A_1133 : vector<32xbf16> to vector<16xi32>
      %shift_left3A_1135 = arith.constant 16 : i32
      %shift_left3A_1136 = vector.broadcast %shift_left3A_1135 : i32 to vector<16xi32>
      %shift_left3A_1137 = arith.shli %bitcast3A_1134, %shift_left3A_1136 : vector<16xi32>
      %bitcast3A_1138 = vector.bitcast %shift_left3A_1137 : vector<16xi32> to vector<16xf32>
      %and3A_1139 = arith.constant -65536 : i32
      %and3A_1140 = vector.broadcast %and3A_1139 : i32 to vector<16xi32>
      %and3A_1141 = arith.andi %bitcast3A_1134, %and3A_1140 : vector<16xi32>
      %bitcast3A_1142 = vector.bitcast %and3A_1141 : vector<16xi32> to vector<16xf32>
      %add3A_1143 = arith.addf %bitcast3A_1138, %bitcast3A_1142 : vector<16xf32>
      %reduce_sum3A_1144 = arith.constant true
      %reduce_sum3A_1145 = vector.broadcast %reduce_sum3A_1144 : i1 to vector<16xi1>
      %reduce_sum3A_1146 = tpu.scan <sum>, %add3A_1143 masked %reduce_sum3A_1145 : vector<16xf32>, vector<16xi1> -> vector<16xf32>
      %reduce_sum3A_1147 = vector.extract %reduce_sum3A_1146[15] : f32 from vector<16xf32>
      %eq3A_1148 = arith.constant 9 : i32
      %eq3A_1149 = vector.broadcast %eq3A_1148 : i32 to vector<16xi32>
      %eq3A_1150 = arith.cmpi eq, %iota3A, %eq3A_1149 : vector<16xi32>
      %broadcast_in_dim3A_1151 = vector.broadcast %reduce_sum3A_1147 : f32 to vector<16xf32>
      %select_n3A_1152 = arith.select %eq3A_1150, %broadcast_in_dim3A_1151, %select_n3A_1050 : vector<16xi1>, vector<16xf32>
      %mul3A_1153 = arith.constant 16 : i32
      %mul3A_1154 = arith.muli %scan3A_138, %mul3A_1153 : i32
      %add3A_1155 = arith.constant 10 : i32
      %add3A_1156 = arith.addi %mul3A_1154, %add3A_1155 : i32
      %get3A_1157 = arith.index_cast %add3A_1156 : i32 to index
      %get3A_1158 = arith.constant 0 : index
      %get3A_1159 = tpu.vector_load %arg9[%get3A_1157, %get3A_1158] {strides = array<i32>} : memref<16x128xi32, #tpu.memory_space<vmem>>, vector<16xi32>,
      %get3A_1160 = arith.index_cast %add3A_1156 : i32 to index
      %get3A_1161 = arith.constant 0 : index
      %get3A_1162 = tpu.vector_load %arg10[%get3A_1160, %get3A_1161] {strides = array<i32>} : memref<16x128xi32, #tpu.memory_space<vmem>>, vector<16xi32>,
      %bitcast3A_1163 = vector.bitcast %get3A_1159 : vector<16xi32> to vector<32xbf16>
      %bitcast3A_1164 = vector.bitcast %get3A_1162 : vector<16xi32> to vector<32xbf16>
      %mul3A_1165 = arith.mulf %bitcast3A_1163, %bitcast3A_1164 : vector<32xbf16>
      %get3A_1166 = arith.index_cast %add3A_1156 : i32 to index
      %get3A_1167 = arith.constant 16 : index
      %get3A_1168 = tpu.vector_load %arg9[%get3A_1166, %get3A_1167] {strides = array<i32>} : memref<16x128xi32, #tpu.memory_space<vmem>>, vector<16xi32>,
      %get3A_1169 = arith.index_cast %add3A_1156 : i32 to index
      %get3A_1170 = arith.constant 16 : index
      %get3A_1171 = tpu.vector_load %arg10[%get3A_1169, %get3A_1170] {strides = array<i32>} : memref<16x128xi32, #tpu.memory_space<vmem>>, vector<16xi32>,
      %bitcast3A_1172 = vector.bitcast %get3A_1168 : vector<16xi32> to vector<32xbf16>
      %bitcast3A_1173 = vector.bitcast %get3A_1171 : vector<16xi32> to vector<32xbf16>
      %mul3A_1174 = arith.mulf %bitcast3A_1172, %bitcast3A_1173 : vector<32xbf16>
      %get3A_1175 = arith.index_cast %add3A_1156 : i32 to index
      %get3A_1176 = arith.constant 32 : index
      %get3A_1177 = tpu.vector_load %arg9[%get3A_1175, %get3A_1176] {strides = array<i32>} : memref<16x128xi32, #tpu.memory_space<vmem>>, vector<16xi32>,
      %get3A_1178 = arith.index_cast %add3A_1156 : i32 to index
      %get3A_1179 = arith.constant 32 : index
      %get3A_1180 = tpu.vector_load %arg10[%get3A_1178, %get3A_1179] {strides = array<i32>} : memref<16x128xi32, #tpu.memory_space<vmem>>, vector<16xi32>,
      %bitcast3A_1181 = vector.bitcast %get3A_1177 : vector<16xi32> to vector<32xbf16>
      %bitcast3A_1182 = vector.bitcast %get3A_1180 : vector<16xi32> to vector<32xbf16>
      %mul3A_1183 = arith.mulf %bitcast3A_1181, %bitcast3A_1182 : vector<32xbf16>
      %get3A_1184 = arith.index_cast %add3A_1156 : i32 to index
      %get3A_1185 = arith.constant 48 : index
      %get3A_1186 = tpu.vector_load %arg9[%get3A_1184, %get3A_1185] {strides = array<i32>} : memref<16x128xi32, #tpu.memory_space<vmem>>, vector<16xi32>,
      %get3A_1187 = arith.index_cast %add3A_1156 : i32 to index
      %get3A_1188 = arith.constant 48 : index
      %get3A_1189 = tpu.vector_load %arg10[%get3A_1187, %get3A_1188] {strides = array<i32>} : memref<16x128xi32, #tpu.memory_space<vmem>>, vector<16xi32>,
      %bitcast3A_1190 = vector.bitcast %get3A_1186 : vector<16xi32> to vector<32xbf16>
      %bitcast3A_1191 = vector.bitcast %get3A_1189 : vector<16xi32> to vector<32xbf16>
      %mul3A_1192 = arith.mulf %bitcast3A_1190, %bitcast3A_1191 : vector<32xbf16>
      %get3A_1193 = arith.index_cast %add3A_1156 : i32 to index
      %get3A_1194 = arith.constant 64 : index
      %get3A_1195 = tpu.vector_load %arg9[%get3A_1193, %get3A_1194] {strides = array<i32>} : memref<16x128xi32, #tpu.memory_space<vmem>>, vector<16xi32>,
      %get3A_1196 = arith.index_cast %add3A_1156 : i32 to index
      %get3A_1197 = arith.constant 64 : index
      %get3A_1198 = tpu.vector_load %arg10[%get3A_1196, %get3A_1197] {strides = array<i32>} : memref<16x128xi32, #tpu.memory_space<vmem>>, vector<16xi32>,
      %bitcast3A_1199 = vector.bitcast %get3A_1195 : vector<16xi32> to vector<32xbf16>
      %bitcast3A_1200 = vector.bitcast %get3A_1198 : vector<16xi32> to vector<32xbf16>
      %mul3A_1201 = arith.mulf %bitcast3A_1199, %bitcast3A_1200 : vector<32xbf16>
      %get3A_1202 = arith.index_cast %add3A_1156 : i32 to index
      %get3A_1203 = arith.constant 80 : index
      %get3A_1204 = tpu.vector_load %arg9[%get3A_1202, %get3A_1203] {strides = array<i32>} : memref<16x128xi32, #tpu.memory_space<vmem>>, vector<16xi32>,
      %get3A_1205 = arith.index_cast %add3A_1156 : i32 to index
      %get3A_1206 = arith.constant 80 : index
      %get3A_1207 = tpu.vector_load %arg10[%get3A_1205, %get3A_1206] {strides = array<i32>} : memref<16x128xi32, #tpu.memory_space<vmem>>, vector<16xi32>,
      %bitcast3A_1208 = vector.bitcast %get3A_1204 : vector<16xi32> to vector<32xbf16>
      %bitcast3A_1209 = vector.bitcast %get3A_1207 : vector<16xi32> to vector<32xbf16>
      %mul3A_1210 = arith.mulf %bitcast3A_1208, %bitcast3A_1209 : vector<32xbf16>
      %get3A_1211 = arith.index_cast %add3A_1156 : i32 to index
      %get3A_1212 = arith.constant 96 : index
      %get3A_1213 = tpu.vector_load %arg9[%get3A_1211, %get3A_1212] {strides = array<i32>} : memref<16x128xi32, #tpu.memory_space<vmem>>, vector<16xi32>,
      %get3A_1214 = arith.index_cast %add3A_1156 : i32 to index
      %get3A_1215 = arith.constant 96 : index
      %get3A_1216 = tpu.vector_load %arg10[%get3A_1214, %get3A_1215] {strides = array<i32>} : memref<16x128xi32, #tpu.memory_space<vmem>>, vector<16xi32>,
      %bitcast3A_1217 = vector.bitcast %get3A_1213 : vector<16xi32> to vector<32xbf16>
      %bitcast3A_1218 = vector.bitcast %get3A_1216 : vector<16xi32> to vector<32xbf16>
      %mul3A_1219 = arith.mulf %bitcast3A_1217, %bitcast3A_1218 : vector<32xbf16>
      %get3A_1220 = arith.index_cast %add3A_1156 : i32 to index
      %get3A_1221 = arith.constant 112 : index
      %get3A_1222 = tpu.vector_load %arg9[%get3A_1220, %get3A_1221] {strides = array<i32>} : memref<16x128xi32, #tpu.memory_space<vmem>>, vector<16xi32>,
      %get3A_1223 = arith.index_cast %add3A_1156 : i32 to index
      %get3A_1224 = arith.constant 112 : index
      %get3A_1225 = tpu.vector_load %arg10[%get3A_1223, %get3A_1224] {strides = array<i32>} : memref<16x128xi32, #tpu.memory_space<vmem>>, vector<16xi32>,
      %bitcast3A_1226 = vector.bitcast %get3A_1222 : vector<16xi32> to vector<32xbf16>
      %bitcast3A_1227 = vector.bitcast %get3A_1225 : vector<16xi32> to vector<32xbf16>
      %mul3A_1228 = arith.mulf %bitcast3A_1226, %bitcast3A_1227 : vector<32xbf16>
      %add3A_1229 = arith.addf %mul3A_1165, %mul3A_1174 : vector<32xbf16>
      %add3A_1230 = arith.addf %mul3A_1183, %mul3A_1192 : vector<32xbf16>
      %add3A_1231 = arith.addf %mul3A_1201, %mul3A_1210 : vector<32xbf16>
      %add3A_1232 = arith.addf %mul3A_1219, %mul3A_1228 : vector<32xbf16>
      %add3A_1233 = arith.addf %add3A_1229, %add3A_1230 : vector<32xbf16>
      %add3A_1234 = arith.addf %add3A_1231, %add3A_1232 : vector<32xbf16>
      %add3A_1235 = arith.addf %add3A_1233, %add3A_1234 : vector<32xbf16>
      %bitcast3A_1236 = vector.bitcast %add3A_1235 : vector<32xbf16> to vector<16xi32>
      %shift_left3A_1237 = arith.constant 16 : i32
      %shift_left3A_1238 = vector.broadcast %shift_left3A_1237 : i32 to vector<16xi32>
      %shift_left3A_1239 = arith.shli %bitcast3A_1236, %shift_left3A_1238 : vector<16xi32>
      %bitcast3A_1240 = vector.bitcast %shift_left3A_1239 : vector<16xi32> to vector<16xf32>
      %and3A_1241 = arith.constant -65536 : i32
      %and3A_1242 = vector.broadcast %and3A_1241 : i32 to vector<16xi32>
      %and3A_1243 = arith.andi %bitcast3A_1236, %and3A_1242 : vector<16xi32>
      %bitcast3A_1244 = vector.bitcast %and3A_1243 : vector<16xi32> to vector<16xf32>
      %add3A_1245 = arith.addf %bitcast3A_1240, %bitcast3A_1244 : vector<16xf32>
      %reduce_sum3A_1246 = arith.constant true
      %reduce_sum3A_1247 = vector.broadcast %reduce_sum3A_1246 : i1 to vector<16xi1>
      %reduce_sum3A_1248 = tpu.scan <sum>, %add3A_1245 masked %reduce_sum3A_1247 : vector<16xf32>, vector<16xi1> -> vector<16xf32>
      %reduce_sum3A_1249 = vector.extract %reduce_sum3A_1248[15] : f32 from vector<16xf32>
      %eq3A_1250 = arith.constant 10 : i32
      %eq3A_1251 = vector.broadcast %eq3A_1250 : i32 to vector<16xi32>
      %eq3A_1252 = arith.cmpi eq, %iota3A, %eq3A_1251 : vector<16xi32>
      %broadcast_in_dim3A_1253 = vector.broadcast %reduce_sum3A_1249 : f32 to vector<16xf32>
      %select_n3A_1254 = arith.select %eq3A_1252, %broadcast_in_dim3A_1253, %select_n3A_1152 : vector<16xi1>, vector<16xf32>
      %mul3A_1255 = arith.constant 16 : i32
      %mul3A_1256 = arith.muli %scan3A_138, %mul3A_1255 : i32
      %add3A_1257 = arith.constant 11 : i32
      %add3A_1258 = arith.addi %mul3A_1256, %add3A_1257 : i32
      %get3A_1259 = arith.index_cast %add3A_1258 : i32 to index
      %get3A_1260 = arith.constant 0 : index
      %get3A_1261 = tpu.vector_load %arg9[%get3A_1259, %get3A_1260] {strides = array<i32>} : memref<16x128xi32, #tpu.memory_space<vmem>>, vector<16xi32>,
      %get3A_1262 = arith.index_cast %add3A_1258 : i32 to index
      %get3A_1263 = arith.constant 0 : index
      %get3A_1264 = tpu.vector_load %arg10[%get3A_1262, %get3A_1263] {strides = array<i32>} : memref<16x128xi32, #tpu.memory_space<vmem>>, vector<16xi32>,
      %bitcast3A_1265 = vector.bitcast %get3A_1261 : vector<16xi32> to vector<32xbf16>
      %bitcast3A_1266 = vector.bitcast %get3A_1264 : vector<16xi32> to vector<32xbf16>
      %mul3A_1267 = arith.mulf %bitcast3A_1265, %bitcast3A_1266 : vector<32xbf16>
      %get3A_1268 = arith.index_cast %add3A_1258 : i32 to index
      %get3A_1269 = arith.constant 16 : index
      %get3A_1270 = tpu.vector_load %arg9[%get3A_1268, %get3A_1269] {strides = array<i32>} : memref<16x128xi32, #tpu.memory_space<vmem>>, vector<16xi32>,
      %get3A_1271 = arith.index_cast %add3A_1258 : i32 to index
      %get3A_1272 = arith.constant 16 : index
      %get3A_1273 = tpu.vector_load %arg10[%get3A_1271, %get3A_1272] {strides = array<i32>} : memref<16x128xi32, #tpu.memory_space<vmem>>, vector<16xi32>,
      %bitcast3A_1274 = vector.bitcast %get3A_1270 : vector<16xi32> to vector<32xbf16>
      %bitcast3A_1275 = vector.bitcast %get3A_1273 : vector<16xi32> to vector<32xbf16>
      %mul3A_1276 = arith.mulf %bitcast3A_1274, %bitcast3A_1275 : vector<32xbf16>
      %get3A_1277 = arith.index_cast %add3A_1258 : i32 to index
      %get3A_1278 = arith.constant 32 : index
      %get3A_1279 = tpu.vector_load %arg9[%get3A_1277, %get3A_1278] {strides = array<i32>} : memref<16x128xi32, #tpu.memory_space<vmem>>, vector<16xi32>,
      %get3A_1280 = arith.index_cast %add3A_1258 : i32 to index
      %get3A_1281 = arith.constant 32 : index
      %get3A_1282 = tpu.vector_load %arg10[%get3A_1280, %get3A_1281] {strides = array<i32>} : memref<16x128xi32, #tpu.memory_space<vmem>>, vector<16xi32>,
      %bitcast3A_1283 = vector.bitcast %get3A_1279 : vector<16xi32> to vector<32xbf16>
      %bitcast3A_1284 = vector.bitcast %get3A_1282 : vector<16xi32> to vector<32xbf16>
      %mul3A_1285 = arith.mulf %bitcast3A_1283, %bitcast3A_1284 : vector<32xbf16>
      %get3A_1286 = arith.index_cast %add3A_1258 : i32 to index
      %get3A_1287 = arith.constant 48 : index
      %get3A_1288 = tpu.vector_load %arg9[%get3A_1286, %get3A_1287] {strides = array<i32>} : memref<16x128xi32, #tpu.memory_space<vmem>>, vector<16xi32>,
      %get3A_1289 = arith.index_cast %add3A_1258 : i32 to index
      %get3A_1290 = arith.constant 48 : index
      %get3A_1291 = tpu.vector_load %arg10[%get3A_1289, %get3A_1290] {strides = array<i32>} : memref<16x128xi32, #tpu.memory_space<vmem>>, vector<16xi32>,
      %bitcast3A_1292 = vector.bitcast %get3A_1288 : vector<16xi32> to vector<32xbf16>
      %bitcast3A_1293 = vector.bitcast %get3A_1291 : vector<16xi32> to vector<32xbf16>
      %mul3A_1294 = arith.mulf %bitcast3A_1292, %bitcast3A_1293 : vector<32xbf16>
      %get3A_1295 = arith.index_cast %add3A_1258 : i32 to index
      %get3A_1296 = arith.constant 64 : index
      %get3A_1297 = tpu.vector_load %arg9[%get3A_1295, %get3A_1296] {strides = array<i32>} : memref<16x128xi32, #tpu.memory_space<vmem>>, vector<16xi32>,
      %get3A_1298 = arith.index_cast %add3A_1258 : i32 to index
      %get3A_1299 = arith.constant 64 : index
      %get3A_1300 = tpu.vector_load %arg10[%get3A_1298, %get3A_1299] {strides = array<i32>} : memref<16x128xi32, #tpu.memory_space<vmem>>, vector<16xi32>,
      %bitcast3A_1301 = vector.bitcast %get3A_1297 : vector<16xi32> to vector<32xbf16>
      %bitcast3A_1302 = vector.bitcast %get3A_1300 : vector<16xi32> to vector<32xbf16>
      %mul3A_1303 = arith.mulf %bitcast3A_1301, %bitcast3A_1302 : vector<32xbf16>
      %get3A_1304 = arith.index_cast %add3A_1258 : i32 to index
      %get3A_1305 = arith.constant 80 : index
      %get3A_1306 = tpu.vector_load %arg9[%get3A_1304, %get3A_1305] {strides = array<i32>} : memref<16x128xi32, #tpu.memory_space<vmem>>, vector<16xi32>,
      %get3A_1307 = arith.index_cast %add3A_1258 : i32 to index
      %get3A_1308 = arith.constant 80 : index
      %get3A_1309 = tpu.vector_load %arg10[%get3A_1307, %get3A_1308] {strides = array<i32>} : memref<16x128xi32, #tpu.memory_space<vmem>>, vector<16xi32>,
      %bitcast3A_1310 = vector.bitcast %get3A_1306 : vector<16xi32> to vector<32xbf16>
      %bitcast3A_1311 = vector.bitcast %get3A_1309 : vector<16xi32> to vector<32xbf16>
      %mul3A_1312 = arith.mulf %bitcast3A_1310, %bitcast3A_1311 : vector<32xbf16>
      %get3A_1313 = arith.index_cast %add3A_1258 : i32 to index
      %get3A_1314 = arith.constant 96 : index
      %get3A_1315 = tpu.vector_load %arg9[%get3A_1313, %get3A_1314] {strides = array<i32>} : memref<16x128xi32, #tpu.memory_space<vmem>>, vector<16xi32>,
      %get3A_1316 = arith.index_cast %add3A_1258 : i32 to index
      %get3A_1317 = arith.constant 96 : index
      %get3A_1318 = tpu.vector_load %arg10[%get3A_1316, %get3A_1317] {strides = array<i32>} : memref<16x128xi32, #tpu.memory_space<vmem>>, vector<16xi32>,
      %bitcast3A_1319 = vector.bitcast %get3A_1315 : vector<16xi32> to vector<32xbf16>
      %bitcast3A_1320 = vector.bitcast %get3A_1318 : vector<16xi32> to vector<32xbf16>
      %mul3A_1321 = arith.mulf %bitcast3A_1319, %bitcast3A_1320 : vector<32xbf16>
      %get3A_1322 = arith.index_cast %add3A_1258 : i32 to index
      %get3A_1323 = arith.constant 112 : index
      %get3A_1324 = tpu.vector_load %arg9[%get3A_1322, %get3A_1323] {strides = array<i32>} : memref<16x128xi32, #tpu.memory_space<vmem>>, vector<16xi32>,
      %get3A_1325 = arith.index_cast %add3A_1258 : i32 to index
      %get3A_1326 = arith.constant 112 : index
      %get3A_1327 = tpu.vector_load %arg10[%get3A_1325, %get3A_1326] {strides = array<i32>} : memref<16x128xi32, #tpu.memory_space<vmem>>, vector<16xi32>,
      %bitcast3A_1328 = vector.bitcast %get3A_1324 : vector<16xi32> to vector<32xbf16>
      %bitcast3A_1329 = vector.bitcast %get3A_1327 : vector<16xi32> to vector<32xbf16>
      %mul3A_1330 = arith.mulf %bitcast3A_1328, %bitcast3A_1329 : vector<32xbf16>
      %add3A_1331 = arith.addf %mul3A_1267, %mul3A_1276 : vector<32xbf16>
      %add3A_1332 = arith.addf %mul3A_1285, %mul3A_1294 : vector<32xbf16>
      %add3A_1333 = arith.addf %mul3A_1303, %mul3A_1312 : vector<32xbf16>
      %add3A_1334 = arith.addf %mul3A_1321, %mul3A_1330 : vector<32xbf16>
      %add3A_1335 = arith.addf %add3A_1331, %add3A_1332 : vector<32xbf16>
      %add3A_1336 = arith.addf %add3A_1333, %add3A_1334 : vector<32xbf16>
      %add3A_1337 = arith.addf %add3A_1335, %add3A_1336 : vector<32xbf16>
      %bitcast3A_1338 = vector.bitcast %add3A_1337 : vector<32xbf16> to vector<16xi32>
      %shift_left3A_1339 = arith.constant 16 : i32
      %shift_left3A_1340 = vector.broadcast %shift_left3A_1339 : i32 to vector<16xi32>
      %shift_left3A_1341 = arith.shli %bitcast3A_1338, %shift_left3A_1340 : vector<16xi32>
      %bitcast3A_1342 = vector.bitcast %shift_left3A_1341 : vector<16xi32> to vector<16xf32>
      %and3A_1343 = arith.constant -65536 : i32
      %and3A_1344 = vector.broadcast %and3A_1343 : i32 to vector<16xi32>
      %and3A_1345 = arith.andi %bitcast3A_1338, %and3A_1344 : vector<16xi32>
      %bitcast3A_1346 = vector.bitcast %and3A_1345 : vector<16xi32> to vector<16xf32>
      %add3A_1347 = arith.addf %bitcast3A_1342, %bitcast3A_1346 : vector<16xf32>
      %reduce_sum3A_1348 = arith.constant true
      %reduce_sum3A_1349 = vector.broadcast %reduce_sum3A_1348 : i1 to vector<16xi1>
      %reduce_sum3A_1350 = tpu.scan <sum>, %add3A_1347 masked %reduce_sum3A_1349 : vector<16xf32>, vector<16xi1> -> vector<16xf32>
      %reduce_sum3A_1351 = vector.extract %reduce_sum3A_1350[15] : f32 from vector<16xf32>
      %eq3A_1352 = arith.constant 11 : i32
      %eq3A_1353 = vector.broadcast %eq3A_1352 : i32 to vector<16xi32>
      %eq3A_1354 = arith.cmpi eq, %iota3A, %eq3A_1353 : vector<16xi32>
      %broadcast_in_dim3A_1355 = vector.broadcast %reduce_sum3A_1351 : f32 to vector<16xf32>
      %select_n3A_1356 = arith.select %eq3A_1354, %broadcast_in_dim3A_1355, %select_n3A_1254 : vector<16xi1>, vector<16xf32>
      %mul3A_1357 = arith.constant 16 : i32
      %mul3A_1358 = arith.muli %scan3A_138, %mul3A_1357 : i32
      %add3A_1359 = arith.constant 12 : i32
      %add3A_1360 = arith.addi %mul3A_1358, %add3A_1359 : i32
      %get3A_1361 = arith.index_cast %add3A_1360 : i32 to index
      %get3A_1362 = arith.constant 0 : index
      %get3A_1363 = tpu.vector_load %arg9[%get3A_1361, %get3A_1362] {strides = array<i32>} : memref<16x128xi32, #tpu.memory_space<vmem>>, vector<16xi32>,
      %get3A_1364 = arith.index_cast %add3A_1360 : i32 to index
      %get3A_1365 = arith.constant 0 : index
      %get3A_1366 = tpu.vector_load %arg10[%get3A_1364, %get3A_1365] {strides = array<i32>} : memref<16x128xi32, #tpu.memory_space<vmem>>, vector<16xi32>,
      %bitcast3A_1367 = vector.bitcast %get3A_1363 : vector<16xi32> to vector<32xbf16>
      %bitcast3A_1368 = vector.bitcast %get3A_1366 : vector<16xi32> to vector<32xbf16>
      %mul3A_1369 = arith.mulf %bitcast3A_1367, %bitcast3A_1368 : vector<32xbf16>
      %get3A_1370 = arith.index_cast %add3A_1360 : i32 to index
      %get3A_1371 = arith.constant 16 : index
      %get3A_1372 = tpu.vector_load %arg9[%get3A_1370, %get3A_1371] {strides = array<i32>} : memref<16x128xi32, #tpu.memory_space<vmem>>, vector<16xi32>,
      %get3A_1373 = arith.index_cast %add3A_1360 : i32 to index
      %get3A_1374 = arith.constant 16 : index
      %get3A_1375 = tpu.vector_load %arg10[%get3A_1373, %get3A_1374] {strides = array<i32>} : memref<16x128xi32, #tpu.memory_space<vmem>>, vector<16xi32>,
      %bitcast3A_1376 = vector.bitcast %get3A_1372 : vector<16xi32> to vector<32xbf16>
      %bitcast3A_1377 = vector.bitcast %get3A_1375 : vector<16xi32> to vector<32xbf16>
      %mul3A_1378 = arith.mulf %bitcast3A_1376, %bitcast3A_1377 : vector<32xbf16>
      %get3A_1379 = arith.index_cast %add3A_1360 : i32 to index
      %get3A_1380 = arith.constant 32 : index
      %get3A_1381 = tpu.vector_load %arg9[%get3A_1379, %get3A_1380] {strides = array<i32>} : memref<16x128xi32, #tpu.memory_space<vmem>>, vector<16xi32>,
      %get3A_1382 = arith.index_cast %add3A_1360 : i32 to index
      %get3A_1383 = arith.constant 32 : index
      %get3A_1384 = tpu.vector_load %arg10[%get3A_1382, %get3A_1383] {strides = array<i32>} : memref<16x128xi32, #tpu.memory_space<vmem>>, vector<16xi32>,
      %bitcast3A_1385 = vector.bitcast %get3A_1381 : vector<16xi32> to vector<32xbf16>
      %bitcast3A_1386 = vector.bitcast %get3A_1384 : vector<16xi32> to vector<32xbf16>
      %mul3A_1387 = arith.mulf %bitcast3A_1385, %bitcast3A_1386 : vector<32xbf16>
      %get3A_1388 = arith.index_cast %add3A_1360 : i32 to index
      %get3A_1389 = arith.constant 48 : index
      %get3A_1390 = tpu.vector_load %arg9[%get3A_1388, %get3A_1389] {strides = array<i32>} : memref<16x128xi32, #tpu.memory_space<vmem>>, vector<16xi32>,
      %get3A_1391 = arith.index_cast %add3A_1360 : i32 to index
      %get3A_1392 = arith.constant 48 : index
      %get3A_1393 = tpu.vector_load %arg10[%get3A_1391, %get3A_1392] {strides = array<i32>} : memref<16x128xi32, #tpu.memory_space<vmem>>, vector<16xi32>,
      %bitcast3A_1394 = vector.bitcast %get3A_1390 : vector<16xi32> to vector<32xbf16>
      %bitcast3A_1395 = vector.bitcast %get3A_1393 : vector<16xi32> to vector<32xbf16>
      %mul3A_1396 = arith.mulf %bitcast3A_1394, %bitcast3A_1395 : vector<32xbf16>
      %get3A_1397 = arith.index_cast %add3A_1360 : i32 to index
      %get3A_1398 = arith.constant 64 : index
      %get3A_1399 = tpu.vector_load %arg9[%get3A_1397, %get3A_1398] {strides = array<i32>} : memref<16x128xi32, #tpu.memory_space<vmem>>, vector<16xi32>,
      %get3A_1400 = arith.index_cast %add3A_1360 : i32 to index
      %get3A_1401 = arith.constant 64 : index
      %get3A_1402 = tpu.vector_load %arg10[%get3A_1400, %get3A_1401] {strides = array<i32>} : memref<16x128xi32, #tpu.memory_space<vmem>>, vector<16xi32>,
      %bitcast3A_1403 = vector.bitcast %get3A_1399 : vector<16xi32> to vector<32xbf16>
      %bitcast3A_1404 = vector.bitcast %get3A_1402 : vector<16xi32> to vector<32xbf16>
      %mul3A_1405 = arith.mulf %bitcast3A_1403, %bitcast3A_1404 : vector<32xbf16>
      %get3A_1406 = arith.index_cast %add3A_1360 : i32 to index
      %get3A_1407 = arith.constant 80 : index
      %get3A_1408 = tpu.vector_load %arg9[%get3A_1406, %get3A_1407] {strides = array<i32>} : memref<16x128xi32, #tpu.memory_space<vmem>>, vector<16xi32>,
      %get3A_1409 = arith.index_cast %add3A_1360 : i32 to index
      %get3A_1410 = arith.constant 80 : index
      %get3A_1411 = tpu.vector_load %arg10[%get3A_1409, %get3A_1410] {strides = array<i32>} : memref<16x128xi32, #tpu.memory_space<vmem>>, vector<16xi32>,
      %bitcast3A_1412 = vector.bitcast %get3A_1408 : vector<16xi32> to vector<32xbf16>
      %bitcast3A_1413 = vector.bitcast %get3A_1411 : vector<16xi32> to vector<32xbf16>
      %mul3A_1414 = arith.mulf %bitcast3A_1412, %bitcast3A_1413 : vector<32xbf16>
      %get3A_1415 = arith.index_cast %add3A_1360 : i32 to index
      %get3A_1416 = arith.constant 96 : index
      %get3A_1417 = tpu.vector_load %arg9[%get3A_1415, %get3A_1416] {strides = array<i32>} : memref<16x128xi32, #tpu.memory_space<vmem>>, vector<16xi32>,
      %get3A_1418 = arith.index_cast %add3A_1360 : i32 to index
      %get3A_1419 = arith.constant 96 : index
      %get3A_1420 = tpu.vector_load %arg10[%get3A_1418, %get3A_1419] {strides = array<i32>} : memref<16x128xi32, #tpu.memory_space<vmem>>, vector<16xi32>,
      %bitcast3A_1421 = vector.bitcast %get3A_1417 : vector<16xi32> to vector<32xbf16>
      %bitcast3A_1422 = vector.bitcast %get3A_1420 : vector<16xi32> to vector<32xbf16>
      %mul3A_1423 = arith.mulf %bitcast3A_1421, %bitcast3A_1422 : vector<32xbf16>
      %get3A_1424 = arith.index_cast %add3A_1360 : i32 to index
      %get3A_1425 = arith.constant 112 : index
      %get3A_1426 = tpu.vector_load %arg9[%get3A_1424, %get3A_1425] {strides = array<i32>} : memref<16x128xi32, #tpu.memory_space<vmem>>, vector<16xi32>,
      %get3A_1427 = arith.index_cast %add3A_1360 : i32 to index
      %get3A_1428 = arith.constant 112 : index
      %get3A_1429 = tpu.vector_load %arg10[%get3A_1427, %get3A_1428] {strides = array<i32>} : memref<16x128xi32, #tpu.memory_space<vmem>>, vector<16xi32>,
      %bitcast3A_1430 = vector.bitcast %get3A_1426 : vector<16xi32> to vector<32xbf16>
      %bitcast3A_1431 = vector.bitcast %get3A_1429 : vector<16xi32> to vector<32xbf16>
      %mul3A_1432 = arith.mulf %bitcast3A_1430, %bitcast3A_1431 : vector<32xbf16>
      %add3A_1433 = arith.addf %mul3A_1369, %mul3A_1378 : vector<32xbf16>
      %add3A_1434 = arith.addf %mul3A_1387, %mul3A_1396 : vector<32xbf16>
      %add3A_1435 = arith.addf %mul3A_1405, %mul3A_1414 : vector<32xbf16>
      %add3A_1436 = arith.addf %mul3A_1423, %mul3A_1432 : vector<32xbf16>
      %add3A_1437 = arith.addf %add3A_1433, %add3A_1434 : vector<32xbf16>
      %add3A_1438 = arith.addf %add3A_1435, %add3A_1436 : vector<32xbf16>
      %add3A_1439 = arith.addf %add3A_1437, %add3A_1438 : vector<32xbf16>
      %bitcast3A_1440 = vector.bitcast %add3A_1439 : vector<32xbf16> to vector<16xi32>
      %shift_left3A_1441 = arith.constant 16 : i32
      %shift_left3A_1442 = vector.broadcast %shift_left3A_1441 : i32 to vector<16xi32>
      %shift_left3A_1443 = arith.shli %bitcast3A_1440, %shift_left3A_1442 : vector<16xi32>
      %bitcast3A_1444 = vector.bitcast %shift_left3A_1443 : vector<16xi32> to vector<16xf32>
      %and3A_1445 = arith.constant -65536 : i32
      %and3A_1446 = vector.broadcast %and3A_1445 : i32 to vector<16xi32>
      %and3A_1447 = arith.andi %bitcast3A_1440, %and3A_1446 : vector<16xi32>
      %bitcast3A_1448 = vector.bitcast %and3A_1447 : vector<16xi32> to vector<16xf32>
      %add3A_1449 = arith.addf %bitcast3A_1444, %bitcast3A_1448 : vector<16xf32>
      %reduce_sum3A_1450 = arith.constant true
      %reduce_sum3A_1451 = vector.broadcast %reduce_sum3A_1450 : i1 to vector<16xi1>
      %reduce_sum3A_1452 = tpu.scan <sum>, %add3A_1449 masked %reduce_sum3A_1451 : vector<16xf32>, vector<16xi1> -> vector<16xf32>
      %reduce_sum3A_1453 = vector.extract %reduce_sum3A_1452[15] : f32 from vector<16xf32>
      %eq3A_1454 = arith.constant 12 : i32
      %eq3A_1455 = vector.broadcast %eq3A_1454 : i32 to vector<16xi32>
      %eq3A_1456 = arith.cmpi eq, %iota3A, %eq3A_1455 : vector<16xi32>
      %broadcast_in_dim3A_1457 = vector.broadcast %reduce_sum3A_1453 : f32 to vector<16xf32>
      %select_n3A_1458 = arith.select %eq3A_1456, %broadcast_in_dim3A_1457, %select_n3A_1356 : vector<16xi1>, vector<16xf32>
      %mul3A_1459 = arith.constant 16 : i32
      %mul3A_1460 = arith.muli %scan3A_138, %mul3A_1459 : i32
      %add3A_1461 = arith.constant 13 : i32
      %add3A_1462 = arith.addi %mul3A_1460, %add3A_1461 : i32
      %get3A_1463 = arith.index_cast %add3A_1462 : i32 to index
      %get3A_1464 = arith.constant 0 : index
      %get3A_1465 = tpu.vector_load %arg9[%get3A_1463, %get3A_1464] {strides = array<i32>} : memref<16x128xi32, #tpu.memory_space<vmem>>, vector<16xi32>,
      %get3A_1466 = arith.index_cast %add3A_1462 : i32 to index
      %get3A_1467 = arith.constant 0 : index
      %get3A_1468 = tpu.vector_load %arg10[%get3A_1466, %get3A_1467] {strides = array<i32>} : memref<16x128xi32, #tpu.memory_space<vmem>>, vector<16xi32>,
      %bitcast3A_1469 = vector.bitcast %get3A_1465 : vector<16xi32> to vector<32xbf16>
      %bitcast3A_1470 = vector.bitcast %get3A_1468 : vector<16xi32> to vector<32xbf16>
      %mul3A_1471 = arith.mulf %bitcast3A_1469, %bitcast3A_1470 : vector<32xbf16>
      %get3A_1472 = arith.index_cast %add3A_1462 : i32 to index
      %get3A_1473 = arith.constant 16 : index
      %get3A_1474 = tpu.vector_load %arg9[%get3A_1472, %get3A_1473] {strides = array<i32>} : memref<16x128xi32, #tpu.memory_space<vmem>>, vector<16xi32>,
      %get3A_1475 = arith.index_cast %add3A_1462 : i32 to index
      %get3A_1476 = arith.constant 16 : index
      %get3A_1477 = tpu.vector_load %arg10[%get3A_1475, %get3A_1476] {strides = array<i32>} : memref<16x128xi32, #tpu.memory_space<vmem>>, vector<16xi32>,
      %bitcast3A_1478 = vector.bitcast %get3A_1474 : vector<16xi32> to vector<32xbf16>
      %bitcast3A_1479 = vector.bitcast %get3A_1477 : vector<16xi32> to vector<32xbf16>
      %mul3A_1480 = arith.mulf %bitcast3A_1478, %bitcast3A_1479 : vector<32xbf16>
      %get3A_1481 = arith.index_cast %add3A_1462 : i32 to index
      %get3A_1482 = arith.constant 32 : index
      %get3A_1483 = tpu.vector_load %arg9[%get3A_1481, %get3A_1482] {strides = array<i32>} : memref<16x128xi32, #tpu.memory_space<vmem>>, vector<16xi32>,
      %get3A_1484 = arith.index_cast %add3A_1462 : i32 to index
      %get3A_1485 = arith.constant 32 : index
      %get3A_1486 = tpu.vector_load %arg10[%get3A_1484, %get3A_1485] {strides = array<i32>} : memref<16x128xi32, #tpu.memory_space<vmem>>, vector<16xi32>,
      %bitcast3A_1487 = vector.bitcast %get3A_1483 : vector<16xi32> to vector<32xbf16>
      %bitcast3A_1488 = vector.bitcast %get3A_1486 : vector<16xi32> to vector<32xbf16>
      %mul3A_1489 = arith.mulf %bitcast3A_1487, %bitcast3A_1488 : vector<32xbf16>
      %get3A_1490 = arith.index_cast %add3A_1462 : i32 to index
      %get3A_1491 = arith.constant 48 : index
      %get3A_1492 = tpu.vector_load %arg9[%get3A_1490, %get3A_1491] {strides = array<i32>} : memref<16x128xi32, #tpu.memory_space<vmem>>, vector<16xi32>,
      %get3A_1493 = arith.index_cast %add3A_1462 : i32 to index
      %get3A_1494 = arith.constant 48 : index
      %get3A_1495 = tpu.vector_load %arg10[%get3A_1493, %get3A_1494] {strides = array<i32>} : memref<16x128xi32, #tpu.memory_space<vmem>>, vector<16xi32>,
      %bitcast3A_1496 = vector.bitcast %get3A_1492 : vector<16xi32> to vector<32xbf16>
      %bitcast3A_1497 = vector.bitcast %get3A_1495 : vector<16xi32> to vector<32xbf16>
      %mul3A_1498 = arith.mulf %bitcast3A_1496, %bitcast3A_1497 : vector<32xbf16>
      %get3A_1499 = arith.index_cast %add3A_1462 : i32 to index
      %get3A_1500 = arith.constant 64 : index
      %get3A_1501 = tpu.vector_load %arg9[%get3A_1499, %get3A_1500] {strides = array<i32>} : memref<16x128xi32, #tpu.memory_space<vmem>>, vector<16xi32>,
      %get3A_1502 = arith.index_cast %add3A_1462 : i32 to index
      %get3A_1503 = arith.constant 64 : index
      %get3A_1504 = tpu.vector_load %arg10[%get3A_1502, %get3A_1503] {strides = array<i32>} : memref<16x128xi32, #tpu.memory_space<vmem>>, vector<16xi32>,
      %bitcast3A_1505 = vector.bitcast %get3A_1501 : vector<16xi32> to vector<32xbf16>
      %bitcast3A_1506 = vector.bitcast %get3A_1504 : vector<16xi32> to vector<32xbf16>
      %mul3A_1507 = arith.mulf %bitcast3A_1505, %bitcast3A_1506 : vector<32xbf16>
      %get3A_1508 = arith.index_cast %add3A_1462 : i32 to index
      %get3A_1509 = arith.constant 80 : index
      %get3A_1510 = tpu.vector_load %arg9[%get3A_1508, %get3A_1509] {strides = array<i32>} : memref<16x128xi32, #tpu.memory_space<vmem>>, vector<16xi32>,
      %get3A_1511 = arith.index_cast %add3A_1462 : i32 to index
      %get3A_1512 = arith.constant 80 : index
      %get3A_1513 = tpu.vector_load %arg10[%get3A_1511, %get3A_1512] {strides = array<i32>} : memref<16x128xi32, #tpu.memory_space<vmem>>, vector<16xi32>,
      %bitcast3A_1514 = vector.bitcast %get3A_1510 : vector<16xi32> to vector<32xbf16>
      %bitcast3A_1515 = vector.bitcast %get3A_1513 : vector<16xi32> to vector<32xbf16>
      %mul3A_1516 = arith.mulf %bitcast3A_1514, %bitcast3A_1515 : vector<32xbf16>
      %get3A_1517 = arith.index_cast %add3A_1462 : i32 to index
      %get3A_1518 = arith.constant 96 : index
      %get3A_1519 = tpu.vector_load %arg9[%get3A_1517, %get3A_1518] {strides = array<i32>} : memref<16x128xi32, #tpu.memory_space<vmem>>, vector<16xi32>,
      %get3A_1520 = arith.index_cast %add3A_1462 : i32 to index
      %get3A_1521 = arith.constant 96 : index
      %get3A_1522 = tpu.vector_load %arg10[%get3A_1520, %get3A_1521] {strides = array<i32>} : memref<16x128xi32, #tpu.memory_space<vmem>>, vector<16xi32>,
      %bitcast3A_1523 = vector.bitcast %get3A_1519 : vector<16xi32> to vector<32xbf16>
      %bitcast3A_1524 = vector.bitcast %get3A_1522 : vector<16xi32> to vector<32xbf16>
      %mul3A_1525 = arith.mulf %bitcast3A_1523, %bitcast3A_1524 : vector<32xbf16>
      %get3A_1526 = arith.index_cast %add3A_1462 : i32 to index
      %get3A_1527 = arith.constant 112 : index
      %get3A_1528 = tpu.vector_load %arg9[%get3A_1526, %get3A_1527] {strides = array<i32>} : memref<16x128xi32, #tpu.memory_space<vmem>>, vector<16xi32>,
      %get3A_1529 = arith.index_cast %add3A_1462 : i32 to index
      %get3A_1530 = arith.constant 112 : index
      %get3A_1531 = tpu.vector_load %arg10[%get3A_1529, %get3A_1530] {strides = array<i32>} : memref<16x128xi32, #tpu.memory_space<vmem>>, vector<16xi32>,
      %bitcast3A_1532 = vector.bitcast %get3A_1528 : vector<16xi32> to vector<32xbf16>
      %bitcast3A_1533 = vector.bitcast %get3A_1531 : vector<16xi32> to vector<32xbf16>
      %mul3A_1534 = arith.mulf %bitcast3A_1532, %bitcast3A_1533 : vector<32xbf16>
      %add3A_1535 = arith.addf %mul3A_1471, %mul3A_1480 : vector<32xbf16>
      %add3A_1536 = arith.addf %mul3A_1489, %mul3A_1498 : vector<32xbf16>
      %add3A_1537 = arith.addf %mul3A_1507, %mul3A_1516 : vector<32xbf16>
      %add3A_1538 = arith.addf %mul3A_1525, %mul3A_1534 : vector<32xbf16>
      %add3A_1539 = arith.addf %add3A_1535, %add3A_1536 : vector<32xbf16>
      %add3A_1540 = arith.addf %add3A_1537, %add3A_1538 : vector<32xbf16>
      %add3A_1541 = arith.addf %add3A_1539, %add3A_1540 : vector<32xbf16>
      %bitcast3A_1542 = vector.bitcast %add3A_1541 : vector<32xbf16> to vector<16xi32>
      %shift_left3A_1543 = arith.constant 16 : i32
      %shift_left3A_1544 = vector.broadcast %shift_left3A_1543 : i32 to vector<16xi32>
      %shift_left3A_1545 = arith.shli %bitcast3A_1542, %shift_left3A_1544 : vector<16xi32>
      %bitcast3A_1546 = vector.bitcast %shift_left3A_1545 : vector<16xi32> to vector<16xf32>
      %and3A_1547 = arith.constant -65536 : i32
      %and3A_1548 = vector.broadcast %and3A_1547 : i32 to vector<16xi32>
      %and3A_1549 = arith.andi %bitcast3A_1542, %and3A_1548 : vector<16xi32>
      %bitcast3A_1550 = vector.bitcast %and3A_1549 : vector<16xi32> to vector<16xf32>
      %add3A_1551 = arith.addf %bitcast3A_1546, %bitcast3A_1550 : vector<16xf32>
      %reduce_sum3A_1552 = arith.constant true
      %reduce_sum3A_1553 = vector.broadcast %reduce_sum3A_1552 : i1 to vector<16xi1>
      %reduce_sum3A_1554 = tpu.scan <sum>, %add3A_1551 masked %reduce_sum3A_1553 : vector<16xf32>, vector<16xi1> -> vector<16xf32>
      %reduce_sum3A_1555 = vector.extract %reduce_sum3A_1554[15] : f32 from vector<16xf32>
      %eq3A_1556 = arith.constant 13 : i32
      %eq3A_1557 = vector.broadcast %eq3A_1556 : i32 to vector<16xi32>
      %eq3A_1558 = arith.cmpi eq, %iota3A, %eq3A_1557 : vector<16xi32>
      %broadcast_in_dim3A_1559 = vector.broadcast %reduce_sum3A_1555 : f32 to vector<16xf32>
      %select_n3A_1560 = arith.select %eq3A_1558, %broadcast_in_dim3A_1559, %select_n3A_1458 : vector<16xi1>, vector<16xf32>
      %mul3A_1561 = arith.constant 16 : i32
      %mul3A_1562 = arith.muli %scan3A_138, %mul3A_1561 : i32
      %add3A_1563 = arith.constant 14 : i32
      %add3A_1564 = arith.addi %mul3A_1562, %add3A_1563 : i32
      %get3A_1565 = arith.index_cast %add3A_1564 : i32 to index
      %get3A_1566 = arith.constant 0 : index
      %get3A_1567 = tpu.vector_load %arg9[%get3A_1565, %get3A_1566] {strides = array<i32>} : memref<16x128xi32, #tpu.memory_space<vmem>>, vector<16xi32>,
      %get3A_1568 = arith.index_cast %add3A_1564 : i32 to index
      %get3A_1569 = arith.constant 0 : index
      %get3A_1570 = tpu.vector_load %arg10[%get3A_1568, %get3A_1569] {strides = array<i32>} : memref<16x128xi32, #tpu.memory_space<vmem>>, vector<16xi32>,
      %bitcast3A_1571 = vector.bitcast %get3A_1567 : vector<16xi32> to vector<32xbf16>
      %bitcast3A_1572 = vector.bitcast %get3A_1570 : vector<16xi32> to vector<32xbf16>
      %mul3A_1573 = arith.mulf %bitcast3A_1571, %bitcast3A_1572 : vector<32xbf16>
      %get3A_1574 = arith.index_cast %add3A_1564 : i32 to index
      %get3A_1575 = arith.constant 16 : index
      %get3A_1576 = tpu.vector_load %arg9[%get3A_1574, %get3A_1575] {strides = array<i32>} : memref<16x128xi32, #tpu.memory_space<vmem>>, vector<16xi32>,
      %get3A_1577 = arith.index_cast %add3A_1564 : i32 to index
      %get3A_1578 = arith.constant 16 : index
      %get3A_1579 = tpu.vector_load %arg10[%get3A_1577, %get3A_1578] {strides = array<i32>} : memref<16x128xi32, #tpu.memory_space<vmem>>, vector<16xi32>,
      %bitcast3A_1580 = vector.bitcast %get3A_1576 : vector<16xi32> to vector<32xbf16>
      %bitcast3A_1581 = vector.bitcast %get3A_1579 : vector<16xi32> to vector<32xbf16>
      %mul3A_1582 = arith.mulf %bitcast3A_1580, %bitcast3A_1581 : vector<32xbf16>
      %get3A_1583 = arith.index_cast %add3A_1564 : i32 to index
      %get3A_1584 = arith.constant 32 : index
      %get3A_1585 = tpu.vector_load %arg9[%get3A_1583, %get3A_1584] {strides = array<i32>} : memref<16x128xi32, #tpu.memory_space<vmem>>, vector<16xi32>,
      %get3A_1586 = arith.index_cast %add3A_1564 : i32 to index
      %get3A_1587 = arith.constant 32 : index
      %get3A_1588 = tpu.vector_load %arg10[%get3A_1586, %get3A_1587] {strides = array<i32>} : memref<16x128xi32, #tpu.memory_space<vmem>>, vector<16xi32>,
      %bitcast3A_1589 = vector.bitcast %get3A_1585 : vector<16xi32> to vector<32xbf16>
      %bitcast3A_1590 = vector.bitcast %get3A_1588 : vector<16xi32> to vector<32xbf16>
      %mul3A_1591 = arith.mulf %bitcast3A_1589, %bitcast3A_1590 : vector<32xbf16>
      %get3A_1592 = arith.index_cast %add3A_1564 : i32 to index
      %get3A_1593 = arith.constant 48 : index
      %get3A_1594 = tpu.vector_load %arg9[%get3A_1592, %get3A_1593] {strides = array<i32>} : memref<16x128xi32, #tpu.memory_space<vmem>>, vector<16xi32>,
      %get3A_1595 = arith.index_cast %add3A_1564 : i32 to index
      %get3A_1596 = arith.constant 48 : index
      %get3A_1597 = tpu.vector_load %arg10[%get3A_1595, %get3A_1596] {strides = array<i32>} : memref<16x128xi32, #tpu.memory_space<vmem>>, vector<16xi32>,
      %bitcast3A_1598 = vector.bitcast %get3A_1594 : vector<16xi32> to vector<32xbf16>
      %bitcast3A_1599 = vector.bitcast %get3A_1597 : vector<16xi32> to vector<32xbf16>
      %mul3A_1600 = arith.mulf %bitcast3A_1598, %bitcast3A_1599 : vector<32xbf16>
      %get3A_1601 = arith.index_cast %add3A_1564 : i32 to index
      %get3A_1602 = arith.constant 64 : index
      %get3A_1603 = tpu.vector_load %arg9[%get3A_1601, %get3A_1602] {strides = array<i32>} : memref<16x128xi32, #tpu.memory_space<vmem>>, vector<16xi32>,
      %get3A_1604 = arith.index_cast %add3A_1564 : i32 to index
      %get3A_1605 = arith.constant 64 : index
      %get3A_1606 = tpu.vector_load %arg10[%get3A_1604, %get3A_1605] {strides = array<i32>} : memref<16x128xi32, #tpu.memory_space<vmem>>, vector<16xi32>,
      %bitcast3A_1607 = vector.bitcast %get3A_1603 : vector<16xi32> to vector<32xbf16>
      %bitcast3A_1608 = vector.bitcast %get3A_1606 : vector<16xi32> to vector<32xbf16>
      %mul3A_1609 = arith.mulf %bitcast3A_1607, %bitcast3A_1608 : vector<32xbf16>
      %get3A_1610 = arith.index_cast %add3A_1564 : i32 to index
      %get3A_1611 = arith.constant 80 : index
      %get3A_1612 = tpu.vector_load %arg9[%get3A_1610, %get3A_1611] {strides = array<i32>} : memref<16x128xi32, #tpu.memory_space<vmem>>, vector<16xi32>,
      %get3A_1613 = arith.index_cast %add3A_1564 : i32 to index
      %get3A_1614 = arith.constant 80 : index
      %get3A_1615 = tpu.vector_load %arg10[%get3A_1613, %get3A_1614] {strides = array<i32>} : memref<16x128xi32, #tpu.memory_space<vmem>>, vector<16xi32>,
      %bitcast3A_1616 = vector.bitcast %get3A_1612 : vector<16xi32> to vector<32xbf16>
      %bitcast3A_1617 = vector.bitcast %get3A_1615 : vector<16xi32> to vector<32xbf16>
      %mul3A_1618 = arith.mulf %bitcast3A_1616, %bitcast3A_1617 : vector<32xbf16>
      %get3A_1619 = arith.index_cast %add3A_1564 : i32 to index
      %get3A_1620 = arith.constant 96 : index
      %get3A_1621 = tpu.vector_load %arg9[%get3A_1619, %get3A_1620] {strides = array<i32>} : memref<16x128xi32, #tpu.memory_space<vmem>>, vector<16xi32>,
      %get3A_1622 = arith.index_cast %add3A_1564 : i32 to index
      %get3A_1623 = arith.constant 96 : index
      %get3A_1624 = tpu.vector_load %arg10[%get3A_1622, %get3A_1623] {strides = array<i32>} : memref<16x128xi32, #tpu.memory_space<vmem>>, vector<16xi32>,
      %bitcast3A_1625 = vector.bitcast %get3A_1621 : vector<16xi32> to vector<32xbf16>
      %bitcast3A_1626 = vector.bitcast %get3A_1624 : vector<16xi32> to vector<32xbf16>
      %mul3A_1627 = arith.mulf %bitcast3A_1625, %bitcast3A_1626 : vector<32xbf16>
      %get3A_1628 = arith.index_cast %add3A_1564 : i32 to index
      %get3A_1629 = arith.constant 112 : index
      %get3A_1630 = tpu.vector_load %arg9[%get3A_1628, %get3A_1629] {strides = array<i32>} : memref<16x128xi32, #tpu.memory_space<vmem>>, vector<16xi32>,
      %get3A_1631 = arith.index_cast %add3A_1564 : i32 to index
      %get3A_1632 = arith.constant 112 : index
      %get3A_1633 = tpu.vector_load %arg10[%get3A_1631, %get3A_1632] {strides = array<i32>} : memref<16x128xi32, #tpu.memory_space<vmem>>, vector<16xi32>,
      %bitcast3A_1634 = vector.bitcast %get3A_1630 : vector<16xi32> to vector<32xbf16>
      %bitcast3A_1635 = vector.bitcast %get3A_1633 : vector<16xi32> to vector<32xbf16>
      %mul3A_1636 = arith.mulf %bitcast3A_1634, %bitcast3A_1635 : vector<32xbf16>
      %add3A_1637 = arith.addf %mul3A_1573, %mul3A_1582 : vector<32xbf16>
      %add3A_1638 = arith.addf %mul3A_1591, %mul3A_1600 : vector<32xbf16>
      %add3A_1639 = arith.addf %mul3A_1609, %mul3A_1618 : vector<32xbf16>
      %add3A_1640 = arith.addf %mul3A_1627, %mul3A_1636 : vector<32xbf16>
      %add3A_1641 = arith.addf %add3A_1637, %add3A_1638 : vector<32xbf16>
      %add3A_1642 = arith.addf %add3A_1639, %add3A_1640 : vector<32xbf16>
      %add3A_1643 = arith.addf %add3A_1641, %add3A_1642 : vector<32xbf16>
      %bitcast3A_1644 = vector.bitcast %add3A_1643 : vector<32xbf16> to vector<16xi32>
      %shift_left3A_1645 = arith.constant 16 : i32
      %shift_left3A_1646 = vector.broadcast %shift_left3A_1645 : i32 to vector<16xi32>
      %shift_left3A_1647 = arith.shli %bitcast3A_1644, %shift_left3A_1646 : vector<16xi32>
      %bitcast3A_1648 = vector.bitcast %shift_left3A_1647 : vector<16xi32> to vector<16xf32>
      %and3A_1649 = arith.constant -65536 : i32
      %and3A_1650 = vector.broadcast %and3A_1649 : i32 to vector<16xi32>
      %and3A_1651 = arith.andi %bitcast3A_1644, %and3A_1650 : vector<16xi32>
      %bitcast3A_1652 = vector.bitcast %and3A_1651 : vector<16xi32> to vector<16xf32>
      %add3A_1653 = arith.addf %bitcast3A_1648, %bitcast3A_1652 : vector<16xf32>
      %reduce_sum3A_1654 = arith.constant true
      %reduce_sum3A_1655 = vector.broadcast %reduce_sum3A_1654 : i1 to vector<16xi1>
      %reduce_sum3A_1656 = tpu.scan <sum>, %add3A_1653 masked %reduce_sum3A_1655 : vector<16xf32>, vector<16xi1> -> vector<16xf32>
      %reduce_sum3A_1657 = vector.extract %reduce_sum3A_1656[15] : f32 from vector<16xf32>
      %eq3A_1658 = arith.constant 14 : i32
      %eq3A_1659 = vector.broadcast %eq3A_1658 : i32 to vector<16xi32>
      %eq3A_1660 = arith.cmpi eq, %iota3A, %eq3A_1659 : vector<16xi32>
      %broadcast_in_dim3A_1661 = vector.broadcast %reduce_sum3A_1657 : f32 to vector<16xf32>
      %select_n3A_1662 = arith.select %eq3A_1660, %broadcast_in_dim3A_1661, %select_n3A_1560 : vector<16xi1>, vector<16xf32>
      %mul3A_1663 = arith.constant 16 : i32
      %mul3A_1664 = arith.muli %scan3A_138, %mul3A_1663 : i32
      %add3A_1665 = arith.constant 15 : i32
      %add3A_1666 = arith.addi %mul3A_1664, %add3A_1665 : i32
      %get3A_1667 = arith.index_cast %add3A_1666 : i32 to index
      %get3A_1668 = arith.constant 0 : index
      %get3A_1669 = tpu.vector_load %arg9[%get3A_1667, %get3A_1668] {strides = array<i32>} : memref<16x128xi32, #tpu.memory_space<vmem>>, vector<16xi32>,
      %get3A_1670 = arith.index_cast %add3A_1666 : i32 to index
      %get3A_1671 = arith.constant 0 : index
      %get3A_1672 = tpu.vector_load %arg10[%get3A_1670, %get3A_1671] {strides = array<i32>} : memref<16x128xi32, #tpu.memory_space<vmem>>, vector<16xi32>,
      %bitcast3A_1673 = vector.bitcast %get3A_1669 : vector<16xi32> to vector<32xbf16>
      %bitcast3A_1674 = vector.bitcast %get3A_1672 : vector<16xi32> to vector<32xbf16>
      %mul3A_1675 = arith.mulf %bitcast3A_1673, %bitcast3A_1674 : vector<32xbf16>
      %get3A_1676 = arith.index_cast %add3A_1666 : i32 to index
      %get3A_1677 = arith.constant 16 : index
      %get3A_1678 = tpu.vector_load %arg9[%get3A_1676, %get3A_1677] {strides = array<i32>} : memref<16x128xi32, #tpu.memory_space<vmem>>, vector<16xi32>,
      %get3A_1679 = arith.index_cast %add3A_1666 : i32 to index
      %get3A_1680 = arith.constant 16 : index
      %get3A_1681 = tpu.vector_load %arg10[%get3A_1679, %get3A_1680] {strides = array<i32>} : memref<16x128xi32, #tpu.memory_space<vmem>>, vector<16xi32>,
      %bitcast3A_1682 = vector.bitcast %get3A_1678 : vector<16xi32> to vector<32xbf16>
      %bitcast3A_1683 = vector.bitcast %get3A_1681 : vector<16xi32> to vector<32xbf16>
      %mul3A_1684 = arith.mulf %bitcast3A_1682, %bitcast3A_1683 : vector<32xbf16>
      %get3A_1685 = arith.index_cast %add3A_1666 : i32 to index
      %get3A_1686 = arith.constant 32 : index
      %get3A_1687 = tpu.vector_load %arg9[%get3A_1685, %get3A_1686] {strides = array<i32>} : memref<16x128xi32, #tpu.memory_space<vmem>>, vector<16xi32>,
      %get3A_1688 = arith.index_cast %add3A_1666 : i32 to index
      %get3A_1689 = arith.constant 32 : index
      %get3A_1690 = tpu.vector_load %arg10[%get3A_1688, %get3A_1689] {strides = array<i32>} : memref<16x128xi32, #tpu.memory_space<vmem>>, vector<16xi32>,
      %bitcast3A_1691 = vector.bitcast %get3A_1687 : vector<16xi32> to vector<32xbf16>
      %bitcast3A_1692 = vector.bitcast %get3A_1690 : vector<16xi32> to vector<32xbf16>
      %mul3A_1693 = arith.mulf %bitcast3A_1691, %bitcast3A_1692 : vector<32xbf16>
      %get3A_1694 = arith.index_cast %add3A_1666 : i32 to index
      %get3A_1695 = arith.constant 48 : index
      %get3A_1696 = tpu.vector_load %arg9[%get3A_1694, %get3A_1695] {strides = array<i32>} : memref<16x128xi32, #tpu.memory_space<vmem>>, vector<16xi32>,
      %get3A_1697 = arith.index_cast %add3A_1666 : i32 to index
      %get3A_1698 = arith.constant 48 : index
      %get3A_1699 = tpu.vector_load %arg10[%get3A_1697, %get3A_1698] {strides = array<i32>} : memref<16x128xi32, #tpu.memory_space<vmem>>, vector<16xi32>,
      %bitcast3A_1700 = vector.bitcast %get3A_1696 : vector<16xi32> to vector<32xbf16>
      %bitcast3A_1701 = vector.bitcast %get3A_1699 : vector<16xi32> to vector<32xbf16>
      %mul3A_1702 = arith.mulf %bitcast3A_1700, %bitcast3A_1701 : vector<32xbf16>
      %get3A_1703 = arith.index_cast %add3A_1666 : i32 to index
      %get3A_1704 = arith.constant 64 : index
      %get3A_1705 = tpu.vector_load %arg9[%get3A_1703, %get3A_1704] {strides = array<i32>} : memref<16x128xi32, #tpu.memory_space<vmem>>, vector<16xi32>,
      %get3A_1706 = arith.index_cast %add3A_1666 : i32 to index
      %get3A_1707 = arith.constant 64 : index
      %get3A_1708 = tpu.vector_load %arg10[%get3A_1706, %get3A_1707] {strides = array<i32>} : memref<16x128xi32, #tpu.memory_space<vmem>>, vector<16xi32>,
      %bitcast3A_1709 = vector.bitcast %get3A_1705 : vector<16xi32> to vector<32xbf16>
      %bitcast3A_1710 = vector.bitcast %get3A_1708 : vector<16xi32> to vector<32xbf16>
      %mul3A_1711 = arith.mulf %bitcast3A_1709, %bitcast3A_1710 : vector<32xbf16>
      %get3A_1712 = arith.index_cast %add3A_1666 : i32 to index
      %get3A_1713 = arith.constant 80 : index
      %get3A_1714 = tpu.vector_load %arg9[%get3A_1712, %get3A_1713] {strides = array<i32>} : memref<16x128xi32, #tpu.memory_space<vmem>>, vector<16xi32>,
      %get3A_1715 = arith.index_cast %add3A_1666 : i32 to index
      %get3A_1716 = arith.constant 80 : index
      %get3A_1717 = tpu.vector_load %arg10[%get3A_1715, %get3A_1716] {strides = array<i32>} : memref<16x128xi32, #tpu.memory_space<vmem>>, vector<16xi32>,
      %bitcast3A_1718 = vector.bitcast %get3A_1714 : vector<16xi32> to vector<32xbf16>
      %bitcast3A_1719 = vector.bitcast %get3A_1717 : vector<16xi32> to vector<32xbf16>
      %mul3A_1720 = arith.mulf %bitcast3A_1718, %bitcast3A_1719 : vector<32xbf16>
      %get3A_1721 = arith.index_cast %add3A_1666 : i32 to index
      %get3A_1722 = arith.constant 96 : index
      %get3A_1723 = tpu.vector_load %arg9[%get3A_1721, %get3A_1722] {strides = array<i32>} : memref<16x128xi32, #tpu.memory_space<vmem>>, vector<16xi32>,
      %get3A_1724 = arith.index_cast %add3A_1666 : i32 to index
      %get3A_1725 = arith.constant 96 : index
      %get3A_1726 = tpu.vector_load %arg10[%get3A_1724, %get3A_1725] {strides = array<i32>} : memref<16x128xi32, #tpu.memory_space<vmem>>, vector<16xi32>,
      %bitcast3A_1727 = vector.bitcast %get3A_1723 : vector<16xi32> to vector<32xbf16>
      %bitcast3A_1728 = vector.bitcast %get3A_1726 : vector<16xi32> to vector<32xbf16>
      %mul3A_1729 = arith.mulf %bitcast3A_1727, %bitcast3A_1728 : vector<32xbf16>
      %get3A_1730 = arith.index_cast %add3A_1666 : i32 to index
      %get3A_1731 = arith.constant 112 : index
      %get3A_1732 = tpu.vector_load %arg9[%get3A_1730, %get3A_1731] {strides = array<i32>} : memref<16x128xi32, #tpu.memory_space<vmem>>, vector<16xi32>,
      %get3A_1733 = arith.index_cast %add3A_1666 : i32 to index
      %get3A_1734 = arith.constant 112 : index
      %get3A_1735 = tpu.vector_load %arg10[%get3A_1733, %get3A_1734] {strides = array<i32>} : memref<16x128xi32, #tpu.memory_space<vmem>>, vector<16xi32>,
      %bitcast3A_1736 = vector.bitcast %get3A_1732 : vector<16xi32> to vector<32xbf16>
      %bitcast3A_1737 = vector.bitcast %get3A_1735 : vector<16xi32> to vector<32xbf16>
      %mul3A_1738 = arith.mulf %bitcast3A_1736, %bitcast3A_1737 : vector<32xbf16>
      %add3A_1739 = arith.addf %mul3A_1675, %mul3A_1684 : vector<32xbf16>
      %add3A_1740 = arith.addf %mul3A_1693, %mul3A_1702 : vector<32xbf16>
      %add3A_1741 = arith.addf %mul3A_1711, %mul3A_1720 : vector<32xbf16>
      %add3A_1742 = arith.addf %mul3A_1729, %mul3A_1738 : vector<32xbf16>
      %add3A_1743 = arith.addf %add3A_1739, %add3A_1740 : vector<32xbf16>
      %add3A_1744 = arith.addf %add3A_1741, %add3A_1742 : vector<32xbf16>
      %add3A_1745 = arith.addf %add3A_1743, %add3A_1744 : vector<32xbf16>
      %bitcast3A_1746 = vector.bitcast %add3A_1745 : vector<32xbf16> to vector<16xi32>
      %shift_left3A_1747 = arith.constant 16 : i32
      %shift_left3A_1748 = vector.broadcast %shift_left3A_1747 : i32 to vector<16xi32>
      %shift_left3A_1749 = arith.shli %bitcast3A_1746, %shift_left3A_1748 : vector<16xi32>
      %bitcast3A_1750 = vector.bitcast %shift_left3A_1749 : vector<16xi32> to vector<16xf32>
      %and3A_1751 = arith.constant -65536 : i32
      %and3A_1752 = vector.broadcast %and3A_1751 : i32 to vector<16xi32>
      %and3A_1753 = arith.andi %bitcast3A_1746, %and3A_1752 : vector<16xi32>
      %bitcast3A_1754 = vector.bitcast %and3A_1753 : vector<16xi32> to vector<16xf32>
      %add3A_1755 = arith.addf %bitcast3A_1750, %bitcast3A_1754 : vector<16xf32>
      %reduce_sum3A_1756 = arith.constant true
      %reduce_sum3A_1757 = vector.broadcast %reduce_sum3A_1756 : i1 to vector<16xi1>
      %reduce_sum3A_1758 = tpu.scan <sum>, %add3A_1755 masked %reduce_sum3A_1757 : vector<16xf32>, vector<16xi1> -> vector<16xf32>
      %reduce_sum3A_1759 = vector.extract %reduce_sum3A_1758[15] : f32 from vector<16xf32>
      %eq3A_1760 = arith.constant 15 : i32
      %eq3A_1761 = vector.broadcast %eq3A_1760 : i32 to vector<16xi32>
      %eq3A_1762 = arith.cmpi eq, %iota3A, %eq3A_1761 : vector<16xi32>
      %broadcast_in_dim3A_1763 = vector.broadcast %reduce_sum3A_1759 : f32 to vector<16xf32>
      %select_n3A_1764 = arith.select %eq3A_1762, %broadcast_in_dim3A_1763, %select_n3A_1662 : vector<16xi1>, vector<16xf32>
      %mul3A_1765 = arith.constant 16 : i32
      %mul3A_1766 = arith.muli %mul3A_47, %mul3A_1765 : i32
      %mul3A_1767 = arith.constant 16 : i32
      %mul3A_1768 = arith.muli %scan3A_138, %mul3A_1767 : i32
      %add3A_1769 = arith.addi %mul3A_1766, %mul3A_1768 : i32
      %swap3A = arith.index_cast %add3A_1769 : i32 to index
      %swap3A_1770 = tpu.vector_load %arg8[%swap3A] {strides = array<i32>} : memref<5024xf32, #tpu.memory_space<vmem>>, vector<16xf32>,
      tpu.vector_store %arg8[%swap3A], %select_n3A_1764 {strides = array<i32>} : memref<5024xf32, #tpu.memory_space<vmem>>, vector<16xf32>,
      %scan3A_1771 = arith.constant 0 : i32
      %scan3A_1772 = arith.constant 1 : i32
      %lt3A = arith.constant 156 : i32
      %lt3A_1773 = arith.cmpi slt, %scan3A_44, %lt3A : i32
      %convert_element_type3A = arith.extui %lt3A_1773 : i1 to i32
      %cond3A = arith.constant 0 : i32
      %cond3A_1774 = arith.cmpi ne, %convert_element_type3A, %cond3A : i32
      scf.if %cond3A_1774 {
        %add3A_3469 = arith.constant 2 : i32
        %add3A_3470 = arith.addi %mul3A_47, %add3A_3469 : i32
        %mul3A_3471 = arith.constant 16 : i32
        %mul3A_3472 = arith.muli %add3A_3470, %mul3A_3471 : i32
        %add3A_3473 = arith.constant 0 : i32
        %add3A_3474 = arith.addi %mul3A_3472, %add3A_3473 : i32
        %dma_start3A_3475 = arith.constant 0 : i32
        %dma_start3A_3476 = arith.constant 0 : i32
        %dma_start3A_3477 = tpu.memref_slice %arg9[%dma_start3A_3475, %dma_start3A_3476] : memref<16x128xi32, #tpu.memory_space<vmem>> -> memref<8x128xi32, #tpu.memory_space<vmem>>
        %dma_start3A_3478 = tpu.memref_slice %arg6[%add3A_3474] : memref<5024xi32, #tpu.memory_space<vmem>> -> memref<8xi32, #tpu.memory_space<vmem>>
        %dma_start3A_3479 = arith.constant 0 : i32
        %dma_start3A_3480 = arith.constant 0 : i32
        %dma_start3A_3481 = tpu.memref_slice %arg13[%dma_start3A_3479, %dma_start3A_3480] : memref<10112x128xi32, #tpu.memory_space<vmem_shared>> -> memref<10112x128xi32, #tpu.memory_space<vmem_shared>>
        tpu.enqueue_indirect_dma source(%dma_start3A_3481 : memref<10112x128xi32, #tpu.memory_space<vmem_shared>>) target(%dma_start3A_3477 : memref<8x128xi32, #tpu.memory_space<vmem>>) offsets(%dma_start3A_3478 : memref<8xi32, #tpu.memory_space<vmem>>) semaphore(%arg14 : memref<!tpu.dma_semaphore, #tpu.memory_space<semaphore_mem>>)
        %mul3A_3482 = arith.constant 16 : i32
        %mul3A_3483 = arith.muli %add3A_3470, %mul3A_3482 : i32
        %add3A_3484 = arith.constant 0 : i32
        %add3A_3485 = arith.addi %mul3A_3483, %add3A_3484 : i32
        %dma_start3A_3486 = arith.constant 0 : i32
        %dma_start3A_3487 = arith.constant 0 : i32
        %dma_start3A_3488 = tpu.memref_slice %arg10[%dma_start3A_3486, %dma_start3A_3487] : memref<16x128xi32, #tpu.memory_space<vmem>> -> memref<8x128xi32, #tpu.memory_space<vmem>>
        %dma_start3A_3489 = tpu.memref_slice %arg7[%add3A_3485] : memref<5024xi32, #tpu.memory_space<vmem>> -> memref<8xi32, #tpu.memory_space<vmem>>
        %dma_start3A_3490 = arith.constant 0 : i32
        %dma_start3A_3491 = arith.constant 0 : i32
        %dma_start3A_3492 = tpu.memref_slice %arg13[%dma_start3A_3490, %dma_start3A_3491] : memref<10112x128xi32, #tpu.memory_space<vmem_shared>> -> memref<10112x128xi32, #tpu.memory_space<vmem_shared>>
        tpu.enqueue_indirect_dma source(%dma_start3A_3492 : memref<10112x128xi32, #tpu.memory_space<vmem_shared>>) target(%dma_start3A_3488 : memref<8x128xi32, #tpu.memory_space<vmem>>) offsets(%dma_start3A_3489 : memref<8xi32, #tpu.memory_space<vmem>>) semaphore(%arg14 : memref<!tpu.dma_semaphore, #tpu.memory_space<semaphore_mem>>)
        %mul3A_3493 = arith.constant 16 : i32
        %mul3A_3494 = arith.muli %add3A_3470, %mul3A_3493 : i32
        %add3A_3495 = arith.constant 8 : i32
        %add3A_3496 = arith.addi %mul3A_3494, %add3A_3495 : i32
        %dma_start3A_3497 = arith.constant 8 : i32
        %dma_start3A_3498 = arith.constant 0 : i32
        %dma_start3A_3499 = tpu.memref_slice %arg9[%dma_start3A_3497, %dma_start3A_3498] : memref<16x128xi32, #tpu.memory_space<vmem>> -> memref<8x128xi32, #tpu.memory_space<vmem>>
        %dma_start3A_3500 = tpu.memref_slice %arg6[%add3A_3496] : memref<5024xi32, #tpu.memory_space<vmem>> -> memref<8xi32, #tpu.memory_space<vmem>>
        %dma_start3A_3501 = arith.constant 0 : i32
        %dma_start3A_3502 = arith.constant 0 : i32
        %dma_start3A_3503 = tpu.memref_slice %arg13[%dma_start3A_3501, %dma_start3A_3502] : memref<10112x128xi32, #tpu.memory_space<vmem_shared>> -> memref<10112x128xi32, #tpu.memory_space<vmem_shared>>
        tpu.enqueue_indirect_dma source(%dma_start3A_3503 : memref<10112x128xi32, #tpu.memory_space<vmem_shared>>) target(%dma_start3A_3499 : memref<8x128xi32, #tpu.memory_space<vmem>>) offsets(%dma_start3A_3500 : memref<8xi32, #tpu.memory_space<vmem>>) semaphore(%arg14 : memref<!tpu.dma_semaphore, #tpu.memory_space<semaphore_mem>>)
        %mul3A_3504 = arith.constant 16 : i32
        %mul3A_3505 = arith.muli %add3A_3470, %mul3A_3504 : i32
        %add3A_3506 = arith.constant 8 : i32
        %add3A_3507 = arith.addi %mul3A_3505, %add3A_3506 : i32
        %dma_start3A_3508 = arith.constant 8 : i32
        %dma_start3A_3509 = arith.constant 0 : i32
        %dma_start3A_3510 = tpu.memref_slice %arg10[%dma_start3A_3508, %dma_start3A_3509] : memref<16x128xi32, #tpu.memory_space<vmem>> -> memref<8x128xi32, #tpu.memory_space<vmem>>
        %dma_start3A_3511 = tpu.memref_slice %arg7[%add3A_3507] : memref<5024xi32, #tpu.memory_space<vmem>> -> memref<8xi32, #tpu.memory_space<vmem>>
        %dma_start3A_3512 = arith.constant 0 : i32
        %dma_start3A_3513 = arith.constant 0 : i32
        %dma_start3A_3514 = tpu.memref_slice %arg13[%dma_start3A_3512, %dma_start3A_3513] : memref<10112x128xi32, #tpu.memory_space<vmem_shared>> -> memref<10112x128xi32, #tpu.memory_space<vmem_shared>>
        tpu.enqueue_indirect_dma source(%dma_start3A_3514 : memref<10112x128xi32, #tpu.memory_space<vmem_shared>>) target(%dma_start3A_3510 : memref<8x128xi32, #tpu.memory_space<vmem>>) offsets(%dma_start3A_3511 : memref<8xi32, #tpu.memory_space<vmem>>) semaphore(%arg14 : memref<!tpu.dma_semaphore, #tpu.memory_space<semaphore_mem>>)
      } else {
      }
      %add3A_1775 = arith.constant 1 : i32
      %add3A_1776 = arith.addi %mul3A_47, %add3A_1775 : i32
      %mul3A_1777 = arith.constant 16 : i32
      %mul3A_1778 = arith.muli %add3A_1776, %mul3A_1777 : i32
      %add3A_1779 = arith.constant 0 : i32
      %add3A_1780 = arith.addi %mul3A_1778, %add3A_1779 : i32
      %dma_wait3A_1781 = arith.constant 0 : i32
      %dma_wait3A_1782 = arith.constant 0 : i32
      %dma_wait3A_1783 = tpu.memref_slice %arg11[%dma_wait3A_1781, %dma_wait3A_1782] : memref<16x128xi32, #tpu.memory_space<vmem>> -> memref<8x128xi32, #tpu.memory_space<vmem>>
      %dma_wait3A_1784 = tpu.memref_slice %arg6[%add3A_1780] : memref<5024xi32, #tpu.memory_space<vmem>> -> memref<8xi32, #tpu.memory_space<vmem>>
      %dma_wait3A_1785 = arith.constant 0 : i32
      %dma_wait3A_1786 = arith.constant 0 : i32
      %dma_wait3A_1787 = tpu.memref_slice %arg13[%dma_wait3A_1785, %dma_wait3A_1786] : memref<10112x128xi32, #tpu.memory_space<vmem_shared>> -> memref<10112x128xi32, #tpu.memory_space<vmem_shared>>
      tpu.wait_indirect_dma semaphore(%arg15 : memref<!tpu.dma_semaphore, #tpu.memory_space<semaphore_mem>>) src(%dma_wait3A_1787 : memref<10112x128xi32, #tpu.memory_space<vmem_shared>>) dst(%dma_wait3A_1783 : memref<8x128xi32, #tpu.memory_space<vmem>>)
      %mul3A_1788 = arith.constant 16 : i32
      %mul3A_1789 = arith.muli %add3A_1776, %mul3A_1788 : i32
      %add3A_1790 = arith.constant 0 : i32
      %add3A_1791 = arith.addi %mul3A_1789, %add3A_1790 : i32
      %dma_wait3A_1792 = arith.constant 0 : i32
      %dma_wait3A_1793 = arith.constant 0 : i32
      %dma_wait3A_1794 = tpu.memref_slice %arg12[%dma_wait3A_1792, %dma_wait3A_1793] : memref<16x128xi32, #tpu.memory_space<vmem>> -> memref<8x128xi32, #tpu.memory_space<vmem>>
      %dma_wait3A_1795 = tpu.memref_slice %arg7[%add3A_1791] : memref<5024xi32, #tpu.memory_space<vmem>> -> memref<8xi32, #tpu.memory_space<vmem>>
      %dma_wait3A_1796 = arith.constant 0 : i32
      %dma_wait3A_1797 = arith.constant 0 : i32
      %dma_wait3A_1798 = tpu.memref_slice %arg13[%dma_wait3A_1796, %dma_wait3A_1797] : memref<10112x128xi32, #tpu.memory_space<vmem_shared>> -> memref<10112x128xi32, #tpu.memory_space<vmem_shared>>
      tpu.wait_indirect_dma semaphore(%arg15 : memref<!tpu.dma_semaphore, #tpu.memory_space<semaphore_mem>>) src(%dma_wait3A_1798 : memref<10112x128xi32, #tpu.memory_space<vmem_shared>>) dst(%dma_wait3A_1794 : memref<8x128xi32, #tpu.memory_space<vmem>>)
      %mul3A_1799 = arith.constant 16 : i32
      %mul3A_1800 = arith.muli %add3A_1776, %mul3A_1799 : i32
      %add3A_1801 = arith.constant 8 : i32
      %add3A_1802 = arith.addi %mul3A_1800, %add3A_1801 : i32
      %dma_wait3A_1803 = arith.constant 8 : i32
      %dma_wait3A_1804 = arith.constant 0 : i32
      %dma_wait3A_1805 = tpu.memref_slice %arg11[%dma_wait3A_1803, %dma_wait3A_1804] : memref<16x128xi32, #tpu.memory_space<vmem>> -> memref<8x128xi32, #tpu.memory_space<vmem>>
      %dma_wait3A_1806 = tpu.memref_slice %arg6[%add3A_1802] : memref<5024xi32, #tpu.memory_space<vmem>> -> memref<8xi32, #tpu.memory_space<vmem>>
      %dma_wait3A_1807 = arith.constant 0 : i32
      %dma_wait3A_1808 = arith.constant 0 : i32
      %dma_wait3A_1809 = tpu.memref_slice %arg13[%dma_wait3A_1807, %dma_wait3A_1808] : memref<10112x128xi32, #tpu.memory_space<vmem_shared>> -> memref<10112x128xi32, #tpu.memory_space<vmem_shared>>
      tpu.wait_indirect_dma semaphore(%arg15 : memref<!tpu.dma_semaphore, #tpu.memory_space<semaphore_mem>>) src(%dma_wait3A_1809 : memref<10112x128xi32, #tpu.memory_space<vmem_shared>>) dst(%dma_wait3A_1805 : memref<8x128xi32, #tpu.memory_space<vmem>>)
      %mul3A_1810 = arith.constant 16 : i32
      %mul3A_1811 = arith.muli %add3A_1776, %mul3A_1810 : i32
      %add3A_1812 = arith.constant 8 : i32
      %add3A_1813 = arith.addi %mul3A_1811, %add3A_1812 : i32
      %dma_wait3A_1814 = arith.constant 8 : i32
      %dma_wait3A_1815 = arith.constant 0 : i32
      %dma_wait3A_1816 = tpu.memref_slice %arg12[%dma_wait3A_1814, %dma_wait3A_1815] : memref<16x128xi32, #tpu.memory_space<vmem>> -> memref<8x128xi32, #tpu.memory_space<vmem>>
      %dma_wait3A_1817 = tpu.memref_slice %arg7[%add3A_1813] : memref<5024xi32, #tpu.memory_space<vmem>> -> memref<8xi32, #tpu.memory_space<vmem>>
      %dma_wait3A_1818 = arith.constant 0 : i32
      %dma_wait3A_1819 = arith.constant 0 : i32
      %dma_wait3A_1820 = tpu.memref_slice %arg13[%dma_wait3A_1818, %dma_wait3A_1819] : memref<10112x128xi32, #tpu.memory_space<vmem_shared>> -> memref<10112x128xi32, #tpu.memory_space<vmem_shared>>
      tpu.wait_indirect_dma semaphore(%arg15 : memref<!tpu.dma_semaphore, #tpu.memory_space<semaphore_mem>>) src(%dma_wait3A_1820 : memref<10112x128xi32, #tpu.memory_space<vmem_shared>>) dst(%dma_wait3A_1816 : memref<8x128xi32, #tpu.memory_space<vmem>>)
      %add3A_1821 = arith.constant 1 : i32
      %add3A_1822 = arith.addi %mul3A_47, %add3A_1821 : i32
      %scan3A_1823 = arith.constant 0 : i32
      %scan3A_1824 = arith.constant 0 : i32
      %broadcast_in_dim3A_1825 = arith.constant 0.000000e+00 : f32
      %broadcast_in_dim3A_1826 = vector.broadcast %broadcast_in_dim3A_1825 : f32 to vector<16xf32>
      %mul3A_1827 = arith.constant 16 : i32
      %mul3A_1828 = arith.muli %scan3A_1824, %mul3A_1827 : i32
      %add3A_1829 = arith.constant 0 : i32
      %add3A_1830 = arith.addi %mul3A_1828, %add3A_1829 : i32
      %get3A_1831 = arith.index_cast %add3A_1830 : i32 to index
      %get3A_1832 = arith.constant 0 : index
      %get3A_1833 = tpu.vector_load %arg11[%get3A_1831, %get3A_1832] {strides = array<i32>} : memref<16x128xi32, #tpu.memory_space<vmem>>, vector<16xi32>,
      %get3A_1834 = arith.index_cast %add3A_1830 : i32 to index
      %get3A_1835 = arith.constant 0 : index
      %get3A_1836 = tpu.vector_load %arg12[%get3A_1834, %get3A_1835] {strides = array<i32>} : memref<16x128xi32, #tpu.memory_space<vmem>>, vector<16xi32>,
      %bitcast3A_1837 = vector.bitcast %get3A_1833 : vector<16xi32> to vector<32xbf16>
      %bitcast3A_1838 = vector.bitcast %get3A_1836 : vector<16xi32> to vector<32xbf16>
      %mul3A_1839 = arith.mulf %bitcast3A_1837, %bitcast3A_1838 : vector<32xbf16>
      %get3A_1840 = arith.index_cast %add3A_1830 : i32 to index
      %get3A_1841 = arith.constant 16 : index
      %get3A_1842 = tpu.vector_load %arg11[%get3A_1840, %get3A_1841] {strides = array<i32>} : memref<16x128xi32, #tpu.memory_space<vmem>>, vector<16xi32>,
      %get3A_1843 = arith.index_cast %add3A_1830 : i32 to index
      %get3A_1844 = arith.constant 16 : index
      %get3A_1845 = tpu.vector_load %arg12[%get3A_1843, %get3A_1844] {strides = array<i32>} : memref<16x128xi32, #tpu.memory_space<vmem>>, vector<16xi32>,
      %bitcast3A_1846 = vector.bitcast %get3A_1842 : vector<16xi32> to vector<32xbf16>
      %bitcast3A_1847 = vector.bitcast %get3A_1845 : vector<16xi32> to vector<32xbf16>
      %mul3A_1848 = arith.mulf %bitcast3A_1846, %bitcast3A_1847 : vector<32xbf16>
      %get3A_1849 = arith.index_cast %add3A_1830 : i32 to index
      %get3A_1850 = arith.constant 32 : index
      %get3A_1851 = tpu.vector_load %arg11[%get3A_1849, %get3A_1850] {strides = array<i32>} : memref<16x128xi32, #tpu.memory_space<vmem>>, vector<16xi32>,
      %get3A_1852 = arith.index_cast %add3A_1830 : i32 to index
      %get3A_1853 = arith.constant 32 : index
      %get3A_1854 = tpu.vector_load %arg12[%get3A_1852, %get3A_1853] {strides = array<i32>} : memref<16x128xi32, #tpu.memory_space<vmem>>, vector<16xi32>,
      %bitcast3A_1855 = vector.bitcast %get3A_1851 : vector<16xi32> to vector<32xbf16>
      %bitcast3A_1856 = vector.bitcast %get3A_1854 : vector<16xi32> to vector<32xbf16>
      %mul3A_1857 = arith.mulf %bitcast3A_1855, %bitcast3A_1856 : vector<32xbf16>
      %get3A_1858 = arith.index_cast %add3A_1830 : i32 to index
      %get3A_1859 = arith.constant 48 : index
      %get3A_1860 = tpu.vector_load %arg11[%get3A_1858, %get3A_1859] {strides = array<i32>} : memref<16x128xi32, #tpu.memory_space<vmem>>, vector<16xi32>,
      %get3A_1861 = arith.index_cast %add3A_1830 : i32 to index
      %get3A_1862 = arith.constant 48 : index
      %get3A_1863 = tpu.vector_load %arg12[%get3A_1861, %get3A_1862] {strides = array<i32>} : memref<16x128xi32, #tpu.memory_space<vmem>>, vector<16xi32>,
      %bitcast3A_1864 = vector.bitcast %get3A_1860 : vector<16xi32> to vector<32xbf16>
      %bitcast3A_1865 = vector.bitcast %get3A_1863 : vector<16xi32> to vector<32xbf16>
      %mul3A_1866 = arith.mulf %bitcast3A_1864, %bitcast3A_1865 : vector<32xbf16>
      %get3A_1867 = arith.index_cast %add3A_1830 : i32 to index
      %get3A_1868 = arith.constant 64 : index
      %get3A_1869 = tpu.vector_load %arg11[%get3A_1867, %get3A_1868] {strides = array<i32>} : memref<16x128xi32, #tpu.memory_space<vmem>>, vector<16xi32>,
      %get3A_1870 = arith.index_cast %add3A_1830 : i32 to index
      %get3A_1871 = arith.constant 64 : index
      %get3A_1872 = tpu.vector_load %arg12[%get3A_1870, %get3A_1871] {strides = array<i32>} : memref<16x128xi32, #tpu.memory_space<vmem>>, vector<16xi32>,
      %bitcast3A_1873 = vector.bitcast %get3A_1869 : vector<16xi32> to vector<32xbf16>
      %bitcast3A_1874 = vector.bitcast %get3A_1872 : vector<16xi32> to vector<32xbf16>
      %mul3A_1875 = arith.mulf %bitcast3A_1873, %bitcast3A_1874 : vector<32xbf16>
      %get3A_1876 = arith.index_cast %add3A_1830 : i32 to index
      %get3A_1877 = arith.constant 80 : index
      %get3A_1878 = tpu.vector_load %arg11[%get3A_1876, %get3A_1877] {strides = array<i32>} : memref<16x128xi32, #tpu.memory_space<vmem>>, vector<16xi32>,
      %get3A_1879 = arith.index_cast %add3A_1830 : i32 to index
      %get3A_1880 = arith.constant 80 : index
      %get3A_1881 = tpu.vector_load %arg12[%get3A_1879, %get3A_1880] {strides = array<i32>} : memref<16x128xi32, #tpu.memory_space<vmem>>, vector<16xi32>,
      %bitcast3A_1882 = vector.bitcast %get3A_1878 : vector<16xi32> to vector<32xbf16>
      %bitcast3A_1883 = vector.bitcast %get3A_1881 : vector<16xi32> to vector<32xbf16>
      %mul3A_1884 = arith.mulf %bitcast3A_1882, %bitcast3A_1883 : vector<32xbf16>
      %get3A_1885 = arith.index_cast %add3A_1830 : i32 to index
      %get3A_1886 = arith.constant 96 : index
      %get3A_1887 = tpu.vector_load %arg11[%get3A_1885, %get3A_1886] {strides = array<i32>} : memref<16x128xi32, #tpu.memory_space<vmem>>, vector<16xi32>,
      %get3A_1888 = arith.index_cast %add3A_1830 : i32 to index
      %get3A_1889 = arith.constant 96 : index
      %get3A_1890 = tpu.vector_load %arg12[%get3A_1888, %get3A_1889] {strides = array<i32>} : memref<16x128xi32, #tpu.memory_space<vmem>>, vector<16xi32>,
      %bitcast3A_1891 = vector.bitcast %get3A_1887 : vector<16xi32> to vector<32xbf16>
      %bitcast3A_1892 = vector.bitcast %get3A_1890 : vector<16xi32> to vector<32xbf16>
      %mul3A_1893 = arith.mulf %bitcast3A_1891, %bitcast3A_1892 : vector<32xbf16>
      %get3A_1894 = arith.index_cast %add3A_1830 : i32 to index
      %get3A_1895 = arith.constant 112 : index
      %get3A_1896 = tpu.vector_load %arg11[%get3A_1894, %get3A_1895] {strides = array<i32>} : memref<16x128xi32, #tpu.memory_space<vmem>>, vector<16xi32>,
      %get3A_1897 = arith.index_cast %add3A_1830 : i32 to index
      %get3A_1898 = arith.constant 112 : index
      %get3A_1899 = tpu.vector_load %arg12[%get3A_1897, %get3A_1898] {strides = array<i32>} : memref<16x128xi32, #tpu.memory_space<vmem>>, vector<16xi32>,
      %bitcast3A_1900 = vector.bitcast %get3A_1896 : vector<16xi32> to vector<32xbf16>
      %bitcast3A_1901 = vector.bitcast %get3A_1899 : vector<16xi32> to vector<32xbf16>
      %mul3A_1902 = arith.mulf %bitcast3A_1900, %bitcast3A_1901 : vector<32xbf16>
      %add3A_1903 = arith.addf %mul3A_1839, %mul3A_1848 : vector<32xbf16>
      %add3A_1904 = arith.addf %mul3A_1857, %mul3A_1866 : vector<32xbf16>
      %add3A_1905 = arith.addf %mul3A_1875, %mul3A_1884 : vector<32xbf16>
      %add3A_1906 = arith.addf %mul3A_1893, %mul3A_1902 : vector<32xbf16>
      %add3A_1907 = arith.addf %add3A_1903, %add3A_1904 : vector<32xbf16>
      %add3A_1908 = arith.addf %add3A_1905, %add3A_1906 : vector<32xbf16>
      %add3A_1909 = arith.addf %add3A_1907, %add3A_1908 : vector<32xbf16>
      %bitcast3A_1910 = vector.bitcast %add3A_1909 : vector<32xbf16> to vector<16xi32>
      %shift_left3A_1911 = arith.constant 16 : i32
      %shift_left3A_1912 = vector.broadcast %shift_left3A_1911 : i32 to vector<16xi32>
      %shift_left3A_1913 = arith.shli %bitcast3A_1910, %shift_left3A_1912 : vector<16xi32>
      %bitcast3A_1914 = vector.bitcast %shift_left3A_1913 : vector<16xi32> to vector<16xf32>
      %and3A_1915 = arith.constant -65536 : i32
      %and3A_1916 = vector.broadcast %and3A_1915 : i32 to vector<16xi32>
      %and3A_1917 = arith.andi %bitcast3A_1910, %and3A_1916 : vector<16xi32>
      %bitcast3A_1918 = vector.bitcast %and3A_1917 : vector<16xi32> to vector<16xf32>
      %add3A_1919 = arith.addf %bitcast3A_1914, %bitcast3A_1918 : vector<16xf32>
      %reduce_sum3A_1920 = arith.constant true
      %reduce_sum3A_1921 = vector.broadcast %reduce_sum3A_1920 : i1 to vector<16xi1>
      %reduce_sum3A_1922 = tpu.scan <sum>, %add3A_1919 masked %reduce_sum3A_1921 : vector<16xf32>, vector<16xi1> -> vector<16xf32>
      %reduce_sum3A_1923 = vector.extract %reduce_sum3A_1922[15] : f32 from vector<16xf32>
      %eq3A_1924 = arith.constant 0 : i32
      %eq3A_1925 = vector.broadcast %eq3A_1924 : i32 to vector<16xi32>
      %eq3A_1926 = arith.cmpi eq, %iota3A, %eq3A_1925 : vector<16xi32>
      %broadcast_in_dim3A_1927 = vector.broadcast %reduce_sum3A_1923 : f32 to vector<16xf32>
      %select_n3A_1928 = arith.select %eq3A_1926, %broadcast_in_dim3A_1927, %broadcast_in_dim3A_1826 : vector<16xi1>, vector<16xf32>
      %mul3A_1929 = arith.constant 16 : i32
      %mul3A_1930 = arith.muli %scan3A_1824, %mul3A_1929 : i32
      %add3A_1931 = arith.constant 1 : i32
      %add3A_1932 = arith.addi %mul3A_1930, %add3A_1931 : i32
      %get3A_1933 = arith.index_cast %add3A_1932 : i32 to index
      %get3A_1934 = arith.constant 0 : index
      %get3A_1935 = tpu.vector_load %arg11[%get3A_1933, %get3A_1934] {strides = array<i32>} : memref<16x128xi32, #tpu.memory_space<vmem>>, vector<16xi32>,
      %get3A_1936 = arith.index_cast %add3A_1932 : i32 to index
      %get3A_1937 = arith.constant 0 : index
      %get3A_1938 = tpu.vector_load %arg12[%get3A_1936, %get3A_1937] {strides = array<i32>} : memref<16x128xi32, #tpu.memory_space<vmem>>, vector<16xi32>,
      %bitcast3A_1939 = vector.bitcast %get3A_1935 : vector<16xi32> to vector<32xbf16>
      %bitcast3A_1940 = vector.bitcast %get3A_1938 : vector<16xi32> to vector<32xbf16>
      %mul3A_1941 = arith.mulf %bitcast3A_1939, %bitcast3A_1940 : vector<32xbf16>
      %get3A_1942 = arith.index_cast %add3A_1932 : i32 to index
      %get3A_1943 = arith.constant 16 : index
      %get3A_1944 = tpu.vector_load %arg11[%get3A_1942, %get3A_1943] {strides = array<i32>} : memref<16x128xi32, #tpu.memory_space<vmem>>, vector<16xi32>,
      %get3A_1945 = arith.index_cast %add3A_1932 : i32 to index
      %get3A_1946 = arith.constant 16 : index
      %get3A_1947 = tpu.vector_load %arg12[%get3A_1945, %get3A_1946] {strides = array<i32>} : memref<16x128xi32, #tpu.memory_space<vmem>>, vector<16xi32>,
      %bitcast3A_1948 = vector.bitcast %get3A_1944 : vector<16xi32> to vector<32xbf16>
      %bitcast3A_1949 = vector.bitcast %get3A_1947 : vector<16xi32> to vector<32xbf16>
      %mul3A_1950 = arith.mulf %bitcast3A_1948, %bitcast3A_1949 : vector<32xbf16>
      %get3A_1951 = arith.index_cast %add3A_1932 : i32 to index
      %get3A_1952 = arith.constant 32 : index
      %get3A_1953 = tpu.vector_load %arg11[%get3A_1951, %get3A_1952] {strides = array<i32>} : memref<16x128xi32, #tpu.memory_space<vmem>>, vector<16xi32>,
      %get3A_1954 = arith.index_cast %add3A_1932 : i32 to index
      %get3A_1955 = arith.constant 32 : index
      %get3A_1956 = tpu.vector_load %arg12[%get3A_1954, %get3A_1955] {strides = array<i32>} : memref<16x128xi32, #tpu.memory_space<vmem>>, vector<16xi32>,
      %bitcast3A_1957 = vector.bitcast %get3A_1953 : vector<16xi32> to vector<32xbf16>
      %bitcast3A_1958 = vector.bitcast %get3A_1956 : vector<16xi32> to vector<32xbf16>
      %mul3A_1959 = arith.mulf %bitcast3A_1957, %bitcast3A_1958 : vector<32xbf16>
      %get3A_1960 = arith.index_cast %add3A_1932 : i32 to index
      %get3A_1961 = arith.constant 48 : index
      %get3A_1962 = tpu.vector_load %arg11[%get3A_1960, %get3A_1961] {strides = array<i32>} : memref<16x128xi32, #tpu.memory_space<vmem>>, vector<16xi32>,
      %get3A_1963 = arith.index_cast %add3A_1932 : i32 to index
      %get3A_1964 = arith.constant 48 : index
      %get3A_1965 = tpu.vector_load %arg12[%get3A_1963, %get3A_1964] {strides = array<i32>} : memref<16x128xi32, #tpu.memory_space<vmem>>, vector<16xi32>,
      %bitcast3A_1966 = vector.bitcast %get3A_1962 : vector<16xi32> to vector<32xbf16>
      %bitcast3A_1967 = vector.bitcast %get3A_1965 : vector<16xi32> to vector<32xbf16>
      %mul3A_1968 = arith.mulf %bitcast3A_1966, %bitcast3A_1967 : vector<32xbf16>
      %get3A_1969 = arith.index_cast %add3A_1932 : i32 to index
      %get3A_1970 = arith.constant 64 : index
      %get3A_1971 = tpu.vector_load %arg11[%get3A_1969, %get3A_1970] {strides = array<i32>} : memref<16x128xi32, #tpu.memory_space<vmem>>, vector<16xi32>,
      %get3A_1972 = arith.index_cast %add3A_1932 : i32 to index
      %get3A_1973 = arith.constant 64 : index
      %get3A_1974 = tpu.vector_load %arg12[%get3A_1972, %get3A_1973] {strides = array<i32>} : memref<16x128xi32, #tpu.memory_space<vmem>>, vector<16xi32>,
      %bitcast3A_1975 = vector.bitcast %get3A_1971 : vector<16xi32> to vector<32xbf16>
      %bitcast3A_1976 = vector.bitcast %get3A_1974 : vector<16xi32> to vector<32xbf16>
      %mul3A_1977 = arith.mulf %bitcast3A_1975, %bitcast3A_1976 : vector<32xbf16>
      %get3A_1978 = arith.index_cast %add3A_1932 : i32 to index
      %get3A_1979 = arith.constant 80 : index
      %get3A_1980 = tpu.vector_load %arg11[%get3A_1978, %get3A_1979] {strides = array<i32>} : memref<16x128xi32, #tpu.memory_space<vmem>>, vector<16xi32>,
      %get3A_1981 = arith.index_cast %add3A_1932 : i32 to index
      %get3A_1982 = arith.constant 80 : index
      %get3A_1983 = tpu.vector_load %arg12[%get3A_1981, %get3A_1982] {strides = array<i32>} : memref<16x128xi32, #tpu.memory_space<vmem>>, vector<16xi32>,
      %bitcast3A_1984 = vector.bitcast %get3A_1980 : vector<16xi32> to vector<32xbf16>
      %bitcast3A_1985 = vector.bitcast %get3A_1983 : vector<16xi32> to vector<32xbf16>
      %mul3A_1986 = arith.mulf %bitcast3A_1984, %bitcast3A_1985 : vector<32xbf16>
      %get3A_1987 = arith.index_cast %add3A_1932 : i32 to index
      %get3A_1988 = arith.constant 96 : index
      %get3A_1989 = tpu.vector_load %arg11[%get3A_1987, %get3A_1988] {strides = array<i32>} : memref<16x128xi32, #tpu.memory_space<vmem>>, vector<16xi32>,
      %get3A_1990 = arith.index_cast %add3A_1932 : i32 to index
      %get3A_1991 = arith.constant 96 : index
      %get3A_1992 = tpu.vector_load %arg12[%get3A_1990, %get3A_1991] {strides = array<i32>} : memref<16x128xi32, #tpu.memory_space<vmem>>, vector<16xi32>,
      %bitcast3A_1993 = vector.bitcast %get3A_1989 : vector<16xi32> to vector<32xbf16>
      %bitcast3A_1994 = vector.bitcast %get3A_1992 : vector<16xi32> to vector<32xbf16>
      %mul3A_1995 = arith.mulf %bitcast3A_1993, %bitcast3A_1994 : vector<32xbf16>
      %get3A_1996 = arith.index_cast %add3A_1932 : i32 to index
      %get3A_1997 = arith.constant 112 : index
      %get3A_1998 = tpu.vector_load %arg11[%get3A_1996, %get3A_1997] {strides = array<i32>} : memref<16x128xi32, #tpu.memory_space<vmem>>, vector<16xi32>,
      %get3A_1999 = arith.index_cast %add3A_1932 : i32 to index
      %get3A_2000 = arith.constant 112 : index
      %get3A_2001 = tpu.vector_load %arg12[%get3A_1999, %get3A_2000] {strides = array<i32>} : memref<16x128xi32, #tpu.memory_space<vmem>>, vector<16xi32>,
      %bitcast3A_2002 = vector.bitcast %get3A_1998 : vector<16xi32> to vector<32xbf16>
      %bitcast3A_2003 = vector.bitcast %get3A_2001 : vector<16xi32> to vector<32xbf16>
      %mul3A_2004 = arith.mulf %bitcast3A_2002, %bitcast3A_2003 : vector<32xbf16>
      %add3A_2005 = arith.addf %mul3A_1941, %mul3A_1950 : vector<32xbf16>
      %add3A_2006 = arith.addf %mul3A_1959, %mul3A_1968 : vector<32xbf16>
      %add3A_2007 = arith.addf %mul3A_1977, %mul3A_1986 : vector<32xbf16>
      %add3A_2008 = arith.addf %mul3A_1995, %mul3A_2004 : vector<32xbf16>
      %add3A_2009 = arith.addf %add3A_2005, %add3A_2006 : vector<32xbf16>
      %add3A_2010 = arith.addf %add3A_2007, %add3A_2008 : vector<32xbf16>
      %add3A_2011 = arith.addf %add3A_2009, %add3A_2010 : vector<32xbf16>
      %bitcast3A_2012 = vector.bitcast %add3A_2011 : vector<32xbf16> to vector<16xi32>
      %shift_left3A_2013 = arith.constant 16 : i32
      %shift_left3A_2014 = vector.broadcast %shift_left3A_2013 : i32 to vector<16xi32>
      %shift_left3A_2015 = arith.shli %bitcast3A_2012, %shift_left3A_2014 : vector<16xi32>
      %bitcast3A_2016 = vector.bitcast %shift_left3A_2015 : vector<16xi32> to vector<16xf32>
      %and3A_2017 = arith.constant -65536 : i32
      %and3A_2018 = vector.broadcast %and3A_2017 : i32 to vector<16xi32>
      %and3A_2019 = arith.andi %bitcast3A_2012, %and3A_2018 : vector<16xi32>
      %bitcast3A_2020 = vector.bitcast %and3A_2019 : vector<16xi32> to vector<16xf32>
      %add3A_2021 = arith.addf %bitcast3A_2016, %bitcast3A_2020 : vector<16xf32>
      %reduce_sum3A_2022 = arith.constant true
      %reduce_sum3A_2023 = vector.broadcast %reduce_sum3A_2022 : i1 to vector<16xi1>
      %reduce_sum3A_2024 = tpu.scan <sum>, %add3A_2021 masked %reduce_sum3A_2023 : vector<16xf32>, vector<16xi1> -> vector<16xf32>
      %reduce_sum3A_2025 = vector.extract %reduce_sum3A_2024[15] : f32 from vector<16xf32>
      %eq3A_2026 = arith.constant 1 : i32
      %eq3A_2027 = vector.broadcast %eq3A_2026 : i32 to vector<16xi32>
      %eq3A_2028 = arith.cmpi eq, %iota3A, %eq3A_2027 : vector<16xi32>
      %broadcast_in_dim3A_2029 = vector.broadcast %reduce_sum3A_2025 : f32 to vector<16xf32>
      %select_n3A_2030 = arith.select %eq3A_2028, %broadcast_in_dim3A_2029, %select_n3A_1928 : vector<16xi1>, vector<16xf32>
      %mul3A_2031 = arith.constant 16 : i32
      %mul3A_2032 = arith.muli %scan3A_1824, %mul3A_2031 : i32
      %add3A_2033 = arith.constant 2 : i32
      %add3A_2034 = arith.addi %mul3A_2032, %add3A_2033 : i32
      %get3A_2035 = arith.index_cast %add3A_2034 : i32 to index
      %get3A_2036 = arith.constant 0 : index
      %get3A_2037 = tpu.vector_load %arg11[%get3A_2035, %get3A_2036] {strides = array<i32>} : memref<16x128xi32, #tpu.memory_space<vmem>>, vector<16xi32>,
      %get3A_2038 = arith.index_cast %add3A_2034 : i32 to index
      %get3A_2039 = arith.constant 0 : index
      %get3A_2040 = tpu.vector_load %arg12[%get3A_2038, %get3A_2039] {strides = array<i32>} : memref<16x128xi32, #tpu.memory_space<vmem>>, vector<16xi32>,
      %bitcast3A_2041 = vector.bitcast %get3A_2037 : vector<16xi32> to vector<32xbf16>
      %bitcast3A_2042 = vector.bitcast %get3A_2040 : vector<16xi32> to vector<32xbf16>
      %mul3A_2043 = arith.mulf %bitcast3A_2041, %bitcast3A_2042 : vector<32xbf16>
      %get3A_2044 = arith.index_cast %add3A_2034 : i32 to index
      %get3A_2045 = arith.constant 16 : index
      %get3A_2046 = tpu.vector_load %arg11[%get3A_2044, %get3A_2045] {strides = array<i32>} : memref<16x128xi32, #tpu.memory_space<vmem>>, vector<16xi32>,
      %get3A_2047 = arith.index_cast %add3A_2034 : i32 to index
      %get3A_2048 = arith.constant 16 : index
      %get3A_2049 = tpu.vector_load %arg12[%get3A_2047, %get3A_2048] {strides = array<i32>} : memref<16x128xi32, #tpu.memory_space<vmem>>, vector<16xi32>,
      %bitcast3A_2050 = vector.bitcast %get3A_2046 : vector<16xi32> to vector<32xbf16>
      %bitcast3A_2051 = vector.bitcast %get3A_2049 : vector<16xi32> to vector<32xbf16>
      %mul3A_2052 = arith.mulf %bitcast3A_2050, %bitcast3A_2051 : vector<32xbf16>
      %get3A_2053 = arith.index_cast %add3A_2034 : i32 to index
      %get3A_2054 = arith.constant 32 : index
      %get3A_2055 = tpu.vector_load %arg11[%get3A_2053, %get3A_2054] {strides = array<i32>} : memref<16x128xi32, #tpu.memory_space<vmem>>, vector<16xi32>,
      %get3A_2056 = arith.index_cast %add3A_2034 : i32 to index
      %get3A_2057 = arith.constant 32 : index
      %get3A_2058 = tpu.vector_load %arg12[%get3A_2056, %get3A_2057] {strides = array<i32>} : memref<16x128xi32, #tpu.memory_space<vmem>>, vector<16xi32>,
      %bitcast3A_2059 = vector.bitcast %get3A_2055 : vector<16xi32> to vector<32xbf16>
      %bitcast3A_2060 = vector.bitcast %get3A_2058 : vector<16xi32> to vector<32xbf16>
      %mul3A_2061 = arith.mulf %bitcast3A_2059, %bitcast3A_2060 : vector<32xbf16>
      %get3A_2062 = arith.index_cast %add3A_2034 : i32 to index
      %get3A_2063 = arith.constant 48 : index
      %get3A_2064 = tpu.vector_load %arg11[%get3A_2062, %get3A_2063] {strides = array<i32>} : memref<16x128xi32, #tpu.memory_space<vmem>>, vector<16xi32>,
      %get3A_2065 = arith.index_cast %add3A_2034 : i32 to index
      %get3A_2066 = arith.constant 48 : index
      %get3A_2067 = tpu.vector_load %arg12[%get3A_2065, %get3A_2066] {strides = array<i32>} : memref<16x128xi32, #tpu.memory_space<vmem>>, vector<16xi32>,
      %bitcast3A_2068 = vector.bitcast %get3A_2064 : vector<16xi32> to vector<32xbf16>
      %bitcast3A_2069 = vector.bitcast %get3A_2067 : vector<16xi32> to vector<32xbf16>
      %mul3A_2070 = arith.mulf %bitcast3A_2068, %bitcast3A_2069 : vector<32xbf16>
      %get3A_2071 = arith.index_cast %add3A_2034 : i32 to index
      %get3A_2072 = arith.constant 64 : index
      %get3A_2073 = tpu.vector_load %arg11[%get3A_2071, %get3A_2072] {strides = array<i32>} : memref<16x128xi32, #tpu.memory_space<vmem>>, vector<16xi32>,
      %get3A_2074 = arith.index_cast %add3A_2034 : i32 to index
      %get3A_2075 = arith.constant 64 : index
      %get3A_2076 = tpu.vector_load %arg12[%get3A_2074, %get3A_2075] {strides = array<i32>} : memref<16x128xi32, #tpu.memory_space<vmem>>, vector<16xi32>,
      %bitcast3A_2077 = vector.bitcast %get3A_2073 : vector<16xi32> to vector<32xbf16>
      %bitcast3A_2078 = vector.bitcast %get3A_2076 : vector<16xi32> to vector<32xbf16>
      %mul3A_2079 = arith.mulf %bitcast3A_2077, %bitcast3A_2078 : vector<32xbf16>
      %get3A_2080 = arith.index_cast %add3A_2034 : i32 to index
      %get3A_2081 = arith.constant 80 : index
      %get3A_2082 = tpu.vector_load %arg11[%get3A_2080, %get3A_2081] {strides = array<i32>} : memref<16x128xi32, #tpu.memory_space<vmem>>, vector<16xi32>,
      %get3A_2083 = arith.index_cast %add3A_2034 : i32 to index
      %get3A_2084 = arith.constant 80 : index
      %get3A_2085 = tpu.vector_load %arg12[%get3A_2083, %get3A_2084] {strides = array<i32>} : memref<16x128xi32, #tpu.memory_space<vmem>>, vector<16xi32>,
      %bitcast3A_2086 = vector.bitcast %get3A_2082 : vector<16xi32> to vector<32xbf16>
      %bitcast3A_2087 = vector.bitcast %get3A_2085 : vector<16xi32> to vector<32xbf16>
      %mul3A_2088 = arith.mulf %bitcast3A_2086, %bitcast3A_2087 : vector<32xbf16>
      %get3A_2089 = arith.index_cast %add3A_2034 : i32 to index
      %get3A_2090 = arith.constant 96 : index
      %get3A_2091 = tpu.vector_load %arg11[%get3A_2089, %get3A_2090] {strides = array<i32>} : memref<16x128xi32, #tpu.memory_space<vmem>>, vector<16xi32>,
      %get3A_2092 = arith.index_cast %add3A_2034 : i32 to index
      %get3A_2093 = arith.constant 96 : index
      %get3A_2094 = tpu.vector_load %arg12[%get3A_2092, %get3A_2093] {strides = array<i32>} : memref<16x128xi32, #tpu.memory_space<vmem>>, vector<16xi32>,
      %bitcast3A_2095 = vector.bitcast %get3A_2091 : vector<16xi32> to vector<32xbf16>
      %bitcast3A_2096 = vector.bitcast %get3A_2094 : vector<16xi32> to vector<32xbf16>
      %mul3A_2097 = arith.mulf %bitcast3A_2095, %bitcast3A_2096 : vector<32xbf16>
      %get3A_2098 = arith.index_cast %add3A_2034 : i32 to index
      %get3A_2099 = arith.constant 112 : index
      %get3A_2100 = tpu.vector_load %arg11[%get3A_2098, %get3A_2099] {strides = array<i32>} : memref<16x128xi32, #tpu.memory_space<vmem>>, vector<16xi32>,
      %get3A_2101 = arith.index_cast %add3A_2034 : i32 to index
      %get3A_2102 = arith.constant 112 : index
      %get3A_2103 = tpu.vector_load %arg12[%get3A_2101, %get3A_2102] {strides = array<i32>} : memref<16x128xi32, #tpu.memory_space<vmem>>, vector<16xi32>,
      %bitcast3A_2104 = vector.bitcast %get3A_2100 : vector<16xi32> to vector<32xbf16>
      %bitcast3A_2105 = vector.bitcast %get3A_2103 : vector<16xi32> to vector<32xbf16>
      %mul3A_2106 = arith.mulf %bitcast3A_2104, %bitcast3A_2105 : vector<32xbf16>
      %add3A_2107 = arith.addf %mul3A_2043, %mul3A_2052 : vector<32xbf16>
      %add3A_2108 = arith.addf %mul3A_2061, %mul3A_2070 : vector<32xbf16>
      %add3A_2109 = arith.addf %mul3A_2079, %mul3A_2088 : vector<32xbf16>
      %add3A_2110 = arith.addf %mul3A_2097, %mul3A_2106 : vector<32xbf16>
      %add3A_2111 = arith.addf %add3A_2107, %add3A_2108 : vector<32xbf16>
      %add3A_2112 = arith.addf %add3A_2109, %add3A_2110 : vector<32xbf16>
      %add3A_2113 = arith.addf %add3A_2111, %add3A_2112 : vector<32xbf16>
      %bitcast3A_2114 = vector.bitcast %add3A_2113 : vector<32xbf16> to vector<16xi32>
      %shift_left3A_2115 = arith.constant 16 : i32
      %shift_left3A_2116 = vector.broadcast %shift_left3A_2115 : i32 to vector<16xi32>
      %shift_left3A_2117 = arith.shli %bitcast3A_2114, %shift_left3A_2116 : vector<16xi32>
      %bitcast3A_2118 = vector.bitcast %shift_left3A_2117 : vector<16xi32> to vector<16xf32>
      %and3A_2119 = arith.constant -65536 : i32
      %and3A_2120 = vector.broadcast %and3A_2119 : i32 to vector<16xi32>
      %and3A_2121 = arith.andi %bitcast3A_2114, %and3A_2120 : vector<16xi32>
      %bitcast3A_2122 = vector.bitcast %and3A_2121 : vector<16xi32> to vector<16xf32>
      %add3A_2123 = arith.addf %bitcast3A_2118, %bitcast3A_2122 : vector<16xf32>
      %reduce_sum3A_2124 = arith.constant true
      %reduce_sum3A_2125 = vector.broadcast %reduce_sum3A_2124 : i1 to vector<16xi1>
      %reduce_sum3A_2126 = tpu.scan <sum>, %add3A_2123 masked %reduce_sum3A_2125 : vector<16xf32>, vector<16xi1> -> vector<16xf32>
      %reduce_sum3A_2127 = vector.extract %reduce_sum3A_2126[15] : f32 from vector<16xf32>
      %eq3A_2128 = arith.constant 2 : i32
      %eq3A_2129 = vector.broadcast %eq3A_2128 : i32 to vector<16xi32>
      %eq3A_2130 = arith.cmpi eq, %iota3A, %eq3A_2129 : vector<16xi32>
      %broadcast_in_dim3A_2131 = vector.broadcast %reduce_sum3A_2127 : f32 to vector<16xf32>
      %select_n3A_2132 = arith.select %eq3A_2130, %broadcast_in_dim3A_2131, %select_n3A_2030 : vector<16xi1>, vector<16xf32>
      %mul3A_2133 = arith.constant 16 : i32
      %mul3A_2134 = arith.muli %scan3A_1824, %mul3A_2133 : i32
      %add3A_2135 = arith.constant 3 : i32
      %add3A_2136 = arith.addi %mul3A_2134, %add3A_2135 : i32
      %get3A_2137 = arith.index_cast %add3A_2136 : i32 to index
      %get3A_2138 = arith.constant 0 : index
      %get3A_2139 = tpu.vector_load %arg11[%get3A_2137, %get3A_2138] {strides = array<i32>} : memref<16x128xi32, #tpu.memory_space<vmem>>, vector<16xi32>,
      %get3A_2140 = arith.index_cast %add3A_2136 : i32 to index
      %get3A_2141 = arith.constant 0 : index
      %get3A_2142 = tpu.vector_load %arg12[%get3A_2140, %get3A_2141] {strides = array<i32>} : memref<16x128xi32, #tpu.memory_space<vmem>>, vector<16xi32>,
      %bitcast3A_2143 = vector.bitcast %get3A_2139 : vector<16xi32> to vector<32xbf16>
      %bitcast3A_2144 = vector.bitcast %get3A_2142 : vector<16xi32> to vector<32xbf16>
      %mul3A_2145 = arith.mulf %bitcast3A_2143, %bitcast3A_2144 : vector<32xbf16>
      %get3A_2146 = arith.index_cast %add3A_2136 : i32 to index
      %get3A_2147 = arith.constant 16 : index
      %get3A_2148 = tpu.vector_load %arg11[%get3A_2146, %get3A_2147] {strides = array<i32>} : memref<16x128xi32, #tpu.memory_space<vmem>>, vector<16xi32>,
      %get3A_2149 = arith.index_cast %add3A_2136 : i32 to index
      %get3A_2150 = arith.constant 16 : index
      %get3A_2151 = tpu.vector_load %arg12[%get3A_2149, %get3A_2150] {strides = array<i32>} : memref<16x128xi32, #tpu.memory_space<vmem>>, vector<16xi32>,
      %bitcast3A_2152 = vector.bitcast %get3A_2148 : vector<16xi32> to vector<32xbf16>
      %bitcast3A_2153 = vector.bitcast %get3A_2151 : vector<16xi32> to vector<32xbf16>
      %mul3A_2154 = arith.mulf %bitcast3A_2152, %bitcast3A_2153 : vector<32xbf16>
      %get3A_2155 = arith.index_cast %add3A_2136 : i32 to index
      %get3A_2156 = arith.constant 32 : index
      %get3A_2157 = tpu.vector_load %arg11[%get3A_2155, %get3A_2156] {strides = array<i32>} : memref<16x128xi32, #tpu.memory_space<vmem>>, vector<16xi32>,
      %get3A_2158 = arith.index_cast %add3A_2136 : i32 to index
      %get3A_2159 = arith.constant 32 : index
      %get3A_2160 = tpu.vector_load %arg12[%get3A_2158, %get3A_2159] {strides = array<i32>} : memref<16x128xi32, #tpu.memory_space<vmem>>, vector<16xi32>,
      %bitcast3A_2161 = vector.bitcast %get3A_2157 : vector<16xi32> to vector<32xbf16>
      %bitcast3A_2162 = vector.bitcast %get3A_2160 : vector<16xi32> to vector<32xbf16>
      %mul3A_2163 = arith.mulf %bitcast3A_2161, %bitcast3A_2162 : vector<32xbf16>
      %get3A_2164 = arith.index_cast %add3A_2136 : i32 to index
      %get3A_2165 = arith.constant 48 : index
      %get3A_2166 = tpu.vector_load %arg11[%get3A_2164, %get3A_2165] {strides = array<i32>} : memref<16x128xi32, #tpu.memory_space<vmem>>, vector<16xi32>,
      %get3A_2167 = arith.index_cast %add3A_2136 : i32 to index
      %get3A_2168 = arith.constant 48 : index
      %get3A_2169 = tpu.vector_load %arg12[%get3A_2167, %get3A_2168] {strides = array<i32>} : memref<16x128xi32, #tpu.memory_space<vmem>>, vector<16xi32>,
      %bitcast3A_2170 = vector.bitcast %get3A_2166 : vector<16xi32> to vector<32xbf16>
      %bitcast3A_2171 = vector.bitcast %get3A_2169 : vector<16xi32> to vector<32xbf16>
      %mul3A_2172 = arith.mulf %bitcast3A_2170, %bitcast3A_2171 : vector<32xbf16>
      %get3A_2173 = arith.index_cast %add3A_2136 : i32 to index
      %get3A_2174 = arith.constant 64 : index
      %get3A_2175 = tpu.vector_load %arg11[%get3A_2173, %get3A_2174] {strides = array<i32>} : memref<16x128xi32, #tpu.memory_space<vmem>>, vector<16xi32>,
      %get3A_2176 = arith.index_cast %add3A_2136 : i32 to index
      %get3A_2177 = arith.constant 64 : index
      %get3A_2178 = tpu.vector_load %arg12[%get3A_2176, %get3A_2177] {strides = array<i32>} : memref<16x128xi32, #tpu.memory_space<vmem>>, vector<16xi32>,
      %bitcast3A_2179 = vector.bitcast %get3A_2175 : vector<16xi32> to vector<32xbf16>
      %bitcast3A_2180 = vector.bitcast %get3A_2178 : vector<16xi32> to vector<32xbf16>
      %mul3A_2181 = arith.mulf %bitcast3A_2179, %bitcast3A_2180 : vector<32xbf16>
      %get3A_2182 = arith.index_cast %add3A_2136 : i32 to index
      %get3A_2183 = arith.constant 80 : index
      %get3A_2184 = tpu.vector_load %arg11[%get3A_2182, %get3A_2183] {strides = array<i32>} : memref<16x128xi32, #tpu.memory_space<vmem>>, vector<16xi32>,
      %get3A_2185 = arith.index_cast %add3A_2136 : i32 to index
      %get3A_2186 = arith.constant 80 : index
      %get3A_2187 = tpu.vector_load %arg12[%get3A_2185, %get3A_2186] {strides = array<i32>} : memref<16x128xi32, #tpu.memory_space<vmem>>, vector<16xi32>,
      %bitcast3A_2188 = vector.bitcast %get3A_2184 : vector<16xi32> to vector<32xbf16>
      %bitcast3A_2189 = vector.bitcast %get3A_2187 : vector<16xi32> to vector<32xbf16>
      %mul3A_2190 = arith.mulf %bitcast3A_2188, %bitcast3A_2189 : vector<32xbf16>
      %get3A_2191 = arith.index_cast %add3A_2136 : i32 to index
      %get3A_2192 = arith.constant 96 : index
      %get3A_2193 = tpu.vector_load %arg11[%get3A_2191, %get3A_2192] {strides = array<i32>} : memref<16x128xi32, #tpu.memory_space<vmem>>, vector<16xi32>,
      %get3A_2194 = arith.index_cast %add3A_2136 : i32 to index
      %get3A_2195 = arith.constant 96 : index
      %get3A_2196 = tpu.vector_load %arg12[%get3A_2194, %get3A_2195] {strides = array<i32>} : memref<16x128xi32, #tpu.memory_space<vmem>>, vector<16xi32>,
      %bitcast3A_2197 = vector.bitcast %get3A_2193 : vector<16xi32> to vector<32xbf16>
      %bitcast3A_2198 = vector.bitcast %get3A_2196 : vector<16xi32> to vector<32xbf16>
      %mul3A_2199 = arith.mulf %bitcast3A_2197, %bitcast3A_2198 : vector<32xbf16>
      %get3A_2200 = arith.index_cast %add3A_2136 : i32 to index
      %get3A_2201 = arith.constant 112 : index
      %get3A_2202 = tpu.vector_load %arg11[%get3A_2200, %get3A_2201] {strides = array<i32>} : memref<16x128xi32, #tpu.memory_space<vmem>>, vector<16xi32>,
      %get3A_2203 = arith.index_cast %add3A_2136 : i32 to index
      %get3A_2204 = arith.constant 112 : index
      %get3A_2205 = tpu.vector_load %arg12[%get3A_2203, %get3A_2204] {strides = array<i32>} : memref<16x128xi32, #tpu.memory_space<vmem>>, vector<16xi32>,
      %bitcast3A_2206 = vector.bitcast %get3A_2202 : vector<16xi32> to vector<32xbf16>
      %bitcast3A_2207 = vector.bitcast %get3A_2205 : vector<16xi32> to vector<32xbf16>
      %mul3A_2208 = arith.mulf %bitcast3A_2206, %bitcast3A_2207 : vector<32xbf16>
      %add3A_2209 = arith.addf %mul3A_2145, %mul3A_2154 : vector<32xbf16>
      %add3A_2210 = arith.addf %mul3A_2163, %mul3A_2172 : vector<32xbf16>
      %add3A_2211 = arith.addf %mul3A_2181, %mul3A_2190 : vector<32xbf16>
      %add3A_2212 = arith.addf %mul3A_2199, %mul3A_2208 : vector<32xbf16>
      %add3A_2213 = arith.addf %add3A_2209, %add3A_2210 : vector<32xbf16>
      %add3A_2214 = arith.addf %add3A_2211, %add3A_2212 : vector<32xbf16>
      %add3A_2215 = arith.addf %add3A_2213, %add3A_2214 : vector<32xbf16>
      %bitcast3A_2216 = vector.bitcast %add3A_2215 : vector<32xbf16> to vector<16xi32>
      %shift_left3A_2217 = arith.constant 16 : i32
      %shift_left3A_2218 = vector.broadcast %shift_left3A_2217 : i32 to vector<16xi32>
      %shift_left3A_2219 = arith.shli %bitcast3A_2216, %shift_left3A_2218 : vector<16xi32>
      %bitcast3A_2220 = vector.bitcast %shift_left3A_2219 : vector<16xi32> to vector<16xf32>
      %and3A_2221 = arith.constant -65536 : i32
      %and3A_2222 = vector.broadcast %and3A_2221 : i32 to vector<16xi32>
      %and3A_2223 = arith.andi %bitcast3A_2216, %and3A_2222 : vector<16xi32>
      %bitcast3A_2224 = vector.bitcast %and3A_2223 : vector<16xi32> to vector<16xf32>
      %add3A_2225 = arith.addf %bitcast3A_2220, %bitcast3A_2224 : vector<16xf32>
      %reduce_sum3A_2226 = arith.constant true
      %reduce_sum3A_2227 = vector.broadcast %reduce_sum3A_2226 : i1 to vector<16xi1>
      %reduce_sum3A_2228 = tpu.scan <sum>, %add3A_2225 masked %reduce_sum3A_2227 : vector<16xf32>, vector<16xi1> -> vector<16xf32>
      %reduce_sum3A_2229 = vector.extract %reduce_sum3A_2228[15] : f32 from vector<16xf32>
      %eq3A_2230 = arith.constant 3 : i32
      %eq3A_2231 = vector.broadcast %eq3A_2230 : i32 to vector<16xi32>
      %eq3A_2232 = arith.cmpi eq, %iota3A, %eq3A_2231 : vector<16xi32>
      %broadcast_in_dim3A_2233 = vector.broadcast %reduce_sum3A_2229 : f32 to vector<16xf32>
      %select_n3A_2234 = arith.select %eq3A_2232, %broadcast_in_dim3A_2233, %select_n3A_2132 : vector<16xi1>, vector<16xf32>
      %mul3A_2235 = arith.constant 16 : i32
      %mul3A_2236 = arith.muli %scan3A_1824, %mul3A_2235 : i32
      %add3A_2237 = arith.constant 4 : i32
      %add3A_2238 = arith.addi %mul3A_2236, %add3A_2237 : i32
      %get3A_2239 = arith.index_cast %add3A_2238 : i32 to index
      %get3A_2240 = arith.constant 0 : index
      %get3A_2241 = tpu.vector_load %arg11[%get3A_2239, %get3A_2240] {strides = array<i32>} : memref<16x128xi32, #tpu.memory_space<vmem>>, vector<16xi32>,
      %get3A_2242 = arith.index_cast %add3A_2238 : i32 to index
      %get3A_2243 = arith.constant 0 : index
      %get3A_2244 = tpu.vector_load %arg12[%get3A_2242, %get3A_2243] {strides = array<i32>} : memref<16x128xi32, #tpu.memory_space<vmem>>, vector<16xi32>,
      %bitcast3A_2245 = vector.bitcast %get3A_2241 : vector<16xi32> to vector<32xbf16>
      %bitcast3A_2246 = vector.bitcast %get3A_2244 : vector<16xi32> to vector<32xbf16>
      %mul3A_2247 = arith.mulf %bitcast3A_2245, %bitcast3A_2246 : vector<32xbf16>
      %get3A_2248 = arith.index_cast %add3A_2238 : i32 to index
      %get3A_2249 = arith.constant 16 : index
      %get3A_2250 = tpu.vector_load %arg11[%get3A_2248, %get3A_2249] {strides = array<i32>} : memref<16x128xi32, #tpu.memory_space<vmem>>, vector<16xi32>,
      %get3A_2251 = arith.index_cast %add3A_2238 : i32 to index
      %get3A_2252 = arith.constant 16 : index
      %get3A_2253 = tpu.vector_load %arg12[%get3A_2251, %get3A_2252] {strides = array<i32>} : memref<16x128xi32, #tpu.memory_space<vmem>>, vector<16xi32>,
      %bitcast3A_2254 = vector.bitcast %get3A_2250 : vector<16xi32> to vector<32xbf16>
      %bitcast3A_2255 = vector.bitcast %get3A_2253 : vector<16xi32> to vector<32xbf16>
      %mul3A_2256 = arith.mulf %bitcast3A_2254, %bitcast3A_2255 : vector<32xbf16>
      %get3A_2257 = arith.index_cast %add3A_2238 : i32 to index
      %get3A_2258 = arith.constant 32 : index
      %get3A_2259 = tpu.vector_load %arg11[%get3A_2257, %get3A_2258] {strides = array<i32>} : memref<16x128xi32, #tpu.memory_space<vmem>>, vector<16xi32>,
      %get3A_2260 = arith.index_cast %add3A_2238 : i32 to index
      %get3A_2261 = arith.constant 32 : index
      %get3A_2262 = tpu.vector_load %arg12[%get3A_2260, %get3A_2261] {strides = array<i32>} : memref<16x128xi32, #tpu.memory_space<vmem>>, vector<16xi32>,
      %bitcast3A_2263 = vector.bitcast %get3A_2259 : vector<16xi32> to vector<32xbf16>
      %bitcast3A_2264 = vector.bitcast %get3A_2262 : vector<16xi32> to vector<32xbf16>
      %mul3A_2265 = arith.mulf %bitcast3A_2263, %bitcast3A_2264 : vector<32xbf16>
      %get3A_2266 = arith.index_cast %add3A_2238 : i32 to index
      %get3A_2267 = arith.constant 48 : index
      %get3A_2268 = tpu.vector_load %arg11[%get3A_2266, %get3A_2267] {strides = array<i32>} : memref<16x128xi32, #tpu.memory_space<vmem>>, vector<16xi32>,
      %get3A_2269 = arith.index_cast %add3A_2238 : i32 to index
      %get3A_2270 = arith.constant 48 : index
      %get3A_2271 = tpu.vector_load %arg12[%get3A_2269, %get3A_2270] {strides = array<i32>} : memref<16x128xi32, #tpu.memory_space<vmem>>, vector<16xi32>,
      %bitcast3A_2272 = vector.bitcast %get3A_2268 : vector<16xi32> to vector<32xbf16>
      %bitcast3A_2273 = vector.bitcast %get3A_2271 : vector<16xi32> to vector<32xbf16>
      %mul3A_2274 = arith.mulf %bitcast3A_2272, %bitcast3A_2273 : vector<32xbf16>
      %get3A_2275 = arith.index_cast %add3A_2238 : i32 to index
      %get3A_2276 = arith.constant 64 : index
      %get3A_2277 = tpu.vector_load %arg11[%get3A_2275, %get3A_2276] {strides = array<i32>} : memref<16x128xi32, #tpu.memory_space<vmem>>, vector<16xi32>,
      %get3A_2278 = arith.index_cast %add3A_2238 : i32 to index
      %get3A_2279 = arith.constant 64 : index
      %get3A_2280 = tpu.vector_load %arg12[%get3A_2278, %get3A_2279] {strides = array<i32>} : memref<16x128xi32, #tpu.memory_space<vmem>>, vector<16xi32>,
      %bitcast3A_2281 = vector.bitcast %get3A_2277 : vector<16xi32> to vector<32xbf16>
      %bitcast3A_2282 = vector.bitcast %get3A_2280 : vector<16xi32> to vector<32xbf16>
      %mul3A_2283 = arith.mulf %bitcast3A_2281, %bitcast3A_2282 : vector<32xbf16>
      %get3A_2284 = arith.index_cast %add3A_2238 : i32 to index
      %get3A_2285 = arith.constant 80 : index
      %get3A_2286 = tpu.vector_load %arg11[%get3A_2284, %get3A_2285] {strides = array<i32>} : memref<16x128xi32, #tpu.memory_space<vmem>>, vector<16xi32>,
      %get3A_2287 = arith.index_cast %add3A_2238 : i32 to index
      %get3A_2288 = arith.constant 80 : index
      %get3A_2289 = tpu.vector_load %arg12[%get3A_2287, %get3A_2288] {strides = array<i32>} : memref<16x128xi32, #tpu.memory_space<vmem>>, vector<16xi32>,
      %bitcast3A_2290 = vector.bitcast %get3A_2286 : vector<16xi32> to vector<32xbf16>
      %bitcast3A_2291 = vector.bitcast %get3A_2289 : vector<16xi32> to vector<32xbf16>
      %mul3A_2292 = arith.mulf %bitcast3A_2290, %bitcast3A_2291 : vector<32xbf16>
      %get3A_2293 = arith.index_cast %add3A_2238 : i32 to index
      %get3A_2294 = arith.constant 96 : index
      %get3A_2295 = tpu.vector_load %arg11[%get3A_2293, %get3A_2294] {strides = array<i32>} : memref<16x128xi32, #tpu.memory_space<vmem>>, vector<16xi32>,
      %get3A_2296 = arith.index_cast %add3A_2238 : i32 to index
      %get3A_2297 = arith.constant 96 : index
      %get3A_2298 = tpu.vector_load %arg12[%get3A_2296, %get3A_2297] {strides = array<i32>} : memref<16x128xi32, #tpu.memory_space<vmem>>, vector<16xi32>,
      %bitcast3A_2299 = vector.bitcast %get3A_2295 : vector<16xi32> to vector<32xbf16>
      %bitcast3A_2300 = vector.bitcast %get3A_2298 : vector<16xi32> to vector<32xbf16>
      %mul3A_2301 = arith.mulf %bitcast3A_2299, %bitcast3A_2300 : vector<32xbf16>
      %get3A_2302 = arith.index_cast %add3A_2238 : i32 to index
      %get3A_2303 = arith.constant 112 : index
      %get3A_2304 = tpu.vector_load %arg11[%get3A_2302, %get3A_2303] {strides = array<i32>} : memref<16x128xi32, #tpu.memory_space<vmem>>, vector<16xi32>,
      %get3A_2305 = arith.index_cast %add3A_2238 : i32 to index
      %get3A_2306 = arith.constant 112 : index
      %get3A_2307 = tpu.vector_load %arg12[%get3A_2305, %get3A_2306] {strides = array<i32>} : memref<16x128xi32, #tpu.memory_space<vmem>>, vector<16xi32>,
      %bitcast3A_2308 = vector.bitcast %get3A_2304 : vector<16xi32> to vector<32xbf16>
      %bitcast3A_2309 = vector.bitcast %get3A_2307 : vector<16xi32> to vector<32xbf16>
      %mul3A_2310 = arith.mulf %bitcast3A_2308, %bitcast3A_2309 : vector<32xbf16>
      %add3A_2311 = arith.addf %mul3A_2247, %mul3A_2256 : vector<32xbf16>
      %add3A_2312 = arith.addf %mul3A_2265, %mul3A_2274 : vector<32xbf16>
      %add3A_2313 = arith.addf %mul3A_2283, %mul3A_2292 : vector<32xbf16>
      %add3A_2314 = arith.addf %mul3A_2301, %mul3A_2310 : vector<32xbf16>
      %add3A_2315 = arith.addf %add3A_2311, %add3A_2312 : vector<32xbf16>
      %add3A_2316 = arith.addf %add3A_2313, %add3A_2314 : vector<32xbf16>
      %add3A_2317 = arith.addf %add3A_2315, %add3A_2316 : vector<32xbf16>
      %bitcast3A_2318 = vector.bitcast %add3A_2317 : vector<32xbf16> to vector<16xi32>
      %shift_left3A_2319 = arith.constant 16 : i32
      %shift_left3A_2320 = vector.broadcast %shift_left3A_2319 : i32 to vector<16xi32>
      %shift_left3A_2321 = arith.shli %bitcast3A_2318, %shift_left3A_2320 : vector<16xi32>
      %bitcast3A_2322 = vector.bitcast %shift_left3A_2321 : vector<16xi32> to vector<16xf32>
      %and3A_2323 = arith.constant -65536 : i32
      %and3A_2324 = vector.broadcast %and3A_2323 : i32 to vector<16xi32>
      %and3A_2325 = arith.andi %bitcast3A_2318, %and3A_2324 : vector<16xi32>
      %bitcast3A_2326 = vector.bitcast %and3A_2325 : vector<16xi32> to vector<16xf32>
      %add3A_2327 = arith.addf %bitcast3A_2322, %bitcast3A_2326 : vector<16xf32>
      %reduce_sum3A_2328 = arith.constant true
      %reduce_sum3A_2329 = vector.broadcast %reduce_sum3A_2328 : i1 to vector<16xi1>
      %reduce_sum3A_2330 = tpu.scan <sum>, %add3A_2327 masked %reduce_sum3A_2329 : vector<16xf32>, vector<16xi1> -> vector<16xf32>
      %reduce_sum3A_2331 = vector.extract %reduce_sum3A_2330[15] : f32 from vector<16xf32>
      %eq3A_2332 = arith.constant 4 : i32
      %eq3A_2333 = vector.broadcast %eq3A_2332 : i32 to vector<16xi32>
      %eq3A_2334 = arith.cmpi eq, %iota3A, %eq3A_2333 : vector<16xi32>
      %broadcast_in_dim3A_2335 = vector.broadcast %reduce_sum3A_2331 : f32 to vector<16xf32>
      %select_n3A_2336 = arith.select %eq3A_2334, %broadcast_in_dim3A_2335, %select_n3A_2234 : vector<16xi1>, vector<16xf32>
      %mul3A_2337 = arith.constant 16 : i32
      %mul3A_2338 = arith.muli %scan3A_1824, %mul3A_2337 : i32
      %add3A_2339 = arith.constant 5 : i32
      %add3A_2340 = arith.addi %mul3A_2338, %add3A_2339 : i32
      %get3A_2341 = arith.index_cast %add3A_2340 : i32 to index
      %get3A_2342 = arith.constant 0 : index
      %get3A_2343 = tpu.vector_load %arg11[%get3A_2341, %get3A_2342] {strides = array<i32>} : memref<16x128xi32, #tpu.memory_space<vmem>>, vector<16xi32>,
      %get3A_2344 = arith.index_cast %add3A_2340 : i32 to index
      %get3A_2345 = arith.constant 0 : index
      %get3A_2346 = tpu.vector_load %arg12[%get3A_2344, %get3A_2345] {strides = array<i32>} : memref<16x128xi32, #tpu.memory_space<vmem>>, vector<16xi32>,
      %bitcast3A_2347 = vector.bitcast %get3A_2343 : vector<16xi32> to vector<32xbf16>
      %bitcast3A_2348 = vector.bitcast %get3A_2346 : vector<16xi32> to vector<32xbf16>
      %mul3A_2349 = arith.mulf %bitcast3A_2347, %bitcast3A_2348 : vector<32xbf16>
      %get3A_2350 = arith.index_cast %add3A_2340 : i32 to index
      %get3A_2351 = arith.constant 16 : index
      %get3A_2352 = tpu.vector_load %arg11[%get3A_2350, %get3A_2351] {strides = array<i32>} : memref<16x128xi32, #tpu.memory_space<vmem>>, vector<16xi32>,
      %get3A_2353 = arith.index_cast %add3A_2340 : i32 to index
      %get3A_2354 = arith.constant 16 : index
      %get3A_2355 = tpu.vector_load %arg12[%get3A_2353, %get3A_2354] {strides = array<i32>} : memref<16x128xi32, #tpu.memory_space<vmem>>, vector<16xi32>,
      %bitcast3A_2356 = vector.bitcast %get3A_2352 : vector<16xi32> to vector<32xbf16>
      %bitcast3A_2357 = vector.bitcast %get3A_2355 : vector<16xi32> to vector<32xbf16>
      %mul3A_2358 = arith.mulf %bitcast3A_2356, %bitcast3A_2357 : vector<32xbf16>
      %get3A_2359 = arith.index_cast %add3A_2340 : i32 to index
      %get3A_2360 = arith.constant 32 : index
      %get3A_2361 = tpu.vector_load %arg11[%get3A_2359, %get3A_2360] {strides = array<i32>} : memref<16x128xi32, #tpu.memory_space<vmem>>, vector<16xi32>,
      %get3A_2362 = arith.index_cast %add3A_2340 : i32 to index
      %get3A_2363 = arith.constant 32 : index
      %get3A_2364 = tpu.vector_load %arg12[%get3A_2362, %get3A_2363] {strides = array<i32>} : memref<16x128xi32, #tpu.memory_space<vmem>>, vector<16xi32>,
      %bitcast3A_2365 = vector.bitcast %get3A_2361 : vector<16xi32> to vector<32xbf16>
      %bitcast3A_2366 = vector.bitcast %get3A_2364 : vector<16xi32> to vector<32xbf16>
      %mul3A_2367 = arith.mulf %bitcast3A_2365, %bitcast3A_2366 : vector<32xbf16>
      %get3A_2368 = arith.index_cast %add3A_2340 : i32 to index
      %get3A_2369 = arith.constant 48 : index
      %get3A_2370 = tpu.vector_load %arg11[%get3A_2368, %get3A_2369] {strides = array<i32>} : memref<16x128xi32, #tpu.memory_space<vmem>>, vector<16xi32>,
      %get3A_2371 = arith.index_cast %add3A_2340 : i32 to index
      %get3A_2372 = arith.constant 48 : index
      %get3A_2373 = tpu.vector_load %arg12[%get3A_2371, %get3A_2372] {strides = array<i32>} : memref<16x128xi32, #tpu.memory_space<vmem>>, vector<16xi32>,
      %bitcast3A_2374 = vector.bitcast %get3A_2370 : vector<16xi32> to vector<32xbf16>
      %bitcast3A_2375 = vector.bitcast %get3A_2373 : vector<16xi32> to vector<32xbf16>
      %mul3A_2376 = arith.mulf %bitcast3A_2374, %bitcast3A_2375 : vector<32xbf16>
      %get3A_2377 = arith.index_cast %add3A_2340 : i32 to index
      %get3A_2378 = arith.constant 64 : index
      %get3A_2379 = tpu.vector_load %arg11[%get3A_2377, %get3A_2378] {strides = array<i32>} : memref<16x128xi32, #tpu.memory_space<vmem>>, vector<16xi32>,
      %get3A_2380 = arith.index_cast %add3A_2340 : i32 to index
      %get3A_2381 = arith.constant 64 : index
      %get3A_2382 = tpu.vector_load %arg12[%get3A_2380, %get3A_2381] {strides = array<i32>} : memref<16x128xi32, #tpu.memory_space<vmem>>, vector<16xi32>,
      %bitcast3A_2383 = vector.bitcast %get3A_2379 : vector<16xi32> to vector<32xbf16>
      %bitcast3A_2384 = vector.bitcast %get3A_2382 : vector<16xi32> to vector<32xbf16>
      %mul3A_2385 = arith.mulf %bitcast3A_2383, %bitcast3A_2384 : vector<32xbf16>
      %get3A_2386 = arith.index_cast %add3A_2340 : i32 to index
      %get3A_2387 = arith.constant 80 : index
      %get3A_2388 = tpu.vector_load %arg11[%get3A_2386, %get3A_2387] {strides = array<i32>} : memref<16x128xi32, #tpu.memory_space<vmem>>, vector<16xi32>,
      %get3A_2389 = arith.index_cast %add3A_2340 : i32 to index
      %get3A_2390 = arith.constant 80 : index
      %get3A_2391 = tpu.vector_load %arg12[%get3A_2389, %get3A_2390] {strides = array<i32>} : memref<16x128xi32, #tpu.memory_space<vmem>>, vector<16xi32>,
      %bitcast3A_2392 = vector.bitcast %get3A_2388 : vector<16xi32> to vector<32xbf16>
      %bitcast3A_2393 = vector.bitcast %get3A_2391 : vector<16xi32> to vector<32xbf16>
      %mul3A_2394 = arith.mulf %bitcast3A_2392, %bitcast3A_2393 : vector<32xbf16>
      %get3A_2395 = arith.index_cast %add3A_2340 : i32 to index
      %get3A_2396 = arith.constant 96 : index
      %get3A_2397 = tpu.vector_load %arg11[%get3A_2395, %get3A_2396] {strides = array<i32>} : memref<16x128xi32, #tpu.memory_space<vmem>>, vector<16xi32>,
      %get3A_2398 = arith.index_cast %add3A_2340 : i32 to index
      %get3A_2399 = arith.constant 96 : index
      %get3A_2400 = tpu.vector_load %arg12[%get3A_2398, %get3A_2399] {strides = array<i32>} : memref<16x128xi32, #tpu.memory_space<vmem>>, vector<16xi32>,
      %bitcast3A_2401 = vector.bitcast %get3A_2397 : vector<16xi32> to vector<32xbf16>
      %bitcast3A_2402 = vector.bitcast %get3A_2400 : vector<16xi32> to vector<32xbf16>
      %mul3A_2403 = arith.mulf %bitcast3A_2401, %bitcast3A_2402 : vector<32xbf16>
      %get3A_2404 = arith.index_cast %add3A_2340 : i32 to index
      %get3A_2405 = arith.constant 112 : index
      %get3A_2406 = tpu.vector_load %arg11[%get3A_2404, %get3A_2405] {strides = array<i32>} : memref<16x128xi32, #tpu.memory_space<vmem>>, vector<16xi32>,
      %get3A_2407 = arith.index_cast %add3A_2340 : i32 to index
      %get3A_2408 = arith.constant 112 : index
      %get3A_2409 = tpu.vector_load %arg12[%get3A_2407, %get3A_2408] {strides = array<i32>} : memref<16x128xi32, #tpu.memory_space<vmem>>, vector<16xi32>,
      %bitcast3A_2410 = vector.bitcast %get3A_2406 : vector<16xi32> to vector<32xbf16>
      %bitcast3A_2411 = vector.bitcast %get3A_2409 : vector<16xi32> to vector<32xbf16>
      %mul3A_2412 = arith.mulf %bitcast3A_2410, %bitcast3A_2411 : vector<32xbf16>
      %add3A_2413 = arith.addf %mul3A_2349, %mul3A_2358 : vector<32xbf16>
      %add3A_2414 = arith.addf %mul3A_2367, %mul3A_2376 : vector<32xbf16>
      %add3A_2415 = arith.addf %mul3A_2385, %mul3A_2394 : vector<32xbf16>
      %add3A_2416 = arith.addf %mul3A_2403, %mul3A_2412 : vector<32xbf16>
      %add3A_2417 = arith.addf %add3A_2413, %add3A_2414 : vector<32xbf16>
      %add3A_2418 = arith.addf %add3A_2415, %add3A_2416 : vector<32xbf16>
      %add3A_2419 = arith.addf %add3A_2417, %add3A_2418 : vector<32xbf16>
      %bitcast3A_2420 = vector.bitcast %add3A_2419 : vector<32xbf16> to vector<16xi32>
      %shift_left3A_2421 = arith.constant 16 : i32
      %shift_left3A_2422 = vector.broadcast %shift_left3A_2421 : i32 to vector<16xi32>
      %shift_left3A_2423 = arith.shli %bitcast3A_2420, %shift_left3A_2422 : vector<16xi32>
      %bitcast3A_2424 = vector.bitcast %shift_left3A_2423 : vector<16xi32> to vector<16xf32>
      %and3A_2425 = arith.constant -65536 : i32
      %and3A_2426 = vector.broadcast %and3A_2425 : i32 to vector<16xi32>
      %and3A_2427 = arith.andi %bitcast3A_2420, %and3A_2426 : vector<16xi32>
      %bitcast3A_2428 = vector.bitcast %and3A_2427 : vector<16xi32> to vector<16xf32>
      %add3A_2429 = arith.addf %bitcast3A_2424, %bitcast3A_2428 : vector<16xf32>
      %reduce_sum3A_2430 = arith.constant true
      %reduce_sum3A_2431 = vector.broadcast %reduce_sum3A_2430 : i1 to vector<16xi1>
      %reduce_sum3A_2432 = tpu.scan <sum>, %add3A_2429 masked %reduce_sum3A_2431 : vector<16xf32>, vector<16xi1> -> vector<16xf32>
      %reduce_sum3A_2433 = vector.extract %reduce_sum3A_2432[15] : f32 from vector<16xf32>
      %eq3A_2434 = arith.constant 5 : i32
      %eq3A_2435 = vector.broadcast %eq3A_2434 : i32 to vector<16xi32>
      %eq3A_2436 = arith.cmpi eq, %iota3A, %eq3A_2435 : vector<16xi32>
      %broadcast_in_dim3A_2437 = vector.broadcast %reduce_sum3A_2433 : f32 to vector<16xf32>
      %select_n3A_2438 = arith.select %eq3A_2436, %broadcast_in_dim3A_2437, %select_n3A_2336 : vector<16xi1>, vector<16xf32>
      %mul3A_2439 = arith.constant 16 : i32
      %mul3A_2440 = arith.muli %scan3A_1824, %mul3A_2439 : i32
      %add3A_2441 = arith.constant 6 : i32
      %add3A_2442 = arith.addi %mul3A_2440, %add3A_2441 : i32
      %get3A_2443 = arith.index_cast %add3A_2442 : i32 to index
      %get3A_2444 = arith.constant 0 : index
      %get3A_2445 = tpu.vector_load %arg11[%get3A_2443, %get3A_2444] {strides = array<i32>} : memref<16x128xi32, #tpu.memory_space<vmem>>, vector<16xi32>,
      %get3A_2446 = arith.index_cast %add3A_2442 : i32 to index
      %get3A_2447 = arith.constant 0 : index
      %get3A_2448 = tpu.vector_load %arg12[%get3A_2446, %get3A_2447] {strides = array<i32>} : memref<16x128xi32, #tpu.memory_space<vmem>>, vector<16xi32>,
      %bitcast3A_2449 = vector.bitcast %get3A_2445 : vector<16xi32> to vector<32xbf16>
      %bitcast3A_2450 = vector.bitcast %get3A_2448 : vector<16xi32> to vector<32xbf16>
      %mul3A_2451 = arith.mulf %bitcast3A_2449, %bitcast3A_2450 : vector<32xbf16>
      %get3A_2452 = arith.index_cast %add3A_2442 : i32 to index
      %get3A_2453 = arith.constant 16 : index
      %get3A_2454 = tpu.vector_load %arg11[%get3A_2452, %get3A_2453] {strides = array<i32>} : memref<16x128xi32, #tpu.memory_space<vmem>>, vector<16xi32>,
      %get3A_2455 = arith.index_cast %add3A_2442 : i32 to index
      %get3A_2456 = arith.constant 16 : index
      %get3A_2457 = tpu.vector_load %arg12[%get3A_2455, %get3A_2456] {strides = array<i32>} : memref<16x128xi32, #tpu.memory_space<vmem>>, vector<16xi32>,
      %bitcast3A_2458 = vector.bitcast %get3A_2454 : vector<16xi32> to vector<32xbf16>
      %bitcast3A_2459 = vector.bitcast %get3A_2457 : vector<16xi32> to vector<32xbf16>
      %mul3A_2460 = arith.mulf %bitcast3A_2458, %bitcast3A_2459 : vector<32xbf16>
      %get3A_2461 = arith.index_cast %add3A_2442 : i32 to index
      %get3A_2462 = arith.constant 32 : index
      %get3A_2463 = tpu.vector_load %arg11[%get3A_2461, %get3A_2462] {strides = array<i32>} : memref<16x128xi32, #tpu.memory_space<vmem>>, vector<16xi32>,
      %get3A_2464 = arith.index_cast %add3A_2442 : i32 to index
      %get3A_2465 = arith.constant 32 : index
      %get3A_2466 = tpu.vector_load %arg12[%get3A_2464, %get3A_2465] {strides = array<i32>} : memref<16x128xi32, #tpu.memory_space<vmem>>, vector<16xi32>,
      %bitcast3A_2467 = vector.bitcast %get3A_2463 : vector<16xi32> to vector<32xbf16>
      %bitcast3A_2468 = vector.bitcast %get3A_2466 : vector<16xi32> to vector<32xbf16>
      %mul3A_2469 = arith.mulf %bitcast3A_2467, %bitcast3A_2468 : vector<32xbf16>
      %get3A_2470 = arith.index_cast %add3A_2442 : i32 to index
      %get3A_2471 = arith.constant 48 : index
      %get3A_2472 = tpu.vector_load %arg11[%get3A_2470, %get3A_2471] {strides = array<i32>} : memref<16x128xi32, #tpu.memory_space<vmem>>, vector<16xi32>,
      %get3A_2473 = arith.index_cast %add3A_2442 : i32 to index
      %get3A_2474 = arith.constant 48 : index
      %get3A_2475 = tpu.vector_load %arg12[%get3A_2473, %get3A_2474] {strides = array<i32>} : memref<16x128xi32, #tpu.memory_space<vmem>>, vector<16xi32>,
      %bitcast3A_2476 = vector.bitcast %get3A_2472 : vector<16xi32> to vector<32xbf16>
      %bitcast3A_2477 = vector.bitcast %get3A_2475 : vector<16xi32> to vector<32xbf16>
      %mul3A_2478 = arith.mulf %bitcast3A_2476, %bitcast3A_2477 : vector<32xbf16>
      %get3A_2479 = arith.index_cast %add3A_2442 : i32 to index
      %get3A_2480 = arith.constant 64 : index
      %get3A_2481 = tpu.vector_load %arg11[%get3A_2479, %get3A_2480] {strides = array<i32>} : memref<16x128xi32, #tpu.memory_space<vmem>>, vector<16xi32>,
      %get3A_2482 = arith.index_cast %add3A_2442 : i32 to index
      %get3A_2483 = arith.constant 64 : index
      %get3A_2484 = tpu.vector_load %arg12[%get3A_2482, %get3A_2483] {strides = array<i32>} : memref<16x128xi32, #tpu.memory_space<vmem>>, vector<16xi32>,
      %bitcast3A_2485 = vector.bitcast %get3A_2481 : vector<16xi32> to vector<32xbf16>
      %bitcast3A_2486 = vector.bitcast %get3A_2484 : vector<16xi32> to vector<32xbf16>
      %mul3A_2487 = arith.mulf %bitcast3A_2485, %bitcast3A_2486 : vector<32xbf16>
      %get3A_2488 = arith.index_cast %add3A_2442 : i32 to index
      %get3A_2489 = arith.constant 80 : index
      %get3A_2490 = tpu.vector_load %arg11[%get3A_2488, %get3A_2489] {strides = array<i32>} : memref<16x128xi32, #tpu.memory_space<vmem>>, vector<16xi32>,
      %get3A_2491 = arith.index_cast %add3A_2442 : i32 to index
      %get3A_2492 = arith.constant 80 : index
      %get3A_2493 = tpu.vector_load %arg12[%get3A_2491, %get3A_2492] {strides = array<i32>} : memref<16x128xi32, #tpu.memory_space<vmem>>, vector<16xi32>,
      %bitcast3A_2494 = vector.bitcast %get3A_2490 : vector<16xi32> to vector<32xbf16>
      %bitcast3A_2495 = vector.bitcast %get3A_2493 : vector<16xi32> to vector<32xbf16>
      %mul3A_2496 = arith.mulf %bitcast3A_2494, %bitcast3A_2495 : vector<32xbf16>
      %get3A_2497 = arith.index_cast %add3A_2442 : i32 to index
      %get3A_2498 = arith.constant 96 : index
      %get3A_2499 = tpu.vector_load %arg11[%get3A_2497, %get3A_2498] {strides = array<i32>} : memref<16x128xi32, #tpu.memory_space<vmem>>, vector<16xi32>,
      %get3A_2500 = arith.index_cast %add3A_2442 : i32 to index
      %get3A_2501 = arith.constant 96 : index
      %get3A_2502 = tpu.vector_load %arg12[%get3A_2500, %get3A_2501] {strides = array<i32>} : memref<16x128xi32, #tpu.memory_space<vmem>>, vector<16xi32>,
      %bitcast3A_2503 = vector.bitcast %get3A_2499 : vector<16xi32> to vector<32xbf16>
      %bitcast3A_2504 = vector.bitcast %get3A_2502 : vector<16xi32> to vector<32xbf16>
      %mul3A_2505 = arith.mulf %bitcast3A_2503, %bitcast3A_2504 : vector<32xbf16>
      %get3A_2506 = arith.index_cast %add3A_2442 : i32 to index
      %get3A_2507 = arith.constant 112 : index
      %get3A_2508 = tpu.vector_load %arg11[%get3A_2506, %get3A_2507] {strides = array<i32>} : memref<16x128xi32, #tpu.memory_space<vmem>>, vector<16xi32>,
      %get3A_2509 = arith.index_cast %add3A_2442 : i32 to index
      %get3A_2510 = arith.constant 112 : index
      %get3A_2511 = tpu.vector_load %arg12[%get3A_2509, %get3A_2510] {strides = array<i32>} : memref<16x128xi32, #tpu.memory_space<vmem>>, vector<16xi32>,
      %bitcast3A_2512 = vector.bitcast %get3A_2508 : vector<16xi32> to vector<32xbf16>
      %bitcast3A_2513 = vector.bitcast %get3A_2511 : vector<16xi32> to vector<32xbf16>
      %mul3A_2514 = arith.mulf %bitcast3A_2512, %bitcast3A_2513 : vector<32xbf16>
      %add3A_2515 = arith.addf %mul3A_2451, %mul3A_2460 : vector<32xbf16>
      %add3A_2516 = arith.addf %mul3A_2469, %mul3A_2478 : vector<32xbf16>
      %add3A_2517 = arith.addf %mul3A_2487, %mul3A_2496 : vector<32xbf16>
      %add3A_2518 = arith.addf %mul3A_2505, %mul3A_2514 : vector<32xbf16>
      %add3A_2519 = arith.addf %add3A_2515, %add3A_2516 : vector<32xbf16>
      %add3A_2520 = arith.addf %add3A_2517, %add3A_2518 : vector<32xbf16>
      %add3A_2521 = arith.addf %add3A_2519, %add3A_2520 : vector<32xbf16>
      %bitcast3A_2522 = vector.bitcast %add3A_2521 : vector<32xbf16> to vector<16xi32>
      %shift_left3A_2523 = arith.constant 16 : i32
      %shift_left3A_2524 = vector.broadcast %shift_left3A_2523 : i32 to vector<16xi32>
      %shift_left3A_2525 = arith.shli %bitcast3A_2522, %shift_left3A_2524 : vector<16xi32>
      %bitcast3A_2526 = vector.bitcast %shift_left3A_2525 : vector<16xi32> to vector<16xf32>
      %and3A_2527 = arith.constant -65536 : i32
      %and3A_2528 = vector.broadcast %and3A_2527 : i32 to vector<16xi32>
      %and3A_2529 = arith.andi %bitcast3A_2522, %and3A_2528 : vector<16xi32>
      %bitcast3A_2530 = vector.bitcast %and3A_2529 : vector<16xi32> to vector<16xf32>
      %add3A_2531 = arith.addf %bitcast3A_2526, %bitcast3A_2530 : vector<16xf32>
      %reduce_sum3A_2532 = arith.constant true
      %reduce_sum3A_2533 = vector.broadcast %reduce_sum3A_2532 : i1 to vector<16xi1>
      %reduce_sum3A_2534 = tpu.scan <sum>, %add3A_2531 masked %reduce_sum3A_2533 : vector<16xf32>, vector<16xi1> -> vector<16xf32>
      %reduce_sum3A_2535 = vector.extract %reduce_sum3A_2534[15] : f32 from vector<16xf32>
      %eq3A_2536 = arith.constant 6 : i32
      %eq3A_2537 = vector.broadcast %eq3A_2536 : i32 to vector<16xi32>
      %eq3A_2538 = arith.cmpi eq, %iota3A, %eq3A_2537 : vector<16xi32>
      %broadcast_in_dim3A_2539 = vector.broadcast %reduce_sum3A_2535 : f32 to vector<16xf32>
      %select_n3A_2540 = arith.select %eq3A_2538, %broadcast_in_dim3A_2539, %select_n3A_2438 : vector<16xi1>, vector<16xf32>
      %mul3A_2541 = arith.constant 16 : i32
      %mul3A_2542 = arith.muli %scan3A_1824, %mul3A_2541 : i32
      %add3A_2543 = arith.constant 7 : i32
      %add3A_2544 = arith.addi %mul3A_2542, %add3A_2543 : i32
      %get3A_2545 = arith.index_cast %add3A_2544 : i32 to index
      %get3A_2546 = arith.constant 0 : index
      %get3A_2547 = tpu.vector_load %arg11[%get3A_2545, %get3A_2546] {strides = array<i32>} : memref<16x128xi32, #tpu.memory_space<vmem>>, vector<16xi32>,
      %get3A_2548 = arith.index_cast %add3A_2544 : i32 to index
      %get3A_2549 = arith.constant 0 : index
      %get3A_2550 = tpu.vector_load %arg12[%get3A_2548, %get3A_2549] {strides = array<i32>} : memref<16x128xi32, #tpu.memory_space<vmem>>, vector<16xi32>,
      %bitcast3A_2551 = vector.bitcast %get3A_2547 : vector<16xi32> to vector<32xbf16>
      %bitcast3A_2552 = vector.bitcast %get3A_2550 : vector<16xi32> to vector<32xbf16>
      %mul3A_2553 = arith.mulf %bitcast3A_2551, %bitcast3A_2552 : vector<32xbf16>
      %get3A_2554 = arith.index_cast %add3A_2544 : i32 to index
      %get3A_2555 = arith.constant 16 : index
      %get3A_2556 = tpu.vector_load %arg11[%get3A_2554, %get3A_2555] {strides = array<i32>} : memref<16x128xi32, #tpu.memory_space<vmem>>, vector<16xi32>,
      %get3A_2557 = arith.index_cast %add3A_2544 : i32 to index
      %get3A_2558 = arith.constant 16 : index
      %get3A_2559 = tpu.vector_load %arg12[%get3A_2557, %get3A_2558] {strides = array<i32>} : memref<16x128xi32, #tpu.memory_space<vmem>>, vector<16xi32>,
      %bitcast3A_2560 = vector.bitcast %get3A_2556 : vector<16xi32> to vector<32xbf16>
      %bitcast3A_2561 = vector.bitcast %get3A_2559 : vector<16xi32> to vector<32xbf16>
      %mul3A_2562 = arith.mulf %bitcast3A_2560, %bitcast3A_2561 : vector<32xbf16>
      %get3A_2563 = arith.index_cast %add3A_2544 : i32 to index
      %get3A_2564 = arith.constant 32 : index
      %get3A_2565 = tpu.vector_load %arg11[%get3A_2563, %get3A_2564] {strides = array<i32>} : memref<16x128xi32, #tpu.memory_space<vmem>>, vector<16xi32>,
      %get3A_2566 = arith.index_cast %add3A_2544 : i32 to index
      %get3A_2567 = arith.constant 32 : index
      %get3A_2568 = tpu.vector_load %arg12[%get3A_2566, %get3A_2567] {strides = array<i32>} : memref<16x128xi32, #tpu.memory_space<vmem>>, vector<16xi32>,
      %bitcast3A_2569 = vector.bitcast %get3A_2565 : vector<16xi32> to vector<32xbf16>
      %bitcast3A_2570 = vector.bitcast %get3A_2568 : vector<16xi32> to vector<32xbf16>
      %mul3A_2571 = arith.mulf %bitcast3A_2569, %bitcast3A_2570 : vector<32xbf16>
      %get3A_2572 = arith.index_cast %add3A_2544 : i32 to index
      %get3A_2573 = arith.constant 48 : index
      %get3A_2574 = tpu.vector_load %arg11[%get3A_2572, %get3A_2573] {strides = array<i32>} : memref<16x128xi32, #tpu.memory_space<vmem>>, vector<16xi32>,
      %get3A_2575 = arith.index_cast %add3A_2544 : i32 to index
      %get3A_2576 = arith.constant 48 : index
      %get3A_2577 = tpu.vector_load %arg12[%get3A_2575, %get3A_2576] {strides = array<i32>} : memref<16x128xi32, #tpu.memory_space<vmem>>, vector<16xi32>,
      %bitcast3A_2578 = vector.bitcast %get3A_2574 : vector<16xi32> to vector<32xbf16>
      %bitcast3A_2579 = vector.bitcast %get3A_2577 : vector<16xi32> to vector<32xbf16>
      %mul3A_2580 = arith.mulf %bitcast3A_2578, %bitcast3A_2579 : vector<32xbf16>
      %get3A_2581 = arith.index_cast %add3A_2544 : i32 to index
      %get3A_2582 = arith.constant 64 : index
      %get3A_2583 = tpu.vector_load %arg11[%get3A_2581, %get3A_2582] {strides = array<i32>} : memref<16x128xi32, #tpu.memory_space<vmem>>, vector<16xi32>,
      %get3A_2584 = arith.index_cast %add3A_2544 : i32 to index
      %get3A_2585 = arith.constant 64 : index
      %get3A_2586 = tpu.vector_load %arg12[%get3A_2584, %get3A_2585] {strides = array<i32>} : memref<16x128xi32, #tpu.memory_space<vmem>>, vector<16xi32>,
      %bitcast3A_2587 = vector.bitcast %get3A_2583 : vector<16xi32> to vector<32xbf16>
      %bitcast3A_2588 = vector.bitcast %get3A_2586 : vector<16xi32> to vector<32xbf16>
      %mul3A_2589 = arith.mulf %bitcast3A_2587, %bitcast3A_2588 : vector<32xbf16>
      %get3A_2590 = arith.index_cast %add3A_2544 : i32 to index
      %get3A_2591 = arith.constant 80 : index
      %get3A_2592 = tpu.vector_load %arg11[%get3A_2590, %get3A_2591] {strides = array<i32>} : memref<16x128xi32, #tpu.memory_space<vmem>>, vector<16xi32>,
      %get3A_2593 = arith.index_cast %add3A_2544 : i32 to index
      %get3A_2594 = arith.constant 80 : index
      %get3A_2595 = tpu.vector_load %arg12[%get3A_2593, %get3A_2594] {strides = array<i32>} : memref<16x128xi32, #tpu.memory_space<vmem>>, vector<16xi32>,
      %bitcast3A_2596 = vector.bitcast %get3A_2592 : vector<16xi32> to vector<32xbf16>
      %bitcast3A_2597 = vector.bitcast %get3A_2595 : vector<16xi32> to vector<32xbf16>
      %mul3A_2598 = arith.mulf %bitcast3A_2596, %bitcast3A_2597 : vector<32xbf16>
      %get3A_2599 = arith.index_cast %add3A_2544 : i32 to index
      %get3A_2600 = arith.constant 96 : index
      %get3A_2601 = tpu.vector_load %arg11[%get3A_2599, %get3A_2600] {strides = array<i32>} : memref<16x128xi32, #tpu.memory_space<vmem>>, vector<16xi32>,
      %get3A_2602 = arith.index_cast %add3A_2544 : i32 to index
      %get3A_2603 = arith.constant 96 : index
      %get3A_2604 = tpu.vector_load %arg12[%get3A_2602, %get3A_2603] {strides = array<i32>} : memref<16x128xi32, #tpu.memory_space<vmem>>, vector<16xi32>,
      %bitcast3A_2605 = vector.bitcast %get3A_2601 : vector<16xi32> to vector<32xbf16>
      %bitcast3A_2606 = vector.bitcast %get3A_2604 : vector<16xi32> to vector<32xbf16>
      %mul3A_2607 = arith.mulf %bitcast3A_2605, %bitcast3A_2606 : vector<32xbf16>
      %get3A_2608 = arith.index_cast %add3A_2544 : i32 to index
      %get3A_2609 = arith.constant 112 : index
      %get3A_2610 = tpu.vector_load %arg11[%get3A_2608, %get3A_2609] {strides = array<i32>} : memref<16x128xi32, #tpu.memory_space<vmem>>, vector<16xi32>,
      %get3A_2611 = arith.index_cast %add3A_2544 : i32 to index
      %get3A_2612 = arith.constant 112 : index
      %get3A_2613 = tpu.vector_load %arg12[%get3A_2611, %get3A_2612] {strides = array<i32>} : memref<16x128xi32, #tpu.memory_space<vmem>>, vector<16xi32>,
      %bitcast3A_2614 = vector.bitcast %get3A_2610 : vector<16xi32> to vector<32xbf16>
      %bitcast3A_2615 = vector.bitcast %get3A_2613 : vector<16xi32> to vector<32xbf16>
      %mul3A_2616 = arith.mulf %bitcast3A_2614, %bitcast3A_2615 : vector<32xbf16>
      %add3A_2617 = arith.addf %mul3A_2553, %mul3A_2562 : vector<32xbf16>
      %add3A_2618 = arith.addf %mul3A_2571, %mul3A_2580 : vector<32xbf16>
      %add3A_2619 = arith.addf %mul3A_2589, %mul3A_2598 : vector<32xbf16>
      %add3A_2620 = arith.addf %mul3A_2607, %mul3A_2616 : vector<32xbf16>
      %add3A_2621 = arith.addf %add3A_2617, %add3A_2618 : vector<32xbf16>
      %add3A_2622 = arith.addf %add3A_2619, %add3A_2620 : vector<32xbf16>
      %add3A_2623 = arith.addf %add3A_2621, %add3A_2622 : vector<32xbf16>
      %bitcast3A_2624 = vector.bitcast %add3A_2623 : vector<32xbf16> to vector<16xi32>
      %shift_left3A_2625 = arith.constant 16 : i32
      %shift_left3A_2626 = vector.broadcast %shift_left3A_2625 : i32 to vector<16xi32>
      %shift_left3A_2627 = arith.shli %bitcast3A_2624, %shift_left3A_2626 : vector<16xi32>
      %bitcast3A_2628 = vector.bitcast %shift_left3A_2627 : vector<16xi32> to vector<16xf32>
      %and3A_2629 = arith.constant -65536 : i32
      %and3A_2630 = vector.broadcast %and3A_2629 : i32 to vector<16xi32>
      %and3A_2631 = arith.andi %bitcast3A_2624, %and3A_2630 : vector<16xi32>
      %bitcast3A_2632 = vector.bitcast %and3A_2631 : vector<16xi32> to vector<16xf32>
      %add3A_2633 = arith.addf %bitcast3A_2628, %bitcast3A_2632 : vector<16xf32>
      %reduce_sum3A_2634 = arith.constant true
      %reduce_sum3A_2635 = vector.broadcast %reduce_sum3A_2634 : i1 to vector<16xi1>
      %reduce_sum3A_2636 = tpu.scan <sum>, %add3A_2633 masked %reduce_sum3A_2635 : vector<16xf32>, vector<16xi1> -> vector<16xf32>
      %reduce_sum3A_2637 = vector.extract %reduce_sum3A_2636[15] : f32 from vector<16xf32>
      %eq3A_2638 = arith.constant 7 : i32
      %eq3A_2639 = vector.broadcast %eq3A_2638 : i32 to vector<16xi32>
      %eq3A_2640 = arith.cmpi eq, %iota3A, %eq3A_2639 : vector<16xi32>
      %broadcast_in_dim3A_2641 = vector.broadcast %reduce_sum3A_2637 : f32 to vector<16xf32>
      %select_n3A_2642 = arith.select %eq3A_2640, %broadcast_in_dim3A_2641, %select_n3A_2540 : vector<16xi1>, vector<16xf32>
      %mul3A_2643 = arith.constant 16 : i32
      %mul3A_2644 = arith.muli %scan3A_1824, %mul3A_2643 : i32
      %add3A_2645 = arith.constant 8 : i32
      %add3A_2646 = arith.addi %mul3A_2644, %add3A_2645 : i32
      %get3A_2647 = arith.index_cast %add3A_2646 : i32 to index
      %get3A_2648 = arith.constant 0 : index
      %get3A_2649 = tpu.vector_load %arg11[%get3A_2647, %get3A_2648] {strides = array<i32>} : memref<16x128xi32, #tpu.memory_space<vmem>>, vector<16xi32>,
      %get3A_2650 = arith.index_cast %add3A_2646 : i32 to index
      %get3A_2651 = arith.constant 0 : index
      %get3A_2652 = tpu.vector_load %arg12[%get3A_2650, %get3A_2651] {strides = array<i32>} : memref<16x128xi32, #tpu.memory_space<vmem>>, vector<16xi32>,
      %bitcast3A_2653 = vector.bitcast %get3A_2649 : vector<16xi32> to vector<32xbf16>
      %bitcast3A_2654 = vector.bitcast %get3A_2652 : vector<16xi32> to vector<32xbf16>
      %mul3A_2655 = arith.mulf %bitcast3A_2653, %bitcast3A_2654 : vector<32xbf16>
      %get3A_2656 = arith.index_cast %add3A_2646 : i32 to index
      %get3A_2657 = arith.constant 16 : index
      %get3A_2658 = tpu.vector_load %arg11[%get3A_2656, %get3A_2657] {strides = array<i32>} : memref<16x128xi32, #tpu.memory_space<vmem>>, vector<16xi32>,
      %get3A_2659 = arith.index_cast %add3A_2646 : i32 to index
      %get3A_2660 = arith.constant 16 : index
      %get3A_2661 = tpu.vector_load %arg12[%get3A_2659, %get3A_2660] {strides = array<i32>} : memref<16x128xi32, #tpu.memory_space<vmem>>, vector<16xi32>,
      %bitcast3A_2662 = vector.bitcast %get3A_2658 : vector<16xi32> to vector<32xbf16>
      %bitcast3A_2663 = vector.bitcast %get3A_2661 : vector<16xi32> to vector<32xbf16>
      %mul3A_2664 = arith.mulf %bitcast3A_2662, %bitcast3A_2663 : vector<32xbf16>
      %get3A_2665 = arith.index_cast %add3A_2646 : i32 to index
      %get3A_2666 = arith.constant 32 : index
      %get3A_2667 = tpu.vector_load %arg11[%get3A_2665, %get3A_2666] {strides = array<i32>} : memref<16x128xi32, #tpu.memory_space<vmem>>, vector<16xi32>,
      %get3A_2668 = arith.index_cast %add3A_2646 : i32 to index
      %get3A_2669 = arith.constant 32 : index
      %get3A_2670 = tpu.vector_load %arg12[%get3A_2668, %get3A_2669] {strides = array<i32>} : memref<16x128xi32, #tpu.memory_space<vmem>>, vector<16xi32>,
      %bitcast3A_2671 = vector.bitcast %get3A_2667 : vector<16xi32> to vector<32xbf16>
      %bitcast3A_2672 = vector.bitcast %get3A_2670 : vector<16xi32> to vector<32xbf16>
      %mul3A_2673 = arith.mulf %bitcast3A_2671, %bitcast3A_2672 : vector<32xbf16>
      %get3A_2674 = arith.index_cast %add3A_2646 : i32 to index
      %get3A_2675 = arith.constant 48 : index
      %get3A_2676 = tpu.vector_load %arg11[%get3A_2674, %get3A_2675] {strides = array<i32>} : memref<16x128xi32, #tpu.memory_space<vmem>>, vector<16xi32>,
      %get3A_2677 = arith.index_cast %add3A_2646 : i32 to index
      %get3A_2678 = arith.constant 48 : index
      %get3A_2679 = tpu.vector_load %arg12[%get3A_2677, %get3A_2678] {strides = array<i32>} : memref<16x128xi32, #tpu.memory_space<vmem>>, vector<16xi32>,
      %bitcast3A_2680 = vector.bitcast %get3A_2676 : vector<16xi32> to vector<32xbf16>
      %bitcast3A_2681 = vector.bitcast %get3A_2679 : vector<16xi32> to vector<32xbf16>
      %mul3A_2682 = arith.mulf %bitcast3A_2680, %bitcast3A_2681 : vector<32xbf16>
      %get3A_2683 = arith.index_cast %add3A_2646 : i32 to index
      %get3A_2684 = arith.constant 64 : index
      %get3A_2685 = tpu.vector_load %arg11[%get3A_2683, %get3A_2684] {strides = array<i32>} : memref<16x128xi32, #tpu.memory_space<vmem>>, vector<16xi32>,
      %get3A_2686 = arith.index_cast %add3A_2646 : i32 to index
      %get3A_2687 = arith.constant 64 : index
      %get3A_2688 = tpu.vector_load %arg12[%get3A_2686, %get3A_2687] {strides = array<i32>} : memref<16x128xi32, #tpu.memory_space<vmem>>, vector<16xi32>,
      %bitcast3A_2689 = vector.bitcast %get3A_2685 : vector<16xi32> to vector<32xbf16>
      %bitcast3A_2690 = vector.bitcast %get3A_2688 : vector<16xi32> to vector<32xbf16>
      %mul3A_2691 = arith.mulf %bitcast3A_2689, %bitcast3A_2690 : vector<32xbf16>
      %get3A_2692 = arith.index_cast %add3A_2646 : i32 to index
      %get3A_2693 = arith.constant 80 : index
      %get3A_2694 = tpu.vector_load %arg11[%get3A_2692, %get3A_2693] {strides = array<i32>} : memref<16x128xi32, #tpu.memory_space<vmem>>, vector<16xi32>,
      %get3A_2695 = arith.index_cast %add3A_2646 : i32 to index
      %get3A_2696 = arith.constant 80 : index
      %get3A_2697 = tpu.vector_load %arg12[%get3A_2695, %get3A_2696] {strides = array<i32>} : memref<16x128xi32, #tpu.memory_space<vmem>>, vector<16xi32>,
      %bitcast3A_2698 = vector.bitcast %get3A_2694 : vector<16xi32> to vector<32xbf16>
      %bitcast3A_2699 = vector.bitcast %get3A_2697 : vector<16xi32> to vector<32xbf16>
      %mul3A_2700 = arith.mulf %bitcast3A_2698, %bitcast3A_2699 : vector<32xbf16>
      %get3A_2701 = arith.index_cast %add3A_2646 : i32 to index
      %get3A_2702 = arith.constant 96 : index
      %get3A_2703 = tpu.vector_load %arg11[%get3A_2701, %get3A_2702] {strides = array<i32>} : memref<16x128xi32, #tpu.memory_space<vmem>>, vector<16xi32>,
      %get3A_2704 = arith.index_cast %add3A_2646 : i32 to index
      %get3A_2705 = arith.constant 96 : index
      %get3A_2706 = tpu.vector_load %arg12[%get3A_2704, %get3A_2705] {strides = array<i32>} : memref<16x128xi32, #tpu.memory_space<vmem>>, vector<16xi32>,
      %bitcast3A_2707 = vector.bitcast %get3A_2703 : vector<16xi32> to vector<32xbf16>
      %bitcast3A_2708 = vector.bitcast %get3A_2706 : vector<16xi32> to vector<32xbf16>
      %mul3A_2709 = arith.mulf %bitcast3A_2707, %bitcast3A_2708 : vector<32xbf16>
      %get3A_2710 = arith.index_cast %add3A_2646 : i32 to index
      %get3A_2711 = arith.constant 112 : index
      %get3A_2712 = tpu.vector_load %arg11[%get3A_2710, %get3A_2711] {strides = array<i32>} : memref<16x128xi32, #tpu.memory_space<vmem>>, vector<16xi32>,
      %get3A_2713 = arith.index_cast %add3A_2646 : i32 to index
      %get3A_2714 = arith.constant 112 : index
      %get3A_2715 = tpu.vector_load %arg12[%get3A_2713, %get3A_2714] {strides = array<i32>} : memref<16x128xi32, #tpu.memory_space<vmem>>, vector<16xi32>,
      %bitcast3A_2716 = vector.bitcast %get3A_2712 : vector<16xi32> to vector<32xbf16>
      %bitcast3A_2717 = vector.bitcast %get3A_2715 : vector<16xi32> to vector<32xbf16>
      %mul3A_2718 = arith.mulf %bitcast3A_2716, %bitcast3A_2717 : vector<32xbf16>
      %add3A_2719 = arith.addf %mul3A_2655, %mul3A_2664 : vector<32xbf16>
      %add3A_2720 = arith.addf %mul3A_2673, %mul3A_2682 : vector<32xbf16>
      %add3A_2721 = arith.addf %mul3A_2691, %mul3A_2700 : vector<32xbf16>
      %add3A_2722 = arith.addf %mul3A_2709, %mul3A_2718 : vector<32xbf16>
      %add3A_2723 = arith.addf %add3A_2719, %add3A_2720 : vector<32xbf16>
      %add3A_2724 = arith.addf %add3A_2721, %add3A_2722 : vector<32xbf16>
      %add3A_2725 = arith.addf %add3A_2723, %add3A_2724 : vector<32xbf16>
      %bitcast3A_2726 = vector.bitcast %add3A_2725 : vector<32xbf16> to vector<16xi32>
      %shift_left3A_2727 = arith.constant 16 : i32
      %shift_left3A_2728 = vector.broadcast %shift_left3A_2727 : i32 to vector<16xi32>
      %shift_left3A_2729 = arith.shli %bitcast3A_2726, %shift_left3A_2728 : vector<16xi32>
      %bitcast3A_2730 = vector.bitcast %shift_left3A_2729 : vector<16xi32> to vector<16xf32>
      %and3A_2731 = arith.constant -65536 : i32
      %and3A_2732 = vector.broadcast %and3A_2731 : i32 to vector<16xi32>
      %and3A_2733 = arith.andi %bitcast3A_2726, %and3A_2732 : vector<16xi32>
      %bitcast3A_2734 = vector.bitcast %and3A_2733 : vector<16xi32> to vector<16xf32>
      %add3A_2735 = arith.addf %bitcast3A_2730, %bitcast3A_2734 : vector<16xf32>
      %reduce_sum3A_2736 = arith.constant true
      %reduce_sum3A_2737 = vector.broadcast %reduce_sum3A_2736 : i1 to vector<16xi1>
      %reduce_sum3A_2738 = tpu.scan <sum>, %add3A_2735 masked %reduce_sum3A_2737 : vector<16xf32>, vector<16xi1> -> vector<16xf32>
      %reduce_sum3A_2739 = vector.extract %reduce_sum3A_2738[15] : f32 from vector<16xf32>
      %eq3A_2740 = arith.constant 8 : i32
      %eq3A_2741 = vector.broadcast %eq3A_2740 : i32 to vector<16xi32>
      %eq3A_2742 = arith.cmpi eq, %iota3A, %eq3A_2741 : vector<16xi32>
      %broadcast_in_dim3A_2743 = vector.broadcast %reduce_sum3A_2739 : f32 to vector<16xf32>
      %select_n3A_2744 = arith.select %eq3A_2742, %broadcast_in_dim3A_2743, %select_n3A_2642 : vector<16xi1>, vector<16xf32>
      %mul3A_2745 = arith.constant 16 : i32
      %mul3A_2746 = arith.muli %scan3A_1824, %mul3A_2745 : i32
      %add3A_2747 = arith.constant 9 : i32
      %add3A_2748 = arith.addi %mul3A_2746, %add3A_2747 : i32
      %get3A_2749 = arith.index_cast %add3A_2748 : i32 to index
      %get3A_2750 = arith.constant 0 : index
      %get3A_2751 = tpu.vector_load %arg11[%get3A_2749, %get3A_2750] {strides = array<i32>} : memref<16x128xi32, #tpu.memory_space<vmem>>, vector<16xi32>,
      %get3A_2752 = arith.index_cast %add3A_2748 : i32 to index
      %get3A_2753 = arith.constant 0 : index
      %get3A_2754 = tpu.vector_load %arg12[%get3A_2752, %get3A_2753] {strides = array<i32>} : memref<16x128xi32, #tpu.memory_space<vmem>>, vector<16xi32>,
      %bitcast3A_2755 = vector.bitcast %get3A_2751 : vector<16xi32> to vector<32xbf16>
      %bitcast3A_2756 = vector.bitcast %get3A_2754 : vector<16xi32> to vector<32xbf16>
      %mul3A_2757 = arith.mulf %bitcast3A_2755, %bitcast3A_2756 : vector<32xbf16>
      %get3A_2758 = arith.index_cast %add3A_2748 : i32 to index
      %get3A_2759 = arith.constant 16 : index
      %get3A_2760 = tpu.vector_load %arg11[%get3A_2758, %get3A_2759] {strides = array<i32>} : memref<16x128xi32, #tpu.memory_space<vmem>>, vector<16xi32>,
      %get3A_2761 = arith.index_cast %add3A_2748 : i32 to index
      %get3A_2762 = arith.constant 16 : index
      %get3A_2763 = tpu.vector_load %arg12[%get3A_2761, %get3A_2762] {strides = array<i32>} : memref<16x128xi32, #tpu.memory_space<vmem>>, vector<16xi32>,
      %bitcast3A_2764 = vector.bitcast %get3A_2760 : vector<16xi32> to vector<32xbf16>
      %bitcast3A_2765 = vector.bitcast %get3A_2763 : vector<16xi32> to vector<32xbf16>
      %mul3A_2766 = arith.mulf %bitcast3A_2764, %bitcast3A_2765 : vector<32xbf16>
      %get3A_2767 = arith.index_cast %add3A_2748 : i32 to index
      %get3A_2768 = arith.constant 32 : index
      %get3A_2769 = tpu.vector_load %arg11[%get3A_2767, %get3A_2768] {strides = array<i32>} : memref<16x128xi32, #tpu.memory_space<vmem>>, vector<16xi32>,
      %get3A_2770 = arith.index_cast %add3A_2748 : i32 to index
      %get3A_2771 = arith.constant 32 : index
      %get3A_2772 = tpu.vector_load %arg12[%get3A_2770, %get3A_2771] {strides = array<i32>} : memref<16x128xi32, #tpu.memory_space<vmem>>, vector<16xi32>,
      %bitcast3A_2773 = vector.bitcast %get3A_2769 : vector<16xi32> to vector<32xbf16>
      %bitcast3A_2774 = vector.bitcast %get3A_2772 : vector<16xi32> to vector<32xbf16>
      %mul3A_2775 = arith.mulf %bitcast3A_2773, %bitcast3A_2774 : vector<32xbf16>
      %get3A_2776 = arith.index_cast %add3A_2748 : i32 to index
      %get3A_2777 = arith.constant 48 : index
      %get3A_2778 = tpu.vector_load %arg11[%get3A_2776, %get3A_2777] {strides = array<i32>} : memref<16x128xi32, #tpu.memory_space<vmem>>, vector<16xi32>,
      %get3A_2779 = arith.index_cast %add3A_2748 : i32 to index
      %get3A_2780 = arith.constant 48 : index
      %get3A_2781 = tpu.vector_load %arg12[%get3A_2779, %get3A_2780] {strides = array<i32>} : memref<16x128xi32, #tpu.memory_space<vmem>>, vector<16xi32>,
      %bitcast3A_2782 = vector.bitcast %get3A_2778 : vector<16xi32> to vector<32xbf16>
      %bitcast3A_2783 = vector.bitcast %get3A_2781 : vector<16xi32> to vector<32xbf16>
      %mul3A_2784 = arith.mulf %bitcast3A_2782, %bitcast3A_2783 : vector<32xbf16>
      %get3A_2785 = arith.index_cast %add3A_2748 : i32 to index
      %get3A_2786 = arith.constant 64 : index
      %get3A_2787 = tpu.vector_load %arg11[%get3A_2785, %get3A_2786] {strides = array<i32>} : memref<16x128xi32, #tpu.memory_space<vmem>>, vector<16xi32>,
      %get3A_2788 = arith.index_cast %add3A_2748 : i32 to index
      %get3A_2789 = arith.constant 64 : index
      %get3A_2790 = tpu.vector_load %arg12[%get3A_2788, %get3A_2789] {strides = array<i32>} : memref<16x128xi32, #tpu.memory_space<vmem>>, vector<16xi32>,
      %bitcast3A_2791 = vector.bitcast %get3A_2787 : vector<16xi32> to vector<32xbf16>
      %bitcast3A_2792 = vector.bitcast %get3A_2790 : vector<16xi32> to vector<32xbf16>
      %mul3A_2793 = arith.mulf %bitcast3A_2791, %bitcast3A_2792 : vector<32xbf16>
      %get3A_2794 = arith.index_cast %add3A_2748 : i32 to index
      %get3A_2795 = arith.constant 80 : index
      %get3A_2796 = tpu.vector_load %arg11[%get3A_2794, %get3A_2795] {strides = array<i32>} : memref<16x128xi32, #tpu.memory_space<vmem>>, vector<16xi32>,
      %get3A_2797 = arith.index_cast %add3A_2748 : i32 to index
      %get3A_2798 = arith.constant 80 : index
      %get3A_2799 = tpu.vector_load %arg12[%get3A_2797, %get3A_2798] {strides = array<i32>} : memref<16x128xi32, #tpu.memory_space<vmem>>, vector<16xi32>,
      %bitcast3A_2800 = vector.bitcast %get3A_2796 : vector<16xi32> to vector<32xbf16>
      %bitcast3A_2801 = vector.bitcast %get3A_2799 : vector<16xi32> to vector<32xbf16>
      %mul3A_2802 = arith.mulf %bitcast3A_2800, %bitcast3A_2801 : vector<32xbf16>
      %get3A_2803 = arith.index_cast %add3A_2748 : i32 to index
      %get3A_2804 = arith.constant 96 : index
      %get3A_2805 = tpu.vector_load %arg11[%get3A_2803, %get3A_2804] {strides = array<i32>} : memref<16x128xi32, #tpu.memory_space<vmem>>, vector<16xi32>,
      %get3A_2806 = arith.index_cast %add3A_2748 : i32 to index
      %get3A_2807 = arith.constant 96 : index
      %get3A_2808 = tpu.vector_load %arg12[%get3A_2806, %get3A_2807] {strides = array<i32>} : memref<16x128xi32, #tpu.memory_space<vmem>>, vector<16xi32>,
      %bitcast3A_2809 = vector.bitcast %get3A_2805 : vector<16xi32> to vector<32xbf16>
      %bitcast3A_2810 = vector.bitcast %get3A_2808 : vector<16xi32> to vector<32xbf16>
      %mul3A_2811 = arith.mulf %bitcast3A_2809, %bitcast3A_2810 : vector<32xbf16>
      %get3A_2812 = arith.index_cast %add3A_2748 : i32 to index
      %get3A_2813 = arith.constant 112 : index
      %get3A_2814 = tpu.vector_load %arg11[%get3A_2812, %get3A_2813] {strides = array<i32>} : memref<16x128xi32, #tpu.memory_space<vmem>>, vector<16xi32>,
      %get3A_2815 = arith.index_cast %add3A_2748 : i32 to index
      %get3A_2816 = arith.constant 112 : index
      %get3A_2817 = tpu.vector_load %arg12[%get3A_2815, %get3A_2816] {strides = array<i32>} : memref<16x128xi32, #tpu.memory_space<vmem>>, vector<16xi32>,
      %bitcast3A_2818 = vector.bitcast %get3A_2814 : vector<16xi32> to vector<32xbf16>
      %bitcast3A_2819 = vector.bitcast %get3A_2817 : vector<16xi32> to vector<32xbf16>
      %mul3A_2820 = arith.mulf %bitcast3A_2818, %bitcast3A_2819 : vector<32xbf16>
      %add3A_2821 = arith.addf %mul3A_2757, %mul3A_2766 : vector<32xbf16>
      %add3A_2822 = arith.addf %mul3A_2775, %mul3A_2784 : vector<32xbf16>
      %add3A_2823 = arith.addf %mul3A_2793, %mul3A_2802 : vector<32xbf16>
      %add3A_2824 = arith.addf %mul3A_2811, %mul3A_2820 : vector<32xbf16>
      %add3A_2825 = arith.addf %add3A_2821, %add3A_2822 : vector<32xbf16>
      %add3A_2826 = arith.addf %add3A_2823, %add3A_2824 : vector<32xbf16>
      %add3A_2827 = arith.addf %add3A_2825, %add3A_2826 : vector<32xbf16>
      %bitcast3A_2828 = vector.bitcast %add3A_2827 : vector<32xbf16> to vector<16xi32>
      %shift_left3A_2829 = arith.constant 16 : i32
      %shift_left3A_2830 = vector.broadcast %shift_left3A_2829 : i32 to vector<16xi32>
      %shift_left3A_2831 = arith.shli %bitcast3A_2828, %shift_left3A_2830 : vector<16xi32>
      %bitcast3A_2832 = vector.bitcast %shift_left3A_2831 : vector<16xi32> to vector<16xf32>
      %and3A_2833 = arith.constant -65536 : i32
      %and3A_2834 = vector.broadcast %and3A_2833 : i32 to vector<16xi32>
      %and3A_2835 = arith.andi %bitcast3A_2828, %and3A_2834 : vector<16xi32>
      %bitcast3A_2836 = vector.bitcast %and3A_2835 : vector<16xi32> to vector<16xf32>
      %add3A_2837 = arith.addf %bitcast3A_2832, %bitcast3A_2836 : vector<16xf32>
      %reduce_sum3A_2838 = arith.constant true
      %reduce_sum3A_2839 = vector.broadcast %reduce_sum3A_2838 : i1 to vector<16xi1>
      %reduce_sum3A_2840 = tpu.scan <sum>, %add3A_2837 masked %reduce_sum3A_2839 : vector<16xf32>, vector<16xi1> -> vector<16xf32>
      %reduce_sum3A_2841 = vector.extract %reduce_sum3A_2840[15] : f32 from vector<16xf32>
      %eq3A_2842 = arith.constant 9 : i32
      %eq3A_2843 = vector.broadcast %eq3A_2842 : i32 to vector<16xi32>
      %eq3A_2844 = arith.cmpi eq, %iota3A, %eq3A_2843 : vector<16xi32>
      %broadcast_in_dim3A_2845 = vector.broadcast %reduce_sum3A_2841 : f32 to vector<16xf32>
      %select_n3A_2846 = arith.select %eq3A_2844, %broadcast_in_dim3A_2845, %select_n3A_2744 : vector<16xi1>, vector<16xf32>
      %mul3A_2847 = arith.constant 16 : i32
      %mul3A_2848 = arith.muli %scan3A_1824, %mul3A_2847 : i32
      %add3A_2849 = arith.constant 10 : i32
      %add3A_2850 = arith.addi %mul3A_2848, %add3A_2849 : i32
      %get3A_2851 = arith.index_cast %add3A_2850 : i32 to index
      %get3A_2852 = arith.constant 0 : index
      %get3A_2853 = tpu.vector_load %arg11[%get3A_2851, %get3A_2852] {strides = array<i32>} : memref<16x128xi32, #tpu.memory_space<vmem>>, vector<16xi32>,
      %get3A_2854 = arith.index_cast %add3A_2850 : i32 to index
      %get3A_2855 = arith.constant 0 : index
      %get3A_2856 = tpu.vector_load %arg12[%get3A_2854, %get3A_2855] {strides = array<i32>} : memref<16x128xi32, #tpu.memory_space<vmem>>, vector<16xi32>,
      %bitcast3A_2857 = vector.bitcast %get3A_2853 : vector<16xi32> to vector<32xbf16>
      %bitcast3A_2858 = vector.bitcast %get3A_2856 : vector<16xi32> to vector<32xbf16>
      %mul3A_2859 = arith.mulf %bitcast3A_2857, %bitcast3A_2858 : vector<32xbf16>
      %get3A_2860 = arith.index_cast %add3A_2850 : i32 to index
      %get3A_2861 = arith.constant 16 : index
      %get3A_2862 = tpu.vector_load %arg11[%get3A_2860, %get3A_2861] {strides = array<i32>} : memref<16x128xi32, #tpu.memory_space<vmem>>, vector<16xi32>,
      %get3A_2863 = arith.index_cast %add3A_2850 : i32 to index
      %get3A_2864 = arith.constant 16 : index
      %get3A_2865 = tpu.vector_load %arg12[%get3A_2863, %get3A_2864] {strides = array<i32>} : memref<16x128xi32, #tpu.memory_space<vmem>>, vector<16xi32>,
      %bitcast3A_2866 = vector.bitcast %get3A_2862 : vector<16xi32> to vector<32xbf16>
      %bitcast3A_2867 = vector.bitcast %get3A_2865 : vector<16xi32> to vector<32xbf16>
      %mul3A_2868 = arith.mulf %bitcast3A_2866, %bitcast3A_2867 : vector<32xbf16>
      %get3A_2869 = arith.index_cast %add3A_2850 : i32 to index
      %get3A_2870 = arith.constant 32 : index
      %get3A_2871 = tpu.vector_load %arg11[%get3A_2869, %get3A_2870] {strides = array<i32>} : memref<16x128xi32, #tpu.memory_space<vmem>>, vector<16xi32>,
      %get3A_2872 = arith.index_cast %add3A_2850 : i32 to index
      %get3A_2873 = arith.constant 32 : index
      %get3A_2874 = tpu.vector_load %arg12[%get3A_2872, %get3A_2873] {strides = array<i32>} : memref<16x128xi32, #tpu.memory_space<vmem>>, vector<16xi32>,
      %bitcast3A_2875 = vector.bitcast %get3A_2871 : vector<16xi32> to vector<32xbf16>
      %bitcast3A_2876 = vector.bitcast %get3A_2874 : vector<16xi32> to vector<32xbf16>
      %mul3A_2877 = arith.mulf %bitcast3A_2875, %bitcast3A_2876 : vector<32xbf16>
      %get3A_2878 = arith.index_cast %add3A_2850 : i32 to index
      %get3A_2879 = arith.constant 48 : index
      %get3A_2880 = tpu.vector_load %arg11[%get3A_2878, %get3A_2879] {strides = array<i32>} : memref<16x128xi32, #tpu.memory_space<vmem>>, vector<16xi32>,
      %get3A_2881 = arith.index_cast %add3A_2850 : i32 to index
      %get3A_2882 = arith.constant 48 : index
      %get3A_2883 = tpu.vector_load %arg12[%get3A_2881, %get3A_2882] {strides = array<i32>} : memref<16x128xi32, #tpu.memory_space<vmem>>, vector<16xi32>,
      %bitcast3A_2884 = vector.bitcast %get3A_2880 : vector<16xi32> to vector<32xbf16>
      %bitcast3A_2885 = vector.bitcast %get3A_2883 : vector<16xi32> to vector<32xbf16>
      %mul3A_2886 = arith.mulf %bitcast3A_2884, %bitcast3A_2885 : vector<32xbf16>
      %get3A_2887 = arith.index_cast %add3A_2850 : i32 to index
      %get3A_2888 = arith.constant 64 : index
      %get3A_2889 = tpu.vector_load %arg11[%get3A_2887, %get3A_2888] {strides = array<i32>} : memref<16x128xi32, #tpu.memory_space<vmem>>, vector<16xi32>,
      %get3A_2890 = arith.index_cast %add3A_2850 : i32 to index
      %get3A_2891 = arith.constant 64 : index
      %get3A_2892 = tpu.vector_load %arg12[%get3A_2890, %get3A_2891] {strides = array<i32>} : memref<16x128xi32, #tpu.memory_space<vmem>>, vector<16xi32>,
      %bitcast3A_2893 = vector.bitcast %get3A_2889 : vector<16xi32> to vector<32xbf16>
      %bitcast3A_2894 = vector.bitcast %get3A_2892 : vector<16xi32> to vector<32xbf16>
      %mul3A_2895 = arith.mulf %bitcast3A_2893, %bitcast3A_2894 : vector<32xbf16>
      %get3A_2896 = arith.index_cast %add3A_2850 : i32 to index
      %get3A_2897 = arith.constant 80 : index
      %get3A_2898 = tpu.vector_load %arg11[%get3A_2896, %get3A_2897] {strides = array<i32>} : memref<16x128xi32, #tpu.memory_space<vmem>>, vector<16xi32>,
      %get3A_2899 = arith.index_cast %add3A_2850 : i32 to index
      %get3A_2900 = arith.constant 80 : index
      %get3A_2901 = tpu.vector_load %arg12[%get3A_2899, %get3A_2900] {strides = array<i32>} : memref<16x128xi32, #tpu.memory_space<vmem>>, vector<16xi32>,
      %bitcast3A_2902 = vector.bitcast %get3A_2898 : vector<16xi32> to vector<32xbf16>
      %bitcast3A_2903 = vector.bitcast %get3A_2901 : vector<16xi32> to vector<32xbf16>
      %mul3A_2904 = arith.mulf %bitcast3A_2902, %bitcast3A_2903 : vector<32xbf16>
      %get3A_2905 = arith.index_cast %add3A_2850 : i32 to index
      %get3A_2906 = arith.constant 96 : index
      %get3A_2907 = tpu.vector_load %arg11[%get3A_2905, %get3A_2906] {strides = array<i32>} : memref<16x128xi32, #tpu.memory_space<vmem>>, vector<16xi32>,
      %get3A_2908 = arith.index_cast %add3A_2850 : i32 to index
      %get3A_2909 = arith.constant 96 : index
      %get3A_2910 = tpu.vector_load %arg12[%get3A_2908, %get3A_2909] {strides = array<i32>} : memref<16x128xi32, #tpu.memory_space<vmem>>, vector<16xi32>,
      %bitcast3A_2911 = vector.bitcast %get3A_2907 : vector<16xi32> to vector<32xbf16>
      %bitcast3A_2912 = vector.bitcast %get3A_2910 : vector<16xi32> to vector<32xbf16>
      %mul3A_2913 = arith.mulf %bitcast3A_2911, %bitcast3A_2912 : vector<32xbf16>
      %get3A_2914 = arith.index_cast %add3A_2850 : i32 to index
      %get3A_2915 = arith.constant 112 : index
      %get3A_2916 = tpu.vector_load %arg11[%get3A_2914, %get3A_2915] {strides = array<i32>} : memref<16x128xi32, #tpu.memory_space<vmem>>, vector<16xi32>,
      %get3A_2917 = arith.index_cast %add3A_2850 : i32 to index
      %get3A_2918 = arith.constant 112 : index
      %get3A_2919 = tpu.vector_load %arg12[%get3A_2917, %get3A_2918] {strides = array<i32>} : memref<16x128xi32, #tpu.memory_space<vmem>>, vector<16xi32>,
      %bitcast3A_2920 = vector.bitcast %get3A_2916 : vector<16xi32> to vector<32xbf16>
      %bitcast3A_2921 = vector.bitcast %get3A_2919 : vector<16xi32> to vector<32xbf16>
      %mul3A_2922 = arith.mulf %bitcast3A_2920, %bitcast3A_2921 : vector<32xbf16>
      %add3A_2923 = arith.addf %mul3A_2859, %mul3A_2868 : vector<32xbf16>
      %add3A_2924 = arith.addf %mul3A_2877, %mul3A_2886 : vector<32xbf16>
      %add3A_2925 = arith.addf %mul3A_2895, %mul3A_2904 : vector<32xbf16>
      %add3A_2926 = arith.addf %mul3A_2913, %mul3A_2922 : vector<32xbf16>
      %add3A_2927 = arith.addf %add3A_2923, %add3A_2924 : vector<32xbf16>
      %add3A_2928 = arith.addf %add3A_2925, %add3A_2926 : vector<32xbf16>
      %add3A_2929 = arith.addf %add3A_2927, %add3A_2928 : vector<32xbf16>
      %bitcast3A_2930 = vector.bitcast %add3A_2929 : vector<32xbf16> to vector<16xi32>
      %shift_left3A_2931 = arith.constant 16 : i32
      %shift_left3A_2932 = vector.broadcast %shift_left3A_2931 : i32 to vector<16xi32>
      %shift_left3A_2933 = arith.shli %bitcast3A_2930, %shift_left3A_2932 : vector<16xi32>
      %bitcast3A_2934 = vector.bitcast %shift_left3A_2933 : vector<16xi32> to vector<16xf32>
      %and3A_2935 = arith.constant -65536 : i32
      %and3A_2936 = vector.broadcast %and3A_2935 : i32 to vector<16xi32>
      %and3A_2937 = arith.andi %bitcast3A_2930, %and3A_2936 : vector<16xi32>
      %bitcast3A_2938 = vector.bitcast %and3A_2937 : vector<16xi32> to vector<16xf32>
      %add3A_2939 = arith.addf %bitcast3A_2934, %bitcast3A_2938 : vector<16xf32>
      %reduce_sum3A_2940 = arith.constant true
      %reduce_sum3A_2941 = vector.broadcast %reduce_sum3A_2940 : i1 to vector<16xi1>
      %reduce_sum3A_2942 = tpu.scan <sum>, %add3A_2939 masked %reduce_sum3A_2941 : vector<16xf32>, vector<16xi1> -> vector<16xf32>
      %reduce_sum3A_2943 = vector.extract %reduce_sum3A_2942[15] : f32 from vector<16xf32>
      %eq3A_2944 = arith.constant 10 : i32
      %eq3A_2945 = vector.broadcast %eq3A_2944 : i32 to vector<16xi32>
      %eq3A_2946 = arith.cmpi eq, %iota3A, %eq3A_2945 : vector<16xi32>
      %broadcast_in_dim3A_2947 = vector.broadcast %reduce_sum3A_2943 : f32 to vector<16xf32>
      %select_n3A_2948 = arith.select %eq3A_2946, %broadcast_in_dim3A_2947, %select_n3A_2846 : vector<16xi1>, vector<16xf32>
      %mul3A_2949 = arith.constant 16 : i32
      %mul3A_2950 = arith.muli %scan3A_1824, %mul3A_2949 : i32
      %add3A_2951 = arith.constant 11 : i32
      %add3A_2952 = arith.addi %mul3A_2950, %add3A_2951 : i32
      %get3A_2953 = arith.index_cast %add3A_2952 : i32 to index
      %get3A_2954 = arith.constant 0 : index
      %get3A_2955 = tpu.vector_load %arg11[%get3A_2953, %get3A_2954] {strides = array<i32>} : memref<16x128xi32, #tpu.memory_space<vmem>>, vector<16xi32>,
      %get3A_2956 = arith.index_cast %add3A_2952 : i32 to index
      %get3A_2957 = arith.constant 0 : index
      %get3A_2958 = tpu.vector_load %arg12[%get3A_2956, %get3A_2957] {strides = array<i32>} : memref<16x128xi32, #tpu.memory_space<vmem>>, vector<16xi32>,
      %bitcast3A_2959 = vector.bitcast %get3A_2955 : vector<16xi32> to vector<32xbf16>
      %bitcast3A_2960 = vector.bitcast %get3A_2958 : vector<16xi32> to vector<32xbf16>
      %mul3A_2961 = arith.mulf %bitcast3A_2959, %bitcast3A_2960 : vector<32xbf16>
      %get3A_2962 = arith.index_cast %add3A_2952 : i32 to index
      %get3A_2963 = arith.constant 16 : index
      %get3A_2964 = tpu.vector_load %arg11[%get3A_2962, %get3A_2963] {strides = array<i32>} : memref<16x128xi32, #tpu.memory_space<vmem>>, vector<16xi32>,
      %get3A_2965 = arith.index_cast %add3A_2952 : i32 to index
      %get3A_2966 = arith.constant 16 : index
      %get3A_2967 = tpu.vector_load %arg12[%get3A_2965, %get3A_2966] {strides = array<i32>} : memref<16x128xi32, #tpu.memory_space<vmem>>, vector<16xi32>,
      %bitcast3A_2968 = vector.bitcast %get3A_2964 : vector<16xi32> to vector<32xbf16>
      %bitcast3A_2969 = vector.bitcast %get3A_2967 : vector<16xi32> to vector<32xbf16>
      %mul3A_2970 = arith.mulf %bitcast3A_2968, %bitcast3A_2969 : vector<32xbf16>
      %get3A_2971 = arith.index_cast %add3A_2952 : i32 to index
      %get3A_2972 = arith.constant 32 : index
      %get3A_2973 = tpu.vector_load %arg11[%get3A_2971, %get3A_2972] {strides = array<i32>} : memref<16x128xi32, #tpu.memory_space<vmem>>, vector<16xi32>,
      %get3A_2974 = arith.index_cast %add3A_2952 : i32 to index
      %get3A_2975 = arith.constant 32 : index
      %get3A_2976 = tpu.vector_load %arg12[%get3A_2974, %get3A_2975] {strides = array<i32>} : memref<16x128xi32, #tpu.memory_space<vmem>>, vector<16xi32>,
      %bitcast3A_2977 = vector.bitcast %get3A_2973 : vector<16xi32> to vector<32xbf16>
      %bitcast3A_2978 = vector.bitcast %get3A_2976 : vector<16xi32> to vector<32xbf16>
      %mul3A_2979 = arith.mulf %bitcast3A_2977, %bitcast3A_2978 : vector<32xbf16>
      %get3A_2980 = arith.index_cast %add3A_2952 : i32 to index
      %get3A_2981 = arith.constant 48 : index
      %get3A_2982 = tpu.vector_load %arg11[%get3A_2980, %get3A_2981] {strides = array<i32>} : memref<16x128xi32, #tpu.memory_space<vmem>>, vector<16xi32>,
      %get3A_2983 = arith.index_cast %add3A_2952 : i32 to index
      %get3A_2984 = arith.constant 48 : index
      %get3A_2985 = tpu.vector_load %arg12[%get3A_2983, %get3A_2984] {strides = array<i32>} : memref<16x128xi32, #tpu.memory_space<vmem>>, vector<16xi32>,
      %bitcast3A_2986 = vector.bitcast %get3A_2982 : vector<16xi32> to vector<32xbf16>
      %bitcast3A_2987 = vector.bitcast %get3A_2985 : vector<16xi32> to vector<32xbf16>
      %mul3A_2988 = arith.mulf %bitcast3A_2986, %bitcast3A_2987 : vector<32xbf16>
      %get3A_2989 = arith.index_cast %add3A_2952 : i32 to index
      %get3A_2990 = arith.constant 64 : index
      %get3A_2991 = tpu.vector_load %arg11[%get3A_2989, %get3A_2990] {strides = array<i32>} : memref<16x128xi32, #tpu.memory_space<vmem>>, vector<16xi32>,
      %get3A_2992 = arith.index_cast %add3A_2952 : i32 to index
      %get3A_2993 = arith.constant 64 : index
      %get3A_2994 = tpu.vector_load %arg12[%get3A_2992, %get3A_2993] {strides = array<i32>} : memref<16x128xi32, #tpu.memory_space<vmem>>, vector<16xi32>,
      %bitcast3A_2995 = vector.bitcast %get3A_2991 : vector<16xi32> to vector<32xbf16>
      %bitcast3A_2996 = vector.bitcast %get3A_2994 : vector<16xi32> to vector<32xbf16>
      %mul3A_2997 = arith.mulf %bitcast3A_2995, %bitcast3A_2996 : vector<32xbf16>
      %get3A_2998 = arith.index_cast %add3A_2952 : i32 to index
      %get3A_2999 = arith.constant 80 : index
      %get3A_3000 = tpu.vector_load %arg11[%get3A_2998, %get3A_2999] {strides = array<i32>} : memref<16x128xi32, #tpu.memory_space<vmem>>, vector<16xi32>,
      %get3A_3001 = arith.index_cast %add3A_2952 : i32 to index
      %get3A_3002 = arith.constant 80 : index
      %get3A_3003 = tpu.vector_load %arg12[%get3A_3001, %get3A_3002] {strides = array<i32>} : memref<16x128xi32, #tpu.memory_space<vmem>>, vector<16xi32>,
      %bitcast3A_3004 = vector.bitcast %get3A_3000 : vector<16xi32> to vector<32xbf16>
      %bitcast3A_3005 = vector.bitcast %get3A_3003 : vector<16xi32> to vector<32xbf16>
      %mul3A_3006 = arith.mulf %bitcast3A_3004, %bitcast3A_3005 : vector<32xbf16>
      %get3A_3007 = arith.index_cast %add3A_2952 : i32 to index
      %get3A_3008 = arith.constant 96 : index
      %get3A_3009 = tpu.vector_load %arg11[%get3A_3007, %get3A_3008] {strides = array<i32>} : memref<16x128xi32, #tpu.memory_space<vmem>>, vector<16xi32>,
      %get3A_3010 = arith.index_cast %add3A_2952 : i32 to index
      %get3A_3011 = arith.constant 96 : index
      %get3A_3012 = tpu.vector_load %arg12[%get3A_3010, %get3A_3011] {strides = array<i32>} : memref<16x128xi32, #tpu.memory_space<vmem>>, vector<16xi32>,
      %bitcast3A_3013 = vector.bitcast %get3A_3009 : vector<16xi32> to vector<32xbf16>
      %bitcast3A_3014 = vector.bitcast %get3A_3012 : vector<16xi32> to vector<32xbf16>
      %mul3A_3015 = arith.mulf %bitcast3A_3013, %bitcast3A_3014 : vector<32xbf16>
      %get3A_3016 = arith.index_cast %add3A_2952 : i32 to index
      %get3A_3017 = arith.constant 112 : index
      %get3A_3018 = tpu.vector_load %arg11[%get3A_3016, %get3A_3017] {strides = array<i32>} : memref<16x128xi32, #tpu.memory_space<vmem>>, vector<16xi32>,
      %get3A_3019 = arith.index_cast %add3A_2952 : i32 to index
      %get3A_3020 = arith.constant 112 : index
      %get3A_3021 = tpu.vector_load %arg12[%get3A_3019, %get3A_3020] {strides = array<i32>} : memref<16x128xi32, #tpu.memory_space<vmem>>, vector<16xi32>,
      %bitcast3A_3022 = vector.bitcast %get3A_3018 : vector<16xi32> to vector<32xbf16>
      %bitcast3A_3023 = vector.bitcast %get3A_3021 : vector<16xi32> to vector<32xbf16>
      %mul3A_3024 = arith.mulf %bitcast3A_3022, %bitcast3A_3023 : vector<32xbf16>
      %add3A_3025 = arith.addf %mul3A_2961, %mul3A_2970 : vector<32xbf16>
      %add3A_3026 = arith.addf %mul3A_2979, %mul3A_2988 : vector<32xbf16>
      %add3A_3027 = arith.addf %mul3A_2997, %mul3A_3006 : vector<32xbf16>
      %add3A_3028 = arith.addf %mul3A_3015, %mul3A_3024 : vector<32xbf16>
      %add3A_3029 = arith.addf %add3A_3025, %add3A_3026 : vector<32xbf16>
      %add3A_3030 = arith.addf %add3A_3027, %add3A_3028 : vector<32xbf16>
      %add3A_3031 = arith.addf %add3A_3029, %add3A_3030 : vector<32xbf16>
      %bitcast3A_3032 = vector.bitcast %add3A_3031 : vector<32xbf16> to vector<16xi32>
      %shift_left3A_3033 = arith.constant 16 : i32
      %shift_left3A_3034 = vector.broadcast %shift_left3A_3033 : i32 to vector<16xi32>
      %shift_left3A_3035 = arith.shli %bitcast3A_3032, %shift_left3A_3034 : vector<16xi32>
      %bitcast3A_3036 = vector.bitcast %shift_left3A_3035 : vector<16xi32> to vector<16xf32>
      %and3A_3037 = arith.constant -65536 : i32
      %and3A_3038 = vector.broadcast %and3A_3037 : i32 to vector<16xi32>
      %and3A_3039 = arith.andi %bitcast3A_3032, %and3A_3038 : vector<16xi32>
      %bitcast3A_3040 = vector.bitcast %and3A_3039 : vector<16xi32> to vector<16xf32>
      %add3A_3041 = arith.addf %bitcast3A_3036, %bitcast3A_3040 : vector<16xf32>
      %reduce_sum3A_3042 = arith.constant true
      %reduce_sum3A_3043 = vector.broadcast %reduce_sum3A_3042 : i1 to vector<16xi1>
      %reduce_sum3A_3044 = tpu.scan <sum>, %add3A_3041 masked %reduce_sum3A_3043 : vector<16xf32>, vector<16xi1> -> vector<16xf32>
      %reduce_sum3A_3045 = vector.extract %reduce_sum3A_3044[15] : f32 from vector<16xf32>
      %eq3A_3046 = arith.constant 11 : i32
      %eq3A_3047 = vector.broadcast %eq3A_3046 : i32 to vector<16xi32>
      %eq3A_3048 = arith.cmpi eq, %iota3A, %eq3A_3047 : vector<16xi32>
      %broadcast_in_dim3A_3049 = vector.broadcast %reduce_sum3A_3045 : f32 to vector<16xf32>
      %select_n3A_3050 = arith.select %eq3A_3048, %broadcast_in_dim3A_3049, %select_n3A_2948 : vector<16xi1>, vector<16xf32>
      %mul3A_3051 = arith.constant 16 : i32
      %mul3A_3052 = arith.muli %scan3A_1824, %mul3A_3051 : i32
      %add3A_3053 = arith.constant 12 : i32
      %add3A_3054 = arith.addi %mul3A_3052, %add3A_3053 : i32
      %get3A_3055 = arith.index_cast %add3A_3054 : i32 to index
      %get3A_3056 = arith.constant 0 : index
      %get3A_3057 = tpu.vector_load %arg11[%get3A_3055, %get3A_3056] {strides = array<i32>} : memref<16x128xi32, #tpu.memory_space<vmem>>, vector<16xi32>,
      %get3A_3058 = arith.index_cast %add3A_3054 : i32 to index
      %get3A_3059 = arith.constant 0 : index
      %get3A_3060 = tpu.vector_load %arg12[%get3A_3058, %get3A_3059] {strides = array<i32>} : memref<16x128xi32, #tpu.memory_space<vmem>>, vector<16xi32>,
      %bitcast3A_3061 = vector.bitcast %get3A_3057 : vector<16xi32> to vector<32xbf16>
      %bitcast3A_3062 = vector.bitcast %get3A_3060 : vector<16xi32> to vector<32xbf16>
      %mul3A_3063 = arith.mulf %bitcast3A_3061, %bitcast3A_3062 : vector<32xbf16>
      %get3A_3064 = arith.index_cast %add3A_3054 : i32 to index
      %get3A_3065 = arith.constant 16 : index
      %get3A_3066 = tpu.vector_load %arg11[%get3A_3064, %get3A_3065] {strides = array<i32>} : memref<16x128xi32, #tpu.memory_space<vmem>>, vector<16xi32>,
      %get3A_3067 = arith.index_cast %add3A_3054 : i32 to index
      %get3A_3068 = arith.constant 16 : index
      %get3A_3069 = tpu.vector_load %arg12[%get3A_3067, %get3A_3068] {strides = array<i32>} : memref<16x128xi32, #tpu.memory_space<vmem>>, vector<16xi32>,
      %bitcast3A_3070 = vector.bitcast %get3A_3066 : vector<16xi32> to vector<32xbf16>
      %bitcast3A_3071 = vector.bitcast %get3A_3069 : vector<16xi32> to vector<32xbf16>
      %mul3A_3072 = arith.mulf %bitcast3A_3070, %bitcast3A_3071 : vector<32xbf16>
      %get3A_3073 = arith.index_cast %add3A_3054 : i32 to index
      %get3A_3074 = arith.constant 32 : index
      %get3A_3075 = tpu.vector_load %arg11[%get3A_3073, %get3A_3074] {strides = array<i32>} : memref<16x128xi32, #tpu.memory_space<vmem>>, vector<16xi32>,
      %get3A_3076 = arith.index_cast %add3A_3054 : i32 to index
      %get3A_3077 = arith.constant 32 : index
      %get3A_3078 = tpu.vector_load %arg12[%get3A_3076, %get3A_3077] {strides = array<i32>} : memref<16x128xi32, #tpu.memory_space<vmem>>, vector<16xi32>,
      %bitcast3A_3079 = vector.bitcast %get3A_3075 : vector<16xi32> to vector<32xbf16>
      %bitcast3A_3080 = vector.bitcast %get3A_3078 : vector<16xi32> to vector<32xbf16>
      %mul3A_3081 = arith.mulf %bitcast3A_3079, %bitcast3A_3080 : vector<32xbf16>
      %get3A_3082 = arith.index_cast %add3A_3054 : i32 to index
      %get3A_3083 = arith.constant 48 : index
      %get3A_3084 = tpu.vector_load %arg11[%get3A_3082, %get3A_3083] {strides = array<i32>} : memref<16x128xi32, #tpu.memory_space<vmem>>, vector<16xi32>,
      %get3A_3085 = arith.index_cast %add3A_3054 : i32 to index
      %get3A_3086 = arith.constant 48 : index
      %get3A_3087 = tpu.vector_load %arg12[%get3A_3085, %get3A_3086] {strides = array<i32>} : memref<16x128xi32, #tpu.memory_space<vmem>>, vector<16xi32>,
      %bitcast3A_3088 = vector.bitcast %get3A_3084 : vector<16xi32> to vector<32xbf16>
      %bitcast3A_3089 = vector.bitcast %get3A_3087 : vector<16xi32> to vector<32xbf16>
      %mul3A_3090 = arith.mulf %bitcast3A_3088, %bitcast3A_3089 : vector<32xbf16>
      %get3A_3091 = arith.index_cast %add3A_3054 : i32 to index
      %get3A_3092 = arith.constant 64 : index
      %get3A_3093 = tpu.vector_load %arg11[%get3A_3091, %get3A_3092] {strides = array<i32>} : memref<16x128xi32, #tpu.memory_space<vmem>>, vector<16xi32>,
      %get3A_3094 = arith.index_cast %add3A_3054 : i32 to index
      %get3A_3095 = arith.constant 64 : index
      %get3A_3096 = tpu.vector_load %arg12[%get3A_3094, %get3A_3095] {strides = array<i32>} : memref<16x128xi32, #tpu.memory_space<vmem>>, vector<16xi32>,
      %bitcast3A_3097 = vector.bitcast %get3A_3093 : vector<16xi32> to vector<32xbf16>
      %bitcast3A_3098 = vector.bitcast %get3A_3096 : vector<16xi32> to vector<32xbf16>
      %mul3A_3099 = arith.mulf %bitcast3A_3097, %bitcast3A_3098 : vector<32xbf16>
      %get3A_3100 = arith.index_cast %add3A_3054 : i32 to index
      %get3A_3101 = arith.constant 80 : index
      %get3A_3102 = tpu.vector_load %arg11[%get3A_3100, %get3A_3101] {strides = array<i32>} : memref<16x128xi32, #tpu.memory_space<vmem>>, vector<16xi32>,
      %get3A_3103 = arith.index_cast %add3A_3054 : i32 to index
      %get3A_3104 = arith.constant 80 : index
      %get3A_3105 = tpu.vector_load %arg12[%get3A_3103, %get3A_3104] {strides = array<i32>} : memref<16x128xi32, #tpu.memory_space<vmem>>, vector<16xi32>,
      %bitcast3A_3106 = vector.bitcast %get3A_3102 : vector<16xi32> to vector<32xbf16>
      %bitcast3A_3107 = vector.bitcast %get3A_3105 : vector<16xi32> to vector<32xbf16>
      %mul3A_3108 = arith.mulf %bitcast3A_3106, %bitcast3A_3107 : vector<32xbf16>
      %get3A_3109 = arith.index_cast %add3A_3054 : i32 to index
      %get3A_3110 = arith.constant 96 : index
      %get3A_3111 = tpu.vector_load %arg11[%get3A_3109, %get3A_3110] {strides = array<i32>} : memref<16x128xi32, #tpu.memory_space<vmem>>, vector<16xi32>,
      %get3A_3112 = arith.index_cast %add3A_3054 : i32 to index
      %get3A_3113 = arith.constant 96 : index
      %get3A_3114 = tpu.vector_load %arg12[%get3A_3112, %get3A_3113] {strides = array<i32>} : memref<16x128xi32, #tpu.memory_space<vmem>>, vector<16xi32>,
      %bitcast3A_3115 = vector.bitcast %get3A_3111 : vector<16xi32> to vector<32xbf16>
      %bitcast3A_3116 = vector.bitcast %get3A_3114 : vector<16xi32> to vector<32xbf16>
      %mul3A_3117 = arith.mulf %bitcast3A_3115, %bitcast3A_3116 : vector<32xbf16>
      %get3A_3118 = arith.index_cast %add3A_3054 : i32 to index
      %get3A_3119 = arith.constant 112 : index
      %get3A_3120 = tpu.vector_load %arg11[%get3A_3118, %get3A_3119] {strides = array<i32>} : memref<16x128xi32, #tpu.memory_space<vmem>>, vector<16xi32>,
      %get3A_3121 = arith.index_cast %add3A_3054 : i32 to index
      %get3A_3122 = arith.constant 112 : index
      %get3A_3123 = tpu.vector_load %arg12[%get3A_3121, %get3A_3122] {strides = array<i32>} : memref<16x128xi32, #tpu.memory_space<vmem>>, vector<16xi32>,
      %bitcast3A_3124 = vector.bitcast %get3A_3120 : vector<16xi32> to vector<32xbf16>
      %bitcast3A_3125 = vector.bitcast %get3A_3123 : vector<16xi32> to vector<32xbf16>
      %mul3A_3126 = arith.mulf %bitcast3A_3124, %bitcast3A_3125 : vector<32xbf16>
      %add3A_3127 = arith.addf %mul3A_3063, %mul3A_3072 : vector<32xbf16>
      %add3A_3128 = arith.addf %mul3A_3081, %mul3A_3090 : vector<32xbf16>
      %add3A_3129 = arith.addf %mul3A_3099, %mul3A_3108 : vector<32xbf16>
      %add3A_3130 = arith.addf %mul3A_3117, %mul3A_3126 : vector<32xbf16>
      %add3A_3131 = arith.addf %add3A_3127, %add3A_3128 : vector<32xbf16>
      %add3A_3132 = arith.addf %add3A_3129, %add3A_3130 : vector<32xbf16>
      %add3A_3133 = arith.addf %add3A_3131, %add3A_3132 : vector<32xbf16>
      %bitcast3A_3134 = vector.bitcast %add3A_3133 : vector<32xbf16> to vector<16xi32>
      %shift_left3A_3135 = arith.constant 16 : i32
      %shift_left3A_3136 = vector.broadcast %shift_left3A_3135 : i32 to vector<16xi32>
      %shift_left3A_3137 = arith.shli %bitcast3A_3134, %shift_left3A_3136 : vector<16xi32>
      %bitcast3A_3138 = vector.bitcast %shift_left3A_3137 : vector<16xi32> to vector<16xf32>
      %and3A_3139 = arith.constant -65536 : i32
      %and3A_3140 = vector.broadcast %and3A_3139 : i32 to vector<16xi32>
      %and3A_3141 = arith.andi %bitcast3A_3134, %and3A_3140 : vector<16xi32>
      %bitcast3A_3142 = vector.bitcast %and3A_3141 : vector<16xi32> to vector<16xf32>
      %add3A_3143 = arith.addf %bitcast3A_3138, %bitcast3A_3142 : vector<16xf32>
      %reduce_sum3A_3144 = arith.constant true
      %reduce_sum3A_3145 = vector.broadcast %reduce_sum3A_3144 : i1 to vector<16xi1>
      %reduce_sum3A_3146 = tpu.scan <sum>, %add3A_3143 masked %reduce_sum3A_3145 : vector<16xf32>, vector<16xi1> -> vector<16xf32>
      %reduce_sum3A_3147 = vector.extract %reduce_sum3A_3146[15] : f32 from vector<16xf32>
      %eq3A_3148 = arith.constant 12 : i32
      %eq3A_3149 = vector.broadcast %eq3A_3148 : i32 to vector<16xi32>
      %eq3A_3150 = arith.cmpi eq, %iota3A, %eq3A_3149 : vector<16xi32>
      %broadcast_in_dim3A_3151 = vector.broadcast %reduce_sum3A_3147 : f32 to vector<16xf32>
      %select_n3A_3152 = arith.select %eq3A_3150, %broadcast_in_dim3A_3151, %select_n3A_3050 : vector<16xi1>, vector<16xf32>
      %mul3A_3153 = arith.constant 16 : i32
      %mul3A_3154 = arith.muli %scan3A_1824, %mul3A_3153 : i32
      %add3A_3155 = arith.constant 13 : i32
      %add3A_3156 = arith.addi %mul3A_3154, %add3A_3155 : i32
      %get3A_3157 = arith.index_cast %add3A_3156 : i32 to index
      %get3A_3158 = arith.constant 0 : index
      %get3A_3159 = tpu.vector_load %arg11[%get3A_3157, %get3A_3158] {strides = array<i32>} : memref<16x128xi32, #tpu.memory_space<vmem>>, vector<16xi32>,
      %get3A_3160 = arith.index_cast %add3A_3156 : i32 to index
      %get3A_3161 = arith.constant 0 : index
      %get3A_3162 = tpu.vector_load %arg12[%get3A_3160, %get3A_3161] {strides = array<i32>} : memref<16x128xi32, #tpu.memory_space<vmem>>, vector<16xi32>,
      %bitcast3A_3163 = vector.bitcast %get3A_3159 : vector<16xi32> to vector<32xbf16>
      %bitcast3A_3164 = vector.bitcast %get3A_3162 : vector<16xi32> to vector<32xbf16>
      %mul3A_3165 = arith.mulf %bitcast3A_3163, %bitcast3A_3164 : vector<32xbf16>
      %get3A_3166 = arith.index_cast %add3A_3156 : i32 to index
      %get3A_3167 = arith.constant 16 : index
      %get3A_3168 = tpu.vector_load %arg11[%get3A_3166, %get3A_3167] {strides = array<i32>} : memref<16x128xi32, #tpu.memory_space<vmem>>, vector<16xi32>,
      %get3A_3169 = arith.index_cast %add3A_3156 : i32 to index
      %get3A_3170 = arith.constant 16 : index
      %get3A_3171 = tpu.vector_load %arg12[%get3A_3169, %get3A_3170] {strides = array<i32>} : memref<16x128xi32, #tpu.memory_space<vmem>>, vector<16xi32>,
      %bitcast3A_3172 = vector.bitcast %get3A_3168 : vector<16xi32> to vector<32xbf16>
      %bitcast3A_3173 = vector.bitcast %get3A_3171 : vector<16xi32> to vector<32xbf16>
      %mul3A_3174 = arith.mulf %bitcast3A_3172, %bitcast3A_3173 : vector<32xbf16>
      %get3A_3175 = arith.index_cast %add3A_3156 : i32 to index
      %get3A_3176 = arith.constant 32 : index
      %get3A_3177 = tpu.vector_load %arg11[%get3A_3175, %get3A_3176] {strides = array<i32>} : memref<16x128xi32, #tpu.memory_space<vmem>>, vector<16xi32>,
      %get3A_3178 = arith.index_cast %add3A_3156 : i32 to index
      %get3A_3179 = arith.constant 32 : index
      %get3A_3180 = tpu.vector_load %arg12[%get3A_3178, %get3A_3179] {strides = array<i32>} : memref<16x128xi32, #tpu.memory_space<vmem>>, vector<16xi32>,
      %bitcast3A_3181 = vector.bitcast %get3A_3177 : vector<16xi32> to vector<32xbf16>
      %bitcast3A_3182 = vector.bitcast %get3A_3180 : vector<16xi32> to vector<32xbf16>
      %mul3A_3183 = arith.mulf %bitcast3A_3181, %bitcast3A_3182 : vector<32xbf16>
      %get3A_3184 = arith.index_cast %add3A_3156 : i32 to index
      %get3A_3185 = arith.constant 48 : index
      %get3A_3186 = tpu.vector_load %arg11[%get3A_3184, %get3A_3185] {strides = array<i32>} : memref<16x128xi32, #tpu.memory_space<vmem>>, vector<16xi32>,
      %get3A_3187 = arith.index_cast %add3A_3156 : i32 to index
      %get3A_3188 = arith.constant 48 : index
      %get3A_3189 = tpu.vector_load %arg12[%get3A_3187, %get3A_3188] {strides = array<i32>} : memref<16x128xi32, #tpu.memory_space<vmem>>, vector<16xi32>,
      %bitcast3A_3190 = vector.bitcast %get3A_3186 : vector<16xi32> to vector<32xbf16>
      %bitcast3A_3191 = vector.bitcast %get3A_3189 : vector<16xi32> to vector<32xbf16>
      %mul3A_3192 = arith.mulf %bitcast3A_3190, %bitcast3A_3191 : vector<32xbf16>
      %get3A_3193 = arith.index_cast %add3A_3156 : i32 to index
      %get3A_3194 = arith.constant 64 : index
      %get3A_3195 = tpu.vector_load %arg11[%get3A_3193, %get3A_3194] {strides = array<i32>} : memref<16x128xi32, #tpu.memory_space<vmem>>, vector<16xi32>,
      %get3A_3196 = arith.index_cast %add3A_3156 : i32 to index
      %get3A_3197 = arith.constant 64 : index
      %get3A_3198 = tpu.vector_load %arg12[%get3A_3196, %get3A_3197] {strides = array<i32>} : memref<16x128xi32, #tpu.memory_space<vmem>>, vector<16xi32>,
      %bitcast3A_3199 = vector.bitcast %get3A_3195 : vector<16xi32> to vector<32xbf16>
      %bitcast3A_3200 = vector.bitcast %get3A_3198 : vector<16xi32> to vector<32xbf16>
      %mul3A_3201 = arith.mulf %bitcast3A_3199, %bitcast3A_3200 : vector<32xbf16>
      %get3A_3202 = arith.index_cast %add3A_3156 : i32 to index
      %get3A_3203 = arith.constant 80 : index
      %get3A_3204 = tpu.vector_load %arg11[%get3A_3202, %get3A_3203] {strides = array<i32>} : memref<16x128xi32, #tpu.memory_space<vmem>>, vector<16xi32>,
      %get3A_3205 = arith.index_cast %add3A_3156 : i32 to index
      %get3A_3206 = arith.constant 80 : index
      %get3A_3207 = tpu.vector_load %arg12[%get3A_3205, %get3A_3206] {strides = array<i32>} : memref<16x128xi32, #tpu.memory_space<vmem>>, vector<16xi32>,
      %bitcast3A_3208 = vector.bitcast %get3A_3204 : vector<16xi32> to vector<32xbf16>
      %bitcast3A_3209 = vector.bitcast %get3A_3207 : vector<16xi32> to vector<32xbf16>
      %mul3A_3210 = arith.mulf %bitcast3A_3208, %bitcast3A_3209 : vector<32xbf16>
      %get3A_3211 = arith.index_cast %add3A_3156 : i32 to index
      %get3A_3212 = arith.constant 96 : index
      %get3A_3213 = tpu.vector_load %arg11[%get3A_3211, %get3A_3212] {strides = array<i32>} : memref<16x128xi32, #tpu.memory_space<vmem>>, vector<16xi32>,
      %get3A_3214 = arith.index_cast %add3A_3156 : i32 to index
      %get3A_3215 = arith.constant 96 : index
      %get3A_3216 = tpu.vector_load %arg12[%get3A_3214, %get3A_3215] {strides = array<i32>} : memref<16x128xi32, #tpu.memory_space<vmem>>, vector<16xi32>,
      %bitcast3A_3217 = vector.bitcast %get3A_3213 : vector<16xi32> to vector<32xbf16>
      %bitcast3A_3218 = vector.bitcast %get3A_3216 : vector<16xi32> to vector<32xbf16>
      %mul3A_3219 = arith.mulf %bitcast3A_3217, %bitcast3A_3218 : vector<32xbf16>
      %get3A_3220 = arith.index_cast %add3A_3156 : i32 to index
      %get3A_3221 = arith.constant 112 : index
      %get3A_3222 = tpu.vector_load %arg11[%get3A_3220, %get3A_3221] {strides = array<i32>} : memref<16x128xi32, #tpu.memory_space<vmem>>, vector<16xi32>,
      %get3A_3223 = arith.index_cast %add3A_3156 : i32 to index
      %get3A_3224 = arith.constant 112 : index
      %get3A_3225 = tpu.vector_load %arg12[%get3A_3223, %get3A_3224] {strides = array<i32>} : memref<16x128xi32, #tpu.memory_space<vmem>>, vector<16xi32>,
      %bitcast3A_3226 = vector.bitcast %get3A_3222 : vector<16xi32> to vector<32xbf16>
      %bitcast3A_3227 = vector.bitcast %get3A_3225 : vector<16xi32> to vector<32xbf16>
      %mul3A_3228 = arith.mulf %bitcast3A_3226, %bitcast3A_3227 : vector<32xbf16>
      %add3A_3229 = arith.addf %mul3A_3165, %mul3A_3174 : vector<32xbf16>
      %add3A_3230 = arith.addf %mul3A_3183, %mul3A_3192 : vector<32xbf16>
      %add3A_3231 = arith.addf %mul3A_3201, %mul3A_3210 : vector<32xbf16>
      %add3A_3232 = arith.addf %mul3A_3219, %mul3A_3228 : vector<32xbf16>
      %add3A_3233 = arith.addf %add3A_3229, %add3A_3230 : vector<32xbf16>
      %add3A_3234 = arith.addf %add3A_3231, %add3A_3232 : vector<32xbf16>
      %add3A_3235 = arith.addf %add3A_3233, %add3A_3234 : vector<32xbf16>
      %bitcast3A_3236 = vector.bitcast %add3A_3235 : vector<32xbf16> to vector<16xi32>
      %shift_left3A_3237 = arith.constant 16 : i32
      %shift_left3A_3238 = vector.broadcast %shift_left3A_3237 : i32 to vector<16xi32>
      %shift_left3A_3239 = arith.shli %bitcast3A_3236, %shift_left3A_3238 : vector<16xi32>
      %bitcast3A_3240 = vector.bitcast %shift_left3A_3239 : vector<16xi32> to vector<16xf32>
      %and3A_3241 = arith.constant -65536 : i32
      %and3A_3242 = vector.broadcast %and3A_3241 : i32 to vector<16xi32>
      %and3A_3243 = arith.andi %bitcast3A_3236, %and3A_3242 : vector<16xi32>
      %bitcast3A_3244 = vector.bitcast %and3A_3243 : vector<16xi32> to vector<16xf32>
      %add3A_3245 = arith.addf %bitcast3A_3240, %bitcast3A_3244 : vector<16xf32>
      %reduce_sum3A_3246 = arith.constant true
      %reduce_sum3A_3247 = vector.broadcast %reduce_sum3A_3246 : i1 to vector<16xi1>
      %reduce_sum3A_3248 = tpu.scan <sum>, %add3A_3245 masked %reduce_sum3A_3247 : vector<16xf32>, vector<16xi1> -> vector<16xf32>
      %reduce_sum3A_3249 = vector.extract %reduce_sum3A_3248[15] : f32 from vector<16xf32>
      %eq3A_3250 = arith.constant 13 : i32
      %eq3A_3251 = vector.broadcast %eq3A_3250 : i32 to vector<16xi32>
      %eq3A_3252 = arith.cmpi eq, %iota3A, %eq3A_3251 : vector<16xi32>
      %broadcast_in_dim3A_3253 = vector.broadcast %reduce_sum3A_3249 : f32 to vector<16xf32>
      %select_n3A_3254 = arith.select %eq3A_3252, %broadcast_in_dim3A_3253, %select_n3A_3152 : vector<16xi1>, vector<16xf32>
      %mul3A_3255 = arith.constant 16 : i32
      %mul3A_3256 = arith.muli %scan3A_1824, %mul3A_3255 : i32
      %add3A_3257 = arith.constant 14 : i32
      %add3A_3258 = arith.addi %mul3A_3256, %add3A_3257 : i32
      %get3A_3259 = arith.index_cast %add3A_3258 : i32 to index
      %get3A_3260 = arith.constant 0 : index
      %get3A_3261 = tpu.vector_load %arg11[%get3A_3259, %get3A_3260] {strides = array<i32>} : memref<16x128xi32, #tpu.memory_space<vmem>>, vector<16xi32>,
      %get3A_3262 = arith.index_cast %add3A_3258 : i32 to index
      %get3A_3263 = arith.constant 0 : index
      %get3A_3264 = tpu.vector_load %arg12[%get3A_3262, %get3A_3263] {strides = array<i32>} : memref<16x128xi32, #tpu.memory_space<vmem>>, vector<16xi32>,
      %bitcast3A_3265 = vector.bitcast %get3A_3261 : vector<16xi32> to vector<32xbf16>
      %bitcast3A_3266 = vector.bitcast %get3A_3264 : vector<16xi32> to vector<32xbf16>
      %mul3A_3267 = arith.mulf %bitcast3A_3265, %bitcast3A_3266 : vector<32xbf16>
      %get3A_3268 = arith.index_cast %add3A_3258 : i32 to index
      %get3A_3269 = arith.constant 16 : index
      %get3A_3270 = tpu.vector_load %arg11[%get3A_3268, %get3A_3269] {strides = array<i32>} : memref<16x128xi32, #tpu.memory_space<vmem>>, vector<16xi32>,
      %get3A_3271 = arith.index_cast %add3A_3258 : i32 to index
      %get3A_3272 = arith.constant 16 : index
      %get3A_3273 = tpu.vector_load %arg12[%get3A_3271, %get3A_3272] {strides = array<i32>} : memref<16x128xi32, #tpu.memory_space<vmem>>, vector<16xi32>,
      %bitcast3A_3274 = vector.bitcast %get3A_3270 : vector<16xi32> to vector<32xbf16>
      %bitcast3A_3275 = vector.bitcast %get3A_3273 : vector<16xi32> to vector<32xbf16>
      %mul3A_3276 = arith.mulf %bitcast3A_3274, %bitcast3A_3275 : vector<32xbf16>
      %get3A_3277 = arith.index_cast %add3A_3258 : i32 to index
      %get3A_3278 = arith.constant 32 : index
      %get3A_3279 = tpu.vector_load %arg11[%get3A_3277, %get3A_3278] {strides = array<i32>} : memref<16x128xi32, #tpu.memory_space<vmem>>, vector<16xi32>,
      %get3A_3280 = arith.index_cast %add3A_3258 : i32 to index
      %get3A_3281 = arith.constant 32 : index
      %get3A_3282 = tpu.vector_load %arg12[%get3A_3280, %get3A_3281] {strides = array<i32>} : memref<16x128xi32, #tpu.memory_space<vmem>>, vector<16xi32>,
      %bitcast3A_3283 = vector.bitcast %get3A_3279 : vector<16xi32> to vector<32xbf16>
      %bitcast3A_3284 = vector.bitcast %get3A_3282 : vector<16xi32> to vector<32xbf16>
      %mul3A_3285 = arith.mulf %bitcast3A_3283, %bitcast3A_3284 : vector<32xbf16>
      %get3A_3286 = arith.index_cast %add3A_3258 : i32 to index
      %get3A_3287 = arith.constant 48 : index
      %get3A_3288 = tpu.vector_load %arg11[%get3A_3286, %get3A_3287] {strides = array<i32>} : memref<16x128xi32, #tpu.memory_space<vmem>>, vector<16xi32>,
      %get3A_3289 = arith.index_cast %add3A_3258 : i32 to index
      %get3A_3290 = arith.constant 48 : index
      %get3A_3291 = tpu.vector_load %arg12[%get3A_3289, %get3A_3290] {strides = array<i32>} : memref<16x128xi32, #tpu.memory_space<vmem>>, vector<16xi32>,
      %bitcast3A_3292 = vector.bitcast %get3A_3288 : vector<16xi32> to vector<32xbf16>
      %bitcast3A_3293 = vector.bitcast %get3A_3291 : vector<16xi32> to vector<32xbf16>
      %mul3A_3294 = arith.mulf %bitcast3A_3292, %bitcast3A_3293 : vector<32xbf16>
      %get3A_3295 = arith.index_cast %add3A_3258 : i32 to index
      %get3A_3296 = arith.constant 64 : index
      %get3A_3297 = tpu.vector_load %arg11[%get3A_3295, %get3A_3296] {strides = array<i32>} : memref<16x128xi32, #tpu.memory_space<vmem>>, vector<16xi32>,
      %get3A_3298 = arith.index_cast %add3A_3258 : i32 to index
      %get3A_3299 = arith.constant 64 : index
      %get3A_3300 = tpu.vector_load %arg12[%get3A_3298, %get3A_3299] {strides = array<i32>} : memref<16x128xi32, #tpu.memory_space<vmem>>, vector<16xi32>,
      %bitcast3A_3301 = vector.bitcast %get3A_3297 : vector<16xi32> to vector<32xbf16>
      %bitcast3A_3302 = vector.bitcast %get3A_3300 : vector<16xi32> to vector<32xbf16>
      %mul3A_3303 = arith.mulf %bitcast3A_3301, %bitcast3A_3302 : vector<32xbf16>
      %get3A_3304 = arith.index_cast %add3A_3258 : i32 to index
      %get3A_3305 = arith.constant 80 : index
      %get3A_3306 = tpu.vector_load %arg11[%get3A_3304, %get3A_3305] {strides = array<i32>} : memref<16x128xi32, #tpu.memory_space<vmem>>, vector<16xi32>,
      %get3A_3307 = arith.index_cast %add3A_3258 : i32 to index
      %get3A_3308 = arith.constant 80 : index
      %get3A_3309 = tpu.vector_load %arg12[%get3A_3307, %get3A_3308] {strides = array<i32>} : memref<16x128xi32, #tpu.memory_space<vmem>>, vector<16xi32>,
      %bitcast3A_3310 = vector.bitcast %get3A_3306 : vector<16xi32> to vector<32xbf16>
      %bitcast3A_3311 = vector.bitcast %get3A_3309 : vector<16xi32> to vector<32xbf16>
      %mul3A_3312 = arith.mulf %bitcast3A_3310, %bitcast3A_3311 : vector<32xbf16>
      %get3A_3313 = arith.index_cast %add3A_3258 : i32 to index
      %get3A_3314 = arith.constant 96 : index
      %get3A_3315 = tpu.vector_load %arg11[%get3A_3313, %get3A_3314] {strides = array<i32>} : memref<16x128xi32, #tpu.memory_space<vmem>>, vector<16xi32>,
      %get3A_3316 = arith.index_cast %add3A_3258 : i32 to index
      %get3A_3317 = arith.constant 96 : index
      %get3A_3318 = tpu.vector_load %arg12[%get3A_3316, %get3A_3317] {strides = array<i32>} : memref<16x128xi32, #tpu.memory_space<vmem>>, vector<16xi32>,
      %bitcast3A_3319 = vector.bitcast %get3A_3315 : vector<16xi32> to vector<32xbf16>
      %bitcast3A_3320 = vector.bitcast %get3A_3318 : vector<16xi32> to vector<32xbf16>
      %mul3A_3321 = arith.mulf %bitcast3A_3319, %bitcast3A_3320 : vector<32xbf16>
      %get3A_3322 = arith.index_cast %add3A_3258 : i32 to index
      %get3A_3323 = arith.constant 112 : index
      %get3A_3324 = tpu.vector_load %arg11[%get3A_3322, %get3A_3323] {strides = array<i32>} : memref<16x128xi32, #tpu.memory_space<vmem>>, vector<16xi32>,
      %get3A_3325 = arith.index_cast %add3A_3258 : i32 to index
      %get3A_3326 = arith.constant 112 : index
      %get3A_3327 = tpu.vector_load %arg12[%get3A_3325, %get3A_3326] {strides = array<i32>} : memref<16x128xi32, #tpu.memory_space<vmem>>, vector<16xi32>,
      %bitcast3A_3328 = vector.bitcast %get3A_3324 : vector<16xi32> to vector<32xbf16>
      %bitcast3A_3329 = vector.bitcast %get3A_3327 : vector<16xi32> to vector<32xbf16>
      %mul3A_3330 = arith.mulf %bitcast3A_3328, %bitcast3A_3329 : vector<32xbf16>
      %add3A_3331 = arith.addf %mul3A_3267, %mul3A_3276 : vector<32xbf16>
      %add3A_3332 = arith.addf %mul3A_3285, %mul3A_3294 : vector<32xbf16>
      %add3A_3333 = arith.addf %mul3A_3303, %mul3A_3312 : vector<32xbf16>
      %add3A_3334 = arith.addf %mul3A_3321, %mul3A_3330 : vector<32xbf16>
      %add3A_3335 = arith.addf %add3A_3331, %add3A_3332 : vector<32xbf16>
      %add3A_3336 = arith.addf %add3A_3333, %add3A_3334 : vector<32xbf16>
      %add3A_3337 = arith.addf %add3A_3335, %add3A_3336 : vector<32xbf16>
      %bitcast3A_3338 = vector.bitcast %add3A_3337 : vector<32xbf16> to vector<16xi32>
      %shift_left3A_3339 = arith.constant 16 : i32
      %shift_left3A_3340 = vector.broadcast %shift_left3A_3339 : i32 to vector<16xi32>
      %shift_left3A_3341 = arith.shli %bitcast3A_3338, %shift_left3A_3340 : vector<16xi32>
      %bitcast3A_3342 = vector.bitcast %shift_left3A_3341 : vector<16xi32> to vector<16xf32>
      %and3A_3343 = arith.constant -65536 : i32
      %and3A_3344 = vector.broadcast %and3A_3343 : i32 to vector<16xi32>
      %and3A_3345 = arith.andi %bitcast3A_3338, %and3A_3344 : vector<16xi32>
      %bitcast3A_3346 = vector.bitcast %and3A_3345 : vector<16xi32> to vector<16xf32>
      %add3A_3347 = arith.addf %bitcast3A_3342, %bitcast3A_3346 : vector<16xf32>
      %reduce_sum3A_3348 = arith.constant true
      %reduce_sum3A_3349 = vector.broadcast %reduce_sum3A_3348 : i1 to vector<16xi1>
      %reduce_sum3A_3350 = tpu.scan <sum>, %add3A_3347 masked %reduce_sum3A_3349 : vector<16xf32>, vector<16xi1> -> vector<16xf32>
      %reduce_sum3A_3351 = vector.extract %reduce_sum3A_3350[15] : f32 from vector<16xf32>
      %eq3A_3352 = arith.constant 14 : i32
      %eq3A_3353 = vector.broadcast %eq3A_3352 : i32 to vector<16xi32>
      %eq3A_3354 = arith.cmpi eq, %iota3A, %eq3A_3353 : vector<16xi32>
      %broadcast_in_dim3A_3355 = vector.broadcast %reduce_sum3A_3351 : f32 to vector<16xf32>
      %select_n3A_3356 = arith.select %eq3A_3354, %broadcast_in_dim3A_3355, %select_n3A_3254 : vector<16xi1>, vector<16xf32>
      %mul3A_3357 = arith.constant 16 : i32
      %mul3A_3358 = arith.muli %scan3A_1824, %mul3A_3357 : i32
      %add3A_3359 = arith.constant 15 : i32
      %add3A_3360 = arith.addi %mul3A_3358, %add3A_3359 : i32
      %get3A_3361 = arith.index_cast %add3A_3360 : i32 to index
      %get3A_3362 = arith.constant 0 : index
      %get3A_3363 = tpu.vector_load %arg11[%get3A_3361, %get3A_3362] {strides = array<i32>} : memref<16x128xi32, #tpu.memory_space<vmem>>, vector<16xi32>,
      %get3A_3364 = arith.index_cast %add3A_3360 : i32 to index
      %get3A_3365 = arith.constant 0 : index
      %get3A_3366 = tpu.vector_load %arg12[%get3A_3364, %get3A_3365] {strides = array<i32>} : memref<16x128xi32, #tpu.memory_space<vmem>>, vector<16xi32>,
      %bitcast3A_3367 = vector.bitcast %get3A_3363 : vector<16xi32> to vector<32xbf16>
      %bitcast3A_3368 = vector.bitcast %get3A_3366 : vector<16xi32> to vector<32xbf16>
      %mul3A_3369 = arith.mulf %bitcast3A_3367, %bitcast3A_3368 : vector<32xbf16>
      %get3A_3370 = arith.index_cast %add3A_3360 : i32 to index
      %get3A_3371 = arith.constant 16 : index
      %get3A_3372 = tpu.vector_load %arg11[%get3A_3370, %get3A_3371] {strides = array<i32>} : memref<16x128xi32, #tpu.memory_space<vmem>>, vector<16xi32>,
      %get3A_3373 = arith.index_cast %add3A_3360 : i32 to index
      %get3A_3374 = arith.constant 16 : index
      %get3A_3375 = tpu.vector_load %arg12[%get3A_3373, %get3A_3374] {strides = array<i32>} : memref<16x128xi32, #tpu.memory_space<vmem>>, vector<16xi32>,
      %bitcast3A_3376 = vector.bitcast %get3A_3372 : vector<16xi32> to vector<32xbf16>
      %bitcast3A_3377 = vector.bitcast %get3A_3375 : vector<16xi32> to vector<32xbf16>
      %mul3A_3378 = arith.mulf %bitcast3A_3376, %bitcast3A_3377 : vector<32xbf16>
      %get3A_3379 = arith.index_cast %add3A_3360 : i32 to index
      %get3A_3380 = arith.constant 32 : index
      %get3A_3381 = tpu.vector_load %arg11[%get3A_3379, %get3A_3380] {strides = array<i32>} : memref<16x128xi32, #tpu.memory_space<vmem>>, vector<16xi32>,
      %get3A_3382 = arith.index_cast %add3A_3360 : i32 to index
      %get3A_3383 = arith.constant 32 : index
      %get3A_3384 = tpu.vector_load %arg12[%get3A_3382, %get3A_3383] {strides = array<i32>} : memref<16x128xi32, #tpu.memory_space<vmem>>, vector<16xi32>,
      %bitcast3A_3385 = vector.bitcast %get3A_3381 : vector<16xi32> to vector<32xbf16>
      %bitcast3A_3386 = vector.bitcast %get3A_3384 : vector<16xi32> to vector<32xbf16>
      %mul3A_3387 = arith.mulf %bitcast3A_3385, %bitcast3A_3386 : vector<32xbf16>
      %get3A_3388 = arith.index_cast %add3A_3360 : i32 to index
      %get3A_3389 = arith.constant 48 : index
      %get3A_3390 = tpu.vector_load %arg11[%get3A_3388, %get3A_3389] {strides = array<i32>} : memref<16x128xi32, #tpu.memory_space<vmem>>, vector<16xi32>,
      %get3A_3391 = arith.index_cast %add3A_3360 : i32 to index
      %get3A_3392 = arith.constant 48 : index
      %get3A_3393 = tpu.vector_load %arg12[%get3A_3391, %get3A_3392] {strides = array<i32>} : memref<16x128xi32, #tpu.memory_space<vmem>>, vector<16xi32>,
      %bitcast3A_3394 = vector.bitcast %get3A_3390 : vector<16xi32> to vector<32xbf16>
      %bitcast3A_3395 = vector.bitcast %get3A_3393 : vector<16xi32> to vector<32xbf16>
      %mul3A_3396 = arith.mulf %bitcast3A_3394, %bitcast3A_3395 : vector<32xbf16>
      %get3A_3397 = arith.index_cast %add3A_3360 : i32 to index
      %get3A_3398 = arith.constant 64 : index
      %get3A_3399 = tpu.vector_load %arg11[%get3A_3397, %get3A_3398] {strides = array<i32>} : memref<16x128xi32, #tpu.memory_space<vmem>>, vector<16xi32>,
      %get3A_3400 = arith.index_cast %add3A_3360 : i32 to index
      %get3A_3401 = arith.constant 64 : index
      %get3A_3402 = tpu.vector_load %arg12[%get3A_3400, %get3A_3401] {strides = array<i32>} : memref<16x128xi32, #tpu.memory_space<vmem>>, vector<16xi32>,
      %bitcast3A_3403 = vector.bitcast %get3A_3399 : vector<16xi32> to vector<32xbf16>
      %bitcast3A_3404 = vector.bitcast %get3A_3402 : vector<16xi32> to vector<32xbf16>
      %mul3A_3405 = arith.mulf %bitcast3A_3403, %bitcast3A_3404 : vector<32xbf16>
      %get3A_3406 = arith.index_cast %add3A_3360 : i32 to index
      %get3A_3407 = arith.constant 80 : index
      %get3A_3408 = tpu.vector_load %arg11[%get3A_3406, %get3A_3407] {strides = array<i32>} : memref<16x128xi32, #tpu.memory_space<vmem>>, vector<16xi32>,
      %get3A_3409 = arith.index_cast %add3A_3360 : i32 to index
      %get3A_3410 = arith.constant 80 : index
      %get3A_3411 = tpu.vector_load %arg12[%get3A_3409, %get3A_3410] {strides = array<i32>} : memref<16x128xi32, #tpu.memory_space<vmem>>, vector<16xi32>,
      %bitcast3A_3412 = vector.bitcast %get3A_3408 : vector<16xi32> to vector<32xbf16>
      %bitcast3A_3413 = vector.bitcast %get3A_3411 : vector<16xi32> to vector<32xbf16>
      %mul3A_3414 = arith.mulf %bitcast3A_3412, %bitcast3A_3413 : vector<32xbf16>
      %get3A_3415 = arith.index_cast %add3A_3360 : i32 to index
      %get3A_3416 = arith.constant 96 : index
      %get3A_3417 = tpu.vector_load %arg11[%get3A_3415, %get3A_3416] {strides = array<i32>} : memref<16x128xi32, #tpu.memory_space<vmem>>, vector<16xi32>,
      %get3A_3418 = arith.index_cast %add3A_3360 : i32 to index
      %get3A_3419 = arith.constant 96 : index
      %get3A_3420 = tpu.vector_load %arg12[%get3A_3418, %get3A_3419] {strides = array<i32>} : memref<16x128xi32, #tpu.memory_space<vmem>>, vector<16xi32>,
      %bitcast3A_3421 = vector.bitcast %get3A_3417 : vector<16xi32> to vector<32xbf16>
      %bitcast3A_3422 = vector.bitcast %get3A_3420 : vector<16xi32> to vector<32xbf16>
      %mul3A_3423 = arith.mulf %bitcast3A_3421, %bitcast3A_3422 : vector<32xbf16>
      %get3A_3424 = arith.index_cast %add3A_3360 : i32 to index
      %get3A_3425 = arith.constant 112 : index
      %get3A_3426 = tpu.vector_load %arg11[%get3A_3424, %get3A_3425] {strides = array<i32>} : memref<16x128xi32, #tpu.memory_space<vmem>>, vector<16xi32>,
      %get3A_3427 = arith.index_cast %add3A_3360 : i32 to index
      %get3A_3428 = arith.constant 112 : index
      %get3A_3429 = tpu.vector_load %arg12[%get3A_3427, %get3A_3428] {strides = array<i32>} : memref<16x128xi32, #tpu.memory_space<vmem>>, vector<16xi32>,
      %bitcast3A_3430 = vector.bitcast %get3A_3426 : vector<16xi32> to vector<32xbf16>
      %bitcast3A_3431 = vector.bitcast %get3A_3429 : vector<16xi32> to vector<32xbf16>
      %mul3A_3432 = arith.mulf %bitcast3A_3430, %bitcast3A_3431 : vector<32xbf16>
      %add3A_3433 = arith.addf %mul3A_3369, %mul3A_3378 : vector<32xbf16>
      %add3A_3434 = arith.addf %mul3A_3387, %mul3A_3396 : vector<32xbf16>
      %add3A_3435 = arith.addf %mul3A_3405, %mul3A_3414 : vector<32xbf16>
      %add3A_3436 = arith.addf %mul3A_3423, %mul3A_3432 : vector<32xbf16>
      %add3A_3437 = arith.addf %add3A_3433, %add3A_3434 : vector<32xbf16>
      %add3A_3438 = arith.addf %add3A_3435, %add3A_3436 : vector<32xbf16>
      %add3A_3439 = arith.addf %add3A_3437, %add3A_3438 : vector<32xbf16>
      %bitcast3A_3440 = vector.bitcast %add3A_3439 : vector<32xbf16> to vector<16xi32>
      %shift_left3A_3441 = arith.constant 16 : i32
      %shift_left3A_3442 = vector.broadcast %shift_left3A_3441 : i32 to vector<16xi32>
      %shift_left3A_3443 = arith.shli %bitcast3A_3440, %shift_left3A_3442 : vector<16xi32>
      %bitcast3A_3444 = vector.bitcast %shift_left3A_3443 : vector<16xi32> to vector<16xf32>
      %and3A_3445 = arith.constant -65536 : i32
      %and3A_3446 = vector.broadcast %and3A_3445 : i32 to vector<16xi32>
      %and3A_3447 = arith.andi %bitcast3A_3440, %and3A_3446 : vector<16xi32>
      %bitcast3A_3448 = vector.bitcast %and3A_3447 : vector<16xi32> to vector<16xf32>
      %add3A_3449 = arith.addf %bitcast3A_3444, %bitcast3A_3448 : vector<16xf32>
      %reduce_sum3A_3450 = arith.constant true
      %reduce_sum3A_3451 = vector.broadcast %reduce_sum3A_3450 : i1 to vector<16xi1>
      %reduce_sum3A_3452 = tpu.scan <sum>, %add3A_3449 masked %reduce_sum3A_3451 : vector<16xf32>, vector<16xi1> -> vector<16xf32>
      %reduce_sum3A_3453 = vector.extract %reduce_sum3A_3452[15] : f32 from vector<16xf32>
      %eq3A_3454 = arith.constant 15 : i32
      %eq3A_3455 = vector.broadcast %eq3A_3454 : i32 to vector<16xi32>
      %eq3A_3456 = arith.cmpi eq, %iota3A, %eq3A_3455 : vector<16xi32>
      %broadcast_in_dim3A_3457 = vector.broadcast %reduce_sum3A_3453 : f32 to vector<16xf32>
      %select_n3A_3458 = arith.select %eq3A_3456, %broadcast_in_dim3A_3457, %select_n3A_3356 : vector<16xi1>, vector<16xf32>
      %mul3A_3459 = arith.constant 16 : i32
      %mul3A_3460 = arith.muli %add3A_1822, %mul3A_3459 : i32
      %mul3A_3461 = arith.constant 16 : i32
      %mul3A_3462 = arith.muli %scan3A_1824, %mul3A_3461 : i32
      %add3A_3463 = arith.addi %mul3A_3460, %mul3A_3462 : i32
      %swap3A_3464 = arith.index_cast %add3A_3463 : i32 to index
      %swap3A_3465 = tpu.vector_load %arg8[%swap3A_3464] {strides = array<i32>} : memref<5024xf32, #tpu.memory_space<vmem>>, vector<16xf32>,
      tpu.vector_store %arg8[%swap3A_3464], %select_n3A_3458 {strides = array<i32>} : memref<5024xf32, #tpu.memory_space<vmem>>, vector<16xf32>,
      %scan3A_3466 = arith.constant 0 : i32
      %scan3A_3467 = arith.constant 1 : i32
      %scan3A_3468 = arith.constant 0 : i32
      scf.yield %scan3A_3468 : i32
    }
    %scan3A_43 = arith.constant 157 : i32
    "tpu.region"() ({
      %run_scoped3A = tpu.sem_alloc : memref<!tpu.dma_semaphore, #tpu.memory_space<semaphore_mem>>
      %dma_start3A_44 = tpu.memref_slice %arg5[%mul3A_2] : memref<160768xf32, #tpu.memory_space<hbm>> -> memref<5024xf32, #tpu.memory_space<hbm>>
      %dma_start3A_45 = tpu.memref_slice %arg5[%mul3A_2] : memref<160768xf32, #tpu.memory_space<hbm>> -> memref<5024xf32, #tpu.memory_space<hbm>>
      tpu.enqueue_dma source(%arg8 : memref<5024xf32, #tpu.memory_space<vmem>>) target(%dma_start3A_45 : memref<5024xf32, #tpu.memory_space<hbm>>) target_semaphore(%run_scoped3A : memref<!tpu.dma_semaphore, #tpu.memory_space<semaphore_mem>>)
      %dma_wait3A = tpu.memref_slice %arg5[%mul3A_2] : memref<160768xf32, #tpu.memory_space<hbm>> -> memref<5024xf32, #tpu.memory_space<hbm>>
      %dma_wait3A_46 = tpu.memref_slice %arg5[%mul3A_2] : memref<160768xf32, #tpu.memory_space<hbm>> -> memref<5024xf32, #tpu.memory_space<hbm>>
      tpu.wait_dma2 semaphore(%run_scoped3A : memref<!tpu.dma_semaphore, #tpu.memory_space<semaphore_mem>>) src(%arg8 : memref<5024xf32, #tpu.memory_space<vmem>>) dst(%dma_wait3A_46 : memref<5024xf32, #tpu.memory_space<hbm>>)
      tpu.yield
    }) : () -> ()
    return
  }
}

</mosaic_0001>

<sc_bundles>
// kernel: kernel.3.cloned.1.call-start
scs
__scs_entry_jumppad:
0x0: {  	(pc) =	sbr.rel $0x88, $3  }
0x1: {  	(tag) =	ssettag $0x0;
	lr =	simm.s32 $0x1  }
0x2: {  	[smem:$0x3F9F] =	sst lr;
	_ =	strace $0xD0000000  }
0x3: {  	_ = 	snop  }
0x4: {  	_ = 	snop  }
0x5: {  	_ = 	snop  }
0x6: {  	_ = 	snop  }
0x7: {  	_ = 	snop  }
__scs_overlays_trampoline_lowered:
0x8: {  	[smem:$0x3FAE] =	sst s0  }
0x9: {  	[smem:$0x3FAF] =	sst s1  }
0xa: {  	[smem:$0x3FB0] =	sst s2  }
0xb: {  	[smem:$0x3FB1] =	sst s3  }
0xc: {  	[smem:$0x3FB2] =	sst s4  }
0xd: {  	[smem:$0x3FB3] =	sst s5  }
0xe: {  	[smem:$0x3FB4] =	sst s6  }
0xf: {  	[smem:$0x3FB5] =	sst s7  }
0x10: {  	[smem:$0x3FB6] =	sst s8  }
0x11: {  	[smem:$0x3FB7] =	sst s9;
	s0 =	simm.s32 @!p0 $0x0  }
0x12: {  	s1 =	sld [smem:$0x3F9D];
	s0 =	simm.s32 @p0 $0x1  }
0x13: {  	[smem:$0x3FB8] =	sst s0;
	s0 =	simm.s32 @!p1 $0x0  }
0x14: {  	s2 =	sld [smem:$0x3F9C];
	s0 =	simm.s32 @p1 $0x1  }
0x15: {  	[smem:$0x3FB9] =	sst s0;
	s0 =	simm.s32 @!p2 $0x0  }
0x16: {  	s3 =	sld [smem:$0x3FDB];
	s0 =	simm.s32 @p2 $0x1  }
0x17: {  	s4 =	simm.s32 $0x1BF5;
	[smem:$0x3FBB] =	sst s0  }
0x18: {  	s0 =	sld [smem:$0x3F9E];
	_ =	swait.ge [sflag:s4], $0x0  }
0x19: {  	s7 =	sld [smem:$0x3F9F]  }
0x1a: {  	s8 =	sadd.s32 $0xFFFFE003, lr  }
0x1b: {  	s9 =	sadd.s32 $0xFFFFFEF7, lr;
	s5 =	simm.s32 $0xFFFFFFFF;
	p2 =	slt.u32 s8, $0xFFFFF086  }
0x1c: {  	p1 =	slt.u32 s9, $0xF7A;
	s5 =	simm.s32 @!p2 $0x0  }
0x1d: {  	s5 =	simm.s32 @p1 $0x1;
	p0 =	seq.s32 s7, s2  }
0x1e: {  	s7 =	smul.u32 @!p0 $0xF7A, s2;
	p2 =	seq.s32 @!p0 s5, $0x0  }
0x1f: {  	s9 =	smul.u32 $0xF7A, s1;
	s8 =	simm.s32 @!p0 $0x1BF5;
	p2 =	por !p2, p0  }
0x20: {  	[sflag:s8] =	ssyncset.s32 @!p0 $0xFFFFF086;
	s6 =	sadd.s32 @!p0 s3, s7;
	s7 =	simm.s32 @!p0 $0x108  }
0x21: {  	s3 =	sadd.s32 s3, s9;
	s6 =	sadd.s32 @!p0 $0x88, s6;
	s7 =	simm.s32 @p2 $0x1082  }
0x22: {  	[simem:s7], [sflag:s8] =	dma.local @!p0 [hbm:s6], $0xF7A  }
0x23: {  	s9 =	sor.u32 $0xD0000000, s2;
	s6 =	simm.s32 $0x108;
	_ =	swait.ge @!p0 [sflag:s8], $0x0  }
0x24: {  	s3 =	sadd.s32 $0x88, s3;
	s6 =	simm.s32 @!p1 $0x1082;
	[sflag:s4] =	ssyncset.s32 $0xFFFFF086  }
0x25: {  	[simem:s6], [sflag:s4] =	dma.local [hbm:s3], $0xF7A  }
0x26: {  	[smem:$0x3F9F] =	sst s1;
	(tag) =	ssettag s2;
	_ =	strace s9  }
0x27: {  	s1 =	sld [smem:$0x3FAF]  }
0x28: {  	s2 =	sld [smem:$0x3FB0]  }
0x29: {  	s4 =	sld [smem:$0x3FB2]  }
0x2a: {  	p0 =	seq.s32 s5, $0x0;
	s5 =	sld [smem:$0x3FB3]  }
0x2b: {  	s6 =	sld [smem:$0x3FB4]  }
0x2c: {  	s7 =	sld [smem:$0x3FB5]  }
0x2d: {  	s3 =	simm.s32 $0x108;
	s8 =	sld [smem:$0x3FB6]  }
0x2e: {  	s3 =	simm.s32 @!p0 $0x1082;
	s9 =	sld [smem:$0x3FB7]  }
0x2f: {  	lr =	sadd.s32 s0, s3;
	s0 =	sld [smem:$0x3FAE]  }
0x30: {  	s3 =	sld [smem:$0x3FB1]  }
0x31: {  	[smem:$0x3FBA] =	sst s10  }
0x32: {  	s10 =	sld [smem:$0x3FB8];
	_ =	sdelay $0x3  }
0x33: {  	p0 =	seq.s32 s10, $0x1;
	s10 =	sld [smem:$0x3FBA];
	_ =	sdelay $0x3  }
0x34: {  	[smem:$0x3FBA] =	sst s10  }
0x35: {  	s10 =	sld [smem:$0x3FB9];
	_ =	sdelay $0x3  }
0x36: {  	p1 =	seq.s32 s10, $0x1;
	s10 =	sld [smem:$0x3FBA];
	_ =	sdelay $0x3  }
0x37: {  	[smem:$0x3FBA] =	sst s10  }
0x38: {  	s10 =	sld [smem:$0x3FBB]  }
0x39: {  	_ = 	snop;
	(pc) =	sbr.ind lr, $3  }
0x3a: {  	_ = 	snop  }
0x3b: {  	_ = 	snop  }
0x3c: {  	p2 =	seq.s32 s10, $0x1;
	s10 =	sld [smem:$0x3FBA]  }
0x3d: {  	_ =	shalt  }
0x3e: {  	_ =	shalt  }
0x3f: {  	_ =	shalt  }
0x40: {  	_ =	shalt  }
0x41: {  	_ =	shalt  }
0x42: {  	_ =	shalt  }
0x43: {  	_ =	shalt  }
0x44: {  	_ =	shalt  }
0x45: {  	_ =	shalt  }
0x46: {  	_ =	shalt  }
0x47: {  	_ =	shalt  }
0x48: {  	_ =	shalt  }
0x49: {  	_ =	shalt  }
0x4a: {  	_ =	shalt  }
0x4b: {  	_ =	shalt  }
0x4c: {  	_ =	shalt  }
0x4d: {  	_ =	shalt  }
0x4e: {  	_ =	shalt  }
0x4f: {  	_ =	shalt  }
0x50: {  	_ =	shalt  }
0x51: {  	_ =	shalt  }
0x52: {  	_ =	shalt  }
0x53: {  	_ =	shalt  }
0x54: {  	_ =	shalt  }
0x55: {  	_ =	shalt  }
0x56: {  	_ =	shalt  }
0x57: {  	_ =	shalt  }
0x58: {  	_ =	shalt  }
0x59: {  	_ =	shalt  }
0x5a: {  	_ =	shalt  }
0x5b: {  	_ =	shalt  }
0x5c: {  	_ =	shalt  }
0x5d: {  	_ =	shalt  }
0x5e: {  	_ =	shalt  }
0x5f: {  	_ =	shalt  }
0x60: {  	_ =	shalt  }
0x61: {  	_ =	shalt  }
0x62: {  	_ =	shalt  }
0x63: {  	_ =	shalt  }
0x64: {  	_ =	shalt  }
0x65: {  	_ =	shalt  }
0x66: {  	_ =	shalt  }
0x67: {  	_ =	shalt  }
0x68: {  	_ =	shalt  }
0x69: {  	_ =	shalt  }
0x6a: {  	_ =	shalt  }
0x6b: {  	_ =	shalt  }
0x6c: {  	_ =	shalt  }
0x6d: {  	_ =	shalt  }
0x6e: {  	_ =	shalt  }
0x6f: {  	_ =	shalt  }
0x70: {  	_ =	shalt  }
0x71: {  	_ =	shalt  }
0x72: {  	_ =	shalt  }
0x73: {  	_ =	shalt  }
0x74: {  	_ =	shalt  }
0x75: {  	_ =	shalt  }
0x76: {  	_ =	shalt  }
0x77: {  	_ =	shalt  }
0x78: {  	_ =	shalt  }
0x79: {  	_ =	shalt  }
0x7a: {  	_ =	shalt  }
0x7b: {  	_ =	shalt  }
0x7c: {  	_ =	shalt  }
0x7d: {  	_ =	shalt  }
0x7e: {  	_ =	shalt  }
0x7f: {  	_ =	shalt  }
0x80: {  	_ =	shalt  }
0x81: {  	_ =	shalt  }
0x82: {  	_ =	shalt  }
0x83: {  	_ =	shalt  }
0x84: {  	_ =	shalt  }
0x85: {  	_ =	shalt  }
0x86: {  	_ =	shalt  }
0x87: {  	_ =	shalt  }
.Lfunc_end0:
.L_simem_size_0:
called_computation_lowered:
.L_overlay_start_0:
0x88: {  	s2 =	sld [smem:$0x3FD9]  }
0x89: {  	s3 =	sld [smem:$0x3FFE];
	_ =	sdelay $0x1  }
0x8a: {  	s1 =	srdreg.scid  }
0x8b: {  	s0 =	sand.u32 $0x1, s1  }
0x8c: {  	s17 =	sshll.u32 s0, $0xA;
	s2 =	sadd.s32 s3, s2  }
0x8d: {  	s2 =	sadd.s32 s2, s17  }
0x8e: {  	[smem:$0x3FC6] =	sst s2  }
0x8f: {  	_ = 	snop  }
0x90: {  	s2 =	sld [smem:$0x3FD0];
	(tm) =	ssettm $0x1  }
0x91: {  	s18 =	sld [smem:$0x3FFB];
	_ =	sdelay $0x3  }
0x92: {  	_ =	strace s18  }
0x93: {  	s3 =	sld [smem:$0x3FFC];
	_ =	sdelay $0x3  }
0x94: {  	_ =	strace s3  }
0x95: {  	s3 =	sld [smem:$0x3FFD];
	_ =	sdelay $0x3  }
0x96: {  	_ =	strace s3  }
0x97: {  	_ =	strace $0x8FFFFFFF  }
0x98: {  	s19 =	sld [smem:$0x3FDB];
	_ =	sdelay $0x1  }
0x99: {  	s4 =	simm.s32 $_scs_section_size  }
0x9a: {  	s5 =	simm.s32 $_size__tile_overlayer_lowered;
	s6 =	simm.s32 $_tile_overlayer_lowered  }
0x9b: {  	s22 =	simm.s32 $0x1BFF;
	s21 =	sshll.u32 s6, $0x1;
	s3 =	sadd.s32 s4, s19  }
0x9c: {  	s7 =	simm.s32 $0x0;
	s20 =	sshll.u32 s5, $0x1;
	s5 =	sadd.s32 s21, s3  }
0x9d: {  	[timem:s7], [sflag:s22] =	dma.local [hbm:s5], s20  }
0x9e: {  	_ =	swait.ge [sflag:s22], s20  }
0x9f: {  	s4 =	ssub.s32 $0x0, s20;
	[sflag:s22] =	ssyncset.done $0x0  }
0xa0: {  	[sflag:s22] =	ssyncadd.s32 s4;
	_ =	sdelay $0x1  }
0xa1: {  	s23 =	simm.s32 $0x1B8B  }
0xa2: {  	_ =	swait.ge [sflag:s23], $0x1  }
0xa3: {  	[sflag:s23] =	ssyncset.done $0x0  }
0xa4: {  	s25 =	simm.s32 $0x1B8E;
	s24 =	sld [smem:$0x3FFE];
	[sflag:s23] =	ssyncadd.s32 $0xFFFFFFFF  }
0xa5: {  	s26 =	simm.s32 $execute0_lowered;
	[smem:$0x3FD2] =	sst s25  }
0xa6: {  	s5 =	sshll.u32 s26, $0x1;
	_ =	strace $0x80000046;
	[dreg:$0x1] =	wrdreg $0xFFFFFFFF  }
0xa7: {  	s28 =	simm.s32 $_size_execute0_lowered;
	s3 =	sadd.s32 s3, s5;
	[dreg:$0x0] =	wrdreg $0x0  }
0xa8: {  	s5 =	sshll.u32 s28, $0x1;
	[dreg:$0x2] =	wrdreg s3  }
0xa9: {  	[dreg:$0x3] =	wrdreg s5  }
0xaa: {  	[dreg:$0x4] =	wrdreg $0xC0  }
0xab: {  	_ =	task [dreg:s7], $0x5FFFF  }
0xac: {  	[dreg:$0x1] =	wrdreg $0xFFFFFFFF  }
0xad: {  	[dreg:$0x0] =	wrdreg $0x60  }
0xae: {  	[dreg:$0x2] =	wrdreg s24  }
0xaf: {  	[dreg:$0x3] =	wrdreg s2  }
0xb0: {  	[dreg:$0x4] =	wrdreg $0x5C000  }
0xb1: {  	[dreg:$0x5] =	wrdreg $0x9  }
0xb2: {  	_ =	task.clear_ibuf [dreg:s7], $0x6FFFF;
	_ =	strace $0x90000046  }
0xb3: {  	s29 =	simm.s32 $0x9;
	_ =	strace $0x80000048  }
0xb4: {  	_ =	swait.ge [sflag:s29], $0x1  }
0xb5: {  	[sflag:s29] =	ssyncadd.s32 $0xFFFFFFFF  }
0xb6: {  	_ =	strace $0x90000048  }
0xb7: {  	_ =	sfence  }
0xb8: {  	s30 =	sld [smem:$0x0];
	_ =	sdelay $0x2  }
0xb9: {  	s31 =	sshll.u32 s1, $0xD;
	s1 =	sshrl.u32 s1, $0x2  }
0xba: {  	s3 =	sand.u32 $0x4000, s31;
	s1 =	sadd.s32 s1, s30  }
0xbb: {  	s0 =	sor.u32 s3, s0;
	s1 =	sshll.u32 s1, $0x11  }
0xbc: {  	s0 =	sor.u32 s1, s0  }
0xbd: {  	s0 =	sadd.s32 $0x8F2B, s0  }
0xbe: {  	[sflag:s0] =	ssyncadd.remote.s32 $0x1  }
0xbf: {  	_ =	sfence.sel $0xFFFF  }
0xc0: {  	[dreg:$0x0] =	wrdreg $0xFFFFFFFF;
	(pc) =	sbr.abs _section_cstart, $3  }
0xc1: {  	[dreg:$0x1] =	wrdreg $0xFFFFFFFF  }
0xc2: {  	_ =	task.clear_ibuf [dreg:s7], $0x2FFFF;
	_ =	strace $0x9FFFFFFF  }
0xc3: {  	(tm) =	ssettm $0x7FFFFFFF  }
tec
execute0_lowered:
.L_overlay_start_1:
0x0: {  	(tag) =	ssettag $0x1  }
0x1: {  	s4 =	rddreg [dreg:$0x0]  }
0x2: {  	s8 =	rddreg [dreg:$0x1];
	s1 =	srdreg.scid  }
0x3: {  	s0 =	stileid.u32;
	s2 =	rddreg [dreg:$0x2]  }
0x4: {  	s3 =	simm.s32 $0x0;
	s13 =	simm.s32 $0x8;
	s14 =	simm.s32 $0x3C00  }
0x5: {  	s15 =	simm.s32 $0x4400;
	s16 =	simm.s32 $0x4000;
	s17 =	simm.s32 $0x1408  }
0x6: {  	s18 =	simm.s32 $0x4800;
	s19 =	simm.s32 $0x4C00;
	s20 =	simm.s32 $0x5400  }
0x7: {  	s21 =	simm.s32 $0x5000;
	s22 =	simm.s32 $0x5800;
	s23 =	simm.s32 $0x1  }
0x8: {  	s24 =	simm.s32 $0x2;
	s25 =	simm.s32 $0x2800;
	s26 =	simm.s32 $0x0  }
0x9: {  	s5 =	sand.u32 $0x1, s1;
	s6 =	sshll.u32 s0, $0x1;
	s29 =	smul.u32 $0x4F000, s0  }
0xa: {  	[smem:$0x7FF] =	sst s3;
	s11 =	smul.u32 $0x2780, s0;
	s31 =	sshll.u32 s0, $0x6  }
0xb: {  	s6 =	sor.u32 s5, s6;
	_ =	strace $0x80000047;
	s5 =	ssub.s32 $0x2, s5  }
0xc: {  	vm0 =	vmmov $0x1;
	vm1 =	vmmov $0x3;
	vm2 =	vmmov $0x7;
	s9 =	smul.u32 $0x274, s6;
	s10 =	sshrl.u32 s5, $0x1;
	s30 =	sshrl.u32 s29, $0x2  }
0xd: {  	vm3 =	vmmov $0xf;
	vm4 =	vmmov $0x1f;
	vm5 =	vmmov $0x3f;
	s10 =	ssub.s32 s5, s10;
	s12 =	sadd.s32 s30, s2;
	s5 =	sor.u32 $0x1C03, s31  }
0xe: {  	vm6 =	vmmov $0x7f;
	vm7 =	vmmov $0xff;
	vm8 =	vmmov $0x1ff;
	s7 =	sadd.s32 s9, s4;
	s4 =	sadd.s32 s4, s11;
	s8 =	sadd.s32 s8, s9  }
0xf: {  	vm9 =	vmmov $0x3ff;
	vm10 =	vmmov $0x7ff;
	vm11 =	vmmov $0xfff;
	s9 =	smax.u32 s10, $0x1;
	s10 =	sshrl.u32 s12, $0x3;
	s11 =	simm.s32 $0x3  }
0x10: {  	vm12 =	vmmov $0x1fff;
	vm13 =	vmmov $0x3fff;
	vm14 =	vmmov $0x7fff;
	s12 =	simm.s32 $0x1400;
	s6 =	sadd.s32 $0x27800, s7;
	s7 =	sadd.s32 $0x2C800, s7  }
.LBB2_1:
0x11: {  	[spmem:s10], [sflag:s5] =	dma.local [hbm:s4], $0x2780  }
0x12: {  	_ =	swait.ge [sflag:s11], $0x2780  }
0x13: {  	[sflag:s11] =	ssyncset.done $0x0  }
0x14: {  	[sflag:s11] =	ssyncadd.s32 $0xFFFFD880  }
0x15: {  	[bflag:$0x0] =	sbarrier.arrive $0xFFFF  }
0x16: {  	[tilespmem:s3], [sflag:$0x3] =	stream.linear.gather [hbm4b:s6+s3], $0x13A0, $0x38;
	[tilespmem:$0x19800] =	vst v63  }
0x17: {  	_ =	swait.ge [sflag:s11], $0x13A0  }
0x18: {  	[sflag:s11] =	ssyncset.done $0x0  }
0x19: {  	[sflag:s11] =	ssyncadd.s32 $0xFFFFEC60  }
0x1a: {  	[tilespmem:s12], [sflag:$0x3] =	stream.linear.gather [hbm4b:s7+s3], $0x13A0, $0x38;
	[tilespmem:$0x19800] =	vst v63  }
0x1b: {  	_ =	swait.ge [sflag:s11], $0x13A0  }
0x1c: {  	[sflag:s11] =	ssyncset.done $0x0  }
0x1d: {  	[sflag:s11] =	ssyncadd.s32 $0xFFFFEC60  }
0x1e: {  	[tilespmem:s14], [sflag:$0x1] =	stream.indirect.gather [spmem:s2], $0x80, s3, s13, $0xb8;
	[tilespmem:$0x19800] =	vst v63  }
0x1f: {  	_ = 	snop  }
0x20: {  	[tilespmem:s15], [sflag:$0x1] =	stream.indirect.gather [spmem:s2], $0x80, s12, s13, $0xb8;
	[tilespmem:$0x19800] =	vst v63  }
0x21: {  	_ = 	snop  }
0x22: {  	[tilespmem:s16], [sflag:$0x1] =	stream.indirect.gather [spmem:s2], $0x80, s13, s13, $0xb8;
	[tilespmem:$0x19800] =	vst v63  }
0x23: {  	s28 =	simm.s32 $0x0  }
0x24: {  	[tilespmem:s18], [sflag:$0x1] =	stream.indirect.gather [spmem:s2], $0x80, s17, s13, $0xb8;
	[tilespmem:$0x19800] =	vst v63  }
.LBB2_2:
0x25: {  	s29 =	sshra.s32 s28, $0x2  }
0x26: {  	s30 =	sadd.s32 $0x10, s29  }
0x27: {  	[tilespmem:s19], [sflag:$0x2] =	stream.indirect.gather [spmem:s2], $0x80, s30, s13, $0xb8;
	[tilespmem:$0x19800] =	vst v63  }
0x28: {  	s0 =	sadd.s32 $0x1410, s29  }
0x29: {  	[tilespmem:s20], [sflag:$0x2] =	stream.indirect.gather [spmem:s2], $0x80, s0, s13, $0xb8;
	[tilespmem:$0x19800] =	vst v63  }
0x2a: {  	s1 =	sadd.s32 $0x18, s29  }
0x2b: {  	[tilespmem:s21], [sflag:$0x2] =	stream.indirect.gather [spmem:s2], $0x80, s1, s13, $0xb8;
	[tilespmem:$0x19800] =	vst v63  }
0x2c: {  	s31 =	sadd.s32 $0x1418, s29  }
0x2d: {  	[tilespmem:s22], [sflag:$0x2] =	stream.indirect.gather [spmem:s2], $0x80, s31, s13, $0xb8;
	[tilespmem:$0x19800] =	vst v63  }
0x2e: {  	_ =	swait.ge [sflag:s23], $0x400  }
0x2f: {  	[sflag:s23] =	ssyncset.done $0x0  }
0x30: {  	[sflag:s23] =	ssyncadd.s32 $0xFFFFFC00  }
0x31: {  	_ =	swait.ge [sflag:s23], $0x400  }
0x32: {  	[sflag:s23] =	ssyncset.done $0x0  }
0x33: {  	[sflag:s23] =	ssyncadd.s32 $0xFFFFFC00  }
0x34: {  	_ =	swait.ge [sflag:s23], $0x400  }
0x35: {  	[sflag:s23] =	ssyncset.done $0x0  }
0x36: {  	[sflag:s23] =	ssyncadd.s32 $0xFFFFFC00  }
0x37: {  	_ =	swait.ge [sflag:s23], $0x400  }
0x38: {  	[sflag:s23] =	ssyncset.done $0x0  }
0x39: {  	[sflag:s23] =	ssyncadd.s32 $0xFFFFFC00  }
0x3a: {  	v0 =	vld [tilespmem:$0x3C00]  }
0x3b: {  	v1 =	vld [tilespmem:$0x4400]  }
0x3c: {  	v2 =	vld [tilespmem:$0x3C10]  }
0x3d: {  	v3 =	vld [tilespmem:$0x4410]  }
0x3e: {  	v4 =	vld [tilespmem:$0x3C20]  }
0x3f: {  	v5 =	vld [tilespmem:$0x4420]  }
0x40: {  	v6 =	vld [tilespmem:$0x3C30]  }
0x41: {  	v7 =	vld [tilespmem:$0x4430]  }
0x42: {  	v8 =	vld [tilespmem:$0x3C40]  }
0x43: {  	v9 =	vld [tilespmem:$0x4440]  }
0x44: {  	v10 =	vld [tilespmem:$0x3C50]  }
0x45: {  	v11 =	vld [tilespmem:$0x4450]  }
0x46: {  	v12 =	vld [tilespmem:$0x3C60]  }
0x47: {  	v13 =	vld [tilespmem:$0x4460]  }
0x48: {  	v14 =	vld [tilespmem:$0x3C70]  }
0x49: {  	v15 =	vld [tilespmem:$0x4470]  }
0x4a: {  	v16 =	vld [tilespmem:$0x3C80]  }
0x4b: {  	v17 =	vld [tilespmem:$0x4480]  }
0x4c: {  	v18 =	vld [tilespmem:$0x3C90]  }
0x4d: {  	v19 =	vld [tilespmem:$0x4490]  }
0x4e: {  	v20 =	vld [tilespmem:$0x3CA0]  }
0x4f: {  	v21 =	vld [tilespmem:$0x44A0]  }
0x50: {  	v22 =	vld [tilespmem:$0x3CB0]  }
0x51: {  	v23 =	vld [tilespmem:$0x44B0]  }
0x52: {  	v24 =	vld [tilespmem:$0x3CC0]  }
0x53: {  	v25 =	vld [tilespmem:$0x44C0]  }
0x54: {  	v26 =	vld [tilespmem:$0x3CD0]  }
0x55: {  	v27 =	vld [tilespmem:$0x44D0]  }
0x56: {  	v28 =	vld [tilespmem:$0x3CE0]  }
0x57: {  	v29 =	vld [tilespmem:$0x44E0]  }
0x58: {  	v30 =	vld [tilespmem:$0x3CF0]  }
0x59: {  	v31 =	vld [tilespmem:$0x44F0]  }
0x5a: {  	v32 =	vld [tilespmem:$0x3D00]  }
0x5b: {  	v33 =	vld [tilespmem:$0x4500]  }
0x5c: {  	v34 =	vld [tilespmem:$0x3D10]  }
0x5d: {  	v35 =	vld [tilespmem:$0x4510]  }
0x5e: {  	v36 =	vld [tilespmem:$0x3D20]  }
0x5f: {  	v37 =	vld [tilespmem:$0x4520]  }
0x60: {  	v38 =	vld [tilespmem:$0x3D30]  }
0x61: {  	v39 =	vld [tilespmem:$0x4530]  }
0x62: {  	v40 =	vld [tilespmem:$0x3D40]  }
0x63: {  	v41 =	vld [tilespmem:$0x4540]  }
0x64: {  	v42 =	vld [tilespmem:$0x3D50]  }
0x65: {  	v43 =	vld [tilespmem:$0x4550]  }
0x66: {  	v44 =	vld [tilespmem:$0x3D60]  }
0x67: {  	v45 =	vld [tilespmem:$0x4560]  }
0x68: {  	v46 =	vld [tilespmem:$0x3D70]  }
0x69: {  	v47 =	vld [tilespmem:$0x4570]  }
0x6a: {  	v48 =	vld [tilespmem:$0x3D80]  }
0x6b: {  	v49 =	vld [tilespmem:$0x4580];
	v0 =	vmul.bf16 v1, v0  }
0x6c: {  	v50 =	vld [tilespmem:$0x3D90];
	v59 =	vmul.bf16 v3, v2;
	v60 =	vmul.bf16 v5, v4  }
0x6d: {  	v51 =	vld [tilespmem:$0x4590];
	v61 =	vmul.bf16 v7, v6;
	v62 =	vmul.bf16 v9, v8  }
0x6e: {  	v52 =	vld [tilespmem:$0x3DA0];
	v63 =	vmul.bf16 v11, v10;
	v13 =	vmul.bf16 v13, v12  }
0x6f: {  	v54 =	vld [tilespmem:$0x3DB0];
	v14 =	vmul.bf16 v15, v14;
	v25 =	vmul.bf16 v25, v24  }
0x70: {  	v55 =	vld [tilespmem:$0x45B0];
	v27 =	vmul.bf16 v27, v26;
	v29 =	vmul.bf16 v29, v28  }
0x71: {  	v53 =	vld [tilespmem:$0x45A0];
	v30 =	vmul.bf16 v31, v30;
	v33 =	vmul.bf16 v33, v32  }
0x72: {  	v2 =	vld [tilespmem:$0x3DC0];
	v35 =	vmul.bf16 v35, v34;
	v37 =	vmul.bf16 v37, v36  }
0x73: {  	v5 =	vld [tilespmem:$0x45C0];
	v39 =	vmul.bf16 v39, v38;
	v41 =	vmul.bf16 v41, v40  }
0x74: {  	v8 =	vld [tilespmem:$0x3DD0];
	v43 =	vmul.bf16 v43, v42;
	v45 =	vmul.bf16 v45, v44;
	v0 =	vadd.bf16 v59, v0  }
0x75: {  	v11 =	vld [tilespmem:$0x45D0];
	v34 =	vmul.bf16 v55, v54;
	v15 =	vadd.bf16 v61, v60;
	v56 =	vadd.bf16 v63, v62  }
0x76: {  	v3 =	vld [tilespmem:$0x3DE0];
	v57 =	vadd.bf16 v14, v13;
	v59 =	vmul.bf16 v17, v16;
	v61 =	vmul.bf16 v19, v18  }
0x77: {  	v7 =	vld [tilespmem:$0x45E0];
	v62 =	vmul.bf16 v21, v20;
	v13 =	vadd.bf16 v27, v25;
	v20 =	vadd.bf16 v30, v29  }
0x78: {  	v9 =	vld [tilespmem:$0x3DF0];
	v63 =	vmul.bf16 v23, v22;
	v17 =	vadd.bf16 v35, v33;
	v14 =	vadd.bf16 v43, v41  }
0x79: {  	v4 =	vld [tilespmem:$0x45F0];
	v33 =	vmul.bf16 v53, v52;
	v0 =	vadd.bf16 v15, v0;
	v58 =	vadd.bf16 v57, v56  }
0x7a: {  	v10 =	vadd.bf16 v61, v59;
	v31 =	vadd.bf16 v63, v62;
	v56 =	vmul.bf16 v47, v46  }
0x7b: {  	v13 =	vadd.bf16 v20, v13;
	v61 =	vmul.bf16 v49, v48;
	v62 =	vmul.bf16 v51, v50  }
0x7c: {  	v41 =	vadd.bf16 v34, v33;
	v2 =	vmul.bf16 v5, v2;
	v36 =	vmul.bf16 v11, v8  }
0x7d: {  	v3 =	vmul.bf16 v7, v3;
	v0 =	vadd.bf16 v58, v0;
	v10 =	vadd.bf16 v31, v10  }
0x7e: {  	v4 =	vmul.bf16 v4, v9;
	v58 =	vadd.bf16 v39, v37;
	v20 =	vadd.bf16 v56, v45  }
0x7f: {  	v39 =	vadd.bf16 v62, v61;
	v2 =	vadd.bf16 v36, v2  }
0x80: {  	v3 =	vadd.bf16 v4, v3;
	v17 =	vadd.bf16 v58, v17  }
0x81: {  	v60 =	vshll.u32 v0, $0x10;
	v14 =	vadd.bf16 v20, v14;
	v10 =	vadd.bf16 v13, v10  }
0x82: {  	v0 =	vand.u32 $0xFFFF0000, v0;
	v7 =	vadd.bf16 v41, v39;
	v2 =	vadd.bf16 v3, v2  }
0x83: {  	v0 =	vadd.f32 v0, v60;
	v38 =	vadd.bf16 v14, v17  }
0x84: {  	v48 =	vshll.u32 v10, $0x10;
	v49 =	vand.u32 $0xFFFF0000, v10;
	v2 =	vadd.bf16 v2, v7  }
0x85: {  	v3 =	vadd.f32 v49, v48;
	v50 =	vshll.u32 v38, $0x10;
	v51 =	vand.u32 $0xFFFF0000, v38  }
0x86: {  	(xrf2) =	vadd.scan.msk.f32 $0xffff, v0;
	v52 =	vadd.f32 v51, v50;
	v53 =	vshll.u32 v2, $0x10;
	v2 =	vand.u32 $0xFFFF0000, v2  }
0x87: {  	(xrf2) =	vadd.scan.msk.f32 $0xffff, v3;
	v2 =	vadd.f32 v2, v53  }
0x88: {  	(xrf2) =	vadd.scan.msk.f32 $0xffff, v52  }
0x89: {  	(xrf2) =	vadd.scan.msk.f32 $0xffff, v2;
	_ =	sdelay $0x1  }
0x8a: {  	v57 =	vld [tilespmem:$0x3E50]  }
0x8b: {  	v59 =	vld [tilespmem:$0x4650];
	_ =	sdelay $0x3  }
0x8c: {  	v56, _, _ =	vpop (xrf2)  }
0x8d: {  	v45 =	vmul.bf16 v59, v57;
	v57, _, _ =	vpop (xrf2)  }
0x8e: {  	v58, _, _ =	vpop (xrf2)  }
0x8f: {  	v59, _, _ =	vpop (xrf2)  }
0x90: {  	[tilespmem:$0x1F870] =	vst v59;
	v59 =	vld [tilespmem:$0x4080];
	_ =	sdelay $0x4  }
0x91: {  	[tilespmem:$0x1F470] =	vst v59;
	v59 =	vld [tilespmem:$0x4880];
	_ =	sdelay $0x4  }
0x92: {  	[tilespmem:$0x1F480] =	vst v59;
	v59 =	vld [tilespmem:$0x4090];
	_ =	sdelay $0x4  }
0x93: {  	[tilespmem:$0x1F490] =	vst v59;
	v59 =	vld [tilespmem:$0x4890];
	_ =	sdelay $0x4  }
0x94: {  	[tilespmem:$0x1F4A0] =	vst v59;
	v59 =	vld [tilespmem:$0x40A0];
	_ =	sdelay $0x4  }
0x95: {  	[tilespmem:$0x1F4B0] =	vst v59;
	v59 =	vld [tilespmem:$0x48A0];
	_ =	sdelay $0x1  }
0x96: {  	v6 =	vld [tilespmem:$0x3E00]  }
0x97: {  	v1 =	vld [tilespmem:$0x4600]  }
0x98: {  	v12 =	vld [tilespmem:$0x3E10]  }
0x99: {  	[tilespmem:$0x1F4C0] =	vst v59;
	v59 =	vld [tilespmem:$0x40B0]  }
0x9a: {  	v32 =	vld [tilespmem:$0x46A0]  }
0x9b: {  	v26 =	vld [tilespmem:$0x3F40]  }
0x9c: {  	v24 =	vld [tilespmem:$0x3F60]  }
0x9d: {  	v28 =	vld [tilespmem:$0x4780]  }
0x9e: {  	[tilespmem:$0x1F4D0] =	vst v59;
	v59 =	vld [tilespmem:$0x48B0]  }
0x9f: {  	v16 =	vld [tilespmem:$0x4610]  }
0xa0: {  	v19 =	vld [tilespmem:$0x3E20]  }
0xa1: {  	v21 =	vld [tilespmem:$0x4620]  }
0xa2: {  	v23 =	vld [tilespmem:$0x4630]  }
0xa3: {  	[tilespmem:$0x1F4E0] =	vst v59;
	v59 =	vld [tilespmem:$0x40C0]  }
0xa4: {  	v25 =	vld [tilespmem:$0x3E40]  }
0xa5: {  	v27 =	vld [tilespmem:$0x4640]  }
0xa6: {  	v35 =	vld [tilespmem:$0x3E70]  }
0xa7: {  	v22 =	vld [tilespmem:$0x3E80]  }
0xa8: {  	[tilespmem:$0x1F4F0] =	vst v59;
	v59 =	vld [tilespmem:$0x48C0]  }
0xa9: {  	v18 =	vld [tilespmem:$0x4690]  }
0xaa: {  	v30 =	vld [tilespmem:$0x3F90]  }
0xab: {  	v29 =	vld [tilespmem:$0x4790]  }
0xac: {  	v15 =	vld [tilespmem:$0x3E30]  }
0xad: {  	[tilespmem:$0x1F500] =	vst v59;
	v59 =	vld [tilespmem:$0x40D0]  }
0xae: {  	v63 =	vld [tilespmem:$0x4660]  }
0xaf: {  	v34 =	vld [tilespmem:$0x47D0]  }
0xb0: {  	v33 =	vld [tilespmem:$0x47F0]  }
0xb1: {  	v1 =	vmul.bf16 v1, v6;
	v6 =	vld [tilespmem:$0x3ED0]  }
0xb2: {  	[tilespmem:$0x1F510] =	vst v59;
	v59 =	vld [tilespmem:$0x48D0]  }
0xb3: {  	v11 =	vld [tilespmem:$0x3F30]  }
0xb4: {  	v9 =	vld [tilespmem:$0x4750]  }
0xb5: {  	v37 =	vld [tilespmem:$0x4670]  }
0xb6: {  	v62 =	vld [tilespmem:$0x46B0]  }
0xb7: {  	[tilespmem:$0x1F520] =	vst v59;
	v59 =	vld [tilespmem:$0x40E0]  }
0xb8: {  	v31 =	vld [tilespmem:$0x3F80]  }
0xb9: {  	v61 =	vld [tilespmem:$0x4020]  }
0xba: {  	v42 =	vmul.bf16 v21, v19;
	v19 =	vld [tilespmem:$0x3EA0]  }
0xbb: {  	v44 =	vmul.bf16 v27, v25;
	v27 =	vld [tilespmem:$0x3F00]  }
0xbc: {  	[tilespmem:$0x1F530] =	vst v59;
	v59 =	vld [tilespmem:$0x48E0]  }
0xbd: {  	v40 =	vmul.bf16 v16, v12;
	v16 =	vld [tilespmem:$0x4700]  }
0xbe: {  	v12 =	vld [tilespmem:$0x3F10]  }
0xbf: {  	v25 =	vld [tilespmem:$0x3F20]  }
0xc0: {  	v21 =	vld [tilespmem:$0x4720]  }
0xc1: {  	[tilespmem:$0x1F540] =	vst v59;
	v59 =	vld [tilespmem:$0x40F0]  }
0xc2: {  	v36 =	vld [tilespmem:$0x3FF0]  }
0xc3: {  	v13 =	vld [tilespmem:$0x4740]  }
0xc4: {  	v20 =	vld [tilespmem:$0x3F70]  }
0xc5: {  	v41 =	vld [tilespmem:$0x47C0]  }
0xc6: {  	[tilespmem:$0x1F550] =	vst v59;
	v59 =	vld [tilespmem:$0x48F0]  }
0xc7: {  	v39 =	vld [tilespmem:$0x3FE0]  }
0xc8: {  	v60 =	vld [tilespmem:$0x3E60]  }
0xc9: {  	v43 =	vmul.bf16 v23, v15;
	v15 =	vld [tilespmem:$0x4680]  }
0xca: {  	v23 =	vld [tilespmem:$0x3E90]  }
0xcb: {  	[tilespmem:$0x1F560] =	vst v59;
	v59 =	vld [tilespmem:$0x4100]  }
0xcc: {  	v1 =	vadd.bf16 v40, v1;
	v40 =	vld [tilespmem:$0x47A0]  }
0xcd: {  	v14 =	vld [tilespmem:$0x3F50]  }
0xce: {  	v17 =	vld [tilespmem:$0x4760]  }
0xcf: {  	v10 =	vld [tilespmem:$0x4770]  }
0xd0: {  	[tilespmem:$0x1F570] =	vst v59;
	v59 =	vld [tilespmem:$0x4900]  }
0xd1: {  	v49 =	vld [tilespmem:$0x3EB0]  }
0xd2: {  	v0 =	vld [tilespmem:$0x46E0]  }
0xd3: {  	v7 =	vld [tilespmem:$0x4710]  }
0xd4: {  	v5 =	vadd.bf16 v45, v44;
	v44 =	vld [tilespmem:$0x3FA0]  }
0xd5: {  	[tilespmem:$0x1F580] =	vst v59;
	v59 =	vld [tilespmem:$0x4110]  }
0xd6: {  	v8 =	vmul.bf16 v37, v35;
	v37 =	vld [tilespmem:$0x47B0]  }
0xd7: {  	v47 =	vadd.bf16 v43, v42;
	v43 =	vld [tilespmem:$0x3FC0]  }
0xd8: {  	v42 =	vld [tilespmem:$0x3FD0]  }
0xd9: {  	v35 =	vld [tilespmem:$0x47E0]  }
0xda: {  	[tilespmem:$0x1F590] =	vst v59;
	v59 =	vld [tilespmem:$0x4910]  }
0xdb: {  	[tilespmem:$0x1F460] =	vst v61;
	v61 =	vld [tilespmem:$0x4040]  }
0xdc: {  	v48 =	vld [tilespmem:$0x4850]  }
0xdd: {  	v45 =	vld [tilespmem:$0x4870]  }
0xde: {  	v38 =	vld [tilespmem:$0x3FB0]  }
0xdf: {  	[tilespmem:$0x1F5A0] =	vst v59;
	v59 =	vld [tilespmem:$0x4120]  }
0xe0: {  	v19 =	vmul.bf16 v32, v19;
	v32 =	vld [tilespmem:$0x4A20]  }
0xe1: {  	v3 =	vld [tilespmem:$0x46C0]  }
0xe2: {  	v1 =	vadd.bf16 v47, v1;
	v47 =	vld [tilespmem:$0x4830]  }
0xe3: {  	v50 =	vld [tilespmem:$0x4860]  }
0xe4: {  	[tilespmem:$0x1F5B0] =	vst v59;
	v59 =	vld [tilespmem:$0x4920]  }
0xe5: {  	v51 =	vld [tilespmem:$0x4070]  }
0xe6: {  	v46 =	vmul.bf16 v63, v60;
	v63 =	vld [tilespmem:$0x3EC0]  }
0xe7: {  	v53 =	vld [tilespmem:$0x4050]  }
0xe8: {  	v15 =	vmul.bf16 v15, v22;
	v22 =	vld [tilespmem:$0x4A50]  }
0xe9: {  	[tilespmem:$0x1F5C0] =	vst v59;
	v59 =	vld [tilespmem:$0x4130]  }
0xea: {  	v52 =	vld [tilespmem:$0x4840]  }
0xeb: {  	v2 =	vld [tilespmem:$0x3EE0]  }
0xec: {  	v4 =	vadd.bf16 v8, v46;
	v8 =	vld [tilespmem:$0x4730]  }
0xed: {  	v46 =	vld [tilespmem:$0x4810]  }
0xee: {  	v18 =	vmul.bf16 v18, v23;
	[tilespmem:$0x1F5D0] =	vst v59;
	v59 =	vld [tilespmem:$0x4930]  }
0xef: {  	v62 =	vmul.bf16 v62, v49;
	v49 =	vld [tilespmem:$0x4240]  }
0xf0: {  	v23 =	vadd.bf16 v18, v15;
	v18 =	vld [tilespmem:$0x4250]  }
0xf1: {  	v15 =	vmul.bf16 v21, v25;
	v25 =	vld [tilespmem:$0x4260]  }
0xf2: {  	v21 =	vmul.bf16 v9, v14;
	v9 =	vld [tilespmem:$0x42D0]  }
0xf3: {  	[tilespmem:$0x1F5E0] =	vst v59;
	v59 =	vld [tilespmem:$0x4140]  }
0xf4: {  	v14 =	vld [tilespmem:$0x4AD0]  }
0xf5: {  	v4 =	vadd.bf16 v4, v5;
	v5 =	vld [tilespmem:$0x46D0]  }
0xf6: {  	v3 =	vmul.bf16 v3, v63;
	v63 =	vld [tilespmem:$0x4230]  }
0xf7: {  	[tilespmem:$0x1F7B0] =	vst v32;
	v32 =	vadd.bf16 v62, v19;
	v1 =	vadd.bf16 v4, v1;
	v4 =	vld [tilespmem:$0x3EF0]  }
0xf8: {  	[tilespmem:$0x1F5F0] =	vst v59;
	v59 =	vld [tilespmem:$0x4940]  }
0xf9: {  	v0 =	vmul.bf16 v0, v2;
	v2 =	vadd.bf16 v32, v23;
	v32 =	vld [tilespmem:$0x4A60]  }
0xfa: {  	[tilespmem:$0x1F7E0] =	vst v49;
	v49 =	vld [tilespmem:$0x4270]  }
0xfb: {  	[tilespmem:$0x1F800] =	vst v18;
	v18 =	vld [tilespmem:$0x4290]  }
0xfc: {  	v62 =	vmul.bf16 v16, v27;
	v16 =	vmul.bf16 v8, v11;
	v8 =	vld [tilespmem:$0x42B0]  }
0xfd: {  	[tilespmem:$0x1F600] =	vst v59;
	v59 =	vld [tilespmem:$0x4150]  }
0xfe: {  	v23 =	vmul.bf16 v17, v24;
	v24 =	vmul.bf16 v10, v20;
	v10 =	vld [tilespmem:$0x4AB0]  }
0xff: {  	v20 =	vld [tilespmem:$0x42F0]  }
0x100: {  	v54 =	vshll.u32 v1, $0x10;
	v1 =	vand.u32 $0xFFFF0000, v1;
	[tilespmem:$0x1F830] =	vst v56;
	v56 =	vld [tilespmem:$0x4010]  }
0x101: {  	v55 =	vadd.f32 v1, v54;
	v1 =	vld [tilespmem:$0x46F0]  }
0x102: {  	[tilespmem:$0x1F610] =	vst v59;
	v59 =	vld [tilespmem:$0x4950]  }
0x103: {  	v54 =	vld [tilespmem:$0x4060]  }
0x104: {  	v5 =	vmul.bf16 v5, v6;
	v6 =	vld [tilespmem:$0x4A30]  }
0x105: {  	[tilespmem:$0x1F840] =	vst v57;
	v57 =	vld [tilespmem:$0x4820]  }
0x106: {  	[tilespmem:$0x1F7C0] =	vst v63;
	v63 =	vmul.bf16 v7, v12;
	v12 =	vld [tilespmem:$0x4A40]  }
0x107: {  	[tilespmem:$0x1F620] =	vst v59;
	v59 =	vld [tilespmem:$0x4160]  }
0x108: {  	v7 =	vld [tilespmem:$0x4AC0]  }
0x109: {  	(xrf2) =	vadd.scan.msk.f32 $0xffff, v55;
	v55 =	vld [tilespmem:$0x4800]  }
0x10a: {  	[tilespmem:$0x1F860] =	vst v58;
	v58 =	vld [tilespmem:$0x4030]  }
0x10b: {  	v3 =	vadd.bf16 v5, v3;
	v5 =	vadd.bf16 v63, v62;
	v62 =	vld [tilespmem:$0x4A70]  }
0x10c: {  	v19 =	vmul.bf16 v13, v26;
	[tilespmem:$0x1F630] =	vst v59;
	v59 =	vld [tilespmem:$0x4960]  }
0x10d: {  	v27 =	vmul.bf16 v28, v31;
	v28 =	vmul.bf16 v29, v30;
	v63 =	vld [tilespmem:$0x4280]  }
0x10e: {  	v8 =	vmul.bf16 v10, v8;
	v10 =	vld [tilespmem:$0x4BB0];
	v1 =	vmul.bf16 v1, v4  }
0x10f: {  	v30 =	vmul.bf16 v40, v44;
	v44 =	vmul.bf16 v46, v56;
	v46 =	vld [tilespmem:$0x1F460]  }
0x110: {  	v4 =	vadd.bf16 v21, v19;
	v19 =	vld [tilespmem:$0x4A80];
	v0 =	vadd.bf16 v1, v0  }
0x111: {  	[tilespmem:$0x1F640] =	vst v59;
	v59 =	vld [tilespmem:$0x4170]  }
0x112: {  	v21 =	vld [tilespmem:$0x4AF0];
	v0 =	vadd.bf16 v0, v3  }
0x113: {  	[tilespmem:$0x1F7F0] =	vst v12;
	v12 =	vld [tilespmem:$0x42C0]  }
0x114: {  	v1 =	vadd.bf16 v16, v15;
	v16 =	vld [tilespmem:$0x4A90];
	v0 =	vadd.bf16 v0, v2;
	v60, _, _ =	vpop (xrf2)  }
0x115: {  	[tilespmem:$0x1F880] =	vst v60;
	v60 =	vld [tilespmem:$0x4000]  }
0x116: {  	v3 =	vadd.bf16 v24, v23;
	v29 =	vshll.u32 v0, $0x10;
	v0 =	vand.u32 $0xFFFF0000, v0;
	[tilespmem:$0x1F650] =	vst v59;
	v59 =	vld [tilespmem:$0x4970]  }
0x117: {  	v31 =	vmul.bf16 v37, v38;
	v37 =	vmul.bf16 v41, v43;
	v15 =	vld [tilespmem:$0x42A0];
	v0 =	vadd.f32 v0, v29  }
0x118: {  	v38 =	vmul.bf16 v34, v42;
	v1 =	vadd.bf16 v1, v5;
	v5 =	vld [tilespmem:$0x4AA0];
	v26 =	vadd.bf16 v3, v4  }
0x119: {  	v40 =	vmul.bf16 v35, v39;
	v23 =	vld [tilespmem:$0x4300];
	v3 =	vadd.bf16 v28, v27;
	[tilespmem:$0x1F850] =	vst v0;
	v0 =	vadd.bf16 v31, v30  }
0x11a: {  	v41 =	vmul.bf16 v33, v36;
	[tilespmem:$0x1F820] =	vst v25;
	v47 =	vmul.bf16 v47, v58;
	v25 =	vld [tilespmem:$0x1F470];
	v1 =	vadd.bf16 v26, v1  }
0x11b: {  	v43 =	vmul.bf16 v55, v60;
	v0 =	vadd.bf16 v0, v3;
	v3 =	vmul.bf16 v57, v46;
	[tilespmem:$0x1F660] =	vst v59;
	v59 =	vld [tilespmem:$0x4180]  }
0x11c: {  	v19 =	vmul.bf16 v19, v63;
	v63 =	vld [tilespmem:$0x4BC0];
	v7 =	vmul.bf16 v7, v12;
	v60 =	vshll.u32 v1, $0x10  }
0x11d: {  	[tilespmem:$0x1F7D0] =	vst v6;
	v12 =	vld [tilespmem:$0x43C0];
	v1 =	vand.u32 $0xFFFF0000, v1;
	v6 =	vadd.bf16 v44, v43;
	v3 =	vadd.bf16 v47, v3  }
0x11e: {  	v42 =	vadd.bf16 v41, v40;
	v17 =	vadd.f32 v1, v60;
	v1 =	vld [tilespmem:$0x42E0]  }
0x11f: {  	v52 =	vmul.bf16 v52, v61;
	v2 =	vadd.bf16 v38, v37;
	v61 =	vadd.bf16 v3, v6;
	v6 =	vld [tilespmem:$0x4AE0]  }
0x120: {  	[tilespmem:$0x1F670] =	vst v59;
	v59 =	vld [tilespmem:$0x4980]  }
0x121: {  	v16 =	vmul.bf16 v16, v18;
	v18 =	vld [tilespmem:$0x43B0];
	v2 =	vadd.bf16 v42, v2  }
0x122: {  	v56 =	vmul.bf16 v50, v54;
	v26 =	vld [tilespmem:$0x1F480]  }
0x123: {  	v49 =	vmul.bf16 v62, v49;
	v62 =	vmul.bf16 v21, v20;
	v0 =	vadd.bf16 v2, v0;
	v27 =	vld [tilespmem:$0x1F490]  }
0x124: {  	v55 =	vmul.bf16 v48, v53;
	v57 =	vmul.bf16 v45, v51;
	v28 =	vld [tilespmem:$0x1F4A0]  }
0x125: {  	v29 =	vshll.u32 v0, $0x10;
	v0 =	vand.u32 $0xFFFF0000, v0;
	v1 =	vmul.bf16 v6, v1;
	[tilespmem:$0x1F680] =	vst v59;
	v59 =	vld [tilespmem:$0x4190]  }
0x126: {  	v4 =	vadd.bf16 v55, v52;
	v40 =	vadd.f32 v0, v29;
	v29 =	vld [tilespmem:$0x4320]  }
0x127: {  	v58 =	vadd.bf16 v57, v56;
	v1 =	vadd.bf16 v62, v1;
	v62 =	vld [tilespmem:$0x1F850]  }
0x128: {  	v30 =	vld [tilespmem:$0x1F4B0]  }
0x129: {  	v24 =	vadd.bf16 v58, v4;
	v4 =	vmul.bf16 v26, v25;
	v11 =	vmul.bf16 v28, v27;
	v27 =	vld [tilespmem:$0x4B10]  }
0x12a: {  	[tilespmem:$0x1F690] =	vst v59;
	v59 =	vld [tilespmem:$0x4990]  }
0x12b: {  	v4 =	vadd.bf16 v11, v4;
	v11 =	vld [tilespmem:$0x4B00]  }
0x12c: {  	v31 =	vld [tilespmem:$0x1F4C0]  }
0x12d: {  	v33 =	vld [tilespmem:$0x1F4D0]  }
0x12e: {  	v34 =	vld [tilespmem:$0x1F4E0]  }
0x12f: {  	[tilespmem:$0x1F6A0] =	vst v59;
	v59 =	vld [tilespmem:$0x41A0]  }
0x130: {  	v35 =	vld [tilespmem:$0x1F4F0]  }
0x131: {  	v36 =	vld [tilespmem:$0x1F500]  }
0x132: {  	v37 =	vld [tilespmem:$0x1F510]  }
0x133: {  	v38 =	vld [tilespmem:$0x1F520]  }
0x134: {  	[tilespmem:$0x1F6B0] =	vst v59;
	v59 =	vld [tilespmem:$0x49A0]  }
0x135: {  	v39 =	vld [tilespmem:$0x1F530]  }
0x136: {  	v41 =	vld [tilespmem:$0x1F540]  }
0x137: {  	v42 =	vld [tilespmem:$0x1F550]  }
0x138: {  	v43 =	vld [tilespmem:$0x1F560]  }
0x139: {  	[tilespmem:$0x1F6C0] =	vst v59;
	v59 =	vld [tilespmem:$0x41B0]  }
0x13a: {  	v44 =	vld [tilespmem:$0x1F570]  }
0x13b: {  	v45 =	vld [tilespmem:$0x1F580]  }
0x13c: {  	v46 =	vld [tilespmem:$0x1F590]  }
0x13d: {  	v47 =	vld [tilespmem:$0x1F5A0]  }
0x13e: {  	[tilespmem:$0x1F6D0] =	vst v59;
	v59 =	vld [tilespmem:$0x49B0]  }
0x13f: {  	v48 =	vld [tilespmem:$0x1F5B0]  }
0x140: {  	v50 =	vld [tilespmem:$0x1F5C0]  }
0x141: {  	v51 =	vld [tilespmem:$0x1F5D0]  }
0x142: {  	v52 =	vld [tilespmem:$0x1F5E0]  }
0x143: {  	[tilespmem:$0x1F6E0] =	vst v59;
	v59 =	vld [tilespmem:$0x41C0]  }
0x144: {  	v53 =	vld [tilespmem:$0x1F5F0]  }
0x145: {  	v54 =	vld [tilespmem:$0x1F600]  }
0x146: {  	v55 =	vld [tilespmem:$0x1F610]  }
0x147: {  	[tilespmem:$0x1F810] =	vst v22;
	v0 =	vmul.bf16 v31, v30;
	v13 =	vmul.bf16 v34, v33;
	v56 =	vld [tilespmem:$0x1F620]  }
0x148: {  	v3 =	vmul.bf16 v36, v35;
	v22 =	vmul.bf16 v38, v37;
	[tilespmem:$0x1F6F0] =	vst v59;
	v59 =	vld [tilespmem:$0x49C0]  }
0x149: {  	v2 =	vadd.bf16 v24, v61;
	v24 =	vmul.bf16 v41, v39;
	v25 =	vmul.bf16 v43, v42;
	v57 =	vld [tilespmem:$0x1F630]  }
0x14a: {  	v0 =	vadd.bf16 v13, v0;
	v58 =	vld [tilespmem:$0x1F640]  }
0x14b: {  	v3 =	vadd.bf16 v22, v3;
	v24 =	vadd.bf16 v25, v24;
	v60 =	vld [tilespmem:$0x1F650]  }
0x14c: {  	v0 =	vadd.bf16 v0, v4;
	v61 =	vld [tilespmem:$0x1F660]  }
0x14d: {  	v3 =	vadd.bf16 v24, v3;
	v13 =	vmul.bf16 v45, v44;
	v25 =	vmul.bf16 v47, v46;
	[tilespmem:$0x1F700] =	vst v59;
	v59 =	vld [tilespmem:$0x41D0]  }
0x14e: {  	v31 =	vld [tilespmem:$0x4B20];
	v26 =	vmul.bf16 v50, v48;
	v4 =	vmul.bf16 v52, v51  }
0x14f: {  	v34 =	vld [tilespmem:$0x4B30];
	v0 =	vadd.bf16 v3, v0  }
0x150: {  	v22 =	vld [tilespmem:$0x4310];
	v13 =	vadd.bf16 v25, v13;
	v4 =	vadd.bf16 v4, v26;
	v28 =	vmul.bf16 v54, v53  }
0x151: {  	v25 =	vld [tilespmem:$0x4330];
	v24 =	vmul.bf16 v56, v55;
	v55 =	vshll.u32 v2, $0x10;
	v2 =	vand.u32 $0xFFFF0000, v2  }
0x152: {  	v2 =	vadd.f32 v2, v55;
	v30 =	vmul.bf16 v58, v57;
	v33 =	vmul.bf16 v61, v60;
	[tilespmem:$0x1F710] =	vst v59;
	v59 =	vld [tilespmem:$0x49D0]  }
0x153: {  	v55 =	vld [tilespmem:$0x1F7E0];
	v24 =	vadd.bf16 v24, v28;
	v58 =	vshll.u32 v0, $0x10;
	v0 =	vand.u32 $0xFFFF0000, v0  }
0x154: {  	v0 =	vadd.f32 v0, v58;
	v58 =	vld [tilespmem:$0x1F810];
	v30 =	vadd.bf16 v33, v30  }
0x155: {  	v36 =	vld [tilespmem:$0x1F670]  }
0x156: {  	v4 =	vadd.bf16 v4, v13;
	v24 =	vadd.bf16 v30, v24;
	v37 =	vld [tilespmem:$0x1F680]  }
0x157: {  	[tilespmem:$0x1F720] =	vst v59;
	v59 =	vld [tilespmem:$0x41E0]  }
0x158: {  	v56 =	vadd.bf16 v24, v4;
	v4 =	vld [tilespmem:$0x4B60]  }
0x159: {  	v24 =	vld [tilespmem:$0x4380]  }
0x15a: {  	v60 =	vshll.u32 v56, $0x10;
	v3 =	vand.u32 $0xFFFF0000, v56;
	v56 =	vld [tilespmem:$0x1F7F0]  }
0x15b: {  	v38 =	vld [tilespmem:$0x1F690]  }
0x15c: {  	[tilespmem:$0x1F730] =	vst v59;
	v59 =	vld [tilespmem:$0x49E0]  }
0x15d: {  	v26 =	vmul.bf16 v37, v36;
	v36 =	vld [tilespmem:$0x4340]  }
0x15e: {  	v39 =	vld [tilespmem:$0x1F6A0]  }
0x15f: {  	v41 =	vld [tilespmem:$0x1F6B0]  }
0x160: {  	v42 =	vld [tilespmem:$0x1F6C0]  }
0x161: {  	[tilespmem:$0x1F740] =	vst v59;
	v59 =	vld [tilespmem:$0x41F0]  }
0x162: {  	v43 =	vld [tilespmem:$0x1F6D0]  }
0x163: {  	v28 =	vmul.bf16 v39, v38;
	v44 =	vld [tilespmem:$0x1F6E0]  }
0x164: {  	v38 =	vld [tilespmem:$0x4B40]  }
0x165: {  	v26 =	vadd.bf16 v28, v26;
	v28 =	vld [tilespmem:$0x4B80]  }
0x166: {  	[tilespmem:$0x1F750] =	vst v59;
	v59 =	vld [tilespmem:$0x49F0]  }
0x167: {  	v33 =	vmul.bf16 v42, v41;
	v41 =	vld [tilespmem:$0x4350]  }
0x168: {  	v35 =	vmul.bf16 v44, v43;
	v45 =	vld [tilespmem:$0x1F6F0]  }
0x169: {  	v43 =	vld [tilespmem:$0x4390]  }
0x16a: {  	v54 =	vadd.bf16 v35, v33;
	v33 =	vld [tilespmem:$0x4B50]  }
0x16b: {  	[tilespmem:$0x1F760] =	vst v59;
	v59 =	vld [tilespmem:$0x4200]  }
0x16c: {  	v46 =	vld [tilespmem:$0x1F700]  }
0x16d: {  	v47 =	vld [tilespmem:$0x1F710]  }
0x16e: {  	v48 =	vld [tilespmem:$0x1F720]  }
0x16f: {  	v50 =	vld [tilespmem:$0x1F730]  }
0x170: {  	[tilespmem:$0x1F770] =	vst v59;
	v59 =	vld [tilespmem:$0x4A00]  }
0x171: {  	v51 =	vld [tilespmem:$0x1F740]  }
0x172: {  	v52 =	vld [tilespmem:$0x1F750]  }
0x173: {  	v53 =	vld [tilespmem:$0x1F760]  }
0x174: {  	v35 =	vld [tilespmem:$0x4360]  }
0x175: {  	[tilespmem:$0x1F780] =	vst v59;
	v59 =	vld [tilespmem:$0x4210]  }
0x176: {  	v57 =	vadd.bf16 v54, v26;
	v26 =	vld [tilespmem:$0x4370]  }
0x177: {  	v54 =	vld [tilespmem:$0x1F7D0];
	v13 =	vmul.bf16 v46, v45;
	v37 =	vmul.bf16 v48, v47  }
0x178: {  	v46 =	vld [tilespmem:$0x4B90];
	v30 =	vmul.bf16 v51, v50;
	v39 =	vmul.bf16 v53, v52  }
0x179: {  	v47 =	vld [tilespmem:$0x1F770]  }
0x17a: {  	v13 =	vadd.bf16 v37, v13;
	v30 =	vadd.bf16 v39, v30;
	[tilespmem:$0x1F790] =	vst v59;
	v59 =	vld [tilespmem:$0x4A10]  }
0x17b: {  	v52 =	vld [tilespmem:$0x1F7B0]  }
0x17c: {  	v9 =	vmul.bf16 v14, v9;
	v53 =	vld [tilespmem:$0x1F7C0];
	v13 =	vadd.bf16 v30, v13  }
0x17d: {  	v5 =	vmul.bf16 v5, v15;
	v48 =	vld [tilespmem:$0x1F780]  }
0x17e: {  	v7 =	vadd.bf16 v9, v7;
	v13 =	vadd.bf16 v13, v57;
	v57 =	vld [tilespmem:$0x1F800]  }
0x17f: {  	v16 =	vadd.bf16 v16, v19;
	v5 =	vadd.bf16 v8, v5;
	[tilespmem:$0x1F7A0] =	vst v59;
	v59 =	vld [tilespmem:$0x4220]  }
0x180: {  	v50 =	vld [tilespmem:$0x1F790]  }
0x181: {  	v63 =	vmul.bf16 v63, v12;
	v5 =	vadd.bf16 v5, v16;
	v1 =	vadd.bf16 v1, v7;
	v51 =	vld [tilespmem:$0x1F7A0]  }
0x182: {  	v11 =	vmul.bf16 v11, v23;
	v4 =	vmul.bf16 v4, v35;
	v30 =	vld [tilespmem:$0x4B70]  }
0x183: {  	v1 =	vadd.bf16 v1, v5;
	v37 =	vmul.bf16 v56, v55;
	v55 =	vld [tilespmem:$0x43F0];
	v56 =	vmul.bf16 v33, v41  }
0x184: {  	v3 =	vadd.f32 v3, v60;
	v45 =	vmul.bf16 v54, v53;
	v44 =	vmul.bf16 v52, v59;
	v59 =	vld [tilespmem:$0x1F820]  }
0x185: {  	v54 =	vmul.bf16 v38, v36;
	v61 =	vshll.u32 v13, $0x10;
	v39 =	vmul.bf16 v48, v47;
	v48 =	vld [tilespmem:$0x43A0]  }
0x186: {  	v13 =	vand.u32 $0xFFFF0000, v13;
	v47 =	vmul.bf16 v58, v57;
	v57 =	vld [tilespmem:$0x4BF0];
	v42 =	vmul.bf16 v51, v50  }
0x187: {  	v5 =	vadd.bf16 v56, v54;
	v13 =	vadd.f32 v13, v61;
	v26 =	vmul.bf16 v30, v26;
	v52 =	vld [tilespmem:$0x4BE0]  }
0x188: {  	v53 =	vmul.bf16 v34, v25;
	v44 =	vadd.bf16 v45, v44;
	v45 =	vld [tilespmem:$0x4BD0];
	v39 =	vadd.bf16 v42, v39  }
0x189: {  	v4 =	vadd.bf16 v26, v4;
	v26 =	vshll.u32 v1, $0x10;
	v42 =	vld [tilespmem:$0x4BA0];
	v32 =	vmul.bf16 v32, v59  }
0x18a: {  	v1 =	vand.u32 $0xFFFF0000, v1;
	v50 =	vmul.bf16 v27, v22;
	v61 =	vadd.bf16 v44, v39;
	v39 =	vld [tilespmem:$0x43D0]  }
0x18b: {  	v37 =	vadd.bf16 v47, v37;
	v51 =	vmul.bf16 v31, v29;
	v60 =	vadd.bf16 v49, v32;
	v49 =	vld [tilespmem:$0x43E0]  }
0x18c: {  	v10 =	vmul.bf16 v10, v18;
	v1 =	vadd.f32 v1, v26;
	v7 =	vadd.bf16 v50, v11;
	v32 =	vld [tilespmem:$0x1F830]  }
0x18d: {  	v20 =	vmul.bf16 v57, v55;
	v58 =	vadd.bf16 v53, v51;
	v47 =	vadd.bf16 v60, v37  }
0x18e: {  	v4 =	vadd.bf16 v4, v5;
	v59 =	vmul.bf16 v28, v24;
	v60 =	vmul.bf16 v46, v43  }
0x18f: {  	(xrf2) =	vadd.scan.msk.f32 $0xffff, v62;
	v7 =	vadd.bf16 v58, v7;
	v6 =	vmul.bf16 v45, v39;
	v9 =	vadd.bf16 v47, v61  }
0x190: {  	(xrf2) =	vadd.scan.msk.f32 $0xffff, v17;
	v44 =	vld [tilespmem:$0x1F840];
	v61 =	vmul.bf16 v42, v48;
	v14 =	vadd.bf16 v60, v59;
	v18 =	vmul.bf16 v52, v49  }
0x191: {  	(xrf2) =	vadd.scan.msk.f32 $0xffff, v40;
	v21 =	vbroadcast v32, $0xF;
	v6 =	vadd.bf16 v6, v63;
	v22 =	vshll.u32 v9, $0x10  }
0x192: {  	(xrf2) =	vadd.scan.msk.f32 $0xffff, v2;
	v32 =	vld [tilespmem:$0x1F860];
	v10 =	vadd.bf16 v10, v61;
	v24 =	vand.u32 $0xFFFF0000, v9;
	v5 =	vadd.bf16 v20, v18  }
0x193: {  	(xrf2) =	vadd.scan.msk.f32 $0xffff, v0;
	v33 =	vld [tilespmem:$0x1F870];
	v4 =	vadd.bf16 v4, v7;
	v25 =	vadd.f32 v24, v22  }
0x194: {  	(xrf2) =	vadd.scan.msk.f32 $0xffff, v3;
	v35 =	vld [tilespmem:$0x1F880];
	v27 =	vadd.bf16 v10, v14;
	v5 =	vadd.bf16 v5, v6  }
0x195: {  	(xrf2) =	vadd.scan.msk.f32 $0xffff, v13;
	v28 =	vshll.u32 v4, $0x10;
	v4 =	vand.u32 $0xFFFF0000, v4;
	v19 =	vbroadcast v44, $0xF  }
0x196: {  	v29 =	vadd.f32 v4, v28;
	(xrf2) =	vadd.scan.msk.f32 $0xffff, v25;
	v30 =	vadd.bf16 v5, v27  }
0x197: {  	v31 =	vsel vm0, v21, v19;
	v4 =	vbroadcast v32, $0xF;
	(xrf2) =	vadd.scan.msk.f32 $0xffff, v1  }
0x198: {  	v1 =	vbroadcast v33, $0xF;
	(xrf2) =	vadd.scan.msk.f32 $0xffff, v29;
	v34 =	vshll.u32 v30, $0x10;
	v2 =	vand.u32 $0xFFFF0000, v30  }
0x199: {  	v36, _, _ =	vpop (xrf2);
	v3 =	vsel vm1, v31, v4;
	v4 =	vbroadcast v35, $0xF;
	v0 =	vadd.f32 v2, v34  }
0x19a: {  	v38, _, _ =	vpop (xrf2);
	v37 =	vbroadcast v36, $0xF;
	v1 =	vsel vm2, v3, v1  }
0x19b: {  	v39, _, _ =	vpop (xrf2);
	v3 =	vbroadcast v38, $0xF;
	v1 =	vsel vm3, v1, v4;
	(xrf2) =	vadd.scan.msk.f32 $0xffff, v0  }
0x19c: {  	v41 =	vbroadcast v39, $0xF;
	v42, _, _ =	vpop (xrf2);
	v40 =	vsel vm4, v1, v37  }
0x19d: {  	v43, _, _ =	vpop (xrf2);
	v2 =	vbroadcast v42, $0xF;
	v0 =	vsel vm5, v40, v3  }
0x19e: {  	v44 =	vbroadcast v43, $0xF;
	v45, _, _ =	vpop (xrf2);
	v0 =	vsel vm6, v0, v41  }
0x19f: {  	v46 =	vbroadcast v45, $0xF;
	v47, _, _ =	vpop (xrf2);
	v0 =	vsel vm7, v0, v2  }
0x1a0: {  	v48 =	vbroadcast v47, $0xF;
	v0 =	vsel vm8, v0, v44;
	v49, _, _ =	vpop (xrf2)  }
0x1a1: {  	v0 =	vsel vm9, v0, v46;
	v50 =	vbroadcast v49, $0xF;
	v51, _, _ =	vpop (xrf2)  }
0x1a2: {  	v0 =	vsel vm10, v0, v48;
	v52 =	vbroadcast v51, $0xF;
	v53, _, _ =	vpop (xrf2)  }
0x1a3: {  	v0 =	vsel vm11, v0, v50;
	v54 =	vbroadcast v53, $0xF  }
0x1a4: {  	v0 =	vsel vm12, v0, v52  }
0x1a5: {  	p0 =	seq.s32 s28, $0x4E00;
	v0 =	vsel vm13, v0, v54;
	v55, _, _ =	vpop (xrf2)  }
0x1a6: {  	s30 =	sshra.s32 @!p0 s28, $0x2;
	v0 =	vsel vm14, v0, v55  }
0x1a7: {  	s0 =	simm.s32 @!p0 $0x3C00;
	s1 =	simm.s32 @!p0 $0x8;
	s31 =	sadd.s32 @!p0 $0x20, s30;
	[tilespmem:s29+$0x2800] =	vst v0  }
0x1a8: {  	[tilespmem:s0], [sflag:$0x1] =	stream.indirect.gather @!p0 [spmem:s2], $0x80, s31, s1, $0xb8;
	[tilespmem:$0x19800] =	vst v63  }
0x1a9: {  	s0 =	sadd.s32 @!p0 $0x1420, s30;
	s31 =	simm.s32 @!p0 $0x4400  }
0x1aa: {  	[tilespmem:s31], [sflag:$0x1] =	stream.indirect.gather @!p0 [spmem:s2], $0x80, s0, s1, $0xb8;
	[tilespmem:$0x19800] =	vst v63  }
0x1ab: {  	s0 =	sadd.s32 @!p0 $0x28, s30;
	s31 =	simm.s32 @!p0 $0x4000  }
0x1ac: {  	[tilespmem:s31], [sflag:$0x1] =	stream.indirect.gather @!p0 [spmem:s2], $0x80, s0, s1, $0xb8;
	[tilespmem:$0x19800] =	vst v63  }
0x1ad: {  	s0 =	sadd.s32 @!p0 $0x1428, s30;
	s30 =	simm.s32 @!p0 $0x4800  }
0x1ae: {  	[tilespmem:s30], [sflag:$0x1] =	stream.indirect.gather @!p0 [spmem:s2], $0x80, s0, s1, $0xb8;
	[tilespmem:$0x19800] =	vst v63  }
0x1af: {  	_ =	swait.ge [sflag:s24], $0x400  }
0x1b0: {  	[sflag:s24] =	ssyncset.done $0x0  }
0x1b1: {  	[sflag:s24] =	ssyncadd.s32 $0xFFFFFC00  }
0x1b2: {  	_ =	swait.ge [sflag:s24], $0x400  }
0x1b3: {  	[sflag:s24] =	ssyncset.done $0x0  }
0x1b4: {  	[sflag:s24] =	ssyncadd.s32 $0xFFFFFC00  }
0x1b5: {  	_ =	swait.ge [sflag:s24], $0x400  }
0x1b6: {  	[sflag:s24] =	ssyncset.done $0x0  }
0x1b7: {  	[sflag:s24] =	ssyncadd.s32 $0xFFFFFC00  }
0x1b8: {  	_ =	swait.ge [sflag:s24], $0x400  }
0x1b9: {  	[sflag:s24] =	ssyncset.done $0x0  }
0x1ba: {  	[sflag:s24] =	ssyncadd.s32 $0xFFFFFC00  }
0x1bb: {  	v15 =	vld [tilespmem:$0x4C00]  }
0x1bc: {  	v12 =	vld [tilespmem:$0x5400]  }
0x1bd: {  	v13 =	vld [tilespmem:$0x4C10]  }
0x1be: {  	v8 =	vld [tilespmem:$0x5410]  }
0x1bf: {  	v14 =	vld [tilespmem:$0x4C20]  }
0x1c0: {  	v9 =	vld [tilespmem:$0x5420]  }
0x1c1: {  	v10 =	vld [tilespmem:$0x4C30]  }
0x1c2: {  	v4 =	vld [tilespmem:$0x5430]  }
0x1c3: {  	v11 =	vld [tilespmem:$0x4C40]  }
0x1c4: {  	v5 =	vld [tilespmem:$0x5440]  }
0x1c5: {  	v6 =	vld [tilespmem:$0x4C50]  }
0x1c6: {  	v3 =	vld [tilespmem:$0x5450]  }
0x1c7: {  	v7 =	vld [tilespmem:$0x4C60]  }
0x1c8: {  	v1 =	vld [tilespmem:$0x5460]  }
0x1c9: {  	v2 =	vld [tilespmem:$0x4C70]  }
0x1ca: {  	v0 =	vld [tilespmem:$0x5470]  }
0x1cb: {  	v28 =	vld [tilespmem:$0x4C80]  }
0x1cc: {  	v25 =	vld [tilespmem:$0x5480]  }
0x1cd: {  	v26 =	vld [tilespmem:$0x4C90]  }
0x1ce: {  	v20 =	vld [tilespmem:$0x5490]  }
0x1cf: {  	v22 =	vld [tilespmem:$0x4CA0]  }
0x1d0: {  	v21 =	vld [tilespmem:$0x54A0]  }
0x1d1: {  	v18 =	vld [tilespmem:$0x4CB0]  }
0x1d2: {  	v16 =	vld [tilespmem:$0x54B0]  }
0x1d3: {  	v19 =	vld [tilespmem:$0x4CC0]  }
0x1d4: {  	v17 =	vld [tilespmem:$0x54C0]  }
0x1d5: {  	v35 =	vld [tilespmem:$0x4CD0]  }
0x1d6: {  	v29 =	vld [tilespmem:$0x54D0]  }
0x1d7: {  	v61 =	vld [tilespmem:$0x55E0];
	_ =	sdelay $0x4  }
0x1d8: {  	[tilespmem:$0x1F8D0] =	vst v61;
	v61 =	vld [tilespmem:$0x4E10];
	_ =	sdelay $0x4  }
0x1d9: {  	[tilespmem:$0x1F910] =	vst v61;
	v61 =	vld [tilespmem:$0x4E30];
	_ =	sdelay $0x4  }
0x1da: {  	[tilespmem:$0x1F940] =	vst v61;
	v61 =	vld [tilespmem:$0x4E50];
	_ =	sdelay $0x4  }
0x1db: {  	[tilespmem:$0x1F960] =	vst v61;
	v61 =	vld [tilespmem:$0x4E60];
	_ =	sdelay $0x4  }
0x1dc: {  	[tilespmem:$0x1F970] =	vst v61;
	v61 =	vld [tilespmem:$0x5660];
	_ =	sdelay $0x4  }
0x1dd: {  	[tilespmem:$0x1F980] =	vst v61;
	v61 =	vld [tilespmem:$0x4E70];
	_ =	sdelay $0x4  }
0x1de: {  	[tilespmem:$0x1F990] =	vst v61;
	v61 =	vld [tilespmem:$0x4E80];
	_ =	sdelay $0x4  }
0x1df: {  	[tilespmem:$0x1F9A0] =	vst v61;
	v61 =	vld [tilespmem:$0x5680];
	_ =	sdelay $0x4  }
0x1e0: {  	[tilespmem:$0x1F9B0] =	vst v61;
	v61 =	vld [tilespmem:$0x4E90];
	_ =	sdelay $0x4  }
0x1e1: {  	[tilespmem:$0x1F9C0] =	vst v61;
	v61 =	vld [tilespmem:$0x5690];
	_ =	sdelay $0x4  }
0x1e2: {  	[tilespmem:$0x1F9D0] =	vst v61;
	v61 =	vld [tilespmem:$0x4EA0];
	_ =	sdelay $0x4  }
0x1e3: {  	[tilespmem:$0x1F9E0] =	vst v61;
	v61 =	vld [tilespmem:$0x56A0];
	_ =	sdelay $0x4  }
0x1e4: {  	[tilespmem:$0x1F9F0] =	vst v61;
	v61 =	vld [tilespmem:$0x4EB0];
	_ =	sdelay $0x4  }
0x1e5: {  	[tilespmem:$0x1FA00] =	vst v61;
	v61 =	vld [tilespmem:$0x56B0];
	_ =	sdelay $0x4  }
0x1e6: {  	[tilespmem:$0x1FA10] =	vst v61;
	v61 =	vld [tilespmem:$0x4EC0];
	_ =	sdelay $0x4  }
0x1e7: {  	[tilespmem:$0x1FA20] =	vst v61;
	v61 =	vld [tilespmem:$0x56C0];
	_ =	sdelay $0x4  }
0x1e8: {  	[tilespmem:$0x1FA30] =	vst v61;
	v61 =	vld [tilespmem:$0x4ED0];
	_ =	sdelay $0x4  }
0x1e9: {  	[tilespmem:$0x1FA40] =	vst v61;
	v61 =	vld [tilespmem:$0x56D0];
	_ =	sdelay $0x4  }
0x1ea: {  	[tilespmem:$0x1FA50] =	vst v61;
	v61 =	vld [tilespmem:$0x4EE0];
	_ =	sdelay $0x4  }
0x1eb: {  	[tilespmem:$0x1FA60] =	vst v61;
	v61 =	vld [tilespmem:$0x56E0];
	_ =	sdelay $0x4  }
0x1ec: {  	[tilespmem:$0x1FA70] =	vst v61;
	v61 =	vld [tilespmem:$0x4EF0];
	_ =	sdelay $0x4  }
0x1ed: {  	[tilespmem:$0x1FA80] =	vst v61;
	v61 =	vld [tilespmem:$0x56F0];
	_ =	sdelay $0x4  }
0x1ee: {  	[tilespmem:$0x1FA90] =	vst v61;
	v61 =	vld [tilespmem:$0x4F00];
	_ =	sdelay $0x4  }
0x1ef: {  	[tilespmem:$0x1FAA0] =	vst v61;
	v61 =	vld [tilespmem:$0x5700];
	_ =	sdelay $0x4  }
0x1f0: {  	[tilespmem:$0x1FAB0] =	vst v61;
	v61 =	vld [tilespmem:$0x4F10];
	_ =	sdelay $0x4  }
0x1f1: {  	[tilespmem:$0x1FAC0] =	vst v61;
	v61 =	vld [tilespmem:$0x5710];
	_ =	sdelay $0x4  }
0x1f2: {  	[tilespmem:$0x1FAD0] =	vst v61;
	v61 =	vld [tilespmem:$0x4F20];
	_ =	sdelay $0x4  }
0x1f3: {  	[tilespmem:$0x1FAE0] =	vst v61;
	v61 =	vld [tilespmem:$0x5720];
	_ =	sdelay $0x4  }
0x1f4: {  	[tilespmem:$0x1FAF0] =	vst v61;
	v61 =	vld [tilespmem:$0x4F30];
	_ =	sdelay $0x4  }
0x1f5: {  	[tilespmem:$0x1FB00] =	vst v61;
	v61 =	vld [tilespmem:$0x5730];
	_ =	sdelay $0x4  }
0x1f6: {  	[tilespmem:$0x1FB10] =	vst v61;
	v61 =	vld [tilespmem:$0x4F40];
	_ =	sdelay $0x4  }
0x1f7: {  	[tilespmem:$0x1FB20] =	vst v61;
	v61 =	vld [tilespmem:$0x5740];
	_ =	sdelay $0x3  }
0x1f8: {  	v30 =	vld [tilespmem:$0x4CE0]  }
0x1f9: {  	[tilespmem:$0x1FB30] =	vst v61;
	v61 =	vld [tilespmem:$0x4F50]  }
0x1fa: {  	v23 =	vld [tilespmem:$0x54E0]  }
0x1fb: {  	v27 =	vld [tilespmem:$0x4CF0]  }
0x1fc: {  	v24 =	vld [tilespmem:$0x54F0]  }
0x1fd: {  	v43 =	vld [tilespmem:$0x4D00]  }
0x1fe: {  	[tilespmem:$0x1FB40] =	vst v61;
	v61 =	vld [tilespmem:$0x5750]  }
0x1ff: {  	v62 =	vld [tilespmem:$0x5500]  }
0x200: {  	v42 =	vld [tilespmem:$0x4D10]  }
0x201: {  	v31 =	vld [tilespmem:$0x5510]  }
0x202: {  	v48 =	vld [tilespmem:$0x4D20]  }
0x203: {  	[tilespmem:$0x1FB50] =	vst v61;
	v61 =	vld [tilespmem:$0x4F60]  }
0x204: {  	v36 =	vld [tilespmem:$0x5520]  }
0x205: {  	v37 =	vld [tilespmem:$0x4D30]  }
0x206: {  	v32 =	vld [tilespmem:$0x5530]  }
0x207: {  	v54 =	vld [tilespmem:$0x4D40]  }
0x208: {  	[tilespmem:$0x1FB60] =	vst v61;
	v61 =	vld [tilespmem:$0x5760]  }
0x209: {  	v38 =	vld [tilespmem:$0x5540]  }
0x20a: {  	v39 =	vld [tilespmem:$0x4D50]  }
0x20b: {  	v33 =	vld [tilespmem:$0x5550]  }
0x20c: {  	v44 =	vld [tilespmem:$0x4D60]  }
0x20d: {  	[tilespmem:$0x1FB70] =	vst v61;
	v61 =	vld [tilespmem:$0x4F70]  }
0x20e: {  	v40 =	vld [tilespmem:$0x5560]  }
0x20f: {  	v41 =	vld [tilespmem:$0x4D70]  }
0x210: {  	v34 =	vld [tilespmem:$0x5570]  }
0x211: {  	v52 =	vld [tilespmem:$0x4D80]  }
0x212: {  	[tilespmem:$0x1FB80] =	vst v61;
	v61 =	vld [tilespmem:$0x5770]  }
0x213: {  	v45 =	vld [tilespmem:$0x5580]  }
0x214: {  	v58 =	vld [tilespmem:$0x4D90]  }
0x215: {  	v51 =	vld [tilespmem:$0x5590]  }
0x216: {  	v49 =	vld [tilespmem:$0x4DA0]  }
0x217: {  	[tilespmem:$0x1FB90] =	vst v61;
	v61 =	vld [tilespmem:$0x4F80]  }
0x218: {  	v47 =	vld [tilespmem:$0x55A0]  }
0x219: {  	v50 =	vld [tilespmem:$0x4DB0]  }
0x21a: {  	v46 =	vld [tilespmem:$0x55B0]  }
0x21b: {  	v56 =	vld [tilespmem:$0x4DC0]  }
0x21c: {  	[tilespmem:$0x1FBA0] =	vst v61;
	v61 =	vld [tilespmem:$0x5780]  }
0x21d: {  	v57 =	vld [tilespmem:$0x55C0]  }
0x21e: {  	v59 =	vld [tilespmem:$0x4DD0]  }
0x21f: {  	v60 =	vld [tilespmem:$0x4DE0]  }
0x220: {  	v63 =	vld [tilespmem:$0x4DF0]  }
0x221: {  	[tilespmem:$0x1FBB0] =	vst v61;
	v61 =	vld [tilespmem:$0x4F90]  }
0x222: {  	v53 =	vld [tilespmem:$0x5610]  }
0x223: {  	v55 =	vld [tilespmem:$0x5630]  }
0x224: {  	[tilespmem:$0x1F8B0] =	vst v59;
	v59 =	vld [tilespmem:$0x55D0]  }
0x225: {  	[tilespmem:$0x1F8C0] =	vst v60;
	v60 =	vld [tilespmem:$0x55F0]  }
0x226: {  	[tilespmem:$0x1FBC0] =	vst v61;
	v61 =	vld [tilespmem:$0x5790]  }
0x227: {  	[tilespmem:$0x1F890] =	vst v56;
	v56 =	vld [tilespmem:$0x4E00]  }
0x228: {  	[tilespmem:$0x1F8A0] =	vst v57;
	v57 =	vld [tilespmem:$0x5600]  }
0x229: {  	[tilespmem:$0x1F8E0] =	vst v63;
	v63 =	vld [tilespmem:$0x4E20]  }
0x22a: {  	v8 =	vmul.bf16 v8, v13;
	v13 =	vld [tilespmem:$0x58F0]  }
0x22b: {  	[tilespmem:$0x1FBD0] =	vst v61;
	v61 =	vld [tilespmem:$0x4FA0]  }
0x22c: {  	v12 =	vmul.bf16 v12, v15;
	v15 =	vld [tilespmem:$0x5100]  }
0x22d: {  	v5 =	vmul.bf16 v5, v11;
	v11 =	vld [tilespmem:$0x5900]  }
0x22e: {  	v1 =	vmul.bf16 v1, v7;
	v7 =	vld [tilespmem:$0x5120]  }
0x22f: {  	v4 =	vmul.bf16 v4, v10;
	v10 =	vld [tilespmem:$0x5130]  }
0x230: {  	[tilespmem:$0x1FBE0] =	vst v61;
	v61 =	vld [tilespmem:$0x57A0]  }
0x231: {  	v16 =	vmul.bf16 v16, v18;
	v18 =	vld [tilespmem:$0x5940]  }
0x232: {  	v23 =	vmul.bf16 v23, v30;
	v30 =	vmul.bf16 v31, v42;
	v31 =	vld [tilespmem:$0x5960]  }
0x233: {  	v42 =	vmul.bf16 v36, v48;
	v48 =	vld [tilespmem:$0x5170]  }
0x234: {  	v19 =	vmul.bf16 v17, v19;
	v17 =	vld [tilespmem:$0x5980]  }
0x235: {  	[tilespmem:$0x1FBF0] =	vst v61;
	v61 =	vld [tilespmem:$0x4FB0]  }
0x236: {  	v3 =	vmul.bf16 v3, v6;
	v6 =	vld [tilespmem:$0x59C0]  }
0x237: {  	v9 =	vmul.bf16 v9, v14;
	v14 =	vadd.bf16 v8, v12;
	v8 =	vld [tilespmem:$0x5920]  }
0x238: {  	v12 =	vmul.bf16 v25, v28;
	v25 =	vld [tilespmem:$0x5950]  }
0x239: {  	v4 =	vadd.bf16 v4, v9;
	v28 =	vld [tilespmem:$0x5160]  }
0x23a: {  	[tilespmem:$0x1FC00] =	vst v61;
	v61 =	vld [tilespmem:$0x57B0]  }
0x23b: {  	v9 =	vadd.bf16 v4, v14;
	v14 =	vld [tilespmem:$0x5140]  }
0x23c: {  	v4 =	vld [tilespmem:$0x51D0]  }
0x23d: {  	[tilespmem:$0x1F900] =	vst v57;
	v57 =	vld [tilespmem:$0x5620]  }
0x23e: {  	[tilespmem:$0x1F920] =	vst v63;
	v63 =	vld [tilespmem:$0x4E40]  }
0x23f: {  	[tilespmem:$0x1FC10] =	vst v61;
	v61 =	vld [tilespmem:$0x4FC0]  }
0x240: {  	[tilespmem:$0x1F8F0] =	vst v56;
	v56 =	vld [tilespmem:$0x5650]  }
0x241: {  	[tilespmem:$0x1FE80] =	vst v13;
	v13 =	vld [tilespmem:$0x5110]  }
0x242: {  	[tilespmem:$0x1FE90] =	vst v15;
	v15 =	vld [tilespmem:$0x5910]  }
0x243: {  	[tilespmem:$0x1FEA0] =	vst v11;
	v11 =	vld [tilespmem:$0x5930]  }
0x244: {  	[tilespmem:$0x1FC20] =	vst v61;
	v61 =	vld [tilespmem:$0x57C0]  }
0x245: {  	[tilespmem:$0x1FF20] =	vst v18;
	v18 =	vld [tilespmem:$0x5190]  }
0x246: {  	[tilespmem:$0x1FF70] =	vst v48;
	v48 =	vld [tilespmem:$0x51A0]  }
0x247: {  	[tilespmem:$0x1FF60] =	vst v31;
	v31 =	vld [tilespmem:$0x1F8C0]  }
0x248: {  	[tilespmem:$0x1FED0] =	vst v7;
	v7 =	vld [tilespmem:$0x51E0]  }
0x249: {  	[tilespmem:$0x1FC30] =	vst v61;
	v61 =	vld [tilespmem:$0x4FD0]  }
0x24a: {  	[tilespmem:$0x1FF40] =	vst v25;
	v25 =	vld [tilespmem:$0x1F890]  }
0x24b: {  	[tilespmem:$0x1FF50] =	vst v28;
	v28 =	vld [tilespmem:$0x1F8B0]  }
0x24c: {  	[tilespmem:$0x1FEE0] =	vst v8;
	v8 =	vld [tilespmem:$0x59E0]  }
0x24d: {  	[tilespmem:$0x1FF10] =	vst v14;
	v14 =	vmul.bf16 v34, v41;
	v34 =	vld [tilespmem:$0x1F8E0]  }
0x24e: {  	[tilespmem:$0x1FC40] =	vst v61;
	v61 =	vld [tilespmem:$0x57D0]  }
0x24f: {  	v41 =	vld [tilespmem:$0x1F910]  }
0x250: {  	[tilespmem:$0x1F950] =	vst v63;
	v63 =	vld [tilespmem:$0x5640]  }
0x251: {  	[tilespmem:$0x1F930] =	vst v57;
	v57 =	vld [tilespmem:$0x5670]  }
0x252: {  	v0 =	vmul.bf16 v0, v2;
	[tilespmem:$0x1FEC0] =	vst v15;
	v15 =	vmul.bf16 v21, v22;
	v21 =	vld [tilespmem:$0x5150]  }
0x253: {  	v3 =	vadd.bf16 v3, v5;
	v22 =	vmul.bf16 v29, v35;
	[tilespmem:$0x1FC50] =	vst v61;
	v61 =	vld [tilespmem:$0x4FE0]  }
0x254: {  	v0 =	vadd.bf16 v0, v1;
	v29 =	vmul.bf16 v62, v43;
	v62 =	vmul.bf16 v38, v54;
	v54 =	vld [tilespmem:$0x5970]  }
0x255: {  	v43 =	vmul.bf16 v32, v37;
	v32 =	vld [tilespmem:$0x1F8D0]  }
0x256: {  	v0 =	vadd.bf16 v0, v3;
	v37 =	vld [tilespmem:$0x1F8F0]  }
0x257: {  	[tilespmem:$0x1FEB0] =	vst v13;
	v38 =	vld [tilespmem:$0x1F900]  }
0x258: {  	v0 =	vadd.bf16 v0, v9;
	[tilespmem:$0x1FC60] =	vst v61;
	v61 =	vld [tilespmem:$0x57E0]  }
0x259: {  	[tilespmem:$0x1FFA0] =	vst v18;
	v18 =	vld [tilespmem:$0x51C0]  }
0x25a: {  	[tilespmem:$0x1FF00] =	vst v11;
	v13 =	vmul.bf16 v20, v26;
	v20 =	vshll.u32 v0, $0x10;
	v0 =	vand.u32 $0xFFFF0000, v0;
	v11 =	vld [tilespmem:$0x5200]  }
0x25b: {  	v0 =	vadd.f32 v0, v20;
	v20 =	vmul.bf16 v45, v52;
	v45 =	vld [tilespmem:$0x1F930]  }
0x25c: {  	v26 =	vmul.bf16 v24, v27;
	v27 =	vadd.bf16 v16, v15;
	v15 =	vld [tilespmem:$0x5180]  }
0x25d: {  	[tilespmem:$0x1FC70] =	vst v61;
	v61 =	vld [tilespmem:$0x4FF0]  }
0x25e: {  	v1 =	vadd.bf16 v13, v12;
	v12 =	vmul.bf16 v33, v39;
	v39 =	vld [tilespmem:$0x59A0]  }
0x25f: {  	v35 =	vadd.bf16 v26, v23;
	v26 =	vld [tilespmem:$0x1F8A0]  }
0x260: {  	v13 =	vmul.bf16 v40, v44;
	v44 =	vld [tilespmem:$0x1F920]  }
0x261: {  	v23 =	vmul.bf16 v46, v50;
	v50 =	vld [tilespmem:$0x1F950]  }
0x262: {  	[tilespmem:$0x1FC80] =	vst v61;
	v61 =	vld [tilespmem:$0x57F0]  }
0x263: {  	v3 =	vadd.bf16 v30, v29;
	[tilespmem:$0x1FFB0] =	vst v0;
	v0 =	vadd.bf16 v22, v19;
	v22 =	vmul.bf16 v47, v49;
	v47 =	vld [tilespmem:$0x1F940]  }
0x264: {  	v16 =	vadd.bf16 v43, v42;
	v2 =	vadd.bf16 v12, v62;
	v62 =	vld [tilespmem:$0x5990]  }
0x265: {  	v12 =	vld [tilespmem:$0x59B0]  }
0x266: {  	v19 =	vadd.bf16 v16, v3;
	v16 =	vld [tilespmem:$0x5A10]  }
0x267: {  	[tilespmem:$0x1FC90] =	vst v61;
	v61 =	vld [tilespmem:$0x5000]  }
0x268: {  	v0 =	vadd.bf16 v35, v0;
	v35 =	vld [tilespmem:$0x51B0]  }
0x269: {  	v5 =	vadd.bf16 v14, v13;
	v6 =	vmul.bf16 v6, v18;
	v18 =	vld [tilespmem:$0x5B80]  }
0x26a: {  	v52 =	vld [tilespmem:$0x1F960]  }
0x26b: {  	v36 =	vmul.bf16 v60, v34;
	v33 =	vmul.bf16 v32, v31;
	v2 =	vadd.bf16 v5, v2;
	v5 =	vld [tilespmem:$0x59D0]  }
0x26c: {  	v29 =	vmul.bf16 v59, v28;
	v1 =	vadd.bf16 v27, v1;
	v27 =	vmul.bf16 v26, v25;
	[tilespmem:$0x1FCA0] =	vst v61;
	v61 =	vld [tilespmem:$0x5800]  }
0x26d: {  	[tilespmem:$0x1FEF0] =	vst v10;
	v10 =	vadd.bf16 v36, v33;
	v39 =	vmul.bf16 v39, v48;
	v48 =	vld [tilespmem:$0x5340]  }
0x26e: {  	v30 =	vadd.bf16 v2, v19;
	v19 =	vld [tilespmem:$0x5220];
	v9 =	vadd.bf16 v29, v27  }
0x26f: {  	v49 =	vmul.bf16 v55, v47;
	v55 =	vld [tilespmem:$0x1F970]  }
0x270: {  	v43 =	vadd.bf16 v23, v22;
	v22 =	vadd.bf16 v10, v9;
	v9 =	vld [tilespmem:$0x51F0]  }
0x271: {  	v0 =	vadd.bf16 v0, v1;
	[tilespmem:$0x1FCB0] =	vst v61;
	v61 =	vld [tilespmem:$0x5010]  }
0x272: {  	v42 =	vmul.bf16 v53, v41;
	[tilespmem:$0x1FF30] =	vst v21;
	v21 =	vmul.bf16 v51, v58;
	v10 =	vld [tilespmem:$0x59F0]  }
0x273: {  	v24 =	vshll.u32 v0, $0x10;
	v0 =	vand.u32 $0xFFFF0000, v0;
	v53 =	vmul.bf16 v56, v52;
	v56 =	vld [tilespmem:$0x1F980]  }
0x274: {  	v0 =	vadd.f32 v0, v24;
	v23 =	vshll.u32 v30, $0x10;
	v24 =	vand.u32 $0xFFFF0000, v30;
	v59 =	vld [tilespmem:$0x1F990]  }
0x275: {  	v3 =	vadd.bf16 v21, v20;
	v25 =	vadd.f32 v24, v23;
	v23 =	vld [tilespmem:$0x5A30]  }
0x276: {  	[tilespmem:$0x1FCC0] =	vst v61;
	v61 =	vld [tilespmem:$0x5810]  }
0x277: {  	v40 =	vmul.bf16 v38, v37;
	v46 =	vmul.bf16 v45, v44;
	v3 =	vadd.bf16 v43, v3;
	v24 =	vld [tilespmem:$0x5240]  }
0x278: {  	v51 =	vmul.bf16 v63, v50;
	v4 =	vmul.bf16 v5, v4;
	v5 =	vld [tilespmem:$0x5350]  }
0x279: {  	v3 =	vadd.bf16 v22, v3;
	v22 =	vld [tilespmem:$0x5230];
	v58 =	vmul.bf16 v56, v55;
	v60 =	vmul.bf16 v57, v59  }
0x27a: {  	v14 =	vadd.bf16 v42, v40;
	v63 =	vadd.bf16 v49, v46;
	[tilespmem:$0x1FFD0] =	vst v25;
	v25 =	vld [tilespmem:$0x5A40]  }
0x27b: {  	v21 =	vadd.bf16 v53, v51;
	v13 =	vadd.bf16 v60, v58;
	[tilespmem:$0x1FCD0] =	vst v61;
	v61 =	vld [tilespmem:$0x5020]  }
0x27c: {  	v27 =	vld [tilespmem:$0x1F9A0]  }
0x27d: {  	v14 =	vadd.bf16 v63, v14;
	v13 =	vadd.bf16 v13, v21;
	v21 =	vld [tilespmem:$0x5A20]  }
0x27e: {  	v28 =	vld [tilespmem:$0x1F9B0]  }
0x27f: {  	v26 =	vadd.bf16 v13, v14;
	v13 =	vld [tilespmem:$0x5A00]  }
0x280: {  	[tilespmem:$0x1FCE0] =	vst v61;
	v61 =	vld [tilespmem:$0x5820]  }
0x281: {  	v14 =	vld [tilespmem:$0x5210]  }
0x282: {  	[tilespmem:$0x1FF80] =	vst v15;
	v46 =	vshll.u32 v26, $0x10;
	v15 =	vand.u32 $0xFFFF0000, v26;
	v26 =	vld [tilespmem:$0x5280]  }
0x283: {  	v30 =	vld [tilespmem:$0x1F9C0]  }
0x284: {  	v31 =	vld [tilespmem:$0x1F9D0]  }
0x285: {  	[tilespmem:$0x1FCF0] =	vst v61;
	v61 =	vld [tilespmem:$0x5030]  }
0x286: {  	v29 =	vmul.bf16 v28, v27;
	v27 =	vld [tilespmem:$0x5250]  }
0x287: {  	v28 =	vld [tilespmem:$0x5A80]  }
0x288: {  	v36 =	vld [tilespmem:$0x1F9E0]  }
0x289: {  	v32 =	vmul.bf16 v31, v30;
	v30 =	vld [tilespmem:$0x5A50]  }
0x28a: {  	[tilespmem:$0x1FD00] =	vst v61;
	v61 =	vld [tilespmem:$0x5830]  }
0x28b: {  	v31 =	vld [tilespmem:$0x5260]  }
0x28c: {  	v37 =	vld [tilespmem:$0x1F9F0]  }
0x28d: {  	v40 =	vld [tilespmem:$0x1FA00]  }
0x28e: {  	v41 =	vld [tilespmem:$0x1FA10]  }
0x28f: {  	[tilespmem:$0x1FD10] =	vst v61;
	v61 =	vld [tilespmem:$0x5040]  }
0x290: {  	v43 =	vld [tilespmem:$0x1FA20]  }
0x291: {  	v44 =	vld [tilespmem:$0x1FA30]  }
0x292: {  	v49 =	vld [tilespmem:$0x1FA40]  }
0x293: {  	v50 =	vld [tilespmem:$0x1FA50]  }
0x294: {  	[tilespmem:$0x1FD20] =	vst v61;
	v61 =	vld [tilespmem:$0x5840]  }
0x295: {  	v52 =	vld [tilespmem:$0x1FA60]  }
0x296: {  	v53 =	vld [tilespmem:$0x1FA70]  }
0x297: {  	v56 =	vld [tilespmem:$0x1FA80]  }
0x298: {  	v33 =	vshll.u32 v3, $0x10;
	v3 =	vand.u32 $0xFFFF0000, v3;
	v57 =	vld [tilespmem:$0x1FA90]  }
0x299: {  	v34 =	vadd.f32 v3, v33;
	[tilespmem:$0x1FD30] =	vst v61;
	v61 =	vld [tilespmem:$0x5050]  }
0x29a: {  	v33 =	vld [tilespmem:$0x1FAC0]  }
0x29b: {  	[tilespmem:$0x1FFE0] =	vst v34;
	v34 =	vld [tilespmem:$0x1FAD0]  }
0x29c: {  	v59 =	vld [tilespmem:$0x1FAA0]  }
0x29d: {  	v38 =	vmul.bf16 v37, v36;
	v42 =	vmul.bf16 v41, v40;
	v60 =	vld [tilespmem:$0x1FAB0]  }
0x29e: {  	[tilespmem:$0x1FD40] =	vst v61;
	v61 =	vld [tilespmem:$0x5850]  }
0x29f: {  	v3 =	vadd.bf16 v42, v38;
	v38 =	vld [tilespmem:$0x1FAE0]  }
0x2a0: {  	v36 =	vmul.bf16 v34, v33;
	v33 =	vld [tilespmem:$0x5A60]  }
0x2a1: {  	v34 =	vld [tilespmem:$0x5270]  }
0x2a2: {  	v40 =	vld [tilespmem:$0x1FAF0]  }
0x2a3: {  	[tilespmem:$0x1FD50] =	vst v61;
	v61 =	vld [tilespmem:$0x5060]  }
0x2a4: {  	v45 =	vmul.bf16 v44, v43;
	v51 =	vmul.bf16 v50, v49;
	v42 =	vld [tilespmem:$0x1FB00]  }
0x2a5: {  	v43 =	vld [tilespmem:$0x1FB10]  }
0x2a6: {  	v47 =	vadd.f32 v15, v46;
	v15 =	vadd.bf16 v51, v45;
	v45 =	vld [tilespmem:$0x1FB20]  }
0x2a7: {  	v46 =	vld [tilespmem:$0x1FB30]  }
0x2a8: {  	v55 =	vmul.bf16 v53, v52;
	v58 =	vmul.bf16 v57, v56;
	[tilespmem:$0x1FD60] =	vst v61;
	v61 =	vld [tilespmem:$0x5860]  }
0x2a9: {  	v49 =	vld [tilespmem:$0x1FB40]  }
0x2aa: {  	v37 =	vadd.bf16 v58, v55;
	v50 =	vld [tilespmem:$0x1FB50]  }
0x2ab: {  	v52 =	vld [tilespmem:$0x1FB60]  }
0x2ac: {  	v15 =	vadd.bf16 v37, v15;
	v37 =	vld [tilespmem:$0x1FBA0]  }
0x2ad: {  	[tilespmem:$0x1FD70] =	vst v61;
	v61 =	vld [tilespmem:$0x5070]  }
0x2ae: {  	v41 =	vmul.bf16 v40, v38;
	v44 =	vmul.bf16 v43, v42;
	v38 =	vld [tilespmem:$0x1FBB0]  }
0x2af: {  	v40 =	vld [tilespmem:$0x1FBC0]  }
0x2b0: {  	v63 =	vmul.bf16 v60, v59;
	v59 =	vadd.bf16 v44, v41;
	v41 =	vld [tilespmem:$0x1FBD0]  }
0x2b1: {  	v42 =	vld [tilespmem:$0x1FBE0]  }
0x2b2: {  	[tilespmem:$0x1FD80] =	vst v61;
	v61 =	vld [tilespmem:$0x5870]  }
0x2b3: {  	v43 =	vld [tilespmem:$0x1FBF0]  }
0x2b4: {  	v44 =	vld [tilespmem:$0x1FC00]  }
0x2b5: {  	[tilespmem:$0x1FFF0] =	vst v47;
	v47 =	vmul.bf16 v46, v45;
	v45 =	vld [tilespmem:$0x1FC10]  }
0x2b6: {  	v53 =	vld [tilespmem:$0x1FB70]  }
0x2b7: {  	v20 =	vadd.bf16 v36, v63;
	[tilespmem:$0x1FD90] =	vst v61;
	v61 =	vld [tilespmem:$0x5080]  }
0x2b8: {  	[tilespmem:$0x1FF90] =	vst v17;
	v17 =	vadd.bf16 v32, v29;
	v56 =	vld [tilespmem:$0x1FB80]  }
0x2b9: {  	v63 =	vadd.bf16 v59, v20;
	v57 =	vld [tilespmem:$0x1FB90];
	v20 =	vmul.bf16 v38, v37;
	v29 =	vmul.bf16 v41, v40  }
0x2ba: {  	v37 =	vld [tilespmem:$0x5A70];
	v32 =	vmul.bf16 v43, v42;
	v46 =	vmul.bf16 v45, v44  }
0x2bb: {  	v51 =	vmul.bf16 v50, v49;
	v49 =	vld [tilespmem:$0x1FC20]  }
0x2bc: {  	v20 =	vadd.bf16 v29, v20;
	v36 =	vadd.bf16 v46, v32;
	[tilespmem:$0x1FDA0] =	vst v61;
	v61 =	vld [tilespmem:$0x5880]  }
0x2bd: {  	v32 =	vld [tilespmem:$0x5A90]  }
0x2be: {  	v20 =	vadd.bf16 v36, v20;
	v36 =	vld [tilespmem:$0x52C0]  }
0x2bf: {  	v50 =	vld [tilespmem:$0x1FC30]  }
0x2c0: {  	v55 =	vmul.bf16 v53, v52;
	v52 =	vld [tilespmem:$0x1FC40]  }
0x2c1: {  	[tilespmem:$0x1FDB0] =	vst v61;
	v61 =	vld [tilespmem:$0x5090]  }
0x2c2: {  	v53 =	vld [tilespmem:$0x1FC50]  }
0x2c3: {  	v58 =	vmul.bf16 v57, v56;
	v56 =	vld [tilespmem:$0x1FC60]  }
0x2c4: {  	v57 =	vld [tilespmem:$0x1FC70]  }
0x2c5: {  	v59 =	vld [tilespmem:$0x1FC80]  }
0x2c6: {  	[tilespmem:$0x1FDC0] =	vst v61;
	v61 =	vld [tilespmem:$0x5890]  }
0x2c7: {  	v29 =	vld [tilespmem:$0x1FCA0]  }
0x2c8: {  	v42 =	vld [tilespmem:$0x1FCB0]  }
0x2c9: {  	v3 =	vadd.bf16 v3, v17;
	v43 =	vld [tilespmem:$0x1FCC0]  }
0x2ca: {  	v44 =	vld [tilespmem:$0x1FCD0]  }
0x2cb: {  	v3 =	vadd.bf16 v15, v3;
	[tilespmem:$0x1FDD0] =	vst v61;
	v61 =	vld [tilespmem:$0x50A0]  }
0x2cc: {  	v45 =	vld [tilespmem:$0x1FCE0]  }
0x2cd: {  	v17 =	vadd.bf16 v51, v47;
	v47 =	vshll.u32 v3, $0x10;
	v3 =	vand.u32 $0xFFFF0000, v3;
	v46 =	vld [tilespmem:$0x1FCF0]  }
0x2ce: {  	v3 =	vadd.f32 v3, v47;
	v47 =	vld [tilespmem:$0x1FD00]  }
0x2cf: {  	v60 =	vadd.bf16 v58, v55;
	v51 =	vmul.bf16 v50, v49;
	v49 =	vld [tilespmem:$0x1FD10]  }
0x2d0: {  	[tilespmem:$0x1FDE0] =	vst v61;
	v61 =	vld [tilespmem:$0x58A0]  }
0x2d1: {  	v17 =	vadd.bf16 v60, v17;
	v60 =	vld [tilespmem:$0x1FC90]  }
0x2d2: {  	v42 =	vmul.bf16 v42, v29;
	v29 =	vld [tilespmem:$0x5290]  }
0x2d3: {  	v43 =	vmul.bf16 v44, v43;
	v50 =	vld [tilespmem:$0x1FD20]  }
0x2d4: {  	v44 =	vmul.bf16 v46, v45;
	v45 =	vmul.bf16 v49, v47;
	v47 =	vld [tilespmem:$0x52A0]  }
0x2d5: {  	v55 =	vmul.bf16 v53, v52;
	[tilespmem:$0x1FDF0] =	vst v61;
	v61 =	vld [tilespmem:$0x50B0]  }
0x2d6: {  	v1 =	vadd.bf16 v45, v44;
	v44 =	vld [tilespmem:$0x52B0]  }
0x2d7: {  	v38 =	vadd.bf16 v55, v51;
	v51 =	vld [tilespmem:$0x1FD30]  }
0x2d8: {  	v53 =	vld [tilespmem:$0x1FD40]  }
0x2d9: {  	v55 =	vld [tilespmem:$0x1FD50]  }
0x2da: {  	v15 =	vadd.bf16 v17, v63;
	v58 =	vmul.bf16 v57, v56;
	v63 =	vmul.bf16 v60, v59;
	[tilespmem:$0x1FE00] =	vst v61;
	v61 =	vld [tilespmem:$0x58B0]  }
0x2db: {  	v57 =	vld [tilespmem:$0x1FD60]  }
0x2dc: {  	v17 =	vadd.bf16 v63, v58;
	v58 =	vld [tilespmem:$0x1FD70]  }
0x2dd: {  	v60 =	vld [tilespmem:$0x1FD80]  }
0x2de: {  	v63 =	vld [tilespmem:$0x1FD90]  }
0x2df: {  	v42 =	vadd.bf16 v43, v42;
	[tilespmem:$0x1FE10] =	vst v61;
	v61 =	vld [tilespmem:$0x50C0]  }
0x2e0: {  	v45 =	vld [tilespmem:$0x5AB0]  }
0x2e1: {  	v2 =	vadd.bf16 v1, v42;
	v42 =	vld [tilespmem:$0x52D0]  }
0x2e2: {  	v1 =	vld [tilespmem:$0x1FF40];
	v52 =	vmul.bf16 v51, v50;
	v56 =	vmul.bf16 v55, v53  }
0x2e3: {  	[tilespmem:$0x1FFC0] =	vst v0;
	v50 =	vld [tilespmem:$0x5AA0];
	v59 =	vmul.bf16 v58, v57;
	v0 =	vmul.bf16 v63, v60  }
0x2e4: {  	[tilespmem:$0x1FE20] =	vst v61;
	v61 =	vld [tilespmem:$0x58C0]  }
0x2e5: {  	v40 =	vadd.bf16 v56, v52;
	v49 =	vld [tilespmem:$0x1FDA0];
	v41 =	vadd.bf16 v0, v59  }
0x2e6: {  	v0 =	vld [tilespmem:$0x1FF10]  }
0x2e7: {  	v40 =	vadd.bf16 v41, v40;
	v41 =	vld [tilespmem:$0x5AC0]  }
0x2e8: {  	v17 =	vadd.bf16 v17, v38;
	v51 =	vld [tilespmem:$0x1FDB0]  }
0x2e9: {  	[tilespmem:$0x1FE30] =	vst v61;
	v61 =	vld [tilespmem:$0x50D0]  }
0x2ea: {  	v17 =	vadd.bf16 v17, v20;
	v20 =	vadd.bf16 v40, v2;
	v40 =	vld [tilespmem:$0x5AD0]  }
0x2eb: {  	v52 =	vld [tilespmem:$0x1FDC0]  }
0x2ec: {  	v2 =	vshll.u32 v20, $0x10;
	v20 =	vand.u32 $0xFFFF0000, v20;
	v53 =	vld [tilespmem:$0x1FDD0]  }
0x2ed: {  	v20 =	vadd.f32 v20, v2;
	v2 =	vld [tilespmem:$0x1FF50]  }
0x2ee: {  	[tilespmem:$0x1FE40] =	vst v61;
	v61 =	vld [tilespmem:$0x58D0]  }
0x2ef: {  	v38 =	vmul.bf16 v51, v49;
	v49 =	vld [tilespmem:$0x52E0]  }
0x2f0: {  	v56 =	vld [tilespmem:$0x1FDE0]  }
0x2f1: {  	v43 =	vmul.bf16 v53, v52;
	v52 =	vld [tilespmem:$0x5AE0]  }
0x2f2: {  	v57 =	vld [tilespmem:$0x1FDF0]  }
0x2f3: {  	[tilespmem:$0x1FE50] =	vst v61;
	v61 =	vld [tilespmem:$0x50E0]  }
0x2f4: {  	v58 =	vld [tilespmem:$0x1FE00]  }
0x2f5: {  	v59 =	vld [tilespmem:$0x1FE10]  }
0x2f6: {  	v60 =	vld [tilespmem:$0x1FE20]  }
0x2f7: {  	v63 =	vld [tilespmem:$0x1FE30]  }
0x2f8: {  	v46 =	vshll.u32 v15, $0x10;
	v15 =	vand.u32 $0xFFFF0000, v15;
	[tilespmem:$0x1FE60] =	vst v61;
	v61 =	vld [tilespmem:$0x58E0]  }
0x2f9: {  	v15 =	vadd.f32 v15, v46;
	v46 =	vmul.bf16 v57, v56;
	v57 =	vld [tilespmem:$0x1FE40]  }
0x2fa: {  	v51 =	vmul.bf16 v59, v58;
	v58 =	vld [tilespmem:$0x1FE50]  }
0x2fb: {  	v56 =	vld [tilespmem:$0x52F0]  }
0x2fc: {  	v53 =	vmul.bf16 v63, v60;
	v63 =	vld [tilespmem:$0x1FE80]  }
0x2fd: {  	v55 =	vshll.u32 v17, $0x10;
	v59 =	vld [tilespmem:$0x1FE60];
	[tilespmem:$0x1FE70] =	vst v61  }
0x2fe: {  	v17 =	vand.u32 $0xFFFF0000, v17;
	v38 =	vadd.bf16 v43, v38;
	v43 =	vadd.bf16 v51, v46;
	v60 =	vld [tilespmem:$0x1FE70]  }
0x2ff: {  	v17 =	vadd.f32 v17, v55;
	v55 =	vmul.bf16 v58, v57;
	v61 =	vld [tilespmem:$0x50F0]  }
0x300: {  	v38 =	vadd.bf16 v43, v38;
	v43 =	vld [tilespmem:$0x1FF20]  }
0x301: {  	v51 =	vadd.bf16 v55, v53;
	v53 =	vld [tilespmem:$0x1FE90]  }
0x302: {  	v55 =	vld [tilespmem:$0x1FEA0]  }
0x303: {  	v57 =	vmul.bf16 v60, v59;
	v60 =	vld [tilespmem:$0x1FEB0]  }
0x304: {  	v59 =	vmul.bf16 v63, v61;
	v61 =	vld [tilespmem:$0x1FEC0]  }
0x305: {  	v63 =	vld [tilespmem:$0x1FED0]  }
0x306: {  	v57 =	vadd.bf16 v59, v57;
	v59 =	vld [tilespmem:$0x1FEE0]  }
0x307: {  	v43 =	vmul.bf16 v43, v0;
	v0 =	vld [tilespmem:$0x1FF30]  }
0x308: {  	v51 =	vadd.bf16 v57, v51;
	v57 =	vld [tilespmem:$0x1FF60]  }
0x309: {  	v46 =	vld [tilespmem:$0x5300]  }
0x30a: {  	v53 =	vmul.bf16 v55, v53;
	v55 =	vmul.bf16 v61, v60;
	v61 =	vld [tilespmem:$0x1FEF0]  }
0x30b: {  	v59 =	vmul.bf16 v59, v63;
	v63 =	vld [tilespmem:$0x1FF00]  }
0x30c: {  	v0 =	vmul.bf16 v1, v0;
	v1 =	vld [tilespmem:$0x5B10]  }
0x30d: {  	v57 =	vmul.bf16 v57, v2;
	v2 =	vld [tilespmem:$0x1FF70]  }
0x30e: {  	v58 =	vld [tilespmem:$0x5AF0]  }
0x30f: {  	v60 =	vld [tilespmem:$0x5B00]  }
0x310: {  	v53 =	vadd.bf16 v55, v53;
	v55 =	vld [tilespmem:$0x5B30];
	v61 =	vmul.bf16 v63, v61  }
0x311: {  	v63 =	vld [tilespmem:$0x5310]  }
0x312: {  	v54 =	vmul.bf16 v54, v2;
	v2 =	vld [tilespmem:$0x5320];
	v61 =	vadd.bf16 v61, v59  }
0x313: {  	v59 =	vld [tilespmem:$0x5B20]  }
0x314: {  	v38 =	vadd.bf16 v51, v38;
	v51 =	vadd.bf16 v61, v53;
	v61 =	vld [tilespmem:$0x1FF80]  }
0x315: {  	v0 =	vadd.bf16 v0, v43;
	v43 =	vadd.bf16 v54, v57;
	v57 =	vld [tilespmem:$0x1FF90]  }
0x316: {  	v54 =	vld [tilespmem:$0x5330]  }
0x317: {  	v1 =	vmul.bf16 v1, v63;
	v63 =	vld [tilespmem:$0x1FFE0];
	v0 =	vadd.bf16 v43, v0  }
0x318: {  	v2 =	vmul.bf16 v59, v2;
	v59 =	vld [tilespmem:$0x53F0]  }
0x319: {  	v0 =	vadd.bf16 v0, v51;
	v51 =	vmul.bf16 v16, v14;
	v16 =	vld [tilespmem:$0x5380]  }
0x31a: {  	v53 =	vmul.bf16 v57, v61;
	v61 =	vld [tilespmem:$0x1FFA0]  }
0x31b: {  	v14 =	vld [tilespmem:$0x5360]  }
0x31c: {  	v57 =	vld [tilespmem:$0x5B40]  }
0x31d: {  	v54 =	vmul.bf16 v55, v54;
	v55 =	vld [tilespmem:$0x53E0]  }
0x31e: {  	v12 =	vmul.bf16 v12, v35;
	v16 =	vmul.bf16 v18, v16;
	v18 =	vld [tilespmem:$0x1FFF0]  }
0x31f: {  	v43 =	vmul.bf16 v62, v61;
	v61 =	vmul.bf16 v23, v22;
	v22 =	vld [tilespmem:$0x5370]  }
0x320: {  	v7 =	vmul.bf16 v8, v7;
	v62 =	vshll.u32 v38, $0x10;
	v38 =	vand.u32 $0xFFFF0000, v38;
	v23 =	vld [tilespmem:$0x53B0]  }
0x321: {  	v12 =	vadd.bf16 v12, v39;
	v35 =	vadd.f32 v38, v62;
	v38 =	vmul.bf16 v10, v9;
	v9 =	vld [tilespmem:$0x5B50]  }
0x322: {  	v4 =	vadd.bf16 v4, v6;
	v11 =	vmul.bf16 v13, v11;
	v62 =	vmul.bf16 v25, v24;
	v24 =	vld [tilespmem:$0x5B70]  }
0x323: {  	v30 =	vmul.bf16 v30, v27;
	v43 =	vadd.bf16 v43, v53;
	v53 =	vmul.bf16 v21, v19;
	v19 =	vld [tilespmem:$0x5B60]  }
0x324: {  	v33 =	vmul.bf16 v33, v31;
	v7 =	vadd.bf16 v38, v7;
	v38 =	vmul.bf16 v37, v34;
	v37 =	vld [tilespmem:$0x5BB0]  }
0x325: {  	v11 =	vadd.bf16 v51, v11;
	v6 =	vadd.bf16 v30, v62;
	v62 =	vmul.bf16 v45, v44;
	v44 =	vld [tilespmem:$0x5BC0]  }
0x326: {  	v45 =	vmul.bf16 v58, v56;
	v56 =	vmul.bf16 v57, v48;
	v57 =	vld [tilespmem:$0x5BE0];
	v39 =	vadd.bf16 v61, v53  }
0x327: {  	v10 =	vadd.bf16 v12, v43;
	v12 =	vld [tilespmem:$0x5BA0];
	v8 =	vadd.bf16 v38, v33  }
0x328: {  	v43 =	vshll.u32 v0, $0x10;
	v61 =	vmul.bf16 v50, v47;
	v47 =	vld [tilespmem:$0x53D0];
	v4 =	vadd.bf16 v7, v4  }
0x329: {  	v0 =	vand.u32 $0xFFFF0000, v0;
	v7 =	vld [tilespmem:$0x5390];
	v11 =	vadd.bf16 v39, v11;
	v6 =	vadd.bf16 v8, v6  }
0x32a: {  	v0 =	vadd.f32 v0, v43;
	v43 =	vmul.bf16 v52, v49;
	v49 =	vld [tilespmem:$0x1FFB0]  }
0x32b: {  	v53 =	vmul.bf16 v32, v29;
	v52 =	vld [tilespmem:$0x5BD0];
	v6 =	vadd.bf16 v6, v11;
	v11 =	vmul.bf16 v28, v26  }
0x32c: {  	v39 =	vmul.bf16 v41, v36;
	v41 =	vld [tilespmem:$0x53C0]  }
0x32d: {  	v2 =	vadd.bf16 v54, v2;
	v11 =	vadd.bf16 v53, v11;
	v53 =	vld [tilespmem:$0x1FFC0]  }
0x32e: {  	v42 =	vmul.bf16 v40, v42;
	v13 =	vadd.bf16 v62, v61;
	v61 =	vld [tilespmem:$0x1FFD0];
	v4 =	vadd.bf16 v4, v10  }
0x32f: {  	v5 =	vmul.bf16 v9, v5;
	v58 =	vmul.bf16 v24, v22;
	v8 =	vld [tilespmem:$0x5B90];
	v30 =	vadd.bf16 v45, v43  }
0x330: {  	v10 =	vld [tilespmem:$0x53A0];
	v14 =	vmul.bf16 v19, v14;
	v51 =	vshll.u32 v4, $0x10;
	v4 =	vand.u32 $0xFFFF0000, v4  }
0x331: {  	v50 =	vadd.bf16 v42, v39;
	v4 =	vadd.f32 v4, v51;
	(xrf2) =	vadd.scan.msk.f32 $0xffff, v49;
	v51 =	vmul.bf16 v60, v46;
	v60 =	vld [tilespmem:$0x5BF0]  }
0x332: {  	v5 =	vadd.bf16 v5, v56;
	v23 =	vmul.bf16 v37, v23;
	v62 =	vadd.bf16 v58, v14;
	(xrf2) =	vadd.scan.msk.f32 $0xffff, v53  }
0x333: {  	v28 =	vmul.bf16 v57, v55;
	v25 =	vadd.bf16 v30, v50;
	v27 =	vmul.bf16 v52, v47;
	(xrf2) =	vadd.scan.msk.f32 $0xffff, v61  }
0x334: {  	v5 =	vadd.bf16 v62, v5;
	v26 =	vmul.bf16 v44, v41;
	v1 =	vadd.bf16 v1, v51;
	(xrf2) =	vadd.scan.msk.f32 $0xffff, v63  }
0x335: {  	v7 =	vmul.bf16 v8, v7;
	v19 =	vmul.bf16 v12, v10;
	v11 =	vadd.bf16 v13, v11;
	(xrf2) =	vadd.scan.msk.f32 $0xffff, v18  }
0x336: {  	v32 =	vadd.bf16 v27, v26;
	v1 =	vadd.bf16 v2, v1;
	v29 =	vmul.bf16 v60, v59;
	(xrf2) =	vadd.scan.msk.f32 $0xffff, v3  }
0x337: {  	v38 =	vshll.u32 v6, $0x10;
	v2 =	vadd.bf16 v7, v16;
	v30 =	vadd.bf16 v23, v19;
	(xrf2) =	vadd.scan.msk.f32 $0xffff, v15  }
0x338: {  	v6 =	vand.u32 $0xFFFF0000, v6;
	v1 =	vadd.bf16 v5, v1;
	v5 =	vadd.bf16 v29, v28;
	(xrf2) =	vadd.scan.msk.f32 $0xffff, v17  }
0x339: {  	v6 =	vadd.f32 v6, v38;
	v25 =	vadd.bf16 v25, v11;
	(xrf2) =	vadd.scan.msk.f32 $0xffff, v20  }
0x33a: {  	v2 =	vadd.bf16 v30, v2;
	v5 =	vadd.bf16 v5, v32;
	(xrf2) =	vadd.scan.msk.f32 $0xffff, v35  }
0x33b: {  	v36 =	vshll.u32 v25, $0x10;
	v37 =	vshll.u32 v1, $0x10;
	v31, _, _ =	vpop (xrf2);
	v3 =	vand.u32 $0xFFFF0000, v25;
	(xrf2) =	vadd.scan.msk.f32 $0xffff, v0  }
0x33c: {  	v1 =	vand.u32 $0xFFFF0000, v1;
	v2 =	vadd.bf16 v5, v2;
	v0 =	vadd.f32 v3, v36;
	v33, _, _ =	vpop (xrf2);
	(xrf2) =	vadd.scan.msk.f32 $0xffff, v4  }
0x33d: {  	v1 =	vadd.f32 v1, v37;
	v34 =	vbroadcast v31, $0xF;
	v35 =	vbroadcast v33, $0xF;
	v38, _, _ =	vpop (xrf2);
	(xrf2) =	vadd.scan.msk.f32 $0xffff, v6  }
0x33e: {  	v43 =	vshll.u32 v2, $0x10;
	v4 =	vbroadcast v38, $0xF;
	v40, _, _ =	vpop (xrf2);
	(xrf2) =	vadd.scan.msk.f32 $0xffff, v0  }
0x33f: {  	v2 =	vand.u32 $0xFFFF0000, v2;
	v39 =	vsel vm0, v34, v35;
	v41 =	vbroadcast v40, $0xF;
	v42, _, _ =	vpop (xrf2);
	(xrf2) =	vadd.scan.msk.f32 $0xffff, v1  }
0x340: {  	v1 =	vadd.f32 v2, v43;
	v44, _, _ =	vpop (xrf2);
	v3 =	vsel vm1, v39, v4;
	v45 =	vbroadcast v42, $0xF  }
0x341: {  	v46, _, _ =	vpop (xrf2);
	v0 =	vsel vm2, v3, v41;
	v47 =	vbroadcast v44, $0xF  }
0x342: {  	(xrf2) =	vadd.scan.msk.f32 $0xffff, v1;
	v0 =	vsel vm3, v0, v45;
	v2 =	vbroadcast v46, $0xF;
	v48, _, _ =	vpop (xrf2)  }
0x343: {  	v49, _, _ =	vpop (xrf2);
	v0 =	vsel vm4, v0, v47;
	v50 =	vbroadcast v48, $0xF  }
0x344: {  	v51, _, _ =	vpop (xrf2);
	v0 =	vsel vm5, v0, v2;
	v1 =	vbroadcast v49, $0xF  }
0x345: {  	v52, _, _ =	vpop (xrf2);
	v0 =	vsel vm6, v0, v50;
	v53 =	vbroadcast v51, $0xF  }
0x346: {  	v54, _, _ =	vpop (xrf2);
	v0 =	vsel vm7, v0, v1;
	v55 =	vbroadcast v52, $0xF  }
0x347: {  	v56, _, _ =	vpop (xrf2);
	v0 =	vsel vm8, v0, v53;
	v57 =	vbroadcast v54, $0xF  }
0x348: {  	s28 =	sadd.s32 $0x80, s28;
	v58, _, _ =	vpop (xrf2);
	v0 =	vsel vm9, v0, v55;
	v59 =	vbroadcast v56, $0xF  }
0x349: {  	p0 =	sne.s32 s28, $0x4E80;
	v60, _, _ =	vpop (xrf2);
	v0 =	vsel vm10, v0, v57;
	v61 =	vbroadcast v58, $0xF  }
.Ltmp0:
0x34a: {  	v0 =	vsel vm11, v0, v59;
	v62 =	vbroadcast v60, $0xF;
	(pc) =	sbr.rel @p0 .LBB2_2-.Ltmp0, $4  }
0x34b: {  	v0 =	vsel vm12, v0, v61  }
0x34c: {  	v63, _, _ =	vpop (xrf2);
	v0 =	vsel vm13, v0, v62  }
0x34d: {  	v0 =	vsel vm14, v0, v63  }
0x34e: {  	[tilespmem:s29+$0x2810] =	vst v0  }
0x34f: {  	s26 =	sadd.s32 $0x1, s26  }
0x350: {  	p0 =	sne.s32 s26, s9  }
.Ltmp1:
0x351: {  	_ = 	snop;
	(pc) =	sbr.rel @p0 .LBB2_1-.Ltmp1, $4  }
0x352: {  	[hbm4b:s8+s3] =	stream.linear.scatter [tilespmem:s25], [sflag:$0x3], $0x13A0, $0x38;
	[tilespmem:$0x19800] =	vst v63  }
0x353: {  	_ =	swait.ge [sflag:s11], $0x13A0  }
0x354: {  	[sflag:s11] =	ssyncset.done $0x0  }
0x355: {  	[sflag:s11] =	ssyncadd.s32 $0xFFFFEC60  }
0x356: {  	_ =	sfence.sel $0x180000  }
0x357: {  	[bflag:$0x0] =	sbarrier.arrive $0xFFFF  }
0x358: {  	_ =	strace $0x90000047  }
0x359: {  	s0 =	stileid.u32;
	[bflag:$0x2] =	sbarrier.arrive $0xFFFF  }
0x35a: {  	p0 =	sne.s32 s0, $0x0;
	s0 =	rddreg [dreg:$0x3]  }
0x35b: {  	s0 =	sadd.s32 @!p0 $0x100000, s0  }
0x35c: {  	[sflag:s0] =	ssyncadd.tile.s32 @!p0 $0x1;
	_ =	shalt  }
.Lfunc_end2:
_tile_overlayer_lowered:
.L_overlay_start_2:
0x35d: {  	(tag) =	ssettag $0x2  }
0x35e: {  	s0 =	rddreg [dreg:$0x0];
	s2 =	stileid.u32  }
0x35f: {  	s1 =	rddreg [dreg:$0x1];
	p0 =	sne.s32 s2, $0x0  }
0x360: {  	s3 =	rddreg [dreg:$0x2];
	[bflag:$0x3] =	sbarrier.arrive $0xFFFF;
	s2 =	simm.s32 @!p0 $0x1C03  }
0x361: {  	[timem:s3], [sflag:s2] =	dma.local @!p0 [hbm:s0], s1  }
0x362: {  	s0 =	simm.s32 @!p0 $0x3  }
0x363: {  	_ =	swait.ge @!p0 [sflag:s0], s1  }
0x364: {  	s1 =	ssub.s32 @!p0 $0x0, s1;
	[sflag:s0] =	ssyncset.done @!p0 $0x0  }
0x365: {  	[sflag:s0] =	ssyncadd.s32 @!p0 s1  }
0x366: {  	[bflag:$0x3] =	sbarrier.arrive $0xFFFF  }
0x367: {  	_ =	shalt  }

</sc_bundles>
